<compile_context>
chip_gen: v7x
topology: tpu7x:2x2x1
jax: 0.10.2.dev20260603
libtpu: 0.0.44.dev20260713+nightly
codegen_flags: <defaults>
</compile_context>

<pallas_src>
import dataclasses
import functools

import jax
import jax.numpy as jnp
from jax import lax
from jax.experimental import pallas as pl
from jax.experimental.pallas import tpu as pltpu
from jax.experimental.pallas import tpu_sc as plsc

N = 10000
E = 320000
D = 128
H = 128
G = 64
C = 10

NP = 10240
NW = 32
FW = H // NW
ECHUNK = 3200
NCH = E // ECHUNK
EG = ECHUNK // 16
DSUB = 16
DEDGE = E // DSUB
DCHUNK = 2000
DCH = DEDGE // DCHUNK
NSEG = NP // DSUB

RB = 1024
NB = NP // RB

_sc_mesh = plsc.VectorSubcoreMesh(core_axis_name="c", subcore_axis_name="s")

_cp = pltpu.CompilerParams()
if "needs_layout_passes" in pltpu.CompilerParams.__dataclass_fields__:
    _cp = dataclasses.replace(_cp, needs_layout_passes=False)



@functools.partial(
    pl.kernel,
    out_type=[jax.ShapeDtypeStruct((NP,), jnp.float32),
              jax.ShapeDtypeStruct((DSUB, NP), jnp.float32)],
    mesh=_sc_mesh,
    compiler_params=_cp,
    scratch_types=[
        pltpu.VMEM((DCHUNK,), jnp.int32),
        pltpu.VMEM((NP,), jnp.float32),
        pltpu.VMEM((DSUB, NSEG), jnp.float32),
        pltpu.VMEM((NSEG,), jnp.float32),
    ],
)
def _deg_kernel(dst_hbm, deg_hbm, part_hbm, dst_i, hist_v, comb_v, seg_v):
    c = lax.axis_index("c")
    s = lax.axis_index("s")
    ones16 = jnp.full((16,), 1.0, jnp.float32)

    @pl.when(c == 0)
    def _():
        @pl.loop(0, NP // 16)
        def _(i):
            hist_v[pl.ds(i * 16, 16)] = jnp.zeros((16,), jnp.float32)

        ebase = s * DEDGE

        @pl.loop(0, DCH)
        def _(j):
            pltpu.sync_copy(dst_hbm.at[pl.ds(ebase + j * DCHUNK, DCHUNK)],
                            dst_i)

            @pl.loop(0, DCHUNK // 16)
            def _(g):
                dv = dst_i[pl.ds(g * 16, 16)]
                plsc.addupdate_scatter(hist_v, [dv], ones16)

        pltpu.sync_copy(hist_v, part_hbm.at[s])
        plsc.subcore_barrier()

        pltpu.sync_copy(part_hbm.at[:, pl.ds(s * NSEG, NSEG)], comb_v)

        @pl.loop(0, NSEG // 16)
        def _(v):
            acc = jnp.full((16,), 1.0, jnp.float32)
            for r in range(DSUB):
                acc = acc + comb_v[r, pl.ds(v * 16, 16)]
            seg_v[pl.ds(v * 16, 16)] = acc

        pltpu.sync_copy(seg_v, deg_hbm.at[pl.ds(s * NSEG, NSEG)])


@functools.partial(
    pl.kernel,
    out_type=jax.ShapeDtypeStruct((NW, FW, NP), jnp.float32),
    mesh=_sc_mesh,
    compiler_params=_cp,
    scratch_types=[
        pltpu.VMEM((2, ECHUNK), jnp.int32),
        pltpu.VMEM((2, ECHUNK), jnp.int32),
        pltpu.VMEM((FW, NP), jnp.float32),
        pltpu.VMEM((FW, NP), jnp.float32),
        pltpu.SemaphoreType.DMA,
        pltpu.SemaphoreType.DMA,
        pltpu.SemaphoreType.DMA,
        pltpu.SemaphoreType.DMA,
    ],
)
def _agg_kernel(hperm_hbm, src_hbm, dst_hbm, out_hbm,
                src_i, dst_i, t_v, acc_v, ss0, ss1, ds0, ds1):
    c = lax.axis_index("c")
    s = lax.axis_index("s")
    w = s * 2 + c
    kvecs = [jnp.full((16,), k, jnp.int32) for k in range(FW)]
    ssems = [ss0, ss1]
    dsems = [ds0, ds1]

    def idx_copies(jj, b):
        return (pltpu.make_async_copy(src_hbm.at[jj], src_i.at[pl.ds(b, 1)],
                                      ssems[b]),
                pltpu.make_async_copy(dst_hbm.at[jj], dst_i.at[pl.ds(b, 1)],
                                      dsems[b]))

    for cp in idx_copies(0, 0) + idx_copies(1, 1):
        cp.start()

    for k in range(FW):
        @plsc.parallel_loop(0, NP, step=16, unroll=8)
        def _(i):
            acc_v[k, pl.ds(i, 16)] = jnp.zeros((16,), jnp.float32)

    pltpu.sync_copy(hperm_hbm.at[w], t_v)

    @pl.loop(0, NCH, step=2)
    def _(j0):
        for b in range(2):
            jj = j0 + b
            for cp in idx_copies(jj, b):
                cp.wait()

            @plsc.parallel_loop(0, ECHUNK, step=16, unroll=4)
            def _(i):
                sv = src_i[b, pl.ds(i, 16)]
                dv = dst_i[b, pl.ds(i, 16)]
                for k in range(FW):
                    val = plsc.load_gather(t_v, [kvecs[k], sv])
                    plsc.addupdate_scatter(acc_v, [kvecs[k], dv], val)

            @pl.when(jj + 2 < NCH)
            def _():
                for cp in idx_copies(jj + 2, b):
                    cp.start()

    pltpu.sync_copy(acc_v, out_hbm.at[w])



def _mm1_body(x_ref, w_ref, o_ref):
    o_ref[...] = jnp.dot(x_ref[...], w_ref[...],
                         preferred_element_type=jnp.float32)


def _mm1(x, W1):
    return pl.pallas_call(
        _mm1_body,
        grid=(NB,),
        in_specs=[pl.BlockSpec((RB, D), lambda i: (i, 0)),
                  pl.BlockSpec((D, H), lambda i: (0, 0))],
        out_specs=pl.BlockSpec((RB, H), lambda i: (i, 0)),
        out_shape=jax.ShapeDtypeStruct((NP, H), jnp.float32),
    )(x, W1)


def _store_perm(o_ref, hs):
    hsT = jnp.transpose(hs)
    for w in range(NW):
        o_ref[w] = hsT[FW * w:FW * (w + 1), :]


def _scale_split_body(h_ref, deg_ref, o_hp_ref, o_hs_ref, o_dis_ref):
    dis = lax.rsqrt(deg_ref[...])
    hs = h_ref[...] * dis
    o_dis_ref[...] = dis
    o_hs_ref[...] = hs
    _store_perm(o_hp_ref, hs)


def _scale_split(h, deg):
    return pl.pallas_call(
        _scale_split_body,
        grid=(NB,),
        in_specs=[pl.BlockSpec((RB, H), lambda i: (i, 0)),
                  pl.BlockSpec((RB, 1), lambda i: (i, 0))],
        out_specs=[pl.BlockSpec((NW, FW, RB), lambda i: (0, 0, i)),
                   pl.BlockSpec((RB, H), lambda i: (i, 0)),
                   pl.BlockSpec((RB, 1), lambda i: (i, 0))],
        out_shape=[jax.ShapeDtypeStruct((NW, FW, NP), jnp.float32),
                   jax.ShapeDtypeStruct((NP, H), jnp.float32),
                   jax.ShapeDtypeStruct((NP, 1), jnp.float32)],
    )(h, deg)


def _combine_body(accp_ref, hs_ref, dis_ref, b_ref, o_out_ref, o_part_ref):
    i = pl.program_id(0)
    accT = jnp.concatenate([accp_ref[w] for w in range(NW)], axis=0)
    acc = jnp.transpose(accT)
    out = dis_ref[...] * (acc + hs_ref[...]) + b_ref[...]
    o_out_ref[...] = out
    rowid = i * RB + lax.broadcasted_iota(jnp.int32, (RB, 1), 0)
    outm = jnp.where(rowid < N, out, 0.0)
    ssum = jnp.sum(outm)
    ssq = jnp.sum(outm * outm)
    lane = lax.broadcasted_iota(jnp.int32, (1, 1, H), 2)
    o_part_ref[...] = jnp.where(lane == 0, ssum,
                                jnp.where(lane == 1, ssq, 0.0))


def _combine(accp, hs, dis, b):
    return pl.pallas_call(
        _combine_body,
        grid=(NB,),
        in_specs=[pl.BlockSpec((NW, FW, RB), lambda i: (0, 0, i)),
                  pl.BlockSpec((RB, H), lambda i: (i, 0)),
                  pl.BlockSpec((RB, 1), lambda i: (i, 0)),
                  pl.BlockSpec((1, H), lambda i: (0, 0))],
        out_specs=[pl.BlockSpec((RB, H), lambda i: (i, 0)),
                   pl.BlockSpec((1, 1, H), lambda i: (i, 0, 0))],
        out_shape=[jax.ShapeDtypeStruct((NP, H), jnp.float32),
                   jax.ShapeDtypeStruct((NB, 1, H), jnp.float32)],
    )(accp, hs, dis, b)


def _ln_stats(part_ref):
    psum = jnp.sum(part_ref[:, :, 0:1])
    psq = jnp.sum(part_ref[:, :, 1:2])
    cnt = jnp.float32(N * H)
    mean = psum / cnt
    var = psq / cnt - mean * mean
    inv = lax.rsqrt(var + 1e-5)
    return mean, inv


def _mid_body(out1_ref, part_ref, lnw_ref, lnb_ref, w2_ref, dis_ref,
              o_hp_ref, o_hs_ref):
    mean, inv = _ln_stats(part_ref)
    h = (out1_ref[...] - mean) * inv * lnw_ref[...] + lnb_ref[...]
    h = jnp.maximum(h, 0.0)
    hw = jnp.dot(h, w2_ref[...], preferred_element_type=jnp.float32)
    hs = dis_ref[...] * hw
    o_hs_ref[...] = hs
    _store_perm(o_hp_ref, hs)


def _mid(out1, part, lnw, lnb, W2, dis):
    return pl.pallas_call(
        _mid_body,
        grid=(NB,),
        in_specs=[pl.BlockSpec((RB, H), lambda i: (i, 0)),
                  pl.BlockSpec((NB, 1, H), lambda i: (0, 0, 0)),
                  pl.BlockSpec((1, H), lambda i: (0, 0)),
                  pl.BlockSpec((1, H), lambda i: (0, 0)),
                  pl.BlockSpec((H, H), lambda i: (0, 0)),
                  pl.BlockSpec((RB, 1), lambda i: (i, 0))],
        out_specs=[pl.BlockSpec((NW, FW, RB), lambda i: (0, 0, i)),
                   pl.BlockSpec((RB, H), lambda i: (i, 0))],
        out_shape=[jax.ShapeDtypeStruct((NW, FW, NP), jnp.float32),
                   jax.ShapeDtypeStruct((NP, H), jnp.float32)],
    )(out1, part, lnw, lnb, W2, dis)


def _gate_body(out2_ref, part_ref, lnw_ref, lnb_ref, wg1_ref, bg1_ref,
               wg2_ref, bg2_ref, o_h_ref, o_gate_ref):
    i = pl.program_id(0)
    mean, inv = _ln_stats(part_ref)
    h = (out2_ref[...] - mean) * inv * lnw_ref[...] + lnb_ref[...]
    h = jnp.maximum(h, 0.0)
    o_h_ref[...] = h
    g1 = jnp.dot(h, wg1_ref[...], preferred_element_type=jnp.float32)
    g1 = jnp.maximum(g1 + bg1_ref[...], 0.0)
    gate = jnp.sum(g1 * wg2_ref[...], axis=1, keepdims=True) + bg2_ref[...]
    rowid = i * RB + lax.broadcasted_iota(jnp.int32, (RB, 1), 0)
    o_gate_ref[...] = jnp.where(rowid < N, gate, jnp.float32(-1e30))


def _gate(out2, part, lnw, lnb, Wg1, bg1, wg2row, bg2):
    return pl.pallas_call(
        _gate_body,
        grid=(NB,),
        in_specs=[pl.BlockSpec((RB, H), lambda i: (i, 0)),
                  pl.BlockSpec((NB, 1, H), lambda i: (0, 0, 0)),
                  pl.BlockSpec((1, H), lambda i: (0, 0)),
                  pl.BlockSpec((1, H), lambda i: (0, 0)),
                  pl.BlockSpec((H, G), lambda i: (0, 0)),
                  pl.BlockSpec((1, G), lambda i: (0, 0)),
                  pl.BlockSpec((1, G), lambda i: (0, 0)),
                  pl.BlockSpec((1, 1), lambda i: (0, 0))],
        out_specs=[pl.BlockSpec((RB, H), lambda i: (i, 0)),
                   pl.BlockSpec((RB, 1), lambda i: (i, 0))],
        out_shape=[jax.ShapeDtypeStruct((NP, H), jnp.float32),
                   jax.ShapeDtypeStruct((NP, 1), jnp.float32)],
    )(out2, part, lnw, lnb, Wg1, bg1, wg2row, bg2)


def _pool_body(h_ref, gate_ref, bcol_ref, brow_ref, wc_ref, bc_ref, o_ref):
    gate = gate_ref[...]
    oh = (bcol_ref[...] == lax.broadcasted_iota(jnp.int32, (1, G), 1))
    oh = oh.astype(jnp.float32)
    gmax = jnp.max(jnp.where(oh > 0, gate, jnp.float32(-1e30)),
                   axis=0, keepdims=True)
    gmax_row = jnp.sum(oh * gmax, axis=1, keepdims=True)
    eg = jnp.exp(gate - gmax_row)
    denom = jnp.sum(oh * eg, axis=0, keepdims=True)
    denom_row = jnp.sum(oh * denom, axis=1, keepdims=True)
    alpha = eg / (denom_row + 1e-16)
    ohT = (lax.broadcasted_iota(jnp.int32, (G, 1), 0) == brow_ref[0:1, :])
    ohT = ohT.astype(jnp.float32)
    pooled = jnp.dot(ohT, alpha * h_ref[...],
                     preferred_element_type=jnp.float32)
    o_ref[...] = jnp.dot(pooled, wc_ref[...],
                         preferred_element_type=jnp.float32) + bc_ref[...]


def _pool(h, gate, bcol, brow8, Wc, bc):
    return pl.pallas_call(
        _pool_body,
        out_shape=jax.ShapeDtypeStruct((G, C), jnp.float32),
    )(h, gate, bcol, brow8, Wc, bc)



def kernel(x, edge_index, batch, W1, b1, ln1_w, ln1_b, W2, b2, ln2_w, ln2_b,
           Wg1, bg1, Wg2, bg2, Wc, bc):
    src = edge_index[0]
    dst = edge_index[1]
    xp = jnp.concatenate([x, jnp.zeros((NP - N, D), jnp.float32)], axis=0)
    batchp = jnp.concatenate([batch, jnp.full((NP - N,), G, jnp.int32)])

    srcp3 = src.reshape(NCH, 1, ECHUNK)
    dstp3 = dst.reshape(NCH, 1, ECHUNK)

    deg, _ = _deg_kernel(dst)
    h1 = _mm1(xp, W1)
    hperm1, hs1, dis = _scale_split(h1, deg.reshape(NP, 1))
    accp1 = _agg_kernel(hperm1, srcp3, dstp3)
    out1, part1 = _combine(accp1, hs1, dis, b1.reshape(1, H))
    hperm2, hs2 = _mid(out1, part1, ln1_w.reshape(1, H), ln1_b.reshape(1, H),
                       W2, dis)
    accp2 = _agg_kernel(hperm2, srcp3, dstp3)
    out2, part2 = _combine(accp2, hs2, dis, b2.reshape(1, H))
    h, gate = _gate(out2, part2, ln2_w.reshape(1, H), ln2_b.reshape(1, H),
                    Wg1, bg1.reshape(1, G), Wg2.reshape(1, G),
                    bg2.reshape(1, 1))
    bcol = batchp.reshape(NP, 1)
    brow8 = jnp.broadcast_to(batchp.reshape(1, NP), (8, NP))
    return _pool(h, gate, bcol, brow8, Wc, bc.reshape(1, C))

# --- scband reference (transcript-rebuilt; emitter-appended) ---
"""Pipeline reference for scband-gcn-21861383537347 (READ-ONLY COPY).

The authoritative reference and input builder live on the scoring server;
editing this copy changes nothing except your own understanding.
"""

import jax, jax.numpy as jnp
import numpy as np

N = 10000
E = 320000
D = 128
H = 128
C = 10
G = 64


def setup_inputs(seed: int = 0):
    key = jax.random.key(seed)
    ks = jax.random.split(key, 12)
    inp = {}
    inp["x"] = jax.random.normal(ks[0], (N, D), dtype=jnp.float32)
    inp["edge_index"] = jax.random.randint(ks[1], (2, E), 0, N, dtype=jnp.int32)
    inp["batch"] = jnp.sort(jax.random.randint(ks[2], (N,), 0, G, dtype=jnp.int32))
    inp["W1"] = jax.random.normal(ks[3], (D, H), dtype=jnp.float32) * 0.05
    inp["b1"] = jnp.zeros((H,), jnp.float32)
    inp["ln1_w"] = jnp.ones((H,), jnp.float32)
    inp["ln1_b"] = jnp.zeros((H,), jnp.float32)
    inp["W2"] = jax.random.normal(ks[4], (H, H), dtype=jnp.float32) * 0.05
    inp["b2"] = jnp.zeros((H,), jnp.float32)
    inp["ln2_w"] = jnp.ones((H,), jnp.float32)
    inp["ln2_b"] = jnp.zeros((H,), jnp.float32)
    inp["Wg1"] = jax.random.normal(ks[5], (H, H // 2), dtype=jnp.float32) * 0.05
    inp["bg1"] = jnp.zeros((H // 2,), jnp.float32)
    inp["Wg2"] = jax.random.normal(ks[6], (H // 2, 1), dtype=jnp.float32) * 0.05
    inp["bg2"] = jnp.zeros((1,), jnp.float32)
    inp["Wc"] = jax.random.normal(ks[7], (H, C), dtype=jnp.float32) * 0.05
    inp["bc"] = jnp.zeros((C,), jnp.float32)
    return inp


def _gcn_conv(x, W, b, src, dst, n):
    # GCNConv with self-loops (already appended to src/dst): D^-1/2 (A+I) D^-1/2 X W + b
    h = x @ W
    deg = jnp.zeros((n,), x.dtype).at[dst].add(1.0)
    dis = jnp.where(deg > 0, 1.0 / jnp.sqrt(deg), 0.0)
    norm = dis[src] * dis[dst]
    msg = h[src] * norm[:, None]
    out = jnp.zeros((n, h.shape[1]), x.dtype).at[dst].add(msg)
    return out + b


def _graph_layernorm(x, w, b):
    # PyG LayerNorm default mode='graph', called without batch -> normalize over all nodes+features
    mean = jnp.mean(x)
    var = jnp.mean((x - mean) ** 2)
    return w * ((x - mean) / jnp.sqrt(var + 1e-5)) + b


def _forward(x, W1, b1, ln1_w, ln1_b, W2, b2, ln2_w, ln2_b, Wg1, bg1, Wg2, bg2, Wc, bc, edge_index, batch):
    n = x.shape[0]
    sl = jnp.arange(n, dtype=edge_index.dtype)
    src = jnp.concatenate([edge_index[0], sl])
    dst = jnp.concatenate([edge_index[1], sl])
    h = _gcn_conv(x, W1, b1, src, dst, n)
    h = _graph_layernorm(h, ln1_w, ln1_b)
    h = jax.nn.relu(h)
    # dropout p=0.2 is identity in eval mode
    h = _gcn_conv(h, W2, b2, src, dst, n)
    h = _graph_layernorm(h, ln2_w, ln2_b)
    h = jax.nn.relu(h)
    # AttentionalAggregation: segment softmax over gate_nn scores, weighted sum per graph
    gate = jax.nn.relu(h @ Wg1 + bg1) @ Wg2 + bg2  # [N, 1]
    gmax = jax.ops.segment_max(gate, batch, num_segments=G)
    eg = jnp.exp(gate - gmax[batch])
    denom = jax.ops.segment_sum(eg, batch, num_segments=G)
    alpha = eg / (denom[batch] + 1e-16)
    pooled = jax.ops.segment_sum(alpha * h, batch, num_segments=G)  # [G, H]
    return pooled @ Wc + bc


def reference(x, edge_index, batch, W1, b1, ln1_w, ln1_b, W2, b2, ln2_w, ln2_b, Wg1, bg1, Wg2, bg2, Wc, bc):
    return _forward(x, W1, b1, ln1_w, ln1_b, W2, b2, ln2_w, ln2_b, Wg1, bg1, Wg2, bg2, Wc, bc, edge_index, batch)

if __name__ == "__main__":
    import jax
    _d = setup_inputs()
    print(jax.jit(kernel)(*tuple(_d.values())))

</pallas_src>

<mosaic_0001>
#map = affine_map<(d0, d1) -> (0, 0, 0)>
module attributes {stable_mosaic.version = 14 : i64} {
  func.func @_agg_kernel(%arg0: i32, %arg1: i32, %arg2: memref<32x4x10240xf32, #tpu.memory_space<hbm>>, %arg3: memref<100x1x3200xi32, #tpu.memory_space<hbm>>, %arg4: memref<100x1x3200xi32, #tpu.memory_space<hbm>>, %arg5: memref<32x4x10240xf32, #tpu.memory_space<hbm>>, %arg6: memref<2x3200xi32, #tpu.memory_space<vmem>>, %arg7: memref<2x3200xi32, #tpu.memory_space<vmem>>, %arg8: memref<4x10240xf32, #tpu.memory_space<vmem>>, %arg9: memref<4x10240xf32, #tpu.memory_space<vmem>>, %arg10: memref<!tpu.dma_semaphore, #tpu.memory_space<semaphore_mem>>, %arg11: memref<!tpu.dma_semaphore, #tpu.memory_space<semaphore_mem>>, %arg12: memref<!tpu.dma_semaphore, #tpu.memory_space<semaphore_mem>>, %arg13: memref<!tpu.dma_semaphore, #tpu.memory_space<semaphore_mem>>) attributes {dimension_semantics = [#tpu.dimension_semantics<core_parallel>, #tpu.dimension_semantics<subcore_parallel>], iteration_bounds = array<i64: 2, 16>, scalar_prefetch = 0 : i64, scratch_operands = 8 : i64, tpu.core_type = #tpu.core_type<sc_vector_subcore>, window_params = [{transform_indices = #map}, {transform_indices = #map}, {transform_indices = #map}, {transform_indices = #map}]} {
    %mul3A = arith.constant 2 : i32
    %mul3A_0 = arith.muli %arg1, %mul3A : i32
    %add3A = arith.addi %mul3A_0, %arg0 : i32
    %broadcast_in_dim3A = arith.constant 0 : i32
    %broadcast_in_dim3A_1 = vector.broadcast %broadcast_in_dim3A : i32 to vector<16xi32>
    %broadcast_in_dim3A_2 = arith.constant 1 : i32
    %broadcast_in_dim3A_3 = vector.broadcast %broadcast_in_dim3A_2 : i32 to vector<16xi32>
    %broadcast_in_dim3A_4 = arith.constant 2 : i32
    %broadcast_in_dim3A_5 = vector.broadcast %broadcast_in_dim3A_4 : i32 to vector<16xi32>
    %broadcast_in_dim3A_6 = arith.constant 3 : i32
    %broadcast_in_dim3A_7 = vector.broadcast %broadcast_in_dim3A_6 : i32 to vector<16xi32>
    %dma_start3A = arith.constant 0 : i32
    %dma_start3A_8 = arith.constant 0 : i32
    %dma_start3A_9 = arith.constant 0 : i32
    %dma_start3A_10 = tpu.memref_slice %arg6[%dma_start3A_8, %dma_start3A_9] : memref<2x3200xi32, #tpu.memory_space<vmem>> -> memref<1x3200xi32, #tpu.memory_space<vmem>>
    %dma_start3A_11 = arith.constant 0 : i32
    %dma_start3A_12 = arith.constant 0 : i32
    %dma_start3A_13 = tpu.memref_slice %arg3[%dma_start3A, %dma_start3A_11, %dma_start3A_12] : memref<100x1x3200xi32, #tpu.memory_space<hbm>> -> memref<1x1x3200xi32, #tpu.memory_space<hbm>>
    %dma_start3A_14 = tpu.memref_squeeze %dma_start3A_13 : memref<1x1x3200xi32, #tpu.memory_space<hbm>> -> memref<1x3200xi32, #tpu.memory_space<hbm>>
    %dma_start3A_15 = arith.constant 0 : i32
    %dma_start3A_16 = arith.constant 0 : i32
    %dma_start3A_17 = tpu.memref_slice %arg6[%dma_start3A_15, %dma_start3A_16] : memref<2x3200xi32, #tpu.memory_space<vmem>> -> memref<1x3200xi32, #tpu.memory_space<vmem>>
    %dma_start3A_18 = arith.constant 0 : i32
    %dma_start3A_19 = arith.constant 0 : i32
    %dma_start3A_20 = tpu.memref_slice %arg3[%dma_start3A, %dma_start3A_18, %dma_start3A_19] : memref<100x1x3200xi32, #tpu.memory_space<hbm>> -> memref<1x1x3200xi32, #tpu.memory_space<hbm>>
    %dma_start3A_21 = tpu.memref_squeeze %dma_start3A_20 : memref<1x1x3200xi32, #tpu.memory_space<hbm>> -> memref<1x3200xi32, #tpu.memory_space<hbm>>
    tpu.enqueue_dma source(%dma_start3A_21 : memref<1x3200xi32, #tpu.memory_space<hbm>>) target(%dma_start3A_17 : memref<1x3200xi32, #tpu.memory_space<vmem>>) target_semaphore(%arg10 : memref<!tpu.dma_semaphore, #tpu.memory_space<semaphore_mem>>)
    %dma_start3A_22 = arith.constant 0 : i32
    %dma_start3A_23 = arith.constant 0 : i32
    %dma_start3A_24 = arith.constant 0 : i32
    %dma_start3A_25 = tpu.memref_slice %arg7[%dma_start3A_23, %dma_start3A_24] : memref<2x3200xi32, #tpu.memory_space<vmem>> -> memref<1x3200xi32, #tpu.memory_space<vmem>>
    %dma_start3A_26 = arith.constant 0 : i32
    %dma_start3A_27 = arith.constant 0 : i32
    %dma_start3A_28 = tpu.memref_slice %arg4[%dma_start3A_22, %dma_start3A_26, %dma_start3A_27] : memref<100x1x3200xi32, #tpu.memory_space<hbm>> -> memref<1x1x3200xi32, #tpu.memory_space<hbm>>
    %dma_start3A_29 = tpu.memref_squeeze %dma_start3A_28 : memref<1x1x3200xi32, #tpu.memory_space<hbm>> -> memref<1x3200xi32, #tpu.memory_space<hbm>>
    %dma_start3A_30 = arith.constant 0 : i32
    %dma_start3A_31 = arith.constant 0 : i32
    %dma_start3A_32 = tpu.memref_slice %arg7[%dma_start3A_30, %dma_start3A_31] : memref<2x3200xi32, #tpu.memory_space<vmem>> -> memref<1x3200xi32, #tpu.memory_space<vmem>>
    %dma_start3A_33 = arith.constant 0 : i32
    %dma_start3A_34 = arith.constant 0 : i32
    %dma_start3A_35 = tpu.memref_slice %arg4[%dma_start3A_22, %dma_start3A_33, %dma_start3A_34] : memref<100x1x3200xi32, #tpu.memory_space<hbm>> -> memref<1x1x3200xi32, #tpu.memory_space<hbm>>
    %dma_start3A_36 = tpu.memref_squeeze %dma_start3A_35 : memref<1x1x3200xi32, #tpu.memory_space<hbm>> -> memref<1x3200xi32, #tpu.memory_space<hbm>>
    tpu.enqueue_dma source(%dma_start3A_36 : memref<1x3200xi32, #tpu.memory_space<hbm>>) target(%dma_start3A_32 : memref<1x3200xi32, #tpu.memory_space<vmem>>) target_semaphore(%arg12 : memref<!tpu.dma_semaphore, #tpu.memory_space<semaphore_mem>>)
    %dma_start3A_37 = arith.constant 1 : i32
    %dma_start3A_38 = arith.constant 1 : i32
    %dma_start3A_39 = arith.constant 0 : i32
    %dma_start3A_40 = tpu.memref_slice %arg6[%dma_start3A_38, %dma_start3A_39] : memref<2x3200xi32, #tpu.memory_space<vmem>> -> memref<1x3200xi32, #tpu.memory_space<vmem>>
    %dma_start3A_41 = arith.constant 0 : i32
    %dma_start3A_42 = arith.constant 0 : i32
    %dma_start3A_43 = tpu.memref_slice %arg3[%dma_start3A_37, %dma_start3A_41, %dma_start3A_42] : memref<100x1x3200xi32, #tpu.memory_space<hbm>> -> memref<1x1x3200xi32, #tpu.memory_space<hbm>>
    %dma_start3A_44 = tpu.memref_squeeze %dma_start3A_43 : memref<1x1x3200xi32, #tpu.memory_space<hbm>> -> memref<1x3200xi32, #tpu.memory_space<hbm>>
    %dma_start3A_45 = arith.constant 1 : i32
    %dma_start3A_46 = arith.constant 0 : i32
    %dma_start3A_47 = tpu.memref_slice %arg6[%dma_start3A_45, %dma_start3A_46] : memref<2x3200xi32, #tpu.memory_space<vmem>> -> memref<1x3200xi32, #tpu.memory_space<vmem>>
    %dma_start3A_48 = arith.constant 0 : i32
    %dma_start3A_49 = arith.constant 0 : i32
    %dma_start3A_50 = tpu.memref_slice %arg3[%dma_start3A_37, %dma_start3A_48, %dma_start3A_49] : memref<100x1x3200xi32, #tpu.memory_space<hbm>> -> memref<1x1x3200xi32, #tpu.memory_space<hbm>>
    %dma_start3A_51 = tpu.memref_squeeze %dma_start3A_50 : memref<1x1x3200xi32, #tpu.memory_space<hbm>> -> memref<1x3200xi32, #tpu.memory_space<hbm>>
    tpu.enqueue_dma source(%dma_start3A_51 : memref<1x3200xi32, #tpu.memory_space<hbm>>) target(%dma_start3A_47 : memref<1x3200xi32, #tpu.memory_space<vmem>>) target_semaphore(%arg11 : memref<!tpu.dma_semaphore, #tpu.memory_space<semaphore_mem>>)
    %dma_start3A_52 = arith.constant 1 : i32
    %dma_start3A_53 = arith.constant 1 : i32
    %dma_start3A_54 = arith.constant 0 : i32
    %dma_start3A_55 = tpu.memref_slice %arg7[%dma_start3A_53, %dma_start3A_54] : memref<2x3200xi32, #tpu.memory_space<vmem>> -> memref<1x3200xi32, #tpu.memory_space<vmem>>
    %dma_start3A_56 = arith.constant 0 : i32
    %dma_start3A_57 = arith.constant 0 : i32
    %dma_start3A_58 = tpu.memref_slice %arg4[%dma_start3A_52, %dma_start3A_56, %dma_start3A_57] : memref<100x1x3200xi32, #tpu.memory_space<hbm>> -> memref<1x1x3200xi32, #tpu.memory_space<hbm>>
    %dma_start3A_59 = tpu.memref_squeeze %dma_start3A_58 : memref<1x1x3200xi32, #tpu.memory_space<hbm>> -> memref<1x3200xi32, #tpu.memory_space<hbm>>
    %dma_start3A_60 = arith.constant 1 : i32
    %dma_start3A_61 = arith.constant 0 : i32
    %dma_start3A_62 = tpu.memref_slice %arg7[%dma_start3A_60, %dma_start3A_61] : memref<2x3200xi32, #tpu.memory_space<vmem>> -> memref<1x3200xi32, #tpu.memory_space<vmem>>
    %dma_start3A_63 = arith.constant 0 : i32
    %dma_start3A_64 = arith.constant 0 : i32
    %dma_start3A_65 = tpu.memref_slice %arg4[%dma_start3A_52, %dma_start3A_63, %dma_start3A_64] : memref<100x1x3200xi32, #tpu.memory_space<hbm>> -> memref<1x1x3200xi32, #tpu.memory_space<hbm>>
    %dma_start3A_66 = tpu.memref_squeeze %dma_start3A_65 : memref<1x1x3200xi32, #tpu.memory_space<hbm>> -> memref<1x3200xi32, #tpu.memory_space<hbm>>
    tpu.enqueue_dma source(%dma_start3A_66 : memref<1x3200xi32, #tpu.memory_space<hbm>>) target(%dma_start3A_62 : memref<1x3200xi32, #tpu.memory_space<vmem>>) target_semaphore(%arg13 : memref<!tpu.dma_semaphore, #tpu.memory_space<semaphore_mem>>)
    %parallel_loop3A = arith.constant 0 : i32
    %parallel_loop3A_67 = arith.constant 10240 : i32
    %parallel_loop3A_68 = arith.constant 16 : i32
    scf.for %parallel_loop3A_82 = %parallel_loop3A to %parallel_loop3A_67 step %parallel_loop3A_68  : i32 {
      %parallel_loop3A_83 = arith.constant 0.000000e+00 : f32
      %parallel_loop3A_84 = vector.broadcast %parallel_loop3A_83 : f32 to vector<16xf32>
      %parallel_loop3A_85 = arith.constant 0 : i32
      %parallel_loop3A_86 = arith.index_cast %parallel_loop3A_85 : i32 to index
      %parallel_loop3A_87 = arith.index_cast %parallel_loop3A_82 : i32 to index
      %parallel_loop3A_88 = tpu.vector_load %arg9[%parallel_loop3A_86, %parallel_loop3A_87] {strides = array<i32>} : memref<4x10240xf32, #tpu.memory_space<vmem>>, vector<16xf32>,
      tpu.vector_store %arg9[%parallel_loop3A_86, %parallel_loop3A_87], %parallel_loop3A_84 {strides = array<i32>} : memref<4x10240xf32, #tpu.memory_space<vmem>>, vector<16xf32>,
    } {sc.loop_unroll_factor = 8 : i64, sc.parallel_access}
    %parallel_loop3A_69 = arith.constant 0 : i32
    %parallel_loop3A_70 = arith.constant 10240 : i32
    %parallel_loop3A_71 = arith.constant 16 : i32
    scf.for %parallel_loop3A_82 = %parallel_loop3A_69 to %parallel_loop3A_70 step %parallel_loop3A_71  : i32 {
      %parallel_loop3A_83 = arith.constant 0.000000e+00 : f32
      %parallel_loop3A_84 = vector.broadcast %parallel_loop3A_83 : f32 to vector<16xf32>
      %parallel_loop3A_85 = arith.constant 1 : i32
      %parallel_loop3A_86 = arith.index_cast %parallel_loop3A_85 : i32 to index
      %parallel_loop3A_87 = arith.index_cast %parallel_loop3A_82 : i32 to index
      %parallel_loop3A_88 = tpu.vector_load %arg9[%parallel_loop3A_86, %parallel_loop3A_87] {strides = array<i32>} : memref<4x10240xf32, #tpu.memory_space<vmem>>, vector<16xf32>,
      tpu.vector_store %arg9[%parallel_loop3A_86, %parallel_loop3A_87], %parallel_loop3A_84 {strides = array<i32>} : memref<4x10240xf32, #tpu.memory_space<vmem>>, vector<16xf32>,
    } {sc.loop_unroll_factor = 8 : i64, sc.parallel_access}
    %parallel_loop3A_72 = arith.constant 0 : i32
    %parallel_loop3A_73 = arith.constant 10240 : i32
    %parallel_loop3A_74 = arith.constant 16 : i32
    scf.for %parallel_loop3A_82 = %parallel_loop3A_72 to %parallel_loop3A_73 step %parallel_loop3A_74  : i32 {
      %parallel_loop3A_83 = arith.constant 0.000000e+00 : f32
      %parallel_loop3A_84 = vector.broadcast %parallel_loop3A_83 : f32 to vector<16xf32>
      %parallel_loop3A_85 = arith.constant 2 : i32
      %parallel_loop3A_86 = arith.index_cast %parallel_loop3A_85 : i32 to index
      %parallel_loop3A_87 = arith.index_cast %parallel_loop3A_82 : i32 to index
      %parallel_loop3A_88 = tpu.vector_load %arg9[%parallel_loop3A_86, %parallel_loop3A_87] {strides = array<i32>} : memref<4x10240xf32, #tpu.memory_space<vmem>>, vector<16xf32>,
      tpu.vector_store %arg9[%parallel_loop3A_86, %parallel_loop3A_87], %parallel_loop3A_84 {strides = array<i32>} : memref<4x10240xf32, #tpu.memory_space<vmem>>, vector<16xf32>,
    } {sc.loop_unroll_factor = 8 : i64, sc.parallel_access}
    %parallel_loop3A_75 = arith.constant 0 : i32
    %parallel_loop3A_76 = arith.constant 10240 : i32
    %parallel_loop3A_77 = arith.constant 16 : i32
    scf.for %parallel_loop3A_82 = %parallel_loop3A_75 to %parallel_loop3A_76 step %parallel_loop3A_77  : i32 {
      %parallel_loop3A_83 = arith.constant 0.000000e+00 : f32
      %parallel_loop3A_84 = vector.broadcast %parallel_loop3A_83 : f32 to vector<16xf32>
      %parallel_loop3A_85 = arith.constant 3 : i32
      %parallel_loop3A_86 = arith.index_cast %parallel_loop3A_85 : i32 to index
      %parallel_loop3A_87 = arith.index_cast %parallel_loop3A_82 : i32 to index
      %parallel_loop3A_88 = tpu.vector_load %arg9[%parallel_loop3A_86, %parallel_loop3A_87] {strides = array<i32>} : memref<4x10240xf32, #tpu.memory_space<vmem>>, vector<16xf32>,
      tpu.vector_store %arg9[%parallel_loop3A_86, %parallel_loop3A_87], %parallel_loop3A_84 {strides = array<i32>} : memref<4x10240xf32, #tpu.memory_space<vmem>>, vector<16xf32>,
    } {sc.loop_unroll_factor = 8 : i64, sc.parallel_access}
    "tpu.region"() ({
      %run_scoped3A = tpu.sem_alloc : memref<!tpu.dma_semaphore, #tpu.memory_space<semaphore_mem>>
      %dma_start3A_82 = arith.constant 0 : i32
      %dma_start3A_83 = arith.constant 0 : i32
      %dma_start3A_84 = tpu.memref_slice %arg2[%add3A, %dma_start3A_82, %dma_start3A_83] : memref<32x4x10240xf32, #tpu.memory_space<hbm>> -> memref<1x4x10240xf32, #tpu.memory_space<hbm>>
      %dma_start3A_85 = tpu.memref_squeeze %dma_start3A_84 : memref<1x4x10240xf32, #tpu.memory_space<hbm>> -> memref<4x10240xf32, #tpu.memory_space<hbm>>
      %dma_start3A_86 = arith.constant 0 : i32
      %dma_start3A_87 = arith.constant 0 : i32
      %dma_start3A_88 = tpu.memref_slice %arg2[%add3A, %dma_start3A_86, %dma_start3A_87] : memref<32x4x10240xf32, #tpu.memory_space<hbm>> -> memref<1x4x10240xf32, #tpu.memory_space<hbm>>
      %dma_start3A_89 = tpu.memref_squeeze %dma_start3A_88 : memref<1x4x10240xf32, #tpu.memory_space<hbm>> -> memref<4x10240xf32, #tpu.memory_space<hbm>>
      tpu.enqueue_dma source(%dma_start3A_89 : memref<4x10240xf32, #tpu.memory_space<hbm>>) target(%arg8 : memref<4x10240xf32, #tpu.memory_space<vmem>>) target_semaphore(%run_scoped3A : memref<!tpu.dma_semaphore, #tpu.memory_space<semaphore_mem>>)
      %dma_wait3A = arith.constant 0 : i32
      %dma_wait3A_90 = arith.constant 0 : i32
      %dma_wait3A_91 = tpu.memref_slice %arg2[%add3A, %dma_wait3A, %dma_wait3A_90] : memref<32x4x10240xf32, #tpu.memory_space<hbm>> -> memref<1x4x10240xf32, #tpu.memory_space<hbm>>
      %dma_wait3A_92 = tpu.memref_squeeze %dma_wait3A_91 : memref<1x4x10240xf32, #tpu.memory_space<hbm>> -> memref<4x10240xf32, #tpu.memory_space<hbm>>
      %dma_wait3A_93 = arith.constant 0 : i32
      %dma_wait3A_94 = arith.constant 0 : i32
      %dma_wait3A_95 = tpu.memref_slice %arg2[%add3A, %dma_wait3A_93, %dma_wait3A_94] : memref<32x4x10240xf32, #tpu.memory_space<hbm>> -> memref<1x4x10240xf32, #tpu.memory_space<hbm>>
      %dma_wait3A_96 = tpu.memref_squeeze %dma_wait3A_95 : memref<1x4x10240xf32, #tpu.memory_space<hbm>> -> memref<4x10240xf32, #tpu.memory_space<hbm>>
      tpu.wait_dma2 semaphore(%run_scoped3A : memref<!tpu.dma_semaphore, #tpu.memory_space<semaphore_mem>>) src(%dma_wait3A_96 : memref<4x10240xf32, #tpu.memory_space<hbm>>) dst(%arg8 : memref<4x10240xf32, #tpu.memory_space<vmem>>)
      tpu.yield
    }) : () -> ()
    %scan3A = arith.constant 0 : i32
    %scan3A_78 = arith.constant 50 : i32
    %scan3A_79 = arith.addi %scan3A, %scan3A_78 : i32
    %scan3A_80 = arith.constant 1 : i32
    scf.for %scan3A_82 = %scan3A to %scan3A_79 step %scan3A_80  : i32 {
      %mul3A_83 = arith.constant 2 : i32
      %mul3A_84 = arith.muli %scan3A_82, %mul3A_83 : i32
      %add3A_85 = arith.constant 0 : i32
      %add3A_86 = arith.addi %add3A_85, %mul3A_84 : i32
      %add3A_87 = arith.constant 0 : i32
      %add3A_88 = arith.addi %add3A_86, %add3A_87 : i32
      %dma_wait3A = arith.constant 0 : i32
      %dma_wait3A_89 = arith.constant 0 : i32
      %dma_wait3A_90 = tpu.memref_slice %arg6[%dma_wait3A, %dma_wait3A_89] : memref<2x3200xi32, #tpu.memory_space<vmem>> -> memref<1x3200xi32, #tpu.memory_space<vmem>>
      %dma_wait3A_91 = arith.constant 0 : i32
      %dma_wait3A_92 = arith.constant 0 : i32
      %dma_wait3A_93 = tpu.memref_slice %arg3[%add3A_88, %dma_wait3A_91, %dma_wait3A_92] : memref<100x1x3200xi32, #tpu.memory_space<hbm>> -> memref<1x1x3200xi32, #tpu.memory_space<hbm>>
      %dma_wait3A_94 = tpu.memref_squeeze %dma_wait3A_93 : memref<1x1x3200xi32, #tpu.memory_space<hbm>> -> memref<1x3200xi32, #tpu.memory_space<hbm>>
      %dma_wait3A_95 = arith.constant 0 : i32
      %dma_wait3A_96 = arith.constant 0 : i32
      %dma_wait3A_97 = tpu.memref_slice %arg6[%dma_wait3A_95, %dma_wait3A_96] : memref<2x3200xi32, #tpu.memory_space<vmem>> -> memref<1x3200xi32, #tpu.memory_space<vmem>>
      %dma_wait3A_98 = arith.constant 0 : i32
      %dma_wait3A_99 = arith.constant 0 : i32
      %dma_wait3A_100 = tpu.memref_slice %arg3[%add3A_88, %dma_wait3A_98, %dma_wait3A_99] : memref<100x1x3200xi32, #tpu.memory_space<hbm>> -> memref<1x1x3200xi32, #tpu.memory_space<hbm>>
      %dma_wait3A_101 = tpu.memref_squeeze %dma_wait3A_100 : memref<1x1x3200xi32, #tpu.memory_space<hbm>> -> memref<1x3200xi32, #tpu.memory_space<hbm>>
      tpu.wait_dma2 semaphore(%arg10 : memref<!tpu.dma_semaphore, #tpu.memory_space<semaphore_mem>>) src(%dma_wait3A_101 : memref<1x3200xi32, #tpu.memory_space<hbm>>) dst(%dma_wait3A_97 : memref<1x3200xi32, #tpu.memory_space<vmem>>)
      %dma_wait3A_102 = arith.constant 0 : i32
      %dma_wait3A_103 = arith.constant 0 : i32
      %dma_wait3A_104 = tpu.memref_slice %arg7[%dma_wait3A_102, %dma_wait3A_103] : memref<2x3200xi32, #tpu.memory_space<vmem>> -> memref<1x3200xi32, #tpu.memory_space<vmem>>
      %dma_wait3A_105 = arith.constant 0 : i32
      %dma_wait3A_106 = arith.constant 0 : i32
      %dma_wait3A_107 = tpu.memref_slice %arg4[%add3A_88, %dma_wait3A_105, %dma_wait3A_106] : memref<100x1x3200xi32, #tpu.memory_space<hbm>> -> memref<1x1x3200xi32, #tpu.memory_space<hbm>>
      %dma_wait3A_108 = tpu.memref_squeeze %dma_wait3A_107 : memref<1x1x3200xi32, #tpu.memory_space<hbm>> -> memref<1x3200xi32, #tpu.memory_space<hbm>>
      %dma_wait3A_109 = arith.constant 0 : i32
      %dma_wait3A_110 = arith.constant 0 : i32
      %dma_wait3A_111 = tpu.memref_slice %arg7[%dma_wait3A_109, %dma_wait3A_110] : memref<2x3200xi32, #tpu.memory_space<vmem>> -> memref<1x3200xi32, #tpu.memory_space<vmem>>
      %dma_wait3A_112 = arith.constant 0 : i32
      %dma_wait3A_113 = arith.constant 0 : i32
      %dma_wait3A_114 = tpu.memref_slice %arg4[%add3A_88, %dma_wait3A_112, %dma_wait3A_113] : memref<100x1x3200xi32, #tpu.memory_space<hbm>> -> memref<1x1x3200xi32, #tpu.memory_space<hbm>>
      %dma_wait3A_115 = tpu.memref_squeeze %dma_wait3A_114 : memref<1x1x3200xi32, #tpu.memory_space<hbm>> -> memref<1x3200xi32, #tpu.memory_space<hbm>>
      tpu.wait_dma2 semaphore(%arg12 : memref<!tpu.dma_semaphore, #tpu.memory_space<semaphore_mem>>) src(%dma_wait3A_115 : memref<1x3200xi32, #tpu.memory_space<hbm>>) dst(%dma_wait3A_111 : memref<1x3200xi32, #tpu.memory_space<vmem>>)
      %parallel_loop3A_116 = arith.constant 0 : i32
      %parallel_loop3A_117 = arith.constant 3200 : i32
      %parallel_loop3A_118 = arith.constant 16 : i32
      scf.for %parallel_loop3A_163 = %parallel_loop3A_116 to %parallel_loop3A_117 step %parallel_loop3A_118  : i32 {
        %parallel_loop3A_164 = arith.constant 0 : i32
        %parallel_loop3A_165 = arith.index_cast %parallel_loop3A_164 : i32 to index
        %parallel_loop3A_166 = arith.index_cast %parallel_loop3A_163 : i32 to index
        %parallel_loop3A_167 = tpu.vector_load %arg6[%parallel_loop3A_165, %parallel_loop3A_166] {strides = array<i32>} : memref<2x3200xi32, #tpu.memory_space<vmem>>, vector<16xi32>,
        %parallel_loop3A_168 = arith.constant 0 : i32
        %parallel_loop3A_169 = arith.index_cast %parallel_loop3A_168 : i32 to index
        %parallel_loop3A_170 = arith.index_cast %parallel_loop3A_163 : i32 to index
        %parallel_loop3A_171 = tpu.vector_load %arg7[%parallel_loop3A_169, %parallel_loop3A_170] {strides = array<i32>} : memref<2x3200xi32, #tpu.memory_space<vmem>>, vector<16xi32>,
        %parallel_loop3A_172 = tpu.vector_load_idx %arg8[%broadcast_in_dim3A_1, %parallel_loop3A_167] : memref<4x10240xf32, #tpu.memory_space<vmem>>[vector<16xi32>, vector<16xi32>], vector<16xf32>,
        tpu.vector_store_idx %arg9[%broadcast_in_dim3A_1, %parallel_loop3A_171], %parallel_loop3A_172 {add = true} : memref<4x10240xf32, #tpu.memory_space<vmem>>[vector<16xi32>, vector<16xi32>], vector<16xf32>,
        %parallel_loop3A_173 = tpu.vector_load_idx %arg8[%broadcast_in_dim3A_3, %parallel_loop3A_167] : memref<4x10240xf32, #tpu.memory_space<vmem>>[vector<16xi32>, vector<16xi32>], vector<16xf32>,
        tpu.vector_store_idx %arg9[%broadcast_in_dim3A_3, %parallel_loop3A_171], %parallel_loop3A_173 {add = true} : memref<4x10240xf32, #tpu.memory_space<vmem>>[vector<16xi32>, vector<16xi32>], vector<16xf32>,
        %parallel_loop3A_174 = tpu.vector_load_idx %arg8[%broadcast_in_dim3A_5, %parallel_loop3A_167] : memref<4x10240xf32, #tpu.memory_space<vmem>>[vector<16xi32>, vector<16xi32>], vector<16xf32>,
        tpu.vector_store_idx %arg9[%broadcast_in_dim3A_5, %parallel_loop3A_171], %parallel_loop3A_174 {add = true} : memref<4x10240xf32, #tpu.memory_space<vmem>>[vector<16xi32>, vector<16xi32>], vector<16xf32>,
        %parallel_loop3A_175 = tpu.vector_load_idx %arg8[%broadcast_in_dim3A_7, %parallel_loop3A_167] : memref<4x10240xf32, #tpu.memory_space<vmem>>[vector<16xi32>, vector<16xi32>], vector<16xf32>,
        tpu.vector_store_idx %arg9[%broadcast_in_dim3A_7, %parallel_loop3A_171], %parallel_loop3A_175 {add = true} : memref<4x10240xf32, #tpu.memory_space<vmem>>[vector<16xi32>, vector<16xi32>], vector<16xf32>,
      } {sc.loop_unroll_factor = 4 : i64, sc.parallel_access}
      %add3A_119 = arith.constant 2 : i32
      %add3A_120 = arith.addi %add3A_88, %add3A_119 : i32
      %lt3A = arith.constant 100 : i32
      %lt3A_121 = arith.cmpi slt, %add3A_120, %lt3A : i32
      %convert_element_type3A = arith.extui %lt3A_121 : i1 to i32
      %cond3A = arith.constant 0 : i32
      %cond3A_122 = arith.cmpi ne, %convert_element_type3A, %cond3A : i32
      scf.if %cond3A_122 {
        %add3A_163 = arith.constant 2 : i32
        %add3A_164 = arith.addi %add3A_88, %add3A_163 : i32
        %dma_start3A_165 = arith.constant 0 : i32
        %dma_start3A_166 = arith.constant 0 : i32
        %dma_start3A_167 = tpu.memref_slice %arg6[%dma_start3A_165, %dma_start3A_166] : memref<2x3200xi32, #tpu.memory_space<vmem>> -> memref<1x3200xi32, #tpu.memory_space<vmem>>
        %dma_start3A_168 = arith.constant 0 : i32
        %dma_start3A_169 = arith.constant 0 : i32
        %dma_start3A_170 = tpu.memref_slice %arg3[%add3A_164, %dma_start3A_168, %dma_start3A_169] : memref<100x1x3200xi32, #tpu.memory_space<hbm>> -> memref<1x1x3200xi32, #tpu.memory_space<hbm>>
        %dma_start3A_171 = tpu.memref_squeeze %dma_start3A_170 : memref<1x1x3200xi32, #tpu.memory_space<hbm>> -> memref<1x3200xi32, #tpu.memory_space<hbm>>
        %dma_start3A_172 = arith.constant 0 : i32
        %dma_start3A_173 = arith.constant 0 : i32
        %dma_start3A_174 = tpu.memref_slice %arg6[%dma_start3A_172, %dma_start3A_173] : memref<2x3200xi32, #tpu.memory_space<vmem>> -> memref<1x3200xi32, #tpu.memory_space<vmem>>
        %dma_start3A_175 = arith.constant 0 : i32
        %dma_start3A_176 = arith.constant 0 : i32
        %dma_start3A_177 = tpu.memref_slice %arg3[%add3A_164, %dma_start3A_175, %dma_start3A_176] : memref<100x1x3200xi32, #tpu.memory_space<hbm>> -> memref<1x1x3200xi32, #tpu.memory_space<hbm>>
        %dma_start3A_178 = tpu.memref_squeeze %dma_start3A_177 : memref<1x1x3200xi32, #tpu.memory_space<hbm>> -> memref<1x3200xi32, #tpu.memory_space<hbm>>
        tpu.enqueue_dma source(%dma_start3A_178 : memref<1x3200xi32, #tpu.memory_space<hbm>>) target(%dma_start3A_174 : memref<1x3200xi32, #tpu.memory_space<vmem>>) target_semaphore(%arg10 : memref<!tpu.dma_semaphore, #tpu.memory_space<semaphore_mem>>)
        %dma_start3A_179 = arith.constant 0 : i32
        %dma_start3A_180 = arith.constant 0 : i32
        %dma_start3A_181 = tpu.memref_slice %arg7[%dma_start3A_179, %dma_start3A_180] : memref<2x3200xi32, #tpu.memory_space<vmem>> -> memref<1x3200xi32, #tpu.memory_space<vmem>>
        %dma_start3A_182 = arith.constant 0 : i32
        %dma_start3A_183 = arith.constant 0 : i32
        %dma_start3A_184 = tpu.memref_slice %arg4[%add3A_164, %dma_start3A_182, %dma_start3A_183] : memref<100x1x3200xi32, #tpu.memory_space<hbm>> -> memref<1x1x3200xi32, #tpu.memory_space<hbm>>
        %dma_start3A_185 = tpu.memref_squeeze %dma_start3A_184 : memref<1x1x3200xi32, #tpu.memory_space<hbm>> -> memref<1x3200xi32, #tpu.memory_space<hbm>>
        %dma_start3A_186 = arith.constant 0 : i32
        %dma_start3A_187 = arith.constant 0 : i32
        %dma_start3A_188 = tpu.memref_slice %arg7[%dma_start3A_186, %dma_start3A_187] : memref<2x3200xi32, #tpu.memory_space<vmem>> -> memref<1x3200xi32, #tpu.memory_space<vmem>>
        %dma_start3A_189 = arith.constant 0 : i32
        %dma_start3A_190 = arith.constant 0 : i32
        %dma_start3A_191 = tpu.memref_slice %arg4[%add3A_164, %dma_start3A_189, %dma_start3A_190] : memref<100x1x3200xi32, #tpu.memory_space<hbm>> -> memref<1x1x3200xi32, #tpu.memory_space<hbm>>
        %dma_start3A_192 = tpu.memref_squeeze %dma_start3A_191 : memref<1x1x3200xi32, #tpu.memory_space<hbm>> -> memref<1x3200xi32, #tpu.memory_space<hbm>>
        tpu.enqueue_dma source(%dma_start3A_192 : memref<1x3200xi32, #tpu.memory_space<hbm>>) target(%dma_start3A_188 : memref<1x3200xi32, #tpu.memory_space<vmem>>) target_semaphore(%arg12 : memref<!tpu.dma_semaphore, #tpu.memory_space<semaphore_mem>>)
      } else {
      }
      %add3A_123 = arith.constant 1 : i32
      %add3A_124 = arith.addi %add3A_86, %add3A_123 : i32
      %dma_wait3A_125 = arith.constant 1 : i32
      %dma_wait3A_126 = arith.constant 0 : i32
      %dma_wait3A_127 = tpu.memref_slice %arg6[%dma_wait3A_125, %dma_wait3A_126] : memref<2x3200xi32, #tpu.memory_space<vmem>> -> memref<1x3200xi32, #tpu.memory_space<vmem>>
      %dma_wait3A_128 = arith.constant 0 : i32
      %dma_wait3A_129 = arith.constant 0 : i32
      %dma_wait3A_130 = tpu.memref_slice %arg3[%add3A_124, %dma_wait3A_128, %dma_wait3A_129] : memref<100x1x3200xi32, #tpu.memory_space<hbm>> -> memref<1x1x3200xi32, #tpu.memory_space<hbm>>
      %dma_wait3A_131 = tpu.memref_squeeze %dma_wait3A_130 : memref<1x1x3200xi32, #tpu.memory_space<hbm>> -> memref<1x3200xi32, #tpu.memory_space<hbm>>
      %dma_wait3A_132 = arith.constant 1 : i32
      %dma_wait3A_133 = arith.constant 0 : i32
      %dma_wait3A_134 = tpu.memref_slice %arg6[%dma_wait3A_132, %dma_wait3A_133] : memref<2x3200xi32, #tpu.memory_space<vmem>> -> memref<1x3200xi32, #tpu.memory_space<vmem>>
      %dma_wait3A_135 = arith.constant 0 : i32
      %dma_wait3A_136 = arith.constant 0 : i32
      %dma_wait3A_137 = tpu.memref_slice %arg3[%add3A_124, %dma_wait3A_135, %dma_wait3A_136] : memref<100x1x3200xi32, #tpu.memory_space<hbm>> -> memref<1x1x3200xi32, #tpu.memory_space<hbm>>
      %dma_wait3A_138 = tpu.memref_squeeze %dma_wait3A_137 : memref<1x1x3200xi32, #tpu.memory_space<hbm>> -> memref<1x3200xi32, #tpu.memory_space<hbm>>
      tpu.wait_dma2 semaphore(%arg11 : memref<!tpu.dma_semaphore, #tpu.memory_space<semaphore_mem>>) src(%dma_wait3A_138 : memref<1x3200xi32, #tpu.memory_space<hbm>>) dst(%dma_wait3A_134 : memref<1x3200xi32, #tpu.memory_space<vmem>>)
      %dma_wait3A_139 = arith.constant 1 : i32
      %dma_wait3A_140 = arith.constant 0 : i32
      %dma_wait3A_141 = tpu.memref_slice %arg7[%dma_wait3A_139, %dma_wait3A_140] : memref<2x3200xi32, #tpu.memory_space<vmem>> -> memref<1x3200xi32, #tpu.memory_space<vmem>>
      %dma_wait3A_142 = arith.constant 0 : i32
      %dma_wait3A_143 = arith.constant 0 : i32
      %dma_wait3A_144 = tpu.memref_slice %arg4[%add3A_124, %dma_wait3A_142, %dma_wait3A_143] : memref<100x1x3200xi32, #tpu.memory_space<hbm>> -> memref<1x1x3200xi32, #tpu.memory_space<hbm>>
      %dma_wait3A_145 = tpu.memref_squeeze %dma_wait3A_144 : memref<1x1x3200xi32, #tpu.memory_space<hbm>> -> memref<1x3200xi32, #tpu.memory_space<hbm>>
      %dma_wait3A_146 = arith.constant 1 : i32
      %dma_wait3A_147 = arith.constant 0 : i32
      %dma_wait3A_148 = tpu.memref_slice %arg7[%dma_wait3A_146, %dma_wait3A_147] : memref<2x3200xi32, #tpu.memory_space<vmem>> -> memref<1x3200xi32, #tpu.memory_space<vmem>>
      %dma_wait3A_149 = arith.constant 0 : i32
      %dma_wait3A_150 = arith.constant 0 : i32
      %dma_wait3A_151 = tpu.memref_slice %arg4[%add3A_124, %dma_wait3A_149, %dma_wait3A_150] : memref<100x1x3200xi32, #tpu.memory_space<hbm>> -> memref<1x1x3200xi32, #tpu.memory_space<hbm>>
      %dma_wait3A_152 = tpu.memref_squeeze %dma_wait3A_151 : memref<1x1x3200xi32, #tpu.memory_space<hbm>> -> memref<1x3200xi32, #tpu.memory_space<hbm>>
      tpu.wait_dma2 semaphore(%arg13 : memref<!tpu.dma_semaphore, #tpu.memory_space<semaphore_mem>>) src(%dma_wait3A_152 : memref<1x3200xi32, #tpu.memory_space<hbm>>) dst(%dma_wait3A_148 : memref<1x3200xi32, #tpu.memory_space<vmem>>)
      %parallel_loop3A_153 = arith.constant 0 : i32
      %parallel_loop3A_154 = arith.constant 3200 : i32
      %parallel_loop3A_155 = arith.constant 16 : i32
      scf.for %parallel_loop3A_163 = %parallel_loop3A_153 to %parallel_loop3A_154 step %parallel_loop3A_155  : i32 {
        %parallel_loop3A_164 = arith.constant 1 : i32
        %parallel_loop3A_165 = arith.index_cast %parallel_loop3A_164 : i32 to index
        %parallel_loop3A_166 = arith.index_cast %parallel_loop3A_163 : i32 to index
        %parallel_loop3A_167 = tpu.vector_load %arg6[%parallel_loop3A_165, %parallel_loop3A_166] {strides = array<i32>} : memref<2x3200xi32, #tpu.memory_space<vmem>>, vector<16xi32>,
        %parallel_loop3A_168 = arith.constant 1 : i32
        %parallel_loop3A_169 = arith.index_cast %parallel_loop3A_168 : i32 to index
        %parallel_loop3A_170 = arith.index_cast %parallel_loop3A_163 : i32 to index
        %parallel_loop3A_171 = tpu.vector_load %arg7[%parallel_loop3A_169, %parallel_loop3A_170] {strides = array<i32>} : memref<2x3200xi32, #tpu.memory_space<vmem>>, vector<16xi32>,
        %parallel_loop3A_172 = tpu.vector_load_idx %arg8[%broadcast_in_dim3A_1, %parallel_loop3A_167] : memref<4x10240xf32, #tpu.memory_space<vmem>>[vector<16xi32>, vector<16xi32>], vector<16xf32>,
        tpu.vector_store_idx %arg9[%broadcast_in_dim3A_1, %parallel_loop3A_171], %parallel_loop3A_172 {add = true} : memref<4x10240xf32, #tpu.memory_space<vmem>>[vector<16xi32>, vector<16xi32>], vector<16xf32>,
        %parallel_loop3A_173 = tpu.vector_load_idx %arg8[%broadcast_in_dim3A_3, %parallel_loop3A_167] : memref<4x10240xf32, #tpu.memory_space<vmem>>[vector<16xi32>, vector<16xi32>], vector<16xf32>,
        tpu.vector_store_idx %arg9[%broadcast_in_dim3A_3, %parallel_loop3A_171], %parallel_loop3A_173 {add = true} : memref<4x10240xf32, #tpu.memory_space<vmem>>[vector<16xi32>, vector<16xi32>], vector<16xf32>,
        %parallel_loop3A_174 = tpu.vector_load_idx %arg8[%broadcast_in_dim3A_5, %parallel_loop3A_167] : memref<4x10240xf32, #tpu.memory_space<vmem>>[vector<16xi32>, vector<16xi32>], vector<16xf32>,
        tpu.vector_store_idx %arg9[%broadcast_in_dim3A_5, %parallel_loop3A_171], %parallel_loop3A_174 {add = true} : memref<4x10240xf32, #tpu.memory_space<vmem>>[vector<16xi32>, vector<16xi32>], vector<16xf32>,
        %parallel_loop3A_175 = tpu.vector_load_idx %arg8[%broadcast_in_dim3A_7, %parallel_loop3A_167] : memref<4x10240xf32, #tpu.memory_space<vmem>>[vector<16xi32>, vector<16xi32>], vector<16xf32>,
        tpu.vector_store_idx %arg9[%broadcast_in_dim3A_7, %parallel_loop3A_171], %parallel_loop3A_175 {add = true} : memref<4x10240xf32, #tpu.memory_space<vmem>>[vector<16xi32>, vector<16xi32>], vector<16xf32>,
      } {sc.loop_unroll_factor = 4 : i64, sc.parallel_access}
      %add3A_156 = arith.constant 2 : i32
      %add3A_157 = arith.addi %add3A_124, %add3A_156 : i32
      %lt3A_158 = arith.constant 100 : i32
      %lt3A_159 = arith.cmpi slt, %add3A_157, %lt3A_158 : i32
      %convert_element_type3A_160 = arith.extui %lt3A_159 : i1 to i32
      %cond3A_161 = arith.constant 0 : i32
      %cond3A_162 = arith.cmpi ne, %convert_element_type3A_160, %cond3A_161 : i32
      scf.if %cond3A_162 {
        %add3A_163 = arith.constant 2 : i32
        %add3A_164 = arith.addi %add3A_124, %add3A_163 : i32
        %dma_start3A_165 = arith.constant 1 : i32
        %dma_start3A_166 = arith.constant 0 : i32
        %dma_start3A_167 = tpu.memref_slice %arg6[%dma_start3A_165, %dma_start3A_166] : memref<2x3200xi32, #tpu.memory_space<vmem>> -> memref<1x3200xi32, #tpu.memory_space<vmem>>
        %dma_start3A_168 = arith.constant 0 : i32
        %dma_start3A_169 = arith.constant 0 : i32
        %dma_start3A_170 = tpu.memref_slice %arg3[%add3A_164, %dma_start3A_168, %dma_start3A_169] : memref<100x1x3200xi32, #tpu.memory_space<hbm>> -> memref<1x1x3200xi32, #tpu.memory_space<hbm>>
        %dma_start3A_171 = tpu.memref_squeeze %dma_start3A_170 : memref<1x1x3200xi32, #tpu.memory_space<hbm>> -> memref<1x3200xi32, #tpu.memory_space<hbm>>
        %dma_start3A_172 = arith.constant 1 : i32
        %dma_start3A_173 = arith.constant 0 : i32
        %dma_start3A_174 = tpu.memref_slice %arg6[%dma_start3A_172, %dma_start3A_173] : memref<2x3200xi32, #tpu.memory_space<vmem>> -> memref<1x3200xi32, #tpu.memory_space<vmem>>
        %dma_start3A_175 = arith.constant 0 : i32
        %dma_start3A_176 = arith.constant 0 : i32
        %dma_start3A_177 = tpu.memref_slice %arg3[%add3A_164, %dma_start3A_175, %dma_start3A_176] : memref<100x1x3200xi32, #tpu.memory_space<hbm>> -> memref<1x1x3200xi32, #tpu.memory_space<hbm>>
        %dma_start3A_178 = tpu.memref_squeeze %dma_start3A_177 : memref<1x1x3200xi32, #tpu.memory_space<hbm>> -> memref<1x3200xi32, #tpu.memory_space<hbm>>
        tpu.enqueue_dma source(%dma_start3A_178 : memref<1x3200xi32, #tpu.memory_space<hbm>>) target(%dma_start3A_174 : memref<1x3200xi32, #tpu.memory_space<vmem>>) target_semaphore(%arg11 : memref<!tpu.dma_semaphore, #tpu.memory_space<semaphore_mem>>)
        %dma_start3A_179 = arith.constant 1 : i32
        %dma_start3A_180 = arith.constant 0 : i32
        %dma_start3A_181 = tpu.memref_slice %arg7[%dma_start3A_179, %dma_start3A_180] : memref<2x3200xi32, #tpu.memory_space<vmem>> -> memref<1x3200xi32, #tpu.memory_space<vmem>>
        %dma_start3A_182 = arith.constant 0 : i32
        %dma_start3A_183 = arith.constant 0 : i32
        %dma_start3A_184 = tpu.memref_slice %arg4[%add3A_164, %dma_start3A_182, %dma_start3A_183] : memref<100x1x3200xi32, #tpu.memory_space<hbm>> -> memref<1x1x3200xi32, #tpu.memory_space<hbm>>
        %dma_start3A_185 = tpu.memref_squeeze %dma_start3A_184 : memref<1x1x3200xi32, #tpu.memory_space<hbm>> -> memref<1x3200xi32, #tpu.memory_space<hbm>>
        %dma_start3A_186 = arith.constant 1 : i32
        %dma_start3A_187 = arith.constant 0 : i32
        %dma_start3A_188 = tpu.memref_slice %arg7[%dma_start3A_186, %dma_start3A_187] : memref<2x3200xi32, #tpu.memory_space<vmem>> -> memref<1x3200xi32, #tpu.memory_space<vmem>>
        %dma_start3A_189 = arith.constant 0 : i32
        %dma_start3A_190 = arith.constant 0 : i32
        %dma_start3A_191 = tpu.memref_slice %arg4[%add3A_164, %dma_start3A_189, %dma_start3A_190] : memref<100x1x3200xi32, #tpu.memory_space<hbm>> -> memref<1x1x3200xi32, #tpu.memory_space<hbm>>
        %dma_start3A_192 = tpu.memref_squeeze %dma_start3A_191 : memref<1x1x3200xi32, #tpu.memory_space<hbm>> -> memref<1x3200xi32, #tpu.memory_space<hbm>>
        tpu.enqueue_dma source(%dma_start3A_192 : memref<1x3200xi32, #tpu.memory_space<hbm>>) target(%dma_start3A_188 : memref<1x3200xi32, #tpu.memory_space<vmem>>) target_semaphore(%arg13 : memref<!tpu.dma_semaphore, #tpu.memory_space<semaphore_mem>>)
      } else {
      }
    }
    %scan3A_81 = arith.constant 50 : i32
    "tpu.region"() ({
      %run_scoped3A = tpu.sem_alloc : memref<!tpu.dma_semaphore, #tpu.memory_space<semaphore_mem>>
      %dma_start3A_82 = arith.constant 0 : i32
      %dma_start3A_83 = arith.constant 0 : i32
      %dma_start3A_84 = tpu.memref_slice %arg5[%add3A, %dma_start3A_82, %dma_start3A_83] : memref<32x4x10240xf32, #tpu.memory_space<hbm>> -> memref<1x4x10240xf32, #tpu.memory_space<hbm>>
      %dma_start3A_85 = tpu.memref_squeeze %dma_start3A_84 : memref<1x4x10240xf32, #tpu.memory_space<hbm>> -> memref<4x10240xf32, #tpu.memory_space<hbm>>
      %dma_start3A_86 = arith.constant 0 : i32
      %dma_start3A_87 = arith.constant 0 : i32
      %dma_start3A_88 = tpu.memref_slice %arg5[%add3A, %dma_start3A_86, %dma_start3A_87] : memref<32x4x10240xf32, #tpu.memory_space<hbm>> -> memref<1x4x10240xf32, #tpu.memory_space<hbm>>
      %dma_start3A_89 = tpu.memref_squeeze %dma_start3A_88 : memref<1x4x10240xf32, #tpu.memory_space<hbm>> -> memref<4x10240xf32, #tpu.memory_space<hbm>>
      tpu.enqueue_dma source(%arg9 : memref<4x10240xf32, #tpu.memory_space<vmem>>) target(%dma_start3A_89 : memref<4x10240xf32, #tpu.memory_space<hbm>>) target_semaphore(%run_scoped3A : memref<!tpu.dma_semaphore, #tpu.memory_space<semaphore_mem>>)
      %dma_wait3A = arith.constant 0 : i32
      %dma_wait3A_90 = arith.constant 0 : i32
      %dma_wait3A_91 = tpu.memref_slice %arg5[%add3A, %dma_wait3A, %dma_wait3A_90] : memref<32x4x10240xf32, #tpu.memory_space<hbm>> -> memref<1x4x10240xf32, #tpu.memory_space<hbm>>
      %dma_wait3A_92 = tpu.memref_squeeze %dma_wait3A_91 : memref<1x4x10240xf32, #tpu.memory_space<hbm>> -> memref<4x10240xf32, #tpu.memory_space<hbm>>
      %dma_wait3A_93 = arith.constant 0 : i32
      %dma_wait3A_94 = arith.constant 0 : i32
      %dma_wait3A_95 = tpu.memref_slice %arg5[%add3A, %dma_wait3A_93, %dma_wait3A_94] : memref<32x4x10240xf32, #tpu.memory_space<hbm>> -> memref<1x4x10240xf32, #tpu.memory_space<hbm>>
      %dma_wait3A_96 = tpu.memref_squeeze %dma_wait3A_95 : memref<1x4x10240xf32, #tpu.memory_space<hbm>> -> memref<4x10240xf32, #tpu.memory_space<hbm>>
      tpu.wait_dma2 semaphore(%run_scoped3A : memref<!tpu.dma_semaphore, #tpu.memory_space<semaphore_mem>>) src(%arg9 : memref<4x10240xf32, #tpu.memory_space<vmem>>) dst(%dma_wait3A_96 : memref<4x10240xf32, #tpu.memory_space<hbm>>)
      tpu.yield
    }) : () -> ()
    return
  }
}

#map = affine_map<(d0, d1) -> (0)>
#map1 = affine_map<(d0, d1) -> (0, 0)>
module attributes {stable_mosaic.version = 14 : i64} {
  func.func @_deg_kernel(%arg0: i32, %arg1: i32, %arg2: memref<320000xi32, #tpu.memory_space<hbm>>, %arg3: memref<10240xf32, #tpu.memory_space<hbm>>, %arg4: memref<16x10240xf32, #tpu.memory_space<hbm>>, %arg5: memref<2000xi32, #tpu.memory_space<vmem>>, %arg6: memref<10240xf32, #tpu.memory_space<vmem>>, %arg7: memref<16x640xf32, #tpu.memory_space<vmem>>, %arg8: memref<640xf32, #tpu.memory_space<vmem>>) attributes {dimension_semantics = [#tpu.dimension_semantics<core_parallel>, #tpu.dimension_semantics<subcore_parallel>], iteration_bounds = array<i64: 2, 16>, scalar_prefetch = 0 : i64, scratch_operands = 4 : i64, tpu.core_type = #tpu.core_type<sc_vector_subcore>, window_params = [{transform_indices = #map}, {transform_indices = #map}, {transform_indices = #map1}]} {
    %broadcast_in_dim3A = arith.constant 1.000000e+00 : f32
    %broadcast_in_dim3A_0 = vector.broadcast %broadcast_in_dim3A : f32 to vector<16xf32>
    %eq3A = arith.constant 0 : i32
    %eq3A_1 = arith.cmpi eq, %arg0, %eq3A : i32
    %convert_element_type3A = arith.extui %eq3A_1 : i1 to i32
    %cond3A = arith.constant 0 : i32
    %cond3A_2 = arith.cmpi ne, %convert_element_type3A, %cond3A : i32
    scf.if %cond3A_2 {
      %scan3A = arith.constant 0 : i32
      %scan3A_3 = arith.constant 640 : i32
      %scan3A_4 = arith.addi %scan3A, %scan3A_3 : i32
      %scan3A_5 = arith.constant 1 : i32
      scf.for %scan3A_22 = %scan3A to %scan3A_4 step %scan3A_5  : i32 {
        %mul3A_23 = arith.constant 1 : i32
        %mul3A_24 = arith.muli %scan3A_22, %mul3A_23 : i32
        %add3A = arith.constant 0 : i32
        %add3A_25 = arith.addi %add3A, %mul3A_24 : i32
        %broadcast_in_dim3A_26 = arith.constant 0.000000e+00 : f32
        %broadcast_in_dim3A_27 = vector.broadcast %broadcast_in_dim3A_26 : f32 to vector<16xf32>
        %mul3A_28 = arith.constant 16 : i32
        %mul3A_29 = arith.muli %add3A_25, %mul3A_28 : i32
        %swap3A = arith.index_cast %mul3A_29 : i32 to index
        %swap3A_30 = tpu.vector_load %arg6[%swap3A] {strides = array<i32>} : memref<10240xf32, #tpu.memory_space<vmem>>, vector<16xf32>,
        tpu.vector_store %arg6[%swap3A], %broadcast_in_dim3A_27 {strides = array<i32>} : memref<10240xf32, #tpu.memory_space<vmem>>, vector<16xf32>,
      }
      %scan3A_6 = arith.constant 640 : i32
      %mul3A = arith.constant 20000 : i32
      %mul3A_7 = arith.muli %arg1, %mul3A : i32
      %scan3A_8 = arith.constant 0 : i32
      %scan3A_9 = arith.constant 10 : i32
      %scan3A_10 = arith.addi %scan3A_8, %scan3A_9 : i32
      %scan3A_11 = arith.constant 1 : i32
      scf.for %scan3A_22 = %scan3A_8 to %scan3A_10 step %scan3A_11  : i32 {
        %mul3A_23 = arith.constant 1 : i32
        %mul3A_24 = arith.muli %scan3A_22, %mul3A_23 : i32
        %add3A = arith.constant 0 : i32
        %add3A_25 = arith.addi %add3A, %mul3A_24 : i32
        %mul3A_26 = arith.constant 2000 : i32
        %mul3A_27 = arith.muli %add3A_25, %mul3A_26 : i32
        %add3A_28 = arith.addi %mul3A_7, %mul3A_27 : i32
        "tpu.region"() ({
          %run_scoped3A = tpu.sem_alloc : memref<!tpu.dma_semaphore, #tpu.memory_space<semaphore_mem>>
          %dma_start3A = tpu.memref_slice %arg2[%add3A_28] : memref<320000xi32, #tpu.memory_space<hbm>> -> memref<2000xi32, #tpu.memory_space<hbm>>
          %dma_start3A_34 = tpu.memref_slice %arg2[%add3A_28] : memref<320000xi32, #tpu.memory_space<hbm>> -> memref<2000xi32, #tpu.memory_space<hbm>>
          tpu.enqueue_dma source(%dma_start3A_34 : memref<2000xi32, #tpu.memory_space<hbm>>) target(%arg5 : memref<2000xi32, #tpu.memory_space<vmem>>) target_semaphore(%run_scoped3A : memref<!tpu.dma_semaphore, #tpu.memory_space<semaphore_mem>>)
          %dma_wait3A = tpu.memref_slice %arg2[%add3A_28] : memref<320000xi32, #tpu.memory_space<hbm>> -> memref<2000xi32, #tpu.memory_space<hbm>>
          %dma_wait3A_35 = tpu.memref_slice %arg2[%add3A_28] : memref<320000xi32, #tpu.memory_space<hbm>> -> memref<2000xi32, #tpu.memory_space<hbm>>
          tpu.wait_dma2 semaphore(%run_scoped3A : memref<!tpu.dma_semaphore, #tpu.memory_space<semaphore_mem>>) src(%dma_wait3A_35 : memref<2000xi32, #tpu.memory_space<hbm>>) dst(%arg5 : memref<2000xi32, #tpu.memory_space<vmem>>)
          tpu.yield
        }) : () -> ()
        %scan3A_29 = arith.constant 0 : i32
        %scan3A_30 = arith.constant 125 : i32
        %scan3A_31 = arith.addi %scan3A_29, %scan3A_30 : i32
        %scan3A_32 = arith.constant 1 : i32
        scf.for %scan3A_34 = %scan3A_29 to %scan3A_31 step %scan3A_32  : i32 {
          %mul3A_35 = arith.constant 1 : i32
          %mul3A_36 = arith.muli %scan3A_34, %mul3A_35 : i32
          %add3A_37 = arith.constant 0 : i32
          %add3A_38 = arith.addi %add3A_37, %mul3A_36 : i32
          %mul3A_39 = arith.constant 16 : i32
          %mul3A_40 = arith.muli %add3A_38, %mul3A_39 : i32
          %get3A = arith.index_cast %mul3A_40 : i32 to index
          %get3A_41 = tpu.vector_load %arg5[%get3A] {strides = array<i32>} : memref<2000xi32, #tpu.memory_space<vmem>>, vector<16xi32>,
          tpu.vector_store_idx %arg6[%get3A_41], %broadcast_in_dim3A_0 {add = true} : memref<10240xf32, #tpu.memory_space<vmem>>[vector<16xi32>], vector<16xf32>,
        }
        %scan3A_33 = arith.constant 125 : i32
      }
      %scan3A_12 = arith.constant 10 : i32
      "tpu.region"() ({
        %run_scoped3A = tpu.sem_alloc : memref<!tpu.dma_semaphore, #tpu.memory_space<semaphore_mem>>
        %dma_start3A = arith.constant 0 : i32
        %dma_start3A_22 = tpu.memref_slice %arg4[%arg1, %dma_start3A] : memref<16x10240xf32, #tpu.memory_space<hbm>> -> memref<1x10240xf32, #tpu.memory_space<hbm>>
        %dma_start3A_23 = tpu.memref_squeeze %dma_start3A_22 : memref<1x10240xf32, #tpu.memory_space<hbm>> -> memref<10240xf32, #tpu.memory_space<hbm>>
        %dma_start3A_24 = arith.constant 0 : i32
        %dma_start3A_25 = tpu.memref_slice %arg4[%arg1, %dma_start3A_24] : memref<16x10240xf32, #tpu.memory_space<hbm>> -> memref<1x10240xf32, #tpu.memory_space<hbm>>
        %dma_start3A_26 = tpu.memref_squeeze %dma_start3A_25 : memref<1x10240xf32, #tpu.memory_space<hbm>> -> memref<10240xf32, #tpu.memory_space<hbm>>
        tpu.enqueue_dma source(%arg6 : memref<10240xf32, #tpu.memory_space<vmem>>) target(%dma_start3A_26 : memref<10240xf32, #tpu.memory_space<hbm>>) target_semaphore(%run_scoped3A : memref<!tpu.dma_semaphore, #tpu.memory_space<semaphore_mem>>)
        %dma_wait3A = arith.constant 0 : i32
        %dma_wait3A_27 = tpu.memref_slice %arg4[%arg1, %dma_wait3A] : memref<16x10240xf32, #tpu.memory_space<hbm>> -> memref<1x10240xf32, #tpu.memory_space<hbm>>
        %dma_wait3A_28 = tpu.memref_squeeze %dma_wait3A_27 : memref<1x10240xf32, #tpu.memory_space<hbm>> -> memref<10240xf32, #tpu.memory_space<hbm>>
        %dma_wait3A_29 = arith.constant 0 : i32
        %dma_wait3A_30 = tpu.memref_slice %arg4[%arg1, %dma_wait3A_29] : memref<16x10240xf32, #tpu.memory_space<hbm>> -> memref<1x10240xf32, #tpu.memory_space<hbm>>
        %dma_wait3A_31 = tpu.memref_squeeze %dma_wait3A_30 : memref<1x10240xf32, #tpu.memory_space<hbm>> -> memref<10240xf32, #tpu.memory_space<hbm>>
        tpu.wait_dma2 semaphore(%run_scoped3A : memref<!tpu.dma_semaphore, #tpu.memory_space<semaphore_mem>>) src(%arg6 : memref<10240xf32, #tpu.memory_space<vmem>>) dst(%dma_wait3A_31 : memref<10240xf32, #tpu.memory_space<hbm>>)
        tpu.yield
      }) : () -> ()
      %barrier3A = arith.constant 0 : index
      tpu.barrier barrier_id(%barrier3A)
      %mul3A_13 = arith.constant 640 : i32
      %mul3A_14 = arith.muli %arg1, %mul3A_13 : i32
      "tpu.region"() ({
        %run_scoped3A = tpu.sem_alloc : memref<!tpu.dma_semaphore, #tpu.memory_space<semaphore_mem>>
        %dma_start3A = arith.constant 0 : i32
        %dma_start3A_22 = tpu.memref_slice %arg4[%dma_start3A, %mul3A_14] : memref<16x10240xf32, #tpu.memory_space<hbm>> -> memref<16x640xf32, #tpu.memory_space<hbm>>
        %dma_start3A_23 = arith.constant 0 : i32
        %dma_start3A_24 = tpu.memref_slice %arg4[%dma_start3A_23, %mul3A_14] : memref<16x10240xf32, #tpu.memory_space<hbm>> -> memref<16x640xf32, #tpu.memory_space<hbm>>
        tpu.enqueue_dma source(%dma_start3A_24 : memref<16x640xf32, #tpu.memory_space<hbm>>) target(%arg7 : memref<16x640xf32, #tpu.memory_space<vmem>>) target_semaphore(%run_scoped3A : memref<!tpu.dma_semaphore, #tpu.memory_space<semaphore_mem>>)
        %dma_wait3A = arith.constant 0 : i32
        %dma_wait3A_25 = tpu.memref_slice %arg4[%dma_wait3A, %mul3A_14] : memref<16x10240xf32, #tpu.memory_space<hbm>> -> memref<16x640xf32, #tpu.memory_space<hbm>>
        %dma_wait3A_26 = arith.constant 0 : i32
        %dma_wait3A_27 = tpu.memref_slice %arg4[%dma_wait3A_26, %mul3A_14] : memref<16x10240xf32, #tpu.memory_space<hbm>> -> memref<16x640xf32, #tpu.memory_space<hbm>>
        tpu.wait_dma2 semaphore(%run_scoped3A : memref<!tpu.dma_semaphore, #tpu.memory_space<semaphore_mem>>) src(%dma_wait3A_27 : memref<16x640xf32, #tpu.memory_space<hbm>>) dst(%arg7 : memref<16x640xf32, #tpu.memory_space<vmem>>)
        tpu.yield
      }) : () -> ()
      %scan3A_15 = arith.constant 0 : i32
      %scan3A_16 = arith.constant 40 : i32
      %scan3A_17 = arith.addi %scan3A_15, %scan3A_16 : i32
      %scan3A_18 = arith.constant 1 : i32
      scf.for %scan3A_22 = %scan3A_15 to %scan3A_17 step %scan3A_18  : i32 {
        %mul3A_23 = arith.constant 1 : i32
        %mul3A_24 = arith.muli %scan3A_22, %mul3A_23 : i32
        %add3A = arith.constant 0 : i32
        %add3A_25 = arith.addi %add3A, %mul3A_24 : i32
        %broadcast_in_dim3A_26 = arith.constant 1.000000e+00 : f32
        %broadcast_in_dim3A_27 = vector.broadcast %broadcast_in_dim3A_26 : f32 to vector<16xf32>
        %mul3A_28 = arith.constant 16 : i32
        %mul3A_29 = arith.muli %add3A_25, %mul3A_28 : i32
        %get3A = arith.constant 0 : i32
        %get3A_30 = arith.index_cast %get3A : i32 to index
        %get3A_31 = arith.index_cast %mul3A_29 : i32 to index
        %get3A_32 = tpu.vector_load %arg7[%get3A_30, %get3A_31] {strides = array<i32>} : memref<16x640xf32, #tpu.memory_space<vmem>>, vector<16xf32>,
        %add3A_33 = arith.addf %broadcast_in_dim3A_27, %get3A_32 : vector<16xf32>
        %mul3A_34 = arith.constant 16 : i32
        %mul3A_35 = arith.muli %add3A_25, %mul3A_34 : i32
        %get3A_36 = arith.constant 1 : i32
        %get3A_37 = arith.index_cast %get3A_36 : i32 to index
        %get3A_38 = arith.index_cast %mul3A_35 : i32 to index
        %get3A_39 = tpu.vector_load %arg7[%get3A_37, %get3A_38] {strides = array<i32>} : memref<16x640xf32, #tpu.memory_space<vmem>>, vector<16xf32>,
        %add3A_40 = arith.addf %add3A_33, %get3A_39 : vector<16xf32>
        %mul3A_41 = arith.constant 16 : i32
        %mul3A_42 = arith.muli %add3A_25, %mul3A_41 : i32
        %get3A_43 = arith.constant 2 : i32
        %get3A_44 = arith.index_cast %get3A_43 : i32 to index
        %get3A_45 = arith.index_cast %mul3A_42 : i32 to index
        %get3A_46 = tpu.vector_load %arg7[%get3A_44, %get3A_45] {strides = array<i32>} : memref<16x640xf32, #tpu.memory_space<vmem>>, vector<16xf32>,
        %add3A_47 = arith.addf %add3A_40, %get3A_46 : vector<16xf32>
        %mul3A_48 = arith.constant 16 : i32
        %mul3A_49 = arith.muli %add3A_25, %mul3A_48 : i32
        %get3A_50 = arith.constant 3 : i32
        %get3A_51 = arith.index_cast %get3A_50 : i32 to index
        %get3A_52 = arith.index_cast %mul3A_49 : i32 to index
        %get3A_53 = tpu.vector_load %arg7[%get3A_51, %get3A_52] {strides = array<i32>} : memref<16x640xf32, #tpu.memory_space<vmem>>, vector<16xf32>,
        %add3A_54 = arith.addf %add3A_47, %get3A_53 : vector<16xf32>
        %mul3A_55 = arith.constant 16 : i32
        %mul3A_56 = arith.muli %add3A_25, %mul3A_55 : i32
        %get3A_57 = arith.constant 4 : i32
        %get3A_58 = arith.index_cast %get3A_57 : i32 to index
        %get3A_59 = arith.index_cast %mul3A_56 : i32 to index
        %get3A_60 = tpu.vector_load %arg7[%get3A_58, %get3A_59] {strides = array<i32>} : memref<16x640xf32, #tpu.memory_space<vmem>>, vector<16xf32>,
        %add3A_61 = arith.addf %add3A_54, %get3A_60 : vector<16xf32>
        %mul3A_62 = arith.constant 16 : i32
        %mul3A_63 = arith.muli %add3A_25, %mul3A_62 : i32
        %get3A_64 = arith.constant 5 : i32
        %get3A_65 = arith.index_cast %get3A_64 : i32 to index
        %get3A_66 = arith.index_cast %mul3A_63 : i32 to index
        %get3A_67 = tpu.vector_load %arg7[%get3A_65, %get3A_66] {strides = array<i32>} : memref<16x640xf32, #tpu.memory_space<vmem>>, vector<16xf32>,
        %add3A_68 = arith.addf %add3A_61, %get3A_67 : vector<16xf32>
        %mul3A_69 = arith.constant 16 : i32
        %mul3A_70 = arith.muli %add3A_25, %mul3A_69 : i32
        %get3A_71 = arith.constant 6 : i32
        %get3A_72 = arith.index_cast %get3A_71 : i32 to index
        %get3A_73 = arith.index_cast %mul3A_70 : i32 to index
        %get3A_74 = tpu.vector_load %arg7[%get3A_72, %get3A_73] {strides = array<i32>} : memref<16x640xf32, #tpu.memory_space<vmem>>, vector<16xf32>,
        %add3A_75 = arith.addf %add3A_68, %get3A_74 : vector<16xf32>
        %mul3A_76 = arith.constant 16 : i32
        %mul3A_77 = arith.muli %add3A_25, %mul3A_76 : i32
        %get3A_78 = arith.constant 7 : i32
        %get3A_79 = arith.index_cast %get3A_78 : i32 to index
        %get3A_80 = arith.index_cast %mul3A_77 : i32 to index
        %get3A_81 = tpu.vector_load %arg7[%get3A_79, %get3A_80] {strides = array<i32>} : memref<16x640xf32, #tpu.memory_space<vmem>>, vector<16xf32>,
        %add3A_82 = arith.addf %add3A_75, %get3A_81 : vector<16xf32>
        %mul3A_83 = arith.constant 16 : i32
        %mul3A_84 = arith.muli %add3A_25, %mul3A_83 : i32
        %get3A_85 = arith.constant 8 : i32
        %get3A_86 = arith.index_cast %get3A_85 : i32 to index
        %get3A_87 = arith.index_cast %mul3A_84 : i32 to index
        %get3A_88 = tpu.vector_load %arg7[%get3A_86, %get3A_87] {strides = array<i32>} : memref<16x640xf32, #tpu.memory_space<vmem>>, vector<16xf32>,
        %add3A_89 = arith.addf %add3A_82, %get3A_88 : vector<16xf32>
        %mul3A_90 = arith.constant 16 : i32
        %mul3A_91 = arith.muli %add3A_25, %mul3A_90 : i32
        %get3A_92 = arith.constant 9 : i32
        %get3A_93 = arith.index_cast %get3A_92 : i32 to index
        %get3A_94 = arith.index_cast %mul3A_91 : i32 to index
        %get3A_95 = tpu.vector_load %arg7[%get3A_93, %get3A_94] {strides = array<i32>} : memref<16x640xf32, #tpu.memory_space<vmem>>, vector<16xf32>,
        %add3A_96 = arith.addf %add3A_89, %get3A_95 : vector<16xf32>
        %mul3A_97 = arith.constant 16 : i32
        %mul3A_98 = arith.muli %add3A_25, %mul3A_97 : i32
        %get3A_99 = arith.constant 10 : i32
        %get3A_100 = arith.index_cast %get3A_99 : i32 to index
        %get3A_101 = arith.index_cast %mul3A_98 : i32 to index
        %get3A_102 = tpu.vector_load %arg7[%get3A_100, %get3A_101] {strides = array<i32>} : memref<16x640xf32, #tpu.memory_space<vmem>>, vector<16xf32>,
        %add3A_103 = arith.addf %add3A_96, %get3A_102 : vector<16xf32>
        %mul3A_104 = arith.constant 16 : i32
        %mul3A_105 = arith.muli %add3A_25, %mul3A_104 : i32
        %get3A_106 = arith.constant 11 : i32
        %get3A_107 = arith.index_cast %get3A_106 : i32 to index
        %get3A_108 = arith.index_cast %mul3A_105 : i32 to index
        %get3A_109 = tpu.vector_load %arg7[%get3A_107, %get3A_108] {strides = array<i32>} : memref<16x640xf32, #tpu.memory_space<vmem>>, vector<16xf32>,
        %add3A_110 = arith.addf %add3A_103, %get3A_109 : vector<16xf32>
        %mul3A_111 = arith.constant 16 : i32
        %mul3A_112 = arith.muli %add3A_25, %mul3A_111 : i32
        %get3A_113 = arith.constant 12 : i32
        %get3A_114 = arith.index_cast %get3A_113 : i32 to index
        %get3A_115 = arith.index_cast %mul3A_112 : i32 to index
        %get3A_116 = tpu.vector_load %arg7[%get3A_114, %get3A_115] {strides = array<i32>} : memref<16x640xf32, #tpu.memory_space<vmem>>, vector<16xf32>,
        %add3A_117 = arith.addf %add3A_110, %get3A_116 : vector<16xf32>
        %mul3A_118 = arith.constant 16 : i32
        %mul3A_119 = arith.muli %add3A_25, %mul3A_118 : i32
        %get3A_120 = arith.constant 13 : i32
        %get3A_121 = arith.index_cast %get3A_120 : i32 to index
        %get3A_122 = arith.index_cast %mul3A_119 : i32 to index
        %get3A_123 = tpu.vector_load %arg7[%get3A_121, %get3A_122] {strides = array<i32>} : memref<16x640xf32, #tpu.memory_space<vmem>>, vector<16xf32>,
        %add3A_124 = arith.addf %add3A_117, %get3A_123 : vector<16xf32>
        %mul3A_125 = arith.constant 16 : i32
        %mul3A_126 = arith.muli %add3A_25, %mul3A_125 : i32
        %get3A_127 = arith.constant 14 : i32
        %get3A_128 = arith.index_cast %get3A_127 : i32 to index
        %get3A_129 = arith.index_cast %mul3A_126 : i32 to index
        %get3A_130 = tpu.vector_load %arg7[%get3A_128, %get3A_129] {strides = array<i32>} : memref<16x640xf32, #tpu.memory_space<vmem>>, vector<16xf32>,
        %add3A_131 = arith.addf %add3A_124, %get3A_130 : vector<16xf32>
        %mul3A_132 = arith.constant 16 : i32
        %mul3A_133 = arith.muli %add3A_25, %mul3A_132 : i32
        %get3A_134 = arith.constant 15 : i32
        %get3A_135 = arith.index_cast %get3A_134 : i32 to index
        %get3A_136 = arith.index_cast %mul3A_133 : i32 to index
        %get3A_137 = tpu.vector_load %arg7[%get3A_135, %get3A_136] {strides = array<i32>} : memref<16x640xf32, #tpu.memory_space<vmem>>, vector<16xf32>,
        %add3A_138 = arith.addf %add3A_131, %get3A_137 : vector<16xf32>
        %mul3A_139 = arith.constant 16 : i32
        %mul3A_140 = arith.muli %add3A_25, %mul3A_139 : i32
        %swap3A = arith.index_cast %mul3A_140 : i32 to index
        %swap3A_141 = tpu.vector_load %arg8[%swap3A] {strides = array<i32>} : memref<640xf32, #tpu.memory_space<vmem>>, vector<16xf32>,
        tpu.vector_store %arg8[%swap3A], %add3A_138 {strides = array<i32>} : memref<640xf32, #tpu.memory_space<vmem>>, vector<16xf32>,
      }
      %scan3A_19 = arith.constant 40 : i32
      %mul3A_20 = arith.constant 640 : i32
      %mul3A_21 = arith.muli %arg1, %mul3A_20 : i32
      "tpu.region"() ({
        %run_scoped3A = tpu.sem_alloc : memref<!tpu.dma_semaphore, #tpu.memory_space<semaphore_mem>>
        %dma_start3A = tpu.memref_slice %arg3[%mul3A_21] : memref<10240xf32, #tpu.memory_space<hbm>> -> memref<640xf32, #tpu.memory_space<hbm>>
        %dma_start3A_22 = tpu.memref_slice %arg3[%mul3A_21] : memref<10240xf32, #tpu.memory_space<hbm>> -> memref<640xf32, #tpu.memory_space<hbm>>
        tpu.enqueue_dma source(%arg8 : memref<640xf32, #tpu.memory_space<vmem>>) target(%dma_start3A_22 : memref<640xf32, #tpu.memory_space<hbm>>) target_semaphore(%run_scoped3A : memref<!tpu.dma_semaphore, #tpu.memory_space<semaphore_mem>>)
        %dma_wait3A = tpu.memref_slice %arg3[%mul3A_21] : memref<10240xf32, #tpu.memory_space<hbm>> -> memref<640xf32, #tpu.memory_space<hbm>>
        %dma_wait3A_23 = tpu.memref_slice %arg3[%mul3A_21] : memref<10240xf32, #tpu.memory_space<hbm>> -> memref<640xf32, #tpu.memory_space<hbm>>
        tpu.wait_dma2 semaphore(%run_scoped3A : memref<!tpu.dma_semaphore, #tpu.memory_space<semaphore_mem>>) src(%arg8 : memref<640xf32, #tpu.memory_space<vmem>>) dst(%dma_wait3A_23 : memref<640xf32, #tpu.memory_space<hbm>>)
        tpu.yield
      }) : () -> ()
    } else {
    }
    return
  }
}

#map = affine_map<(d0, d1) -> (0, 0, 0)>
module attributes {stable_mosaic.version = 14 : i64} {
  func.func @_agg_kernel(%arg0: i32, %arg1: i32, %arg2: memref<32x4x10240xf32, #tpu.memory_space<hbm>>, %arg3: memref<100x1x3200xi32, #tpu.memory_space<hbm>>, %arg4: memref<100x1x3200xi32, #tpu.memory_space<hbm>>, %arg5: memref<32x4x10240xf32, #tpu.memory_space<hbm>>, %arg6: memref<2x3200xi32, #tpu.memory_space<vmem>>, %arg7: memref<2x3200xi32, #tpu.memory_space<vmem>>, %arg8: memref<4x10240xf32, #tpu.memory_space<vmem>>, %arg9: memref<4x10240xf32, #tpu.memory_space<vmem>>, %arg10: memref<!tpu.dma_semaphore, #tpu.memory_space<semaphore_mem>>, %arg11: memref<!tpu.dma_semaphore, #tpu.memory_space<semaphore_mem>>, %arg12: memref<!tpu.dma_semaphore, #tpu.memory_space<semaphore_mem>>, %arg13: memref<!tpu.dma_semaphore, #tpu.memory_space<semaphore_mem>>) attributes {dimension_semantics = [#tpu.dimension_semantics<core_parallel>, #tpu.dimension_semantics<subcore_parallel>], iteration_bounds = array<i64: 2, 16>, scalar_prefetch = 0 : i64, scratch_operands = 8 : i64, tpu.core_type = #tpu.core_type<sc_vector_subcore>, window_params = [{transform_indices = #map}, {transform_indices = #map}, {transform_indices = #map}, {transform_indices = #map}]} {
    %mul3A = arith.constant 2 : i32
    %mul3A_0 = arith.muli %arg1, %mul3A : i32
    %add3A = arith.addi %mul3A_0, %arg0 : i32
    %broadcast_in_dim3A = arith.constant 0 : i32
    %broadcast_in_dim3A_1 = vector.broadcast %broadcast_in_dim3A : i32 to vector<16xi32>
    %broadcast_in_dim3A_2 = arith.constant 1 : i32
    %broadcast_in_dim3A_3 = vector.broadcast %broadcast_in_dim3A_2 : i32 to vector<16xi32>
    %broadcast_in_dim3A_4 = arith.constant 2 : i32
    %broadcast_in_dim3A_5 = vector.broadcast %broadcast_in_dim3A_4 : i32 to vector<16xi32>
    %broadcast_in_dim3A_6 = arith.constant 3 : i32
    %broadcast_in_dim3A_7 = vector.broadcast %broadcast_in_dim3A_6 : i32 to vector<16xi32>
    %dma_start3A = arith.constant 0 : i32
    %dma_start3A_8 = arith.constant 0 : i32
    %dma_start3A_9 = arith.constant 0 : i32
    %dma_start3A_10 = tpu.memref_slice %arg6[%dma_start3A_8, %dma_start3A_9] : memref<2x3200xi32, #tpu.memory_space<vmem>> -> memref<1x3200xi32, #tpu.memory_space<vmem>>
    %dma_start3A_11 = arith.constant 0 : i32
    %dma_start3A_12 = arith.constant 0 : i32
    %dma_start3A_13 = tpu.memref_slice %arg3[%dma_start3A, %dma_start3A_11, %dma_start3A_12] : memref<100x1x3200xi32, #tpu.memory_space<hbm>> -> memref<1x1x3200xi32, #tpu.memory_space<hbm>>
    %dma_start3A_14 = tpu.memref_squeeze %dma_start3A_13 : memref<1x1x3200xi32, #tpu.memory_space<hbm>> -> memref<1x3200xi32, #tpu.memory_space<hbm>>
    %dma_start3A_15 = arith.constant 0 : i32
    %dma_start3A_16 = arith.constant 0 : i32
    %dma_start3A_17 = tpu.memref_slice %arg6[%dma_start3A_15, %dma_start3A_16] : memref<2x3200xi32, #tpu.memory_space<vmem>> -> memref<1x3200xi32, #tpu.memory_space<vmem>>
    %dma_start3A_18 = arith.constant 0 : i32
    %dma_start3A_19 = arith.constant 0 : i32
    %dma_start3A_20 = tpu.memref_slice %arg3[%dma_start3A, %dma_start3A_18, %dma_start3A_19] : memref<100x1x3200xi32, #tpu.memory_space<hbm>> -> memref<1x1x3200xi32, #tpu.memory_space<hbm>>
    %dma_start3A_21 = tpu.memref_squeeze %dma_start3A_20 : memref<1x1x3200xi32, #tpu.memory_space<hbm>> -> memref<1x3200xi32, #tpu.memory_space<hbm>>
    tpu.enqueue_dma source(%dma_start3A_21 : memref<1x3200xi32, #tpu.memory_space<hbm>>) target(%dma_start3A_17 : memref<1x3200xi32, #tpu.memory_space<vmem>>) target_semaphore(%arg10 : memref<!tpu.dma_semaphore, #tpu.memory_space<semaphore_mem>>)
    %dma_start3A_22 = arith.constant 0 : i32
    %dma_start3A_23 = arith.constant 0 : i32
    %dma_start3A_24 = arith.constant 0 : i32
    %dma_start3A_25 = tpu.memref_slice %arg7[%dma_start3A_23, %dma_start3A_24] : memref<2x3200xi32, #tpu.memory_space<vmem>> -> memref<1x3200xi32, #tpu.memory_space<vmem>>
    %dma_start3A_26 = arith.constant 0 : i32
    %dma_start3A_27 = arith.constant 0 : i32
    %dma_start3A_28 = tpu.memref_slice %arg4[%dma_start3A_22, %dma_start3A_26, %dma_start3A_27] : memref<100x1x3200xi32, #tpu.memory_space<hbm>> -> memref<1x1x3200xi32, #tpu.memory_space<hbm>>
    %dma_start3A_29 = tpu.memref_squeeze %dma_start3A_28 : memref<1x1x3200xi32, #tpu.memory_space<hbm>> -> memref<1x3200xi32, #tpu.memory_space<hbm>>
    %dma_start3A_30 = arith.constant 0 : i32
    %dma_start3A_31 = arith.constant 0 : i32
    %dma_start3A_32 = tpu.memref_slice %arg7[%dma_start3A_30, %dma_start3A_31] : memref<2x3200xi32, #tpu.memory_space<vmem>> -> memref<1x3200xi32, #tpu.memory_space<vmem>>
    %dma_start3A_33 = arith.constant 0 : i32
    %dma_start3A_34 = arith.constant 0 : i32
    %dma_start3A_35 = tpu.memref_slice %arg4[%dma_start3A_22, %dma_start3A_33, %dma_start3A_34] : memref<100x1x3200xi32, #tpu.memory_space<hbm>> -> memref<1x1x3200xi32, #tpu.memory_space<hbm>>
    %dma_start3A_36 = tpu.memref_squeeze %dma_start3A_35 : memref<1x1x3200xi32, #tpu.memory_space<hbm>> -> memref<1x3200xi32, #tpu.memory_space<hbm>>
    tpu.enqueue_dma source(%dma_start3A_36 : memref<1x3200xi32, #tpu.memory_space<hbm>>) target(%dma_start3A_32 : memref<1x3200xi32, #tpu.memory_space<vmem>>) target_semaphore(%arg12 : memref<!tpu.dma_semaphore, #tpu.memory_space<semaphore_mem>>)
    %dma_start3A_37 = arith.constant 1 : i32
    %dma_start3A_38 = arith.constant 1 : i32
    %dma_start3A_39 = arith.constant 0 : i32
    %dma_start3A_40 = tpu.memref_slice %arg6[%dma_start3A_38, %dma_start3A_39] : memref<2x3200xi32, #tpu.memory_space<vmem>> -> memref<1x3200xi32, #tpu.memory_space<vmem>>
    %dma_start3A_41 = arith.constant 0 : i32
    %dma_start3A_42 = arith.constant 0 : i32
    %dma_start3A_43 = tpu.memref_slice %arg3[%dma_start3A_37, %dma_start3A_41, %dma_start3A_42] : memref<100x1x3200xi32, #tpu.memory_space<hbm>> -> memref<1x1x3200xi32, #tpu.memory_space<hbm>>
    %dma_start3A_44 = tpu.memref_squeeze %dma_start3A_43 : memref<1x1x3200xi32, #tpu.memory_space<hbm>> -> memref<1x3200xi32, #tpu.memory_space<hbm>>
    %dma_start3A_45 = arith.constant 1 : i32
    %dma_start3A_46 = arith.constant 0 : i32
    %dma_start3A_47 = tpu.memref_slice %arg6[%dma_start3A_45, %dma_start3A_46] : memref<2x3200xi32, #tpu.memory_space<vmem>> -> memref<1x3200xi32, #tpu.memory_space<vmem>>
    %dma_start3A_48 = arith.constant 0 : i32
    %dma_start3A_49 = arith.constant 0 : i32
    %dma_start3A_50 = tpu.memref_slice %arg3[%dma_start3A_37, %dma_start3A_48, %dma_start3A_49] : memref<100x1x3200xi32, #tpu.memory_space<hbm>> -> memref<1x1x3200xi32, #tpu.memory_space<hbm>>
    %dma_start3A_51 = tpu.memref_squeeze %dma_start3A_50 : memref<1x1x3200xi32, #tpu.memory_space<hbm>> -> memref<1x3200xi32, #tpu.memory_space<hbm>>
    tpu.enqueue_dma source(%dma_start3A_51 : memref<1x3200xi32, #tpu.memory_space<hbm>>) target(%dma_start3A_47 : memref<1x3200xi32, #tpu.memory_space<vmem>>) target_semaphore(%arg11 : memref<!tpu.dma_semaphore, #tpu.memory_space<semaphore_mem>>)
    %dma_start3A_52 = arith.constant 1 : i32
    %dma_start3A_53 = arith.constant 1 : i32
    %dma_start3A_54 = arith.constant 0 : i32
    %dma_start3A_55 = tpu.memref_slice %arg7[%dma_start3A_53, %dma_start3A_54] : memref<2x3200xi32, #tpu.memory_space<vmem>> -> memref<1x3200xi32, #tpu.memory_space<vmem>>
    %dma_start3A_56 = arith.constant 0 : i32
    %dma_start3A_57 = arith.constant 0 : i32
    %dma_start3A_58 = tpu.memref_slice %arg4[%dma_start3A_52, %dma_start3A_56, %dma_start3A_57] : memref<100x1x3200xi32, #tpu.memory_space<hbm>> -> memref<1x1x3200xi32, #tpu.memory_space<hbm>>
    %dma_start3A_59 = tpu.memref_squeeze %dma_start3A_58 : memref<1x1x3200xi32, #tpu.memory_space<hbm>> -> memref<1x3200xi32, #tpu.memory_space<hbm>>
    %dma_start3A_60 = arith.constant 1 : i32
    %dma_start3A_61 = arith.constant 0 : i32
    %dma_start3A_62 = tpu.memref_slice %arg7[%dma_start3A_60, %dma_start3A_61] : memref<2x3200xi32, #tpu.memory_space<vmem>> -> memref<1x3200xi32, #tpu.memory_space<vmem>>
    %dma_start3A_63 = arith.constant 0 : i32
    %dma_start3A_64 = arith.constant 0 : i32
    %dma_start3A_65 = tpu.memref_slice %arg4[%dma_start3A_52, %dma_start3A_63, %dma_start3A_64] : memref<100x1x3200xi32, #tpu.memory_space<hbm>> -> memref<1x1x3200xi32, #tpu.memory_space<hbm>>
    %dma_start3A_66 = tpu.memref_squeeze %dma_start3A_65 : memref<1x1x3200xi32, #tpu.memory_space<hbm>> -> memref<1x3200xi32, #tpu.memory_space<hbm>>
    tpu.enqueue_dma source(%dma_start3A_66 : memref<1x3200xi32, #tpu.memory_space<hbm>>) target(%dma_start3A_62 : memref<1x3200xi32, #tpu.memory_space<vmem>>) target_semaphore(%arg13 : memref<!tpu.dma_semaphore, #tpu.memory_space<semaphore_mem>>)
    %parallel_loop3A = arith.constant 0 : i32
    %parallel_loop3A_67 = arith.constant 10240 : i32
    %parallel_loop3A_68 = arith.constant 16 : i32
    scf.for %parallel_loop3A_82 = %parallel_loop3A to %parallel_loop3A_67 step %parallel_loop3A_68  : i32 {
      %parallel_loop3A_83 = arith.constant 0.000000e+00 : f32
      %parallel_loop3A_84 = vector.broadcast %parallel_loop3A_83 : f32 to vector<16xf32>
      %parallel_loop3A_85 = arith.constant 0 : i32
      %parallel_loop3A_86 = arith.index_cast %parallel_loop3A_85 : i32 to index
      %parallel_loop3A_87 = arith.index_cast %parallel_loop3A_82 : i32 to index
      %parallel_loop3A_88 = tpu.vector_load %arg9[%parallel_loop3A_86, %parallel_loop3A_87] {strides = array<i32>} : memref<4x10240xf32, #tpu.memory_space<vmem>>, vector<16xf32>,
      tpu.vector_store %arg9[%parallel_loop3A_86, %parallel_loop3A_87], %parallel_loop3A_84 {strides = array<i32>} : memref<4x10240xf32, #tpu.memory_space<vmem>>, vector<16xf32>,
    } {sc.loop_unroll_factor = 8 : i64, sc.parallel_access}
    %parallel_loop3A_69 = arith.constant 0 : i32
    %parallel_loop3A_70 = arith.constant 10240 : i32
    %parallel_loop3A_71 = arith.constant 16 : i32
    scf.for %parallel_loop3A_82 = %parallel_loop3A_69 to %parallel_loop3A_70 step %parallel_loop3A_71  : i32 {
      %parallel_loop3A_83 = arith.constant 0.000000e+00 : f32
      %parallel_loop3A_84 = vector.broadcast %parallel_loop3A_83 : f32 to vector<16xf32>
      %parallel_loop3A_85 = arith.constant 1 : i32
      %parallel_loop3A_86 = arith.index_cast %parallel_loop3A_85 : i32 to index
      %parallel_loop3A_87 = arith.index_cast %parallel_loop3A_82 : i32 to index
      %parallel_loop3A_88 = tpu.vector_load %arg9[%parallel_loop3A_86, %parallel_loop3A_87] {strides = array<i32>} : memref<4x10240xf32, #tpu.memory_space<vmem>>, vector<16xf32>,
      tpu.vector_store %arg9[%parallel_loop3A_86, %parallel_loop3A_87], %parallel_loop3A_84 {strides = array<i32>} : memref<4x10240xf32, #tpu.memory_space<vmem>>, vector<16xf32>,
    } {sc.loop_unroll_factor = 8 : i64, sc.parallel_access}
    %parallel_loop3A_72 = arith.constant 0 : i32
    %parallel_loop3A_73 = arith.constant 10240 : i32
    %parallel_loop3A_74 = arith.constant 16 : i32
    scf.for %parallel_loop3A_82 = %parallel_loop3A_72 to %parallel_loop3A_73 step %parallel_loop3A_74  : i32 {
      %parallel_loop3A_83 = arith.constant 0.000000e+00 : f32
      %parallel_loop3A_84 = vector.broadcast %parallel_loop3A_83 : f32 to vector<16xf32>
      %parallel_loop3A_85 = arith.constant 2 : i32
      %parallel_loop3A_86 = arith.index_cast %parallel_loop3A_85 : i32 to index
      %parallel_loop3A_87 = arith.index_cast %parallel_loop3A_82 : i32 to index
      %parallel_loop3A_88 = tpu.vector_load %arg9[%parallel_loop3A_86, %parallel_loop3A_87] {strides = array<i32>} : memref<4x10240xf32, #tpu.memory_space<vmem>>, vector<16xf32>,
      tpu.vector_store %arg9[%parallel_loop3A_86, %parallel_loop3A_87], %parallel_loop3A_84 {strides = array<i32>} : memref<4x10240xf32, #tpu.memory_space<vmem>>, vector<16xf32>,
    } {sc.loop_unroll_factor = 8 : i64, sc.parallel_access}
    %parallel_loop3A_75 = arith.constant 0 : i32
    %parallel_loop3A_76 = arith.constant 10240 : i32
    %parallel_loop3A_77 = arith.constant 16 : i32
    scf.for %parallel_loop3A_82 = %parallel_loop3A_75 to %parallel_loop3A_76 step %parallel_loop3A_77  : i32 {
      %parallel_loop3A_83 = arith.constant 0.000000e+00 : f32
      %parallel_loop3A_84 = vector.broadcast %parallel_loop3A_83 : f32 to vector<16xf32>
      %parallel_loop3A_85 = arith.constant 3 : i32
      %parallel_loop3A_86 = arith.index_cast %parallel_loop3A_85 : i32 to index
      %parallel_loop3A_87 = arith.index_cast %parallel_loop3A_82 : i32 to index
      %parallel_loop3A_88 = tpu.vector_load %arg9[%parallel_loop3A_86, %parallel_loop3A_87] {strides = array<i32>} : memref<4x10240xf32, #tpu.memory_space<vmem>>, vector<16xf32>,
      tpu.vector_store %arg9[%parallel_loop3A_86, %parallel_loop3A_87], %parallel_loop3A_84 {strides = array<i32>} : memref<4x10240xf32, #tpu.memory_space<vmem>>, vector<16xf32>,
    } {sc.loop_unroll_factor = 8 : i64, sc.parallel_access}
    "tpu.region"() ({
      %run_scoped3A = tpu.sem_alloc : memref<!tpu.dma_semaphore, #tpu.memory_space<semaphore_mem>>
      %dma_start3A_82 = arith.constant 0 : i32
      %dma_start3A_83 = arith.constant 0 : i32
      %dma_start3A_84 = tpu.memref_slice %arg2[%add3A, %dma_start3A_82, %dma_start3A_83] : memref<32x4x10240xf32, #tpu.memory_space<hbm>> -> memref<1x4x10240xf32, #tpu.memory_space<hbm>>
      %dma_start3A_85 = tpu.memref_squeeze %dma_start3A_84 : memref<1x4x10240xf32, #tpu.memory_space<hbm>> -> memref<4x10240xf32, #tpu.memory_space<hbm>>
      %dma_start3A_86 = arith.constant 0 : i32
      %dma_start3A_87 = arith.constant 0 : i32
      %dma_start3A_88 = tpu.memref_slice %arg2[%add3A, %dma_start3A_86, %dma_start3A_87] : memref<32x4x10240xf32, #tpu.memory_space<hbm>> -> memref<1x4x10240xf32, #tpu.memory_space<hbm>>
      %dma_start3A_89 = tpu.memref_squeeze %dma_start3A_88 : memref<1x4x10240xf32, #tpu.memory_space<hbm>> -> memref<4x10240xf32, #tpu.memory_space<hbm>>
      tpu.enqueue_dma source(%dma_start3A_89 : memref<4x10240xf32, #tpu.memory_space<hbm>>) target(%arg8 : memref<4x10240xf32, #tpu.memory_space<vmem>>) target_semaphore(%run_scoped3A : memref<!tpu.dma_semaphore, #tpu.memory_space<semaphore_mem>>)
      %dma_wait3A = arith.constant 0 : i32
      %dma_wait3A_90 = arith.constant 0 : i32
      %dma_wait3A_91 = tpu.memref_slice %arg2[%add3A, %dma_wait3A, %dma_wait3A_90] : memref<32x4x10240xf32, #tpu.memory_space<hbm>> -> memref<1x4x10240xf32, #tpu.memory_space<hbm>>
      %dma_wait3A_92 = tpu.memref_squeeze %dma_wait3A_91 : memref<1x4x10240xf32, #tpu.memory_space<hbm>> -> memref<4x10240xf32, #tpu.memory_space<hbm>>
      %dma_wait3A_93 = arith.constant 0 : i32
      %dma_wait3A_94 = arith.constant 0 : i32
      %dma_wait3A_95 = tpu.memref_slice %arg2[%add3A, %dma_wait3A_93, %dma_wait3A_94] : memref<32x4x10240xf32, #tpu.memory_space<hbm>> -> memref<1x4x10240xf32, #tpu.memory_space<hbm>>
      %dma_wait3A_96 = tpu.memref_squeeze %dma_wait3A_95 : memref<1x4x10240xf32, #tpu.memory_space<hbm>> -> memref<4x10240xf32, #tpu.memory_space<hbm>>
      tpu.wait_dma2 semaphore(%run_scoped3A : memref<!tpu.dma_semaphore, #tpu.memory_space<semaphore_mem>>) src(%dma_wait3A_96 : memref<4x10240xf32, #tpu.memory_space<hbm>>) dst(%arg8 : memref<4x10240xf32, #tpu.memory_space<vmem>>)
      tpu.yield
    }) : () -> ()
    %scan3A = arith.constant 0 : i32
    %scan3A_78 = arith.constant 50 : i32
    %scan3A_79 = arith.addi %scan3A, %scan3A_78 : i32
    %scan3A_80 = arith.constant 1 : i32
    scf.for %scan3A_82 = %scan3A to %scan3A_79 step %scan3A_80  : i32 {
      %mul3A_83 = arith.constant 2 : i32
      %mul3A_84 = arith.muli %scan3A_82, %mul3A_83 : i32
      %add3A_85 = arith.constant 0 : i32
      %add3A_86 = arith.addi %add3A_85, %mul3A_84 : i32
      %add3A_87 = arith.constant 0 : i32
      %add3A_88 = arith.addi %add3A_86, %add3A_87 : i32
      %dma_wait3A = arith.constant 0 : i32
      %dma_wait3A_89 = arith.constant 0 : i32
      %dma_wait3A_90 = tpu.memref_slice %arg6[%dma_wait3A, %dma_wait3A_89] : memref<2x3200xi32, #tpu.memory_space<vmem>> -> memref<1x3200xi32, #tpu.memory_space<vmem>>
      %dma_wait3A_91 = arith.constant 0 : i32
      %dma_wait3A_92 = arith.constant 0 : i32
      %dma_wait3A_93 = tpu.memref_slice %arg3[%add3A_88, %dma_wait3A_91, %dma_wait3A_92] : memref<100x1x3200xi32, #tpu.memory_space<hbm>> -> memref<1x1x3200xi32, #tpu.memory_space<hbm>>
      %dma_wait3A_94 = tpu.memref_squeeze %dma_wait3A_93 : memref<1x1x3200xi32, #tpu.memory_space<hbm>> -> memref<1x3200xi32, #tpu.memory_space<hbm>>
      %dma_wait3A_95 = arith.constant 0 : i32
      %dma_wait3A_96 = arith.constant 0 : i32
      %dma_wait3A_97 = tpu.memref_slice %arg6[%dma_wait3A_95, %dma_wait3A_96] : memref<2x3200xi32, #tpu.memory_space<vmem>> -> memref<1x3200xi32, #tpu.memory_space<vmem>>
      %dma_wait3A_98 = arith.constant 0 : i32
      %dma_wait3A_99 = arith.constant 0 : i32
      %dma_wait3A_100 = tpu.memref_slice %arg3[%add3A_88, %dma_wait3A_98, %dma_wait3A_99] : memref<100x1x3200xi32, #tpu.memory_space<hbm>> -> memref<1x1x3200xi32, #tpu.memory_space<hbm>>
      %dma_wait3A_101 = tpu.memref_squeeze %dma_wait3A_100 : memref<1x1x3200xi32, #tpu.memory_space<hbm>> -> memref<1x3200xi32, #tpu.memory_space<hbm>>
      tpu.wait_dma2 semaphore(%arg10 : memref<!tpu.dma_semaphore, #tpu.memory_space<semaphore_mem>>) src(%dma_wait3A_101 : memref<1x3200xi32, #tpu.memory_space<hbm>>) dst(%dma_wait3A_97 : memref<1x3200xi32, #tpu.memory_space<vmem>>)
      %dma_wait3A_102 = arith.constant 0 : i32
      %dma_wait3A_103 = arith.constant 0 : i32
      %dma_wait3A_104 = tpu.memref_slice %arg7[%dma_wait3A_102, %dma_wait3A_103] : memref<2x3200xi32, #tpu.memory_space<vmem>> -> memref<1x3200xi32, #tpu.memory_space<vmem>>
      %dma_wait3A_105 = arith.constant 0 : i32
      %dma_wait3A_106 = arith.constant 0 : i32
      %dma_wait3A_107 = tpu.memref_slice %arg4[%add3A_88, %dma_wait3A_105, %dma_wait3A_106] : memref<100x1x3200xi32, #tpu.memory_space<hbm>> -> memref<1x1x3200xi32, #tpu.memory_space<hbm>>
      %dma_wait3A_108 = tpu.memref_squeeze %dma_wait3A_107 : memref<1x1x3200xi32, #tpu.memory_space<hbm>> -> memref<1x3200xi32, #tpu.memory_space<hbm>>
      %dma_wait3A_109 = arith.constant 0 : i32
      %dma_wait3A_110 = arith.constant 0 : i32
      %dma_wait3A_111 = tpu.memref_slice %arg7[%dma_wait3A_109, %dma_wait3A_110] : memref<2x3200xi32, #tpu.memory_space<vmem>> -> memref<1x3200xi32, #tpu.memory_space<vmem>>
      %dma_wait3A_112 = arith.constant 0 : i32
      %dma_wait3A_113 = arith.constant 0 : i32
      %dma_wait3A_114 = tpu.memref_slice %arg4[%add3A_88, %dma_wait3A_112, %dma_wait3A_113] : memref<100x1x3200xi32, #tpu.memory_space<hbm>> -> memref<1x1x3200xi32, #tpu.memory_space<hbm>>
      %dma_wait3A_115 = tpu.memref_squeeze %dma_wait3A_114 : memref<1x1x3200xi32, #tpu.memory_space<hbm>> -> memref<1x3200xi32, #tpu.memory_space<hbm>>
      tpu.wait_dma2 semaphore(%arg12 : memref<!tpu.dma_semaphore, #tpu.memory_space<semaphore_mem>>) src(%dma_wait3A_115 : memref<1x3200xi32, #tpu.memory_space<hbm>>) dst(%dma_wait3A_111 : memref<1x3200xi32, #tpu.memory_space<vmem>>)
      %parallel_loop3A_116 = arith.constant 0 : i32
      %parallel_loop3A_117 = arith.constant 3200 : i32
      %parallel_loop3A_118 = arith.constant 16 : i32
      scf.for %parallel_loop3A_163 = %parallel_loop3A_116 to %parallel_loop3A_117 step %parallel_loop3A_118  : i32 {
        %parallel_loop3A_164 = arith.constant 0 : i32
        %parallel_loop3A_165 = arith.index_cast %parallel_loop3A_164 : i32 to index
        %parallel_loop3A_166 = arith.index_cast %parallel_loop3A_163 : i32 to index
        %parallel_loop3A_167 = tpu.vector_load %arg6[%parallel_loop3A_165, %parallel_loop3A_166] {strides = array<i32>} : memref<2x3200xi32, #tpu.memory_space<vmem>>, vector<16xi32>,
        %parallel_loop3A_168 = arith.constant 0 : i32
        %parallel_loop3A_169 = arith.index_cast %parallel_loop3A_168 : i32 to index
        %parallel_loop3A_170 = arith.index_cast %parallel_loop3A_163 : i32 to index
        %parallel_loop3A_171 = tpu.vector_load %arg7[%parallel_loop3A_169, %parallel_loop3A_170] {strides = array<i32>} : memref<2x3200xi32, #tpu.memory_space<vmem>>, vector<16xi32>,
        %parallel_loop3A_172 = tpu.vector_load_idx %arg8[%broadcast_in_dim3A_1, %parallel_loop3A_167] : memref<4x10240xf32, #tpu.memory_space<vmem>>[vector<16xi32>, vector<16xi32>], vector<16xf32>,
        tpu.vector_store_idx %arg9[%broadcast_in_dim3A_1, %parallel_loop3A_171], %parallel_loop3A_172 {add = true} : memref<4x10240xf32, #tpu.memory_space<vmem>>[vector<16xi32>, vector<16xi32>], vector<16xf32>,
        %parallel_loop3A_173 = tpu.vector_load_idx %arg8[%broadcast_in_dim3A_3, %parallel_loop3A_167] : memref<4x10240xf32, #tpu.memory_space<vmem>>[vector<16xi32>, vector<16xi32>], vector<16xf32>,
        tpu.vector_store_idx %arg9[%broadcast_in_dim3A_3, %parallel_loop3A_171], %parallel_loop3A_173 {add = true} : memref<4x10240xf32, #tpu.memory_space<vmem>>[vector<16xi32>, vector<16xi32>], vector<16xf32>,
        %parallel_loop3A_174 = tpu.vector_load_idx %arg8[%broadcast_in_dim3A_5, %parallel_loop3A_167] : memref<4x10240xf32, #tpu.memory_space<vmem>>[vector<16xi32>, vector<16xi32>], vector<16xf32>,
        tpu.vector_store_idx %arg9[%broadcast_in_dim3A_5, %parallel_loop3A_171], %parallel_loop3A_174 {add = true} : memref<4x10240xf32, #tpu.memory_space<vmem>>[vector<16xi32>, vector<16xi32>], vector<16xf32>,
        %parallel_loop3A_175 = tpu.vector_load_idx %arg8[%broadcast_in_dim3A_7, %parallel_loop3A_167] : memref<4x10240xf32, #tpu.memory_space<vmem>>[vector<16xi32>, vector<16xi32>], vector<16xf32>,
        tpu.vector_store_idx %arg9[%broadcast_in_dim3A_7, %parallel_loop3A_171], %parallel_loop3A_175 {add = true} : memref<4x10240xf32, #tpu.memory_space<vmem>>[vector<16xi32>, vector<16xi32>], vector<16xf32>,
      } {sc.loop_unroll_factor = 4 : i64, sc.parallel_access}
      %add3A_119 = arith.constant 2 : i32
      %add3A_120 = arith.addi %add3A_88, %add3A_119 : i32
      %lt3A = arith.constant 100 : i32
      %lt3A_121 = arith.cmpi slt, %add3A_120, %lt3A : i32
      %convert_element_type3A = arith.extui %lt3A_121 : i1 to i32
      %cond3A = arith.constant 0 : i32
      %cond3A_122 = arith.cmpi ne, %convert_element_type3A, %cond3A : i32
      scf.if %cond3A_122 {
        %add3A_163 = arith.constant 2 : i32
        %add3A_164 = arith.addi %add3A_88, %add3A_163 : i32
        %dma_start3A_165 = arith.constant 0 : i32
        %dma_start3A_166 = arith.constant 0 : i32
        %dma_start3A_167 = tpu.memref_slice %arg6[%dma_start3A_165, %dma_start3A_166] : memref<2x3200xi32, #tpu.memory_space<vmem>> -> memref<1x3200xi32, #tpu.memory_space<vmem>>
        %dma_start3A_168 = arith.constant 0 : i32
        %dma_start3A_169 = arith.constant 0 : i32
        %dma_start3A_170 = tpu.memref_slice %arg3[%add3A_164, %dma_start3A_168, %dma_start3A_169] : memref<100x1x3200xi32, #tpu.memory_space<hbm>> -> memref<1x1x3200xi32, #tpu.memory_space<hbm>>
        %dma_start3A_171 = tpu.memref_squeeze %dma_start3A_170 : memref<1x1x3200xi32, #tpu.memory_space<hbm>> -> memref<1x3200xi32, #tpu.memory_space<hbm>>
        %dma_start3A_172 = arith.constant 0 : i32
        %dma_start3A_173 = arith.constant 0 : i32
        %dma_start3A_174 = tpu.memref_slice %arg6[%dma_start3A_172, %dma_start3A_173] : memref<2x3200xi32, #tpu.memory_space<vmem>> -> memref<1x3200xi32, #tpu.memory_space<vmem>>
        %dma_start3A_175 = arith.constant 0 : i32
        %dma_start3A_176 = arith.constant 0 : i32
        %dma_start3A_177 = tpu.memref_slice %arg3[%add3A_164, %dma_start3A_175, %dma_start3A_176] : memref<100x1x3200xi32, #tpu.memory_space<hbm>> -> memref<1x1x3200xi32, #tpu.memory_space<hbm>>
        %dma_start3A_178 = tpu.memref_squeeze %dma_start3A_177 : memref<1x1x3200xi32, #tpu.memory_space<hbm>> -> memref<1x3200xi32, #tpu.memory_space<hbm>>
        tpu.enqueue_dma source(%dma_start3A_178 : memref<1x3200xi32, #tpu.memory_space<hbm>>) target(%dma_start3A_174 : memref<1x3200xi32, #tpu.memory_space<vmem>>) target_semaphore(%arg10 : memref<!tpu.dma_semaphore, #tpu.memory_space<semaphore_mem>>)
        %dma_start3A_179 = arith.constant 0 : i32
        %dma_start3A_180 = arith.constant 0 : i32
        %dma_start3A_181 = tpu.memref_slice %arg7[%dma_start3A_179, %dma_start3A_180] : memref<2x3200xi32, #tpu.memory_space<vmem>> -> memref<1x3200xi32, #tpu.memory_space<vmem>>
        %dma_start3A_182 = arith.constant 0 : i32
        %dma_start3A_183 = arith.constant 0 : i32
        %dma_start3A_184 = tpu.memref_slice %arg4[%add3A_164, %dma_start3A_182, %dma_start3A_183] : memref<100x1x3200xi32, #tpu.memory_space<hbm>> -> memref<1x1x3200xi32, #tpu.memory_space<hbm>>
        %dma_start3A_185 = tpu.memref_squeeze %dma_start3A_184 : memref<1x1x3200xi32, #tpu.memory_space<hbm>> -> memref<1x3200xi32, #tpu.memory_space<hbm>>
        %dma_start3A_186 = arith.constant 0 : i32
        %dma_start3A_187 = arith.constant 0 : i32
        %dma_start3A_188 = tpu.memref_slice %arg7[%dma_start3A_186, %dma_start3A_187] : memref<2x3200xi32, #tpu.memory_space<vmem>> -> memref<1x3200xi32, #tpu.memory_space<vmem>>
        %dma_start3A_189 = arith.constant 0 : i32
        %dma_start3A_190 = arith.constant 0 : i32
        %dma_start3A_191 = tpu.memref_slice %arg4[%add3A_164, %dma_start3A_189, %dma_start3A_190] : memref<100x1x3200xi32, #tpu.memory_space<hbm>> -> memref<1x1x3200xi32, #tpu.memory_space<hbm>>
        %dma_start3A_192 = tpu.memref_squeeze %dma_start3A_191 : memref<1x1x3200xi32, #tpu.memory_space<hbm>> -> memref<1x3200xi32, #tpu.memory_space<hbm>>
        tpu.enqueue_dma source(%dma_start3A_192 : memref<1x3200xi32, #tpu.memory_space<hbm>>) target(%dma_start3A_188 : memref<1x3200xi32, #tpu.memory_space<vmem>>) target_semaphore(%arg12 : memref<!tpu.dma_semaphore, #tpu.memory_space<semaphore_mem>>)
      } else {
      }
      %add3A_123 = arith.constant 1 : i32
      %add3A_124 = arith.addi %add3A_86, %add3A_123 : i32
      %dma_wait3A_125 = arith.constant 1 : i32
      %dma_wait3A_126 = arith.constant 0 : i32
      %dma_wait3A_127 = tpu.memref_slice %arg6[%dma_wait3A_125, %dma_wait3A_126] : memref<2x3200xi32, #tpu.memory_space<vmem>> -> memref<1x3200xi32, #tpu.memory_space<vmem>>
      %dma_wait3A_128 = arith.constant 0 : i32
      %dma_wait3A_129 = arith.constant 0 : i32
      %dma_wait3A_130 = tpu.memref_slice %arg3[%add3A_124, %dma_wait3A_128, %dma_wait3A_129] : memref<100x1x3200xi32, #tpu.memory_space<hbm>> -> memref<1x1x3200xi32, #tpu.memory_space<hbm>>
      %dma_wait3A_131 = tpu.memref_squeeze %dma_wait3A_130 : memref<1x1x3200xi32, #tpu.memory_space<hbm>> -> memref<1x3200xi32, #tpu.memory_space<hbm>>
      %dma_wait3A_132 = arith.constant 1 : i32
      %dma_wait3A_133 = arith.constant 0 : i32
      %dma_wait3A_134 = tpu.memref_slice %arg6[%dma_wait3A_132, %dma_wait3A_133] : memref<2x3200xi32, #tpu.memory_space<vmem>> -> memref<1x3200xi32, #tpu.memory_space<vmem>>
      %dma_wait3A_135 = arith.constant 0 : i32
      %dma_wait3A_136 = arith.constant 0 : i32
      %dma_wait3A_137 = tpu.memref_slice %arg3[%add3A_124, %dma_wait3A_135, %dma_wait3A_136] : memref<100x1x3200xi32, #tpu.memory_space<hbm>> -> memref<1x1x3200xi32, #tpu.memory_space<hbm>>
      %dma_wait3A_138 = tpu.memref_squeeze %dma_wait3A_137 : memref<1x1x3200xi32, #tpu.memory_space<hbm>> -> memref<1x3200xi32, #tpu.memory_space<hbm>>
      tpu.wait_dma2 semaphore(%arg11 : memref<!tpu.dma_semaphore, #tpu.memory_space<semaphore_mem>>) src(%dma_wait3A_138 : memref<1x3200xi32, #tpu.memory_space<hbm>>) dst(%dma_wait3A_134 : memref<1x3200xi32, #tpu.memory_space<vmem>>)
      %dma_wait3A_139 = arith.constant 1 : i32
      %dma_wait3A_140 = arith.constant 0 : i32
      %dma_wait3A_141 = tpu.memref_slice %arg7[%dma_wait3A_139, %dma_wait3A_140] : memref<2x3200xi32, #tpu.memory_space<vmem>> -> memref<1x3200xi32, #tpu.memory_space<vmem>>
      %dma_wait3A_142 = arith.constant 0 : i32
      %dma_wait3A_143 = arith.constant 0 : i32
      %dma_wait3A_144 = tpu.memref_slice %arg4[%add3A_124, %dma_wait3A_142, %dma_wait3A_143] : memref<100x1x3200xi32, #tpu.memory_space<hbm>> -> memref<1x1x3200xi32, #tpu.memory_space<hbm>>
      %dma_wait3A_145 = tpu.memref_squeeze %dma_wait3A_144 : memref<1x1x3200xi32, #tpu.memory_space<hbm>> -> memref<1x3200xi32, #tpu.memory_space<hbm>>
      %dma_wait3A_146 = arith.constant 1 : i32
      %dma_wait3A_147 = arith.constant 0 : i32
      %dma_wait3A_148 = tpu.memref_slice %arg7[%dma_wait3A_146, %dma_wait3A_147] : memref<2x3200xi32, #tpu.memory_space<vmem>> -> memref<1x3200xi32, #tpu.memory_space<vmem>>
      %dma_wait3A_149 = arith.constant 0 : i32
      %dma_wait3A_150 = arith.constant 0 : i32
      %dma_wait3A_151 = tpu.memref_slice %arg4[%add3A_124, %dma_wait3A_149, %dma_wait3A_150] : memref<100x1x3200xi32, #tpu.memory_space<hbm>> -> memref<1x1x3200xi32, #tpu.memory_space<hbm>>
      %dma_wait3A_152 = tpu.memref_squeeze %dma_wait3A_151 : memref<1x1x3200xi32, #tpu.memory_space<hbm>> -> memref<1x3200xi32, #tpu.memory_space<hbm>>
      tpu.wait_dma2 semaphore(%arg13 : memref<!tpu.dma_semaphore, #tpu.memory_space<semaphore_mem>>) src(%dma_wait3A_152 : memref<1x3200xi32, #tpu.memory_space<hbm>>) dst(%dma_wait3A_148 : memref<1x3200xi32, #tpu.memory_space<vmem>>)
      %parallel_loop3A_153 = arith.constant 0 : i32
      %parallel_loop3A_154 = arith.constant 3200 : i32
      %parallel_loop3A_155 = arith.constant 16 : i32
      scf.for %parallel_loop3A_163 = %parallel_loop3A_153 to %parallel_loop3A_154 step %parallel_loop3A_155  : i32 {
        %parallel_loop3A_164 = arith.constant 1 : i32
        %parallel_loop3A_165 = arith.index_cast %parallel_loop3A_164 : i32 to index
        %parallel_loop3A_166 = arith.index_cast %parallel_loop3A_163 : i32 to index
        %parallel_loop3A_167 = tpu.vector_load %arg6[%parallel_loop3A_165, %parallel_loop3A_166] {strides = array<i32>} : memref<2x3200xi32, #tpu.memory_space<vmem>>, vector<16xi32>,
        %parallel_loop3A_168 = arith.constant 1 : i32
        %parallel_loop3A_169 = arith.index_cast %parallel_loop3A_168 : i32 to index
        %parallel_loop3A_170 = arith.index_cast %parallel_loop3A_163 : i32 to index
        %parallel_loop3A_171 = tpu.vector_load %arg7[%parallel_loop3A_169, %parallel_loop3A_170] {strides = array<i32>} : memref<2x3200xi32, #tpu.memory_space<vmem>>, vector<16xi32>,
        %parallel_loop3A_172 = tpu.vector_load_idx %arg8[%broadcast_in_dim3A_1, %parallel_loop3A_167] : memref<4x10240xf32, #tpu.memory_space<vmem>>[vector<16xi32>, vector<16xi32>], vector<16xf32>,
        tpu.vector_store_idx %arg9[%broadcast_in_dim3A_1, %parallel_loop3A_171], %parallel_loop3A_172 {add = true} : memref<4x10240xf32, #tpu.memory_space<vmem>>[vector<16xi32>, vector<16xi32>], vector<16xf32>,
        %parallel_loop3A_173 = tpu.vector_load_idx %arg8[%broadcast_in_dim3A_3, %parallel_loop3A_167] : memref<4x10240xf32, #tpu.memory_space<vmem>>[vector<16xi32>, vector<16xi32>], vector<16xf32>,
        tpu.vector_store_idx %arg9[%broadcast_in_dim3A_3, %parallel_loop3A_171], %parallel_loop3A_173 {add = true} : memref<4x10240xf32, #tpu.memory_space<vmem>>[vector<16xi32>, vector<16xi32>], vector<16xf32>,
        %parallel_loop3A_174 = tpu.vector_load_idx %arg8[%broadcast_in_dim3A_5, %parallel_loop3A_167] : memref<4x10240xf32, #tpu.memory_space<vmem>>[vector<16xi32>, vector<16xi32>], vector<16xf32>,
        tpu.vector_store_idx %arg9[%broadcast_in_dim3A_5, %parallel_loop3A_171], %parallel_loop3A_174 {add = true} : memref<4x10240xf32, #tpu.memory_space<vmem>>[vector<16xi32>, vector<16xi32>], vector<16xf32>,
        %parallel_loop3A_175 = tpu.vector_load_idx %arg8[%broadcast_in_dim3A_7, %parallel_loop3A_167] : memref<4x10240xf32, #tpu.memory_space<vmem>>[vector<16xi32>, vector<16xi32>], vector<16xf32>,
        tpu.vector_store_idx %arg9[%broadcast_in_dim3A_7, %parallel_loop3A_171], %parallel_loop3A_175 {add = true} : memref<4x10240xf32, #tpu.memory_space<vmem>>[vector<16xi32>, vector<16xi32>], vector<16xf32>,
      } {sc.loop_unroll_factor = 4 : i64, sc.parallel_access}
      %add3A_156 = arith.constant 2 : i32
      %add3A_157 = arith.addi %add3A_124, %add3A_156 : i32
      %lt3A_158 = arith.constant 100 : i32
      %lt3A_159 = arith.cmpi slt, %add3A_157, %lt3A_158 : i32
      %convert_element_type3A_160 = arith.extui %lt3A_159 : i1 to i32
      %cond3A_161 = arith.constant 0 : i32
      %cond3A_162 = arith.cmpi ne, %convert_element_type3A_160, %cond3A_161 : i32
      scf.if %cond3A_162 {
        %add3A_163 = arith.constant 2 : i32
        %add3A_164 = arith.addi %add3A_124, %add3A_163 : i32
        %dma_start3A_165 = arith.constant 1 : i32
        %dma_start3A_166 = arith.constant 0 : i32
        %dma_start3A_167 = tpu.memref_slice %arg6[%dma_start3A_165, %dma_start3A_166] : memref<2x3200xi32, #tpu.memory_space<vmem>> -> memref<1x3200xi32, #tpu.memory_space<vmem>>
        %dma_start3A_168 = arith.constant 0 : i32
        %dma_start3A_169 = arith.constant 0 : i32
        %dma_start3A_170 = tpu.memref_slice %arg3[%add3A_164, %dma_start3A_168, %dma_start3A_169] : memref<100x1x3200xi32, #tpu.memory_space<hbm>> -> memref<1x1x3200xi32, #tpu.memory_space<hbm>>
        %dma_start3A_171 = tpu.memref_squeeze %dma_start3A_170 : memref<1x1x3200xi32, #tpu.memory_space<hbm>> -> memref<1x3200xi32, #tpu.memory_space<hbm>>
        %dma_start3A_172 = arith.constant 1 : i32
        %dma_start3A_173 = arith.constant 0 : i32
        %dma_start3A_174 = tpu.memref_slice %arg6[%dma_start3A_172, %dma_start3A_173] : memref<2x3200xi32, #tpu.memory_space<vmem>> -> memref<1x3200xi32, #tpu.memory_space<vmem>>
        %dma_start3A_175 = arith.constant 0 : i32
        %dma_start3A_176 = arith.constant 0 : i32
        %dma_start3A_177 = tpu.memref_slice %arg3[%add3A_164, %dma_start3A_175, %dma_start3A_176] : memref<100x1x3200xi32, #tpu.memory_space<hbm>> -> memref<1x1x3200xi32, #tpu.memory_space<hbm>>
        %dma_start3A_178 = tpu.memref_squeeze %dma_start3A_177 : memref<1x1x3200xi32, #tpu.memory_space<hbm>> -> memref<1x3200xi32, #tpu.memory_space<hbm>>
        tpu.enqueue_dma source(%dma_start3A_178 : memref<1x3200xi32, #tpu.memory_space<hbm>>) target(%dma_start3A_174 : memref<1x3200xi32, #tpu.memory_space<vmem>>) target_semaphore(%arg11 : memref<!tpu.dma_semaphore, #tpu.memory_space<semaphore_mem>>)
        %dma_start3A_179 = arith.constant 1 : i32
        %dma_start3A_180 = arith.constant 0 : i32
        %dma_start3A_181 = tpu.memref_slice %arg7[%dma_start3A_179, %dma_start3A_180] : memref<2x3200xi32, #tpu.memory_space<vmem>> -> memref<1x3200xi32, #tpu.memory_space<vmem>>
        %dma_start3A_182 = arith.constant 0 : i32
        %dma_start3A_183 = arith.constant 0 : i32
        %dma_start3A_184 = tpu.memref_slice %arg4[%add3A_164, %dma_start3A_182, %dma_start3A_183] : memref<100x1x3200xi32, #tpu.memory_space<hbm>> -> memref<1x1x3200xi32, #tpu.memory_space<hbm>>
        %dma_start3A_185 = tpu.memref_squeeze %dma_start3A_184 : memref<1x1x3200xi32, #tpu.memory_space<hbm>> -> memref<1x3200xi32, #tpu.memory_space<hbm>>
        %dma_start3A_186 = arith.constant 1 : i32
        %dma_start3A_187 = arith.constant 0 : i32
        %dma_start3A_188 = tpu.memref_slice %arg7[%dma_start3A_186, %dma_start3A_187] : memref<2x3200xi32, #tpu.memory_space<vmem>> -> memref<1x3200xi32, #tpu.memory_space<vmem>>
        %dma_start3A_189 = arith.constant 0 : i32
        %dma_start3A_190 = arith.constant 0 : i32
        %dma_start3A_191 = tpu.memref_slice %arg4[%add3A_164, %dma_start3A_189, %dma_start3A_190] : memref<100x1x3200xi32, #tpu.memory_space<hbm>> -> memref<1x1x3200xi32, #tpu.memory_space<hbm>>
        %dma_start3A_192 = tpu.memref_squeeze %dma_start3A_191 : memref<1x1x3200xi32, #tpu.memory_space<hbm>> -> memref<1x3200xi32, #tpu.memory_space<hbm>>
        tpu.enqueue_dma source(%dma_start3A_192 : memref<1x3200xi32, #tpu.memory_space<hbm>>) target(%dma_start3A_188 : memref<1x3200xi32, #tpu.memory_space<vmem>>) target_semaphore(%arg13 : memref<!tpu.dma_semaphore, #tpu.memory_space<semaphore_mem>>)
      } else {
      }
    }
    %scan3A_81 = arith.constant 50 : i32
    "tpu.region"() ({
      %run_scoped3A = tpu.sem_alloc : memref<!tpu.dma_semaphore, #tpu.memory_space<semaphore_mem>>
      %dma_start3A_82 = arith.constant 0 : i32
      %dma_start3A_83 = arith.constant 0 : i32
      %dma_start3A_84 = tpu.memref_slice %arg5[%add3A, %dma_start3A_82, %dma_start3A_83] : memref<32x4x10240xf32, #tpu.memory_space<hbm>> -> memref<1x4x10240xf32, #tpu.memory_space<hbm>>
      %dma_start3A_85 = tpu.memref_squeeze %dma_start3A_84 : memref<1x4x10240xf32, #tpu.memory_space<hbm>> -> memref<4x10240xf32, #tpu.memory_space<hbm>>
      %dma_start3A_86 = arith.constant 0 : i32
      %dma_start3A_87 = arith.constant 0 : i32
      %dma_start3A_88 = tpu.memref_slice %arg5[%add3A, %dma_start3A_86, %dma_start3A_87] : memref<32x4x10240xf32, #tpu.memory_space<hbm>> -> memref<1x4x10240xf32, #tpu.memory_space<hbm>>
      %dma_start3A_89 = tpu.memref_squeeze %dma_start3A_88 : memref<1x4x10240xf32, #tpu.memory_space<hbm>> -> memref<4x10240xf32, #tpu.memory_space<hbm>>
      tpu.enqueue_dma source(%arg9 : memref<4x10240xf32, #tpu.memory_space<vmem>>) target(%dma_start3A_89 : memref<4x10240xf32, #tpu.memory_space<hbm>>) target_semaphore(%run_scoped3A : memref<!tpu.dma_semaphore, #tpu.memory_space<semaphore_mem>>)
      %dma_wait3A = arith.constant 0 : i32
      %dma_wait3A_90 = arith.constant 0 : i32
      %dma_wait3A_91 = tpu.memref_slice %arg5[%add3A, %dma_wait3A, %dma_wait3A_90] : memref<32x4x10240xf32, #tpu.memory_space<hbm>> -> memref<1x4x10240xf32, #tpu.memory_space<hbm>>
      %dma_wait3A_92 = tpu.memref_squeeze %dma_wait3A_91 : memref<1x4x10240xf32, #tpu.memory_space<hbm>> -> memref<4x10240xf32, #tpu.memory_space<hbm>>
      %dma_wait3A_93 = arith.constant 0 : i32
      %dma_wait3A_94 = arith.constant 0 : i32
      %dma_wait3A_95 = tpu.memref_slice %arg5[%add3A, %dma_wait3A_93, %dma_wait3A_94] : memref<32x4x10240xf32, #tpu.memory_space<hbm>> -> memref<1x4x10240xf32, #tpu.memory_space<hbm>>
      %dma_wait3A_96 = tpu.memref_squeeze %dma_wait3A_95 : memref<1x4x10240xf32, #tpu.memory_space<hbm>> -> memref<4x10240xf32, #tpu.memory_space<hbm>>
      tpu.wait_dma2 semaphore(%run_scoped3A : memref<!tpu.dma_semaphore, #tpu.memory_space<semaphore_mem>>) src(%arg9 : memref<4x10240xf32, #tpu.memory_space<vmem>>) dst(%dma_wait3A_96 : memref<4x10240xf32, #tpu.memory_space<hbm>>)
      tpu.yield
    }) : () -> ()
    return
  }
}

module attributes {stable_mosaic.version = 14 : i64} {
  func.func @_mm1_body(%arg0: i32, %arg1: memref<1024x128xf32, #tpu.memory_space<vmem>>, %arg2: memref<128x128xf32, #tpu.memory_space<vmem>>, %arg3: memref<1024x128xf32, #tpu.memory_space<vmem>>) attributes {dimension_semantics = [#tpu.dimension_semantics<arbitrary>], iteration_bounds = array<i64: 10>, scalar_prefetch = 0 : i64, scratch_operands = 0 : i64, tpu.core_type = #tpu.core_type<tc>, window_params = [{transform_indices = @transform_0, window_bounds = array<i64: 1024, 128>}, {pipeline_mode = #tpu.pipeline_mode<synchronous>, transform_indices = @transform_1, window_bounds = array<i64: 128, 128>}, {transform_indices = @transform_2, window_bounds = array<i64: 1024, 128>}]} {
    %get3A = arith.constant 0 : index
    %get3A_0 = arith.constant 0 : index
    %get3A_1 = vector.load %arg1[%get3A, %get3A_0] : memref<1024x128xf32, #tpu.memory_space<vmem>>, vector<1024x128xf32>
    %get3A_2 = arith.constant 0 : index
    %get3A_3 = arith.constant 0 : index
    %get3A_4 = vector.load %arg2[%get3A_2, %get3A_3] : memref<128x128xf32, #tpu.memory_space<vmem>>, vector<128x128xf32>
    %dot_general3A = arith.constant dense<0.000000e+00> : vector<1024x128xf32>
    %dot_general3A_5 = tpu.matmul %get3A_1, %get3A_4, %dot_general3A {dimension_numbers = #tpu.dot_dimension_numbers<[1], [0], [0], [1], [0, 0, 1, 1], [], []>, transpose_lhs_hint = false} : vector<1024x128xf32>, vector<128x128xf32>, vector<1024x128xf32> -> vector<1024x128xf32>
    %swap3A = arith.constant 0 : index
    %swap3A_6 = arith.constant 0 : index
    %swap3A_7 = vector.load %arg3[%swap3A, %swap3A_6] : memref<1024x128xf32, #tpu.memory_space<vmem>>, vector<1024x128xf32>
    tpu.vector_store %arg3[%swap3A, %swap3A_6], %dot_general3A_5 {strides = array<i32>} : memref<1024x128xf32, #tpu.memory_space<vmem>>, vector<1024x128xf32>,
    return
  }
  func.func @transform_0(%arg0: i32) -> (i32, i32) {
    %c0_i32 = arith.constant 0 : i32
    %c0_i32_0 = arith.constant 0 : i32
    return %arg0, %c0_i32 : i32, i32
  }
  func.func @transform_1(%arg0: i32) -> (i32, i32) {
    %c0_i32 = arith.constant 0 : i32
    %c0_i32_0 = arith.constant 0 : i32
    %c0_i32_1 = arith.constant 0 : i32
    return %c0_i32, %c0_i32_0 : i32, i32
  }
  func.func @transform_2(%arg0: i32) -> (i32, i32) {
    %c0_i32 = arith.constant 0 : i32
    %c0_i32_0 = arith.constant 0 : i32
    return %arg0, %c0_i32 : i32, i32
  }
}

module attributes {stable_mosaic.version = 14 : i64} {
  func.func @_scale_split_body(%arg0: i32, %arg1: memref<1024x128xf32, #tpu.memory_space<vmem>>, %arg2: memref<1024x1xf32, #tpu.memory_space<vmem>>, %arg3: memref<32x4x1024xf32, #tpu.memory_space<vmem>>, %arg4: memref<1024x128xf32, #tpu.memory_space<vmem>>, %arg5: memref<1024x1xf32, #tpu.memory_space<vmem>>) attributes {dimension_semantics = [#tpu.dimension_semantics<arbitrary>], iteration_bounds = array<i64: 10>, scalar_prefetch = 0 : i64, scratch_operands = 0 : i64, tpu.core_type = #tpu.core_type<tc>, window_params = [{transform_indices = @transform_0, window_bounds = array<i64: 1024, 128>}, {transform_indices = @transform_1, window_bounds = array<i64: 1024, 1>}, {transform_indices = @transform_2, window_bounds = array<i64: 32, 4, 1024>}, {transform_indices = @transform_3, window_bounds = array<i64: 1024, 128>}, {transform_indices = @transform_4, window_bounds = array<i64: 1024, 1>}]} {
    %get3A = arith.constant 0 : index
    %get3A_0 = arith.constant 0 : index
    %get3A_1 = vector.load %arg2[%get3A, %get3A_0] : memref<1024x1xf32, #tpu.memory_space<vmem>>, vector<1024x1xf32>
    %rsqrt3A = math.rsqrt %get3A_1 : vector<1024x1xf32>
    %get3A_2 = arith.constant 0 : index
    %get3A_3 = arith.constant 0 : index
    %get3A_4 = vector.load %arg1[%get3A_2, %get3A_3] : memref<1024x128xf32, #tpu.memory_space<vmem>>, vector<1024x128xf32>
    %mul3A = vector.broadcast %rsqrt3A : vector<1024x1xf32> to vector<1024x128xf32>
    %mul3A_5 = arith.mulf %get3A_4, %mul3A : vector<1024x128xf32>
    %swap3A = arith.constant 0 : index
    %swap3A_6 = arith.constant 0 : index
    %swap3A_7 = vector.load %arg5[%swap3A, %swap3A_6] : memref<1024x1xf32, #tpu.memory_space<vmem>>, vector<1024x1xf32>
    tpu.vector_store %arg5[%swap3A, %swap3A_6], %rsqrt3A {strides = array<i32>} : memref<1024x1xf32, #tpu.memory_space<vmem>>, vector<1024x1xf32>,
    %swap3A_8 = arith.constant 0 : index
    %swap3A_9 = arith.constant 0 : index
    %swap3A_10 = vector.load %arg4[%swap3A_8, %swap3A_9] : memref<1024x128xf32, #tpu.memory_space<vmem>>, vector<1024x128xf32>
    tpu.vector_store %arg4[%swap3A_8, %swap3A_9], %mul3A_5 {strides = array<i32>} : memref<1024x128xf32, #tpu.memory_space<vmem>>, vector<1024x128xf32>,
    %transpose3A = tpu.transpose %mul3A_5, [1, 0] : vector<1024x128xf32> -> vector<128x1024xf32>
    %slice3A = vector.extract_strided_slice %transpose3A {offsets = [0, 0], sizes = [4, 1024], strides = [1, 1]} : vector<128x1024xf32> to vector<4x1024xf32>
    %swap3A_11 = arith.constant 0 : index
    %swap3A_12 = arith.constant 0 : index
    %swap3A_13 = arith.constant 0 : index
    %swap3A_14 = vector.load %arg3[%swap3A_11, %swap3A_12, %swap3A_13] : memref<32x4x1024xf32, #tpu.memory_space<vmem>>, vector<1x4x1024xf32>
    %swap3A_15 = vector.shape_cast %swap3A_14 : vector<1x4x1024xf32> to vector<4x1024xf32>
    %swap3A_16 = vector.shape_cast %slice3A : vector<4x1024xf32> to vector<1x4x1024xf32>
    tpu.vector_store %arg3[%swap3A_11, %swap3A_12, %swap3A_13], %swap3A_16 {strides = array<i32>} : memref<32x4x1024xf32, #tpu.memory_space<vmem>>, vector<1x4x1024xf32>,
    %slice3A_17 = vector.extract_strided_slice %transpose3A {offsets = [4, 0], sizes = [4, 1024], strides = [1, 1]} : vector<128x1024xf32> to vector<4x1024xf32>
    %swap3A_18 = arith.constant 1 : index
    %swap3A_19 = arith.constant 0 : index
    %swap3A_20 = arith.constant 0 : index
    %swap3A_21 = vector.load %arg3[%swap3A_18, %swap3A_19, %swap3A_20] : memref<32x4x1024xf32, #tpu.memory_space<vmem>>, vector<1x4x1024xf32>
    %swap3A_22 = vector.shape_cast %swap3A_21 : vector<1x4x1024xf32> to vector<4x1024xf32>
    %swap3A_23 = vector.shape_cast %slice3A_17 : vector<4x1024xf32> to vector<1x4x1024xf32>
    tpu.vector_store %arg3[%swap3A_18, %swap3A_19, %swap3A_20], %swap3A_23 {strides = array<i32>} : memref<32x4x1024xf32, #tpu.memory_space<vmem>>, vector<1x4x1024xf32>,
    %slice3A_24 = vector.extract_strided_slice %transpose3A {offsets = [8, 0], sizes = [4, 1024], strides = [1, 1]} : vector<128x1024xf32> to vector<4x1024xf32>
    %swap3A_25 = arith.constant 2 : index
    %swap3A_26 = arith.constant 0 : index
    %swap3A_27 = arith.constant 0 : index
    %swap3A_28 = vector.load %arg3[%swap3A_25, %swap3A_26, %swap3A_27] : memref<32x4x1024xf32, #tpu.memory_space<vmem>>, vector<1x4x1024xf32>
    %swap3A_29 = vector.shape_cast %swap3A_28 : vector<1x4x1024xf32> to vector<4x1024xf32>
    %swap3A_30 = vector.shape_cast %slice3A_24 : vector<4x1024xf32> to vector<1x4x1024xf32>
    tpu.vector_store %arg3[%swap3A_25, %swap3A_26, %swap3A_27], %swap3A_30 {strides = array<i32>} : memref<32x4x1024xf32, #tpu.memory_space<vmem>>, vector<1x4x1024xf32>,
    %slice3A_31 = vector.extract_strided_slice %transpose3A {offsets = [12, 0], sizes = [4, 1024], strides = [1, 1]} : vector<128x1024xf32> to vector<4x1024xf32>
    %swap3A_32 = arith.constant 3 : index
    %swap3A_33 = arith.constant 0 : index
    %swap3A_34 = arith.constant 0 : index
    %swap3A_35 = vector.load %arg3[%swap3A_32, %swap3A_33, %swap3A_34] : memref<32x4x1024xf32, #tpu.memory_space<vmem>>, vector<1x4x1024xf32>
    %swap3A_36 = vector.shape_cast %swap3A_35 : vector<1x4x1024xf32> to vector<4x1024xf32>
    %swap3A_37 = vector.shape_cast %slice3A_31 : vector<4x1024xf32> to vector<1x4x1024xf32>
    tpu.vector_store %arg3[%swap3A_32, %swap3A_33, %swap3A_34], %swap3A_37 {strides = array<i32>} : memref<32x4x1024xf32, #tpu.memory_space<vmem>>, vector<1x4x1024xf32>,
    %slice3A_38 = vector.extract_strided_slice %transpose3A {offsets = [16, 0], sizes = [4, 1024], strides = [1, 1]} : vector<128x1024xf32> to vector<4x1024xf32>
    %swap3A_39 = arith.constant 4 : index
    %swap3A_40 = arith.constant 0 : index
    %swap3A_41 = arith.constant 0 : index
    %swap3A_42 = vector.load %arg3[%swap3A_39, %swap3A_40, %swap3A_41] : memref<32x4x1024xf32, #tpu.memory_space<vmem>>, vector<1x4x1024xf32>
    %swap3A_43 = vector.shape_cast %swap3A_42 : vector<1x4x1024xf32> to vector<4x1024xf32>
    %swap3A_44 = vector.shape_cast %slice3A_38 : vector<4x1024xf32> to vector<1x4x1024xf32>
    tpu.vector_store %arg3[%swap3A_39, %swap3A_40, %swap3A_41], %swap3A_44 {strides = array<i32>} : memref<32x4x1024xf32, #tpu.memory_space<vmem>>, vector<1x4x1024xf32>,
    %slice3A_45 = vector.extract_strided_slice %transpose3A {offsets = [20, 0], sizes = [4, 1024], strides = [1, 1]} : vector<128x1024xf32> to vector<4x1024xf32>
    %swap3A_46 = arith.constant 5 : index
    %swap3A_47 = arith.constant 0 : index
    %swap3A_48 = arith.constant 0 : index
    %swap3A_49 = vector.load %arg3[%swap3A_46, %swap3A_47, %swap3A_48] : memref<32x4x1024xf32, #tpu.memory_space<vmem>>, vector<1x4x1024xf32>
    %swap3A_50 = vector.shape_cast %swap3A_49 : vector<1x4x1024xf32> to vector<4x1024xf32>
    %swap3A_51 = vector.shape_cast %slice3A_45 : vector<4x1024xf32> to vector<1x4x1024xf32>
    tpu.vector_store %arg3[%swap3A_46, %swap3A_47, %swap3A_48], %swap3A_51 {strides = array<i32>} : memref<32x4x1024xf32, #tpu.memory_space<vmem>>, vector<1x4x1024xf32>,
    %slice3A_52 = vector.extract_strided_slice %transpose3A {offsets = [24, 0], sizes = [4, 1024], strides = [1, 1]} : vector<128x1024xf32> to vector<4x1024xf32>
    %swap3A_53 = arith.constant 6 : index
    %swap3A_54 = arith.constant 0 : index
    %swap3A_55 = arith.constant 0 : index
    %swap3A_56 = vector.load %arg3[%swap3A_53, %swap3A_54, %swap3A_55] : memref<32x4x1024xf32, #tpu.memory_space<vmem>>, vector<1x4x1024xf32>
    %swap3A_57 = vector.shape_cast %swap3A_56 : vector<1x4x1024xf32> to vector<4x1024xf32>
    %swap3A_58 = vector.shape_cast %slice3A_52 : vector<4x1024xf32> to vector<1x4x1024xf32>
    tpu.vector_store %arg3[%swap3A_53, %swap3A_54, %swap3A_55], %swap3A_58 {strides = array<i32>} : memref<32x4x1024xf32, #tpu.memory_space<vmem>>, vector<1x4x1024xf32>,
    %slice3A_59 = vector.extract_strided_slice %transpose3A {offsets = [28, 0], sizes = [4, 1024], strides = [1, 1]} : vector<128x1024xf32> to vector<4x1024xf32>
    %swap3A_60 = arith.constant 7 : index
    %swap3A_61 = arith.constant 0 : index
    %swap3A_62 = arith.constant 0 : index
    %swap3A_63 = vector.load %arg3[%swap3A_60, %swap3A_61, %swap3A_62] : memref<32x4x1024xf32, #tpu.memory_space<vmem>>, vector<1x4x1024xf32>
    %swap3A_64 = vector.shape_cast %swap3A_63 : vector<1x4x1024xf32> to vector<4x1024xf32>
    %swap3A_65 = vector.shape_cast %slice3A_59 : vector<4x1024xf32> to vector<1x4x1024xf32>
    tpu.vector_store %arg3[%swap3A_60, %swap3A_61, %swap3A_62], %swap3A_65 {strides = array<i32>} : memref<32x4x1024xf32, #tpu.memory_space<vmem>>, vector<1x4x1024xf32>,
    %slice3A_66 = vector.extract_strided_slice %transpose3A {offsets = [32, 0], sizes = [4, 1024], strides = [1, 1]} : vector<128x1024xf32> to vector<4x1024xf32>
    %swap3A_67 = arith.constant 8 : index
    %swap3A_68 = arith.constant 0 : index
    %swap3A_69 = arith.constant 0 : index
    %swap3A_70 = vector.load %arg3[%swap3A_67, %swap3A_68, %swap3A_69] : memref<32x4x1024xf32, #tpu.memory_space<vmem>>, vector<1x4x1024xf32>
    %swap3A_71 = vector.shape_cast %swap3A_70 : vector<1x4x1024xf32> to vector<4x1024xf32>
    %swap3A_72 = vector.shape_cast %slice3A_66 : vector<4x1024xf32> to vector<1x4x1024xf32>
    tpu.vector_store %arg3[%swap3A_67, %swap3A_68, %swap3A_69], %swap3A_72 {strides = array<i32>} : memref<32x4x1024xf32, #tpu.memory_space<vmem>>, vector<1x4x1024xf32>,
    %slice3A_73 = vector.extract_strided_slice %transpose3A {offsets = [36, 0], sizes = [4, 1024], strides = [1, 1]} : vector<128x1024xf32> to vector<4x1024xf32>
    %swap3A_74 = arith.constant 9 : index
    %swap3A_75 = arith.constant 0 : index
    %swap3A_76 = arith.constant 0 : index
    %swap3A_77 = vector.load %arg3[%swap3A_74, %swap3A_75, %swap3A_76] : memref<32x4x1024xf32, #tpu.memory_space<vmem>>, vector<1x4x1024xf32>
    %swap3A_78 = vector.shape_cast %swap3A_77 : vector<1x4x1024xf32> to vector<4x1024xf32>
    %swap3A_79 = vector.shape_cast %slice3A_73 : vector<4x1024xf32> to vector<1x4x1024xf32>
    tpu.vector_store %arg3[%swap3A_74, %swap3A_75, %swap3A_76], %swap3A_79 {strides = array<i32>} : memref<32x4x1024xf32, #tpu.memory_space<vmem>>, vector<1x4x1024xf32>,
    %slice3A_80 = vector.extract_strided_slice %transpose3A {offsets = [40, 0], sizes = [4, 1024], strides = [1, 1]} : vector<128x1024xf32> to vector<4x1024xf32>
    %swap3A_81 = arith.constant 10 : index
    %swap3A_82 = arith.constant 0 : index
    %swap3A_83 = arith.constant 0 : index
    %swap3A_84 = vector.load %arg3[%swap3A_81, %swap3A_82, %swap3A_83] : memref<32x4x1024xf32, #tpu.memory_space<vmem>>, vector<1x4x1024xf32>
    %swap3A_85 = vector.shape_cast %swap3A_84 : vector<1x4x1024xf32> to vector<4x1024xf32>
    %swap3A_86 = vector.shape_cast %slice3A_80 : vector<4x1024xf32> to vector<1x4x1024xf32>
    tpu.vector_store %arg3[%swap3A_81, %swap3A_82, %swap3A_83], %swap3A_86 {strides = array<i32>} : memref<32x4x1024xf32, #tpu.memory_space<vmem>>, vector<1x4x1024xf32>,
    %slice3A_87 = vector.extract_strided_slice %transpose3A {offsets = [44, 0], sizes = [4, 1024], strides = [1, 1]} : vector<128x1024xf32> to vector<4x1024xf32>
    %swap3A_88 = arith.constant 11 : index
    %swap3A_89 = arith.constant 0 : index
    %swap3A_90 = arith.constant 0 : index
    %swap3A_91 = vector.load %arg3[%swap3A_88, %swap3A_89, %swap3A_90] : memref<32x4x1024xf32, #tpu.memory_space<vmem>>, vector<1x4x1024xf32>
    %swap3A_92 = vector.shape_cast %swap3A_91 : vector<1x4x1024xf32> to vector<4x1024xf32>
    %swap3A_93 = vector.shape_cast %slice3A_87 : vector<4x1024xf32> to vector<1x4x1024xf32>
    tpu.vector_store %arg3[%swap3A_88, %swap3A_89, %swap3A_90], %swap3A_93 {strides = array<i32>} : memref<32x4x1024xf32, #tpu.memory_space<vmem>>, vector<1x4x1024xf32>,
    %slice3A_94 = vector.extract_strided_slice %transpose3A {offsets = [48, 0], sizes = [4, 1024], strides = [1, 1]} : vector<128x1024xf32> to vector<4x1024xf32>
    %swap3A_95 = arith.constant 12 : index
    %swap3A_96 = arith.constant 0 : index
    %swap3A_97 = arith.constant 0 : index
    %swap3A_98 = vector.load %arg3[%swap3A_95, %swap3A_96, %swap3A_97] : memref<32x4x1024xf32, #tpu.memory_space<vmem>>, vector<1x4x1024xf32>
    %swap3A_99 = vector.shape_cast %swap3A_98 : vector<1x4x1024xf32> to vector<4x1024xf32>
    %swap3A_100 = vector.shape_cast %slice3A_94 : vector<4x1024xf32> to vector<1x4x1024xf32>
    tpu.vector_store %arg3[%swap3A_95, %swap3A_96, %swap3A_97], %swap3A_100 {strides = array<i32>} : memref<32x4x1024xf32, #tpu.memory_space<vmem>>, vector<1x4x1024xf32>,
    %slice3A_101 = vector.extract_strided_slice %transpose3A {offsets = [52, 0], sizes = [4, 1024], strides = [1, 1]} : vector<128x1024xf32> to vector<4x1024xf32>
    %swap3A_102 = arith.constant 13 : index
    %swap3A_103 = arith.constant 0 : index
    %swap3A_104 = arith.constant 0 : index
    %swap3A_105 = vector.load %arg3[%swap3A_102, %swap3A_103, %swap3A_104] : memref<32x4x1024xf32, #tpu.memory_space<vmem>>, vector<1x4x1024xf32>
    %swap3A_106 = vector.shape_cast %swap3A_105 : vector<1x4x1024xf32> to vector<4x1024xf32>
    %swap3A_107 = vector.shape_cast %slice3A_101 : vector<4x1024xf32> to vector<1x4x1024xf32>
    tpu.vector_store %arg3[%swap3A_102, %swap3A_103, %swap3A_104], %swap3A_107 {strides = array<i32>} : memref<32x4x1024xf32, #tpu.memory_space<vmem>>, vector<1x4x1024xf32>,
    %slice3A_108 = vector.extract_strided_slice %transpose3A {offsets = [56, 0], sizes = [4, 1024], strides = [1, 1]} : vector<128x1024xf32> to vector<4x1024xf32>
    %swap3A_109 = arith.constant 14 : index
    %swap3A_110 = arith.constant 0 : index
    %swap3A_111 = arith.constant 0 : index
    %swap3A_112 = vector.load %arg3[%swap3A_109, %swap3A_110, %swap3A_111] : memref<32x4x1024xf32, #tpu.memory_space<vmem>>, vector<1x4x1024xf32>
    %swap3A_113 = vector.shape_cast %swap3A_112 : vector<1x4x1024xf32> to vector<4x1024xf32>
    %swap3A_114 = vector.shape_cast %slice3A_108 : vector<4x1024xf32> to vector<1x4x1024xf32>
    tpu.vector_store %arg3[%swap3A_109, %swap3A_110, %swap3A_111], %swap3A_114 {strides = array<i32>} : memref<32x4x1024xf32, #tpu.memory_space<vmem>>, vector<1x4x1024xf32>,
    %slice3A_115 = vector.extract_strided_slice %transpose3A {offsets = [60, 0], sizes = [4, 1024], strides = [1, 1]} : vector<128x1024xf32> to vector<4x1024xf32>
    %swap3A_116 = arith.constant 15 : index
    %swap3A_117 = arith.constant 0 : index
    %swap3A_118 = arith.constant 0 : index
    %swap3A_119 = vector.load %arg3[%swap3A_116, %swap3A_117, %swap3A_118] : memref<32x4x1024xf32, #tpu.memory_space<vmem>>, vector<1x4x1024xf32>
    %swap3A_120 = vector.shape_cast %swap3A_119 : vector<1x4x1024xf32> to vector<4x1024xf32>
    %swap3A_121 = vector.shape_cast %slice3A_115 : vector<4x1024xf32> to vector<1x4x1024xf32>
    tpu.vector_store %arg3[%swap3A_116, %swap3A_117, %swap3A_118], %swap3A_121 {strides = array<i32>} : memref<32x4x1024xf32, #tpu.memory_space<vmem>>, vector<1x4x1024xf32>,
    %slice3A_122 = vector.extract_strided_slice %transpose3A {offsets = [64, 0], sizes = [4, 1024], strides = [1, 1]} : vector<128x1024xf32> to vector<4x1024xf32>
    %swap3A_123 = arith.constant 16 : index
    %swap3A_124 = arith.constant 0 : index
    %swap3A_125 = arith.constant 0 : index
    %swap3A_126 = vector.load %arg3[%swap3A_123, %swap3A_124, %swap3A_125] : memref<32x4x1024xf32, #tpu.memory_space<vmem>>, vector<1x4x1024xf32>
    %swap3A_127 = vector.shape_cast %swap3A_126 : vector<1x4x1024xf32> to vector<4x1024xf32>
    %swap3A_128 = vector.shape_cast %slice3A_122 : vector<4x1024xf32> to vector<1x4x1024xf32>
    tpu.vector_store %arg3[%swap3A_123, %swap3A_124, %swap3A_125], %swap3A_128 {strides = array<i32>} : memref<32x4x1024xf32, #tpu.memory_space<vmem>>, vector<1x4x1024xf32>,
    %slice3A_129 = vector.extract_strided_slice %transpose3A {offsets = [68, 0], sizes = [4, 1024], strides = [1, 1]} : vector<128x1024xf32> to vector<4x1024xf32>
    %swap3A_130 = arith.constant 17 : index
    %swap3A_131 = arith.constant 0 : index
    %swap3A_132 = arith.constant 0 : index
    %swap3A_133 = vector.load %arg3[%swap3A_130, %swap3A_131, %swap3A_132] : memref<32x4x1024xf32, #tpu.memory_space<vmem>>, vector<1x4x1024xf32>
    %swap3A_134 = vector.shape_cast %swap3A_133 : vector<1x4x1024xf32> to vector<4x1024xf32>
    %swap3A_135 = vector.shape_cast %slice3A_129 : vector<4x1024xf32> to vector<1x4x1024xf32>
    tpu.vector_store %arg3[%swap3A_130, %swap3A_131, %swap3A_132], %swap3A_135 {strides = array<i32>} : memref<32x4x1024xf32, #tpu.memory_space<vmem>>, vector<1x4x1024xf32>,
    %slice3A_136 = vector.extract_strided_slice %transpose3A {offsets = [72, 0], sizes = [4, 1024], strides = [1, 1]} : vector<128x1024xf32> to vector<4x1024xf32>
    %swap3A_137 = arith.constant 18 : index
    %swap3A_138 = arith.constant 0 : index
    %swap3A_139 = arith.constant 0 : index
    %swap3A_140 = vector.load %arg3[%swap3A_137, %swap3A_138, %swap3A_139] : memref<32x4x1024xf32, #tpu.memory_space<vmem>>, vector<1x4x1024xf32>
    %swap3A_141 = vector.shape_cast %swap3A_140 : vector<1x4x1024xf32> to vector<4x1024xf32>
    %swap3A_142 = vector.shape_cast %slice3A_136 : vector<4x1024xf32> to vector<1x4x1024xf32>
    tpu.vector_store %arg3[%swap3A_137, %swap3A_138, %swap3A_139], %swap3A_142 {strides = array<i32>} : memref<32x4x1024xf32, #tpu.memory_space<vmem>>, vector<1x4x1024xf32>,
    %slice3A_143 = vector.extract_strided_slice %transpose3A {offsets = [76, 0], sizes = [4, 1024], strides = [1, 1]} : vector<128x1024xf32> to vector<4x1024xf32>
    %swap3A_144 = arith.constant 19 : index
    %swap3A_145 = arith.constant 0 : index
    %swap3A_146 = arith.constant 0 : index
    %swap3A_147 = vector.load %arg3[%swap3A_144, %swap3A_145, %swap3A_146] : memref<32x4x1024xf32, #tpu.memory_space<vmem>>, vector<1x4x1024xf32>
    %swap3A_148 = vector.shape_cast %swap3A_147 : vector<1x4x1024xf32> to vector<4x1024xf32>
    %swap3A_149 = vector.shape_cast %slice3A_143 : vector<4x1024xf32> to vector<1x4x1024xf32>
    tpu.vector_store %arg3[%swap3A_144, %swap3A_145, %swap3A_146], %swap3A_149 {strides = array<i32>} : memref<32x4x1024xf32, #tpu.memory_space<vmem>>, vector<1x4x1024xf32>,
    %slice3A_150 = vector.extract_strided_slice %transpose3A {offsets = [80, 0], sizes = [4, 1024], strides = [1, 1]} : vector<128x1024xf32> to vector<4x1024xf32>
    %swap3A_151 = arith.constant 20 : index
    %swap3A_152 = arith.constant 0 : index
    %swap3A_153 = arith.constant 0 : index
    %swap3A_154 = vector.load %arg3[%swap3A_151, %swap3A_152, %swap3A_153] : memref<32x4x1024xf32, #tpu.memory_space<vmem>>, vector<1x4x1024xf32>
    %swap3A_155 = vector.shape_cast %swap3A_154 : vector<1x4x1024xf32> to vector<4x1024xf32>
    %swap3A_156 = vector.shape_cast %slice3A_150 : vector<4x1024xf32> to vector<1x4x1024xf32>
    tpu.vector_store %arg3[%swap3A_151, %swap3A_152, %swap3A_153], %swap3A_156 {strides = array<i32>} : memref<32x4x1024xf32, #tpu.memory_space<vmem>>, vector<1x4x1024xf32>,
    %slice3A_157 = vector.extract_strided_slice %transpose3A {offsets = [84, 0], sizes = [4, 1024], strides = [1, 1]} : vector<128x1024xf32> to vector<4x1024xf32>
    %swap3A_158 = arith.constant 21 : index
    %swap3A_159 = arith.constant 0 : index
    %swap3A_160 = arith.constant 0 : index
    %swap3A_161 = vector.load %arg3[%swap3A_158, %swap3A_159, %swap3A_160] : memref<32x4x1024xf32, #tpu.memory_space<vmem>>, vector<1x4x1024xf32>
    %swap3A_162 = vector.shape_cast %swap3A_161 : vector<1x4x1024xf32> to vector<4x1024xf32>
    %swap3A_163 = vector.shape_cast %slice3A_157 : vector<4x1024xf32> to vector<1x4x1024xf32>
    tpu.vector_store %arg3[%swap3A_158, %swap3A_159, %swap3A_160], %swap3A_163 {strides = array<i32>} : memref<32x4x1024xf32, #tpu.memory_space<vmem>>, vector<1x4x1024xf32>,
    %slice3A_164 = vector.extract_strided_slice %transpose3A {offsets = [88, 0], sizes = [4, 1024], strides = [1, 1]} : vector<128x1024xf32> to vector<4x1024xf32>
    %swap3A_165 = arith.constant 22 : index
    %swap3A_166 = arith.constant 0 : index
    %swap3A_167 = arith.constant 0 : index
    %swap3A_168 = vector.load %arg3[%swap3A_165, %swap3A_166, %swap3A_167] : memref<32x4x1024xf32, #tpu.memory_space<vmem>>, vector<1x4x1024xf32>
    %swap3A_169 = vector.shape_cast %swap3A_168 : vector<1x4x1024xf32> to vector<4x1024xf32>
    %swap3A_170 = vector.shape_cast %slice3A_164 : vector<4x1024xf32> to vector<1x4x1024xf32>
    tpu.vector_store %arg3[%swap3A_165, %swap3A_166, %swap3A_167], %swap3A_170 {strides = array<i32>} : memref<32x4x1024xf32, #tpu.memory_space<vmem>>, vector<1x4x1024xf32>,
    %slice3A_171 = vector.extract_strided_slice %transpose3A {offsets = [92, 0], sizes = [4, 1024], strides = [1, 1]} : vector<128x1024xf32> to vector<4x1024xf32>
    %swap3A_172 = arith.constant 23 : index
    %swap3A_173 = arith.constant 0 : index
    %swap3A_174 = arith.constant 0 : index
    %swap3A_175 = vector.load %arg3[%swap3A_172, %swap3A_173, %swap3A_174] : memref<32x4x1024xf32, #tpu.memory_space<vmem>>, vector<1x4x1024xf32>
    %swap3A_176 = vector.shape_cast %swap3A_175 : vector<1x4x1024xf32> to vector<4x1024xf32>
    %swap3A_177 = vector.shape_cast %slice3A_171 : vector<4x1024xf32> to vector<1x4x1024xf32>
    tpu.vector_store %arg3[%swap3A_172, %swap3A_173, %swap3A_174], %swap3A_177 {strides = array<i32>} : memref<32x4x1024xf32, #tpu.memory_space<vmem>>, vector<1x4x1024xf32>,
    %slice3A_178 = vector.extract_strided_slice %transpose3A {offsets = [96, 0], sizes = [4, 1024], strides = [1, 1]} : vector<128x1024xf32> to vector<4x1024xf32>
    %swap3A_179 = arith.constant 24 : index
    %swap3A_180 = arith.constant 0 : index
    %swap3A_181 = arith.constant 0 : index
    %swap3A_182 = vector.load %arg3[%swap3A_179, %swap3A_180, %swap3A_181] : memref<32x4x1024xf32, #tpu.memory_space<vmem>>, vector<1x4x1024xf32>
    %swap3A_183 = vector.shape_cast %swap3A_182 : vector<1x4x1024xf32> to vector<4x1024xf32>
    %swap3A_184 = vector.shape_cast %slice3A_178 : vector<4x1024xf32> to vector<1x4x1024xf32>
    tpu.vector_store %arg3[%swap3A_179, %swap3A_180, %swap3A_181], %swap3A_184 {strides = array<i32>} : memref<32x4x1024xf32, #tpu.memory_space<vmem>>, vector<1x4x1024xf32>,
    %slice3A_185 = vector.extract_strided_slice %transpose3A {offsets = [100, 0], sizes = [4, 1024], strides = [1, 1]} : vector<128x1024xf32> to vector<4x1024xf32>
    %swap3A_186 = arith.constant 25 : index
    %swap3A_187 = arith.constant 0 : index
    %swap3A_188 = arith.constant 0 : index
    %swap3A_189 = vector.load %arg3[%swap3A_186, %swap3A_187, %swap3A_188] : memref<32x4x1024xf32, #tpu.memory_space<vmem>>, vector<1x4x1024xf32>
    %swap3A_190 = vector.shape_cast %swap3A_189 : vector<1x4x1024xf32> to vector<4x1024xf32>
    %swap3A_191 = vector.shape_cast %slice3A_185 : vector<4x1024xf32> to vector<1x4x1024xf32>
    tpu.vector_store %arg3[%swap3A_186, %swap3A_187, %swap3A_188], %swap3A_191 {strides = array<i32>} : memref<32x4x1024xf32, #tpu.memory_space<vmem>>, vector<1x4x1024xf32>,
    %slice3A_192 = vector.extract_strided_slice %transpose3A {offsets = [104, 0], sizes = [4, 1024], strides = [1, 1]} : vector<128x1024xf32> to vector<4x1024xf32>
    %swap3A_193 = arith.constant 26 : index
    %swap3A_194 = arith.constant 0 : index
    %swap3A_195 = arith.constant 0 : index
    %swap3A_196 = vector.load %arg3[%swap3A_193, %swap3A_194, %swap3A_195] : memref<32x4x1024xf32, #tpu.memory_space<vmem>>, vector<1x4x1024xf32>
    %swap3A_197 = vector.shape_cast %swap3A_196 : vector<1x4x1024xf32> to vector<4x1024xf32>
    %swap3A_198 = vector.shape_cast %slice3A_192 : vector<4x1024xf32> to vector<1x4x1024xf32>
    tpu.vector_store %arg3[%swap3A_193, %swap3A_194, %swap3A_195], %swap3A_198 {strides = array<i32>} : memref<32x4x1024xf32, #tpu.memory_space<vmem>>, vector<1x4x1024xf32>,
    %slice3A_199 = vector.extract_strided_slice %transpose3A {offsets = [108, 0], sizes = [4, 1024], strides = [1, 1]} : vector<128x1024xf32> to vector<4x1024xf32>
    %swap3A_200 = arith.constant 27 : index
    %swap3A_201 = arith.constant 0 : index
    %swap3A_202 = arith.constant 0 : index
    %swap3A_203 = vector.load %arg3[%swap3A_200, %swap3A_201, %swap3A_202] : memref<32x4x1024xf32, #tpu.memory_space<vmem>>, vector<1x4x1024xf32>
    %swap3A_204 = vector.shape_cast %swap3A_203 : vector<1x4x1024xf32> to vector<4x1024xf32>
    %swap3A_205 = vector.shape_cast %slice3A_199 : vector<4x1024xf32> to vector<1x4x1024xf32>
    tpu.vector_store %arg3[%swap3A_200, %swap3A_201, %swap3A_202], %swap3A_205 {strides = array<i32>} : memref<32x4x1024xf32, #tpu.memory_space<vmem>>, vector<1x4x1024xf32>,
    %slice3A_206 = vector.extract_strided_slice %transpose3A {offsets = [112, 0], sizes = [4, 1024], strides = [1, 1]} : vector<128x1024xf32> to vector<4x1024xf32>
    %swap3A_207 = arith.constant 28 : index
    %swap3A_208 = arith.constant 0 : index
    %swap3A_209 = arith.constant 0 : index
    %swap3A_210 = vector.load %arg3[%swap3A_207, %swap3A_208, %swap3A_209] : memref<32x4x1024xf32, #tpu.memory_space<vmem>>, vector<1x4x1024xf32>
    %swap3A_211 = vector.shape_cast %swap3A_210 : vector<1x4x1024xf32> to vector<4x1024xf32>
    %swap3A_212 = vector.shape_cast %slice3A_206 : vector<4x1024xf32> to vector<1x4x1024xf32>
    tpu.vector_store %arg3[%swap3A_207, %swap3A_208, %swap3A_209], %swap3A_212 {strides = array<i32>} : memref<32x4x1024xf32, #tpu.memory_space<vmem>>, vector<1x4x1024xf32>,
    %slice3A_213 = vector.extract_strided_slice %transpose3A {offsets = [116, 0], sizes = [4, 1024], strides = [1, 1]} : vector<128x1024xf32> to vector<4x1024xf32>
    %swap3A_214 = arith.constant 29 : index
    %swap3A_215 = arith.constant 0 : index
    %swap3A_216 = arith.constant 0 : index
    %swap3A_217 = vector.load %arg3[%swap3A_214, %swap3A_215, %swap3A_216] : memref<32x4x1024xf32, #tpu.memory_space<vmem>>, vector<1x4x1024xf32>
    %swap3A_218 = vector.shape_cast %swap3A_217 : vector<1x4x1024xf32> to vector<4x1024xf32>
    %swap3A_219 = vector.shape_cast %slice3A_213 : vector<4x1024xf32> to vector<1x4x1024xf32>
    tpu.vector_store %arg3[%swap3A_214, %swap3A_215, %swap3A_216], %swap3A_219 {strides = array<i32>} : memref<32x4x1024xf32, #tpu.memory_space<vmem>>, vector<1x4x1024xf32>,
    %slice3A_220 = vector.extract_strided_slice %transpose3A {offsets = [120, 0], sizes = [4, 1024], strides = [1, 1]} : vector<128x1024xf32> to vector<4x1024xf32>
    %swap3A_221 = arith.constant 30 : index
    %swap3A_222 = arith.constant 0 : index
    %swap3A_223 = arith.constant 0 : index
    %swap3A_224 = vector.load %arg3[%swap3A_221, %swap3A_222, %swap3A_223] : memref<32x4x1024xf32, #tpu.memory_space<vmem>>, vector<1x4x1024xf32>
    %swap3A_225 = vector.shape_cast %swap3A_224 : vector<1x4x1024xf32> to vector<4x1024xf32>
    %swap3A_226 = vector.shape_cast %slice3A_220 : vector<4x1024xf32> to vector<1x4x1024xf32>
    tpu.vector_store %arg3[%swap3A_221, %swap3A_222, %swap3A_223], %swap3A_226 {strides = array<i32>} : memref<32x4x1024xf32, #tpu.memory_space<vmem>>, vector<1x4x1024xf32>,
    %slice3A_227 = vector.extract_strided_slice %transpose3A {offsets = [124, 0], sizes = [4, 1024], strides = [1, 1]} : vector<128x1024xf32> to vector<4x1024xf32>
    %swap3A_228 = arith.constant 31 : index
    %swap3A_229 = arith.constant 0 : index
    %swap3A_230 = arith.constant 0 : index
    %swap3A_231 = vector.load %arg3[%swap3A_228, %swap3A_229, %swap3A_230] : memref<32x4x1024xf32, #tpu.memory_space<vmem>>, vector<1x4x1024xf32>
    %swap3A_232 = vector.shape_cast %swap3A_231 : vector<1x4x1024xf32> to vector<4x1024xf32>
    %swap3A_233 = vector.shape_cast %slice3A_227 : vector<4x1024xf32> to vector<1x4x1024xf32>
    tpu.vector_store %arg3[%swap3A_228, %swap3A_229, %swap3A_230], %swap3A_233 {strides = array<i32>} : memref<32x4x1024xf32, #tpu.memory_space<vmem>>, vector<1x4x1024xf32>,
    return
  }
  func.func @transform_0(%arg0: i32) -> (i32, i32) {
    %c0_i32 = arith.constant 0 : i32
    %c0_i32_0 = arith.constant 0 : i32
    return %arg0, %c0_i32 : i32, i32
  }
  func.func @transform_1(%arg0: i32) -> (i32, i32) {
    %c0_i32 = arith.constant 0 : i32
    %c0_i32_0 = arith.constant 0 : i32
    return %arg0, %c0_i32 : i32, i32
  }
  func.func @transform_2(%arg0: i32) -> (i32, i32, i32) {
    %c0_i32 = arith.constant 0 : i32
    %c0_i32_0 = arith.constant 0 : i32
    %c0_i32_1 = arith.constant 0 : i32
    return %c0_i32, %c0_i32_0, %arg0 : i32, i32, i32
  }
  func.func @transform_3(%arg0: i32) -> (i32, i32) {
    %c0_i32 = arith.constant 0 : i32
    %c0_i32_0 = arith.constant 0 : i32
    return %arg0, %c0_i32 : i32, i32
  }
  func.func @transform_4(%arg0: i32) -> (i32, i32) {
    %c0_i32 = arith.constant 0 : i32
    %c0_i32_0 = arith.constant 0 : i32
    return %arg0, %c0_i32 : i32, i32
  }
}

module attributes {stable_mosaic.version = 14 : i64} {
  func.func @_combine_body(%arg0: i32, %arg1: memref<32x4x1024xf32, #tpu.memory_space<vmem>>, %arg2: memref<1024x128xf32, #tpu.memory_space<vmem>>, %arg3: memref<1024x1xf32, #tpu.memory_space<vmem>>, %arg4: memref<1x128xf32, #tpu.memory_space<vmem>>, %arg5: memref<1024x128xf32, #tpu.memory_space<vmem>>, %arg6: memref<1x1x128xf32, #tpu.memory_space<vmem>>) attributes {dimension_semantics = [#tpu.dimension_semantics<arbitrary>], iteration_bounds = array<i64: 10>, scalar_prefetch = 0 : i64, scratch_operands = 0 : i64, tpu.core_type = #tpu.core_type<tc>, window_params = [{transform_indices = @transform_0, window_bounds = array<i64: 32, 4, 1024>}, {transform_indices = @transform_1, window_bounds = array<i64: 1024, 128>}, {transform_indices = @transform_2, window_bounds = array<i64: 1024, 1>}, {pipeline_mode = #tpu.pipeline_mode<synchronous>, transform_indices = @transform_3, window_bounds = array<i64: 1, 128>}, {transform_indices = @transform_4, window_bounds = array<i64: 1024, 128>}, {transform_indices = @transform_5, window_bounds = array<i64: 1, 1, 128>}]} {
    %get3A = arith.constant 0 : index
    %get3A_0 = arith.constant 0 : index
    %get3A_1 = arith.constant 0 : index
    %get3A_2 = vector.load %arg1[%get3A, %get3A_0, %get3A_1] : memref<32x4x1024xf32, #tpu.memory_space<vmem>>, vector<1x4x1024xf32>
    %get3A_3 = vector.shape_cast %get3A_2 : vector<1x4x1024xf32> to vector<4x1024xf32>
    %get3A_4 = arith.constant 1 : index
    %get3A_5 = arith.constant 0 : index
    %get3A_6 = arith.constant 0 : index
    %get3A_7 = vector.load %arg1[%get3A_4, %get3A_5, %get3A_6] : memref<32x4x1024xf32, #tpu.memory_space<vmem>>, vector<1x4x1024xf32>
    %get3A_8 = vector.shape_cast %get3A_7 : vector<1x4x1024xf32> to vector<4x1024xf32>
    %get3A_9 = arith.constant 2 : index
    %get3A_10 = arith.constant 0 : index
    %get3A_11 = arith.constant 0 : index
    %get3A_12 = vector.load %arg1[%get3A_9, %get3A_10, %get3A_11] : memref<32x4x1024xf32, #tpu.memory_space<vmem>>, vector<1x4x1024xf32>
    %get3A_13 = vector.shape_cast %get3A_12 : vector<1x4x1024xf32> to vector<4x1024xf32>
    %get3A_14 = arith.constant 3 : index
    %get3A_15 = arith.constant 0 : index
    %get3A_16 = arith.constant 0 : index
    %get3A_17 = vector.load %arg1[%get3A_14, %get3A_15, %get3A_16] : memref<32x4x1024xf32, #tpu.memory_space<vmem>>, vector<1x4x1024xf32>
    %get3A_18 = vector.shape_cast %get3A_17 : vector<1x4x1024xf32> to vector<4x1024xf32>
    %get3A_19 = arith.constant 4 : index
    %get3A_20 = arith.constant 0 : index
    %get3A_21 = arith.constant 0 : index
    %get3A_22 = vector.load %arg1[%get3A_19, %get3A_20, %get3A_21] : memref<32x4x1024xf32, #tpu.memory_space<vmem>>, vector<1x4x1024xf32>
    %get3A_23 = vector.shape_cast %get3A_22 : vector<1x4x1024xf32> to vector<4x1024xf32>
    %get3A_24 = arith.constant 5 : index
    %get3A_25 = arith.constant 0 : index
    %get3A_26 = arith.constant 0 : index
    %get3A_27 = vector.load %arg1[%get3A_24, %get3A_25, %get3A_26] : memref<32x4x1024xf32, #tpu.memory_space<vmem>>, vector<1x4x1024xf32>
    %get3A_28 = vector.shape_cast %get3A_27 : vector<1x4x1024xf32> to vector<4x1024xf32>
    %get3A_29 = arith.constant 6 : index
    %get3A_30 = arith.constant 0 : index
    %get3A_31 = arith.constant 0 : index
    %get3A_32 = vector.load %arg1[%get3A_29, %get3A_30, %get3A_31] : memref<32x4x1024xf32, #tpu.memory_space<vmem>>, vector<1x4x1024xf32>
    %get3A_33 = vector.shape_cast %get3A_32 : vector<1x4x1024xf32> to vector<4x1024xf32>
    %get3A_34 = arith.constant 7 : index
    %get3A_35 = arith.constant 0 : index
    %get3A_36 = arith.constant 0 : index
    %get3A_37 = vector.load %arg1[%get3A_34, %get3A_35, %get3A_36] : memref<32x4x1024xf32, #tpu.memory_space<vmem>>, vector<1x4x1024xf32>
    %get3A_38 = vector.shape_cast %get3A_37 : vector<1x4x1024xf32> to vector<4x1024xf32>
    %get3A_39 = arith.constant 8 : index
    %get3A_40 = arith.constant 0 : index
    %get3A_41 = arith.constant 0 : index
    %get3A_42 = vector.load %arg1[%get3A_39, %get3A_40, %get3A_41] : memref<32x4x1024xf32, #tpu.memory_space<vmem>>, vector<1x4x1024xf32>
    %get3A_43 = vector.shape_cast %get3A_42 : vector<1x4x1024xf32> to vector<4x1024xf32>
    %get3A_44 = arith.constant 9 : index
    %get3A_45 = arith.constant 0 : index
    %get3A_46 = arith.constant 0 : index
    %get3A_47 = vector.load %arg1[%get3A_44, %get3A_45, %get3A_46] : memref<32x4x1024xf32, #tpu.memory_space<vmem>>, vector<1x4x1024xf32>
    %get3A_48 = vector.shape_cast %get3A_47 : vector<1x4x1024xf32> to vector<4x1024xf32>
    %get3A_49 = arith.constant 10 : index
    %get3A_50 = arith.constant 0 : index
    %get3A_51 = arith.constant 0 : index
    %get3A_52 = vector.load %arg1[%get3A_49, %get3A_50, %get3A_51] : memref<32x4x1024xf32, #tpu.memory_space<vmem>>, vector<1x4x1024xf32>
    %get3A_53 = vector.shape_cast %get3A_52 : vector<1x4x1024xf32> to vector<4x1024xf32>
    %get3A_54 = arith.constant 11 : index
    %get3A_55 = arith.constant 0 : index
    %get3A_56 = arith.constant 0 : index
    %get3A_57 = vector.load %arg1[%get3A_54, %get3A_55, %get3A_56] : memref<32x4x1024xf32, #tpu.memory_space<vmem>>, vector<1x4x1024xf32>
    %get3A_58 = vector.shape_cast %get3A_57 : vector<1x4x1024xf32> to vector<4x1024xf32>
    %get3A_59 = arith.constant 12 : index
    %get3A_60 = arith.constant 0 : index
    %get3A_61 = arith.constant 0 : index
    %get3A_62 = vector.load %arg1[%get3A_59, %get3A_60, %get3A_61] : memref<32x4x1024xf32, #tpu.memory_space<vmem>>, vector<1x4x1024xf32>
    %get3A_63 = vector.shape_cast %get3A_62 : vector<1x4x1024xf32> to vector<4x1024xf32>
    %get3A_64 = arith.constant 13 : index
    %get3A_65 = arith.constant 0 : index
    %get3A_66 = arith.constant 0 : index
    %get3A_67 = vector.load %arg1[%get3A_64, %get3A_65, %get3A_66] : memref<32x4x1024xf32, #tpu.memory_space<vmem>>, vector<1x4x1024xf32>
    %get3A_68 = vector.shape_cast %get3A_67 : vector<1x4x1024xf32> to vector<4x1024xf32>
    %get3A_69 = arith.constant 14 : index
    %get3A_70 = arith.constant 0 : index
    %get3A_71 = arith.constant 0 : index
    %get3A_72 = vector.load %arg1[%get3A_69, %get3A_70, %get3A_71] : memref<32x4x1024xf32, #tpu.memory_space<vmem>>, vector<1x4x1024xf32>
    %get3A_73 = vector.shape_cast %get3A_72 : vector<1x4x1024xf32> to vector<4x1024xf32>
    %get3A_74 = arith.constant 15 : index
    %get3A_75 = arith.constant 0 : index
    %get3A_76 = arith.constant 0 : index
    %get3A_77 = vector.load %arg1[%get3A_74, %get3A_75, %get3A_76] : memref<32x4x1024xf32, #tpu.memory_space<vmem>>, vector<1x4x1024xf32>
    %get3A_78 = vector.shape_cast %get3A_77 : vector<1x4x1024xf32> to vector<4x1024xf32>
    %get3A_79 = arith.constant 16 : index
    %get3A_80 = arith.constant 0 : index
    %get3A_81 = arith.constant 0 : index
    %get3A_82 = vector.load %arg1[%get3A_79, %get3A_80, %get3A_81] : memref<32x4x1024xf32, #tpu.memory_space<vmem>>, vector<1x4x1024xf32>
    %get3A_83 = vector.shape_cast %get3A_82 : vector<1x4x1024xf32> to vector<4x1024xf32>
    %get3A_84 = arith.constant 17 : index
    %get3A_85 = arith.constant 0 : index
    %get3A_86 = arith.constant 0 : index
    %get3A_87 = vector.load %arg1[%get3A_84, %get3A_85, %get3A_86] : memref<32x4x1024xf32, #tpu.memory_space<vmem>>, vector<1x4x1024xf32>
    %get3A_88 = vector.shape_cast %get3A_87 : vector<1x4x1024xf32> to vector<4x1024xf32>
    %get3A_89 = arith.constant 18 : index
    %get3A_90 = arith.constant 0 : index
    %get3A_91 = arith.constant 0 : index
    %get3A_92 = vector.load %arg1[%get3A_89, %get3A_90, %get3A_91] : memref<32x4x1024xf32, #tpu.memory_space<vmem>>, vector<1x4x1024xf32>
    %get3A_93 = vector.shape_cast %get3A_92 : vector<1x4x1024xf32> to vector<4x1024xf32>
    %get3A_94 = arith.constant 19 : index
    %get3A_95 = arith.constant 0 : index
    %get3A_96 = arith.constant 0 : index
    %get3A_97 = vector.load %arg1[%get3A_94, %get3A_95, %get3A_96] : memref<32x4x1024xf32, #tpu.memory_space<vmem>>, vector<1x4x1024xf32>
    %get3A_98 = vector.shape_cast %get3A_97 : vector<1x4x1024xf32> to vector<4x1024xf32>
    %get3A_99 = arith.constant 20 : index
    %get3A_100 = arith.constant 0 : index
    %get3A_101 = arith.constant 0 : index
    %get3A_102 = vector.load %arg1[%get3A_99, %get3A_100, %get3A_101] : memref<32x4x1024xf32, #tpu.memory_space<vmem>>, vector<1x4x1024xf32>
    %get3A_103 = vector.shape_cast %get3A_102 : vector<1x4x1024xf32> to vector<4x1024xf32>
    %get3A_104 = arith.constant 21 : index
    %get3A_105 = arith.constant 0 : index
    %get3A_106 = arith.constant 0 : index
    %get3A_107 = vector.load %arg1[%get3A_104, %get3A_105, %get3A_106] : memref<32x4x1024xf32, #tpu.memory_space<vmem>>, vector<1x4x1024xf32>
    %get3A_108 = vector.shape_cast %get3A_107 : vector<1x4x1024xf32> to vector<4x1024xf32>
    %get3A_109 = arith.constant 22 : index
    %get3A_110 = arith.constant 0 : index
    %get3A_111 = arith.constant 0 : index
    %get3A_112 = vector.load %arg1[%get3A_109, %get3A_110, %get3A_111] : memref<32x4x1024xf32, #tpu.memory_space<vmem>>, vector<1x4x1024xf32>
    %get3A_113 = vector.shape_cast %get3A_112 : vector<1x4x1024xf32> to vector<4x1024xf32>
    %get3A_114 = arith.constant 23 : index
    %get3A_115 = arith.constant 0 : index
    %get3A_116 = arith.constant 0 : index
    %get3A_117 = vector.load %arg1[%get3A_114, %get3A_115, %get3A_116] : memref<32x4x1024xf32, #tpu.memory_space<vmem>>, vector<1x4x1024xf32>
    %get3A_118 = vector.shape_cast %get3A_117 : vector<1x4x1024xf32> to vector<4x1024xf32>
    %get3A_119 = arith.constant 24 : index
    %get3A_120 = arith.constant 0 : index
    %get3A_121 = arith.constant 0 : index
    %get3A_122 = vector.load %arg1[%get3A_119, %get3A_120, %get3A_121] : memref<32x4x1024xf32, #tpu.memory_space<vmem>>, vector<1x4x1024xf32>
    %get3A_123 = vector.shape_cast %get3A_122 : vector<1x4x1024xf32> to vector<4x1024xf32>
    %get3A_124 = arith.constant 25 : index
    %get3A_125 = arith.constant 0 : index
    %get3A_126 = arith.constant 0 : index
    %get3A_127 = vector.load %arg1[%get3A_124, %get3A_125, %get3A_126] : memref<32x4x1024xf32, #tpu.memory_space<vmem>>, vector<1x4x1024xf32>
    %get3A_128 = vector.shape_cast %get3A_127 : vector<1x4x1024xf32> to vector<4x1024xf32>
    %get3A_129 = arith.constant 26 : index
    %get3A_130 = arith.constant 0 : index
    %get3A_131 = arith.constant 0 : index
    %get3A_132 = vector.load %arg1[%get3A_129, %get3A_130, %get3A_131] : memref<32x4x1024xf32, #tpu.memory_space<vmem>>, vector<1x4x1024xf32>
    %get3A_133 = vector.shape_cast %get3A_132 : vector<1x4x1024xf32> to vector<4x1024xf32>
    %get3A_134 = arith.constant 27 : index
    %get3A_135 = arith.constant 0 : index
    %get3A_136 = arith.constant 0 : index
    %get3A_137 = vector.load %arg1[%get3A_134, %get3A_135, %get3A_136] : memref<32x4x1024xf32, #tpu.memory_space<vmem>>, vector<1x4x1024xf32>
    %get3A_138 = vector.shape_cast %get3A_137 : vector<1x4x1024xf32> to vector<4x1024xf32>
    %get3A_139 = arith.constant 28 : index
    %get3A_140 = arith.constant 0 : index
    %get3A_141 = arith.constant 0 : index
    %get3A_142 = vector.load %arg1[%get3A_139, %get3A_140, %get3A_141] : memref<32x4x1024xf32, #tpu.memory_space<vmem>>, vector<1x4x1024xf32>
    %get3A_143 = vector.shape_cast %get3A_142 : vector<1x4x1024xf32> to vector<4x1024xf32>
    %get3A_144 = arith.constant 29 : index
    %get3A_145 = arith.constant 0 : index
    %get3A_146 = arith.constant 0 : index
    %get3A_147 = vector.load %arg1[%get3A_144, %get3A_145, %get3A_146] : memref<32x4x1024xf32, #tpu.memory_space<vmem>>, vector<1x4x1024xf32>
    %get3A_148 = vector.shape_cast %get3A_147 : vector<1x4x1024xf32> to vector<4x1024xf32>
    %get3A_149 = arith.constant 30 : index
    %get3A_150 = arith.constant 0 : index
    %get3A_151 = arith.constant 0 : index
    %get3A_152 = vector.load %arg1[%get3A_149, %get3A_150, %get3A_151] : memref<32x4x1024xf32, #tpu.memory_space<vmem>>, vector<1x4x1024xf32>
    %get3A_153 = vector.shape_cast %get3A_152 : vector<1x4x1024xf32> to vector<4x1024xf32>
    %get3A_154 = arith.constant 31 : index
    %get3A_155 = arith.constant 0 : index
    %get3A_156 = arith.constant 0 : index
    %get3A_157 = vector.load %arg1[%get3A_154, %get3A_155, %get3A_156] : memref<32x4x1024xf32, #tpu.memory_space<vmem>>, vector<1x4x1024xf32>
    %get3A_158 = vector.shape_cast %get3A_157 : vector<1x4x1024xf32> to vector<4x1024xf32>
    %concatenate3A = tpu.concatenate %get3A_3, %get3A_8, %get3A_13, %get3A_18, %get3A_23, %get3A_28, %get3A_33, %get3A_38, %get3A_43, %get3A_48, %get3A_53, %get3A_58, %get3A_63, %get3A_68, %get3A_73, %get3A_78, %get3A_83, %get3A_88, %get3A_93, %get3A_98, %get3A_103, %get3A_108, %get3A_113, %get3A_118, %get3A_123, %get3A_128, %get3A_133, %get3A_138, %get3A_143, %get3A_148, %get3A_153, %get3A_158 in 0 : vector<4x1024xf32>, vector<4x1024xf32>, vector<4x1024xf32>, vector<4x1024xf32>, vector<4x1024xf32>, vector<4x1024xf32>, vector<4x1024xf32>, vector<4x1024xf32>, vector<4x1024xf32>, vector<4x1024xf32>, vector<4x1024xf32>, vector<4x1024xf32>, vector<4x1024xf32>, vector<4x1024xf32>, vector<4x1024xf32>, vector<4x1024xf32>, vector<4x1024xf32>, vector<4x1024xf32>, vector<4x1024xf32>, vector<4x1024xf32>, vector<4x1024xf32>, vector<4x1024xf32>, vector<4x1024xf32>, vector<4x1024xf32>, vector<4x1024xf32>, vector<4x1024xf32>, vector<4x1024xf32>, vector<4x1024xf32>, vector<4x1024xf32>, vector<4x1024xf32>, vector<4x1024xf32>, vector<4x1024xf32> -> vector<128x1024xf32>
    %transpose3A = tpu.transpose %concatenate3A, [1, 0] : vector<128x1024xf32> -> vector<1024x128xf32>
    %get3A_159 = arith.constant 0 : index
    %get3A_160 = arith.constant 0 : index
    %get3A_161 = vector.load %arg3[%get3A_159, %get3A_160] : memref<1024x1xf32, #tpu.memory_space<vmem>>, vector<1024x1xf32>
    %get3A_162 = arith.constant 0 : index
    %get3A_163 = arith.constant 0 : index
    %get3A_164 = vector.load %arg2[%get3A_162, %get3A_163] : memref<1024x128xf32, #tpu.memory_space<vmem>>, vector<1024x128xf32>
    %add3A = arith.addf %transpose3A, %get3A_164 : vector<1024x128xf32>
    %mul3A = vector.broadcast %get3A_161 : vector<1024x1xf32> to vector<1024x128xf32>
    %mul3A_165 = arith.mulf %mul3A, %add3A : vector<1024x128xf32>
    %get3A_166 = arith.constant 0 : index
    %get3A_167 = arith.constant 0 : index
    %get3A_168 = vector.load %arg4[%get3A_166, %get3A_167] : memref<1x128xf32, #tpu.memory_space<vmem>>, vector<1x128xf32>
    %add3A_169 = vector.broadcast %get3A_168 : vector<1x128xf32> to vector<1024x128xf32>
    %add3A_170 = arith.addf %mul3A_165, %add3A_169 : vector<1024x128xf32>
    %swap3A = arith.constant 0 : index
    %swap3A_171 = arith.constant 0 : index
    %swap3A_172 = vector.load %arg5[%swap3A, %swap3A_171] : memref<1024x128xf32, #tpu.memory_space<vmem>>, vector<1024x128xf32>
    tpu.vector_store %arg5[%swap3A, %swap3A_171], %add3A_170 {strides = array<i32>} : memref<1024x128xf32, #tpu.memory_space<vmem>>, vector<1024x128xf32>,
    %mul3A_173 = arith.constant 1024 : i32
    %mul3A_174 = arith.muli %arg0, %mul3A_173 : i32
    %iota3A = tpu.iota {dimensions = array<i32: 0>} : vector<1024x1xi32>
    %add3A_175 = vector.broadcast %mul3A_174 : i32 to vector<1024x1xi32>
    %add3A_176 = arith.addi %add3A_175, %iota3A : vector<1024x1xi32>
    %lt3A = arith.constant 10000 : i32
    %lt3A_177 = vector.broadcast %lt3A : i32 to vector<1024x1xi32>
    %lt3A_178 = arith.cmpi slt, %add3A_176, %lt3A_177 : vector<1024x1xi32>
    %jit3A = arith.constant 0.000000e+00 : f32
    %broadcast_in_dim3A = vector.shape_cast %lt3A_178 : vector<1024x1xi1> to vector<1024x1xi1>
    %broadcast_in_dim3A_179 = vector.broadcast %broadcast_in_dim3A : vector<1024x1xi1> to vector<1024x128xi1>
    %broadcast_in_dim3A_180 = vector.broadcast %jit3A : f32 to vector<1024x128xf32>
    %select_n3A = arith.select %broadcast_in_dim3A_179, %add3A_170, %broadcast_in_dim3A_180 : vector<1024x128xi1>, vector<1024x128xf32>
    %reduce_sum3A = vector.shape_cast %select_n3A : vector<1024x128xf32> to vector<1x1024x128xf32>
    %reduce_sum3A_181 = arith.constant dense<0.000000e+00> : vector<1xf32>
    %reduce_sum3A_182 = vector.multi_reduction <add>, %reduce_sum3A, %reduce_sum3A_181 [1, 2] : vector<1x1024x128xf32> to vector<1xf32>
    %reduce_sum3A_183 = vector.shape_cast %reduce_sum3A_182 : vector<1xf32> to vector<1x1x1xf32>
    %reduce_sum3A_184 = vector.extract %reduce_sum3A_183[0, 0, 0] : f32 from vector<1x1x1xf32>
    %mul3A_185 = arith.mulf %select_n3A, %select_n3A : vector<1024x128xf32>
    %reduce_sum3A_186 = vector.shape_cast %mul3A_185 : vector<1024x128xf32> to vector<1x1024x128xf32>
    %reduce_sum3A_187 = arith.constant dense<0.000000e+00> : vector<1xf32>
    %reduce_sum3A_188 = vector.multi_reduction <add>, %reduce_sum3A_186, %reduce_sum3A_187 [1, 2] : vector<1x1024x128xf32> to vector<1xf32>
    %reduce_sum3A_189 = vector.shape_cast %reduce_sum3A_188 : vector<1xf32> to vector<1x1x1xf32>
    %reduce_sum3A_190 = vector.extract %reduce_sum3A_189[0, 0, 0] : f32 from vector<1x1x1xf32>
    %iota3A_191 = tpu.iota {dimensions = array<i32: 2>} : vector<1x1x128xi32>
    %eq3A = arith.constant 0 : i32
    %eq3A_192 = vector.broadcast %eq3A : i32 to vector<1x1x128xi32>
    %eq3A_193 = arith.cmpi eq, %iota3A_191, %eq3A_192 : vector<1x1x128xi32>
    %eq3A_194 = arith.constant 1 : i32
    %eq3A_195 = vector.broadcast %eq3A_194 : i32 to vector<1x1x128xi32>
    %eq3A_196 = arith.cmpi eq, %iota3A_191, %eq3A_195 : vector<1x1x128xi32>
    %jit3A_197 = arith.constant 0.000000e+00 : f32
    %broadcast_in_dim3A_198 = vector.broadcast %reduce_sum3A_190 : f32 to vector<1x1x128xf32>
    %broadcast_in_dim3A_199 = vector.broadcast %jit3A_197 : f32 to vector<1x1x128xf32>
    %select_n3A_200 = arith.select %eq3A_196, %broadcast_in_dim3A_198, %broadcast_in_dim3A_199 : vector<1x1x128xi1>, vector<1x1x128xf32>
    %broadcast_in_dim3A_201 = vector.broadcast %reduce_sum3A_184 : f32 to vector<1x1x128xf32>
    %select_n3A_202 = arith.select %eq3A_193, %broadcast_in_dim3A_201, %select_n3A_200 : vector<1x1x128xi1>, vector<1x1x128xf32>
    %swap3A_203 = arith.constant 0 : index
    %swap3A_204 = arith.constant 0 : index
    %swap3A_205 = arith.constant 0 : index
    %swap3A_206 = vector.load %arg6[%swap3A_203, %swap3A_204, %swap3A_205] : memref<1x1x128xf32, #tpu.memory_space<vmem>>, vector<1x1x128xf32>
    tpu.vector_store %arg6[%swap3A_203, %swap3A_204, %swap3A_205], %select_n3A_202 {strides = array<i32>} : memref<1x1x128xf32, #tpu.memory_space<vmem>>, vector<1x1x128xf32>,
    return
  }
  func.func @transform_0(%arg0: i32) -> (i32, i32, i32) {
    %c0_i32 = arith.constant 0 : i32
    %c0_i32_0 = arith.constant 0 : i32
    %c0_i32_1 = arith.constant 0 : i32
    return %c0_i32, %c0_i32_0, %arg0 : i32, i32, i32
  }
  func.func @transform_1(%arg0: i32) -> (i32, i32) {
    %c0_i32 = arith.constant 0 : i32
    %c0_i32_0 = arith.constant 0 : i32
    return %arg0, %c0_i32 : i32, i32
  }
  func.func @transform_2(%arg0: i32) -> (i32, i32) {
    %c0_i32 = arith.constant 0 : i32
    %c0_i32_0 = arith.constant 0 : i32
    return %arg0, %c0_i32 : i32, i32
  }
  func.func @transform_3(%arg0: i32) -> (i32, i32) {
    %c0_i32 = arith.constant 0 : i32
    %c0_i32_0 = arith.constant 0 : i32
    %c0_i32_1 = arith.constant 0 : i32
    return %c0_i32, %c0_i32_0 : i32, i32
  }
  func.func @transform_4(%arg0: i32) -> (i32, i32) {
    %c0_i32 = arith.constant 0 : i32
    %c0_i32_0 = arith.constant 0 : i32
    return %arg0, %c0_i32 : i32, i32
  }
  func.func @transform_5(%arg0: i32) -> (i32, i32, i32) {
    %c0_i32 = arith.constant 0 : i32
    %c0_i32_0 = arith.constant 0 : i32
    %c0_i32_1 = arith.constant 0 : i32
    return %arg0, %c0_i32, %c0_i32_0 : i32, i32, i32
  }
}

module attributes {stable_mosaic.version = 14 : i64} {
  func.func @_mid_body(%arg0: i32, %arg1: memref<1024x128xf32, #tpu.memory_space<vmem>>, %arg2: memref<10x1x128xf32, #tpu.memory_space<vmem>>, %arg3: memref<1x128xf32, #tpu.memory_space<vmem>>, %arg4: memref<1x128xf32, #tpu.memory_space<vmem>>, %arg5: memref<128x128xf32, #tpu.memory_space<vmem>>, %arg6: memref<1024x1xf32, #tpu.memory_space<vmem>>, %arg7: memref<32x4x1024xf32, #tpu.memory_space<vmem>>, %arg8: memref<1024x128xf32, #tpu.memory_space<vmem>>) attributes {dimension_semantics = [#tpu.dimension_semantics<arbitrary>], iteration_bounds = array<i64: 10>, scalar_prefetch = 0 : i64, scratch_operands = 0 : i64, tpu.core_type = #tpu.core_type<tc>, window_params = [{transform_indices = @transform_0, window_bounds = array<i64: 1024, 128>}, {pipeline_mode = #tpu.pipeline_mode<synchronous>, transform_indices = @transform_1, window_bounds = array<i64: 10, 1, 128>}, {pipeline_mode = #tpu.pipeline_mode<synchronous>, transform_indices = @transform_2, window_bounds = array<i64: 1, 128>}, {pipeline_mode = #tpu.pipeline_mode<synchronous>, transform_indices = @transform_3, window_bounds = array<i64: 1, 128>}, {pipeline_mode = #tpu.pipeline_mode<synchronous>, transform_indices = @transform_4, window_bounds = array<i64: 128, 128>}, {transform_indices = @transform_5, window_bounds = array<i64: 1024, 1>}, {transform_indices = @transform_6, window_bounds = array<i64: 32, 4, 1024>}, {transform_indices = @transform_7, window_bounds = array<i64: 1024, 128>}]} {
    %get3A = arith.constant 0 : index
    %get3A_0 = arith.constant 0 : index
    %get3A_1 = arith.constant 0 : index
    %get3A_2 = vector.load %arg2[%get3A, %get3A_0, %get3A_1] : memref<10x1x128xf32, #tpu.memory_space<vmem>>, vector<10x1x1xf32>
    %reduce_sum3A = vector.shape_cast %get3A_2 : vector<10x1x1xf32> to vector<1x10x1x1xf32>
    %reduce_sum3A_3 = arith.constant dense<0.000000e+00> : vector<1xf32>
    %reduce_sum3A_4 = vector.multi_reduction <add>, %reduce_sum3A, %reduce_sum3A_3 [1, 2, 3] : vector<1x10x1x1xf32> to vector<1xf32>
    %reduce_sum3A_5 = vector.shape_cast %reduce_sum3A_4 : vector<1xf32> to vector<1x1x1x1xf32>
    %reduce_sum3A_6 = vector.extract %reduce_sum3A_5[0, 0, 0, 0] : f32 from vector<1x1x1x1xf32>
    %get3A_7 = arith.constant 0 : index
    %get3A_8 = arith.constant 0 : index
    %get3A_9 = arith.constant 1 : index
    %get3A_10 = vector.load %arg2[%get3A_7, %get3A_8, %get3A_9] : memref<10x1x128xf32, #tpu.memory_space<vmem>>, vector<10x1x1xf32>
    %reduce_sum3A_11 = vector.shape_cast %get3A_10 : vector<10x1x1xf32> to vector<1x10x1x1xf32>
    %reduce_sum3A_12 = arith.constant dense<0.000000e+00> : vector<1xf32>
    %reduce_sum3A_13 = vector.multi_reduction <add>, %reduce_sum3A_11, %reduce_sum3A_12 [1, 2, 3] : vector<1x10x1x1xf32> to vector<1xf32>
    %reduce_sum3A_14 = vector.shape_cast %reduce_sum3A_13 : vector<1xf32> to vector<1x1x1x1xf32>
    %reduce_sum3A_15 = vector.extract %reduce_sum3A_14[0, 0, 0, 0] : f32 from vector<1x1x1x1xf32>
    %div3A = arith.constant 1.280000e+06 : f32
    %div3A_16 = arith.divf %reduce_sum3A_6, %div3A : f32
    %div3A_17 = arith.constant 1.280000e+06 : f32
    %div3A_18 = arith.divf %reduce_sum3A_15, %div3A_17 : f32
    %mul3A = arith.mulf %div3A_16, %div3A_16 : f32
    %sub3A = arith.subf %div3A_18, %mul3A : f32
    %add3A = arith.constant 9.99999974E-6 : f32
    %add3A_19 = arith.addf %sub3A, %add3A : f32
    %rsqrt3A = math.rsqrt %add3A_19 : f32
    %get3A_20 = arith.constant 0 : index
    %get3A_21 = arith.constant 0 : index
    %get3A_22 = vector.load %arg1[%get3A_20, %get3A_21] : memref<1024x128xf32, #tpu.memory_space<vmem>>, vector<1024x128xf32>
    %sub3A_23 = vector.broadcast %div3A_16 : f32 to vector<1024x128xf32>
    %sub3A_24 = arith.subf %get3A_22, %sub3A_23 : vector<1024x128xf32>
    %mul3A_25 = vector.broadcast %rsqrt3A : f32 to vector<1024x128xf32>
    %mul3A_26 = arith.mulf %sub3A_24, %mul3A_25 : vector<1024x128xf32>
    %get3A_27 = arith.constant 0 : index
    %get3A_28 = arith.constant 0 : index
    %get3A_29 = vector.load %arg3[%get3A_27, %get3A_28] : memref<1x128xf32, #tpu.memory_space<vmem>>, vector<1x128xf32>
    %mul3A_30 = vector.broadcast %get3A_29 : vector<1x128xf32> to vector<1024x128xf32>
    %mul3A_31 = arith.mulf %mul3A_26, %mul3A_30 : vector<1024x128xf32>
    %get3A_32 = arith.constant 0 : index
    %get3A_33 = arith.constant 0 : index
    %get3A_34 = vector.load %arg4[%get3A_32, %get3A_33] : memref<1x128xf32, #tpu.memory_space<vmem>>, vector<1x128xf32>
    %add3A_35 = vector.broadcast %get3A_34 : vector<1x128xf32> to vector<1024x128xf32>
    %add3A_36 = arith.addf %mul3A_31, %add3A_35 : vector<1024x128xf32>
    %max3A = arith.constant 0.000000e+00 : f32
    %max3A_37 = vector.broadcast %max3A : f32 to vector<1024x128xf32>
    %max3A_38 = arith.maximumf %add3A_36, %max3A_37 : vector<1024x128xf32>
    %get3A_39 = arith.constant 0 : index
    %get3A_40 = arith.constant 0 : index
    %get3A_41 = vector.load %arg5[%get3A_39, %get3A_40] : memref<128x128xf32, #tpu.memory_space<vmem>>, vector<128x128xf32>
    %dot_general3A = arith.constant dense<0.000000e+00> : vector<1024x128xf32>
    %dot_general3A_42 = tpu.matmul %max3A_38, %get3A_41, %dot_general3A {dimension_numbers = #tpu.dot_dimension_numbers<[1], [0], [0], [1], [0, 0, 1, 1], [], []>, transpose_lhs_hint = false} : vector<1024x128xf32>, vector<128x128xf32>, vector<1024x128xf32> -> vector<1024x128xf32>
    %get3A_43 = arith.constant 0 : index
    %get3A_44 = arith.constant 0 : index
    %get3A_45 = vector.load %arg6[%get3A_43, %get3A_44] : memref<1024x1xf32, #tpu.memory_space<vmem>>, vector<1024x1xf32>
    %mul3A_46 = vector.broadcast %get3A_45 : vector<1024x1xf32> to vector<1024x128xf32>
    %mul3A_47 = arith.mulf %mul3A_46, %dot_general3A_42 : vector<1024x128xf32>
    %swap3A = arith.constant 0 : index
    %swap3A_48 = arith.constant 0 : index
    %swap3A_49 = vector.load %arg8[%swap3A, %swap3A_48] : memref<1024x128xf32, #tpu.memory_space<vmem>>, vector<1024x128xf32>
    tpu.vector_store %arg8[%swap3A, %swap3A_48], %mul3A_47 {strides = array<i32>} : memref<1024x128xf32, #tpu.memory_space<vmem>>, vector<1024x128xf32>,
    %transpose3A = tpu.transpose %mul3A_47, [1, 0] : vector<1024x128xf32> -> vector<128x1024xf32>
    %slice3A = vector.extract_strided_slice %transpose3A {offsets = [0, 0], sizes = [4, 1024], strides = [1, 1]} : vector<128x1024xf32> to vector<4x1024xf32>
    %swap3A_50 = arith.constant 0 : index
    %swap3A_51 = arith.constant 0 : index
    %swap3A_52 = arith.constant 0 : index
    %swap3A_53 = vector.load %arg7[%swap3A_50, %swap3A_51, %swap3A_52] : memref<32x4x1024xf32, #tpu.memory_space<vmem>>, vector<1x4x1024xf32>
    %swap3A_54 = vector.shape_cast %swap3A_53 : vector<1x4x1024xf32> to vector<4x1024xf32>
    %swap3A_55 = vector.shape_cast %slice3A : vector<4x1024xf32> to vector<1x4x1024xf32>
    tpu.vector_store %arg7[%swap3A_50, %swap3A_51, %swap3A_52], %swap3A_55 {strides = array<i32>} : memref<32x4x1024xf32, #tpu.memory_space<vmem>>, vector<1x4x1024xf32>,
    %slice3A_56 = vector.extract_strided_slice %transpose3A {offsets = [4, 0], sizes = [4, 1024], strides = [1, 1]} : vector<128x1024xf32> to vector<4x1024xf32>
    %swap3A_57 = arith.constant 1 : index
    %swap3A_58 = arith.constant 0 : index
    %swap3A_59 = arith.constant 0 : index
    %swap3A_60 = vector.load %arg7[%swap3A_57, %swap3A_58, %swap3A_59] : memref<32x4x1024xf32, #tpu.memory_space<vmem>>, vector<1x4x1024xf32>
    %swap3A_61 = vector.shape_cast %swap3A_60 : vector<1x4x1024xf32> to vector<4x1024xf32>
    %swap3A_62 = vector.shape_cast %slice3A_56 : vector<4x1024xf32> to vector<1x4x1024xf32>
    tpu.vector_store %arg7[%swap3A_57, %swap3A_58, %swap3A_59], %swap3A_62 {strides = array<i32>} : memref<32x4x1024xf32, #tpu.memory_space<vmem>>, vector<1x4x1024xf32>,
    %slice3A_63 = vector.extract_strided_slice %transpose3A {offsets = [8, 0], sizes = [4, 1024], strides = [1, 1]} : vector<128x1024xf32> to vector<4x1024xf32>
    %swap3A_64 = arith.constant 2 : index
    %swap3A_65 = arith.constant 0 : index
    %swap3A_66 = arith.constant 0 : index
    %swap3A_67 = vector.load %arg7[%swap3A_64, %swap3A_65, %swap3A_66] : memref<32x4x1024xf32, #tpu.memory_space<vmem>>, vector<1x4x1024xf32>
    %swap3A_68 = vector.shape_cast %swap3A_67 : vector<1x4x1024xf32> to vector<4x1024xf32>
    %swap3A_69 = vector.shape_cast %slice3A_63 : vector<4x1024xf32> to vector<1x4x1024xf32>
    tpu.vector_store %arg7[%swap3A_64, %swap3A_65, %swap3A_66], %swap3A_69 {strides = array<i32>} : memref<32x4x1024xf32, #tpu.memory_space<vmem>>, vector<1x4x1024xf32>,
    %slice3A_70 = vector.extract_strided_slice %transpose3A {offsets = [12, 0], sizes = [4, 1024], strides = [1, 1]} : vector<128x1024xf32> to vector<4x1024xf32>
    %swap3A_71 = arith.constant 3 : index
    %swap3A_72 = arith.constant 0 : index
    %swap3A_73 = arith.constant 0 : index
    %swap3A_74 = vector.load %arg7[%swap3A_71, %swap3A_72, %swap3A_73] : memref<32x4x1024xf32, #tpu.memory_space<vmem>>, vector<1x4x1024xf32>
    %swap3A_75 = vector.shape_cast %swap3A_74 : vector<1x4x1024xf32> to vector<4x1024xf32>
    %swap3A_76 = vector.shape_cast %slice3A_70 : vector<4x1024xf32> to vector<1x4x1024xf32>
    tpu.vector_store %arg7[%swap3A_71, %swap3A_72, %swap3A_73], %swap3A_76 {strides = array<i32>} : memref<32x4x1024xf32, #tpu.memory_space<vmem>>, vector<1x4x1024xf32>,
    %slice3A_77 = vector.extract_strided_slice %transpose3A {offsets = [16, 0], sizes = [4, 1024], strides = [1, 1]} : vector<128x1024xf32> to vector<4x1024xf32>
    %swap3A_78 = arith.constant 4 : index
    %swap3A_79 = arith.constant 0 : index
    %swap3A_80 = arith.constant 0 : index
    %swap3A_81 = vector.load %arg7[%swap3A_78, %swap3A_79, %swap3A_80] : memref<32x4x1024xf32, #tpu.memory_space<vmem>>, vector<1x4x1024xf32>
    %swap3A_82 = vector.shape_cast %swap3A_81 : vector<1x4x1024xf32> to vector<4x1024xf32>
    %swap3A_83 = vector.shape_cast %slice3A_77 : vector<4x1024xf32> to vector<1x4x1024xf32>
    tpu.vector_store %arg7[%swap3A_78, %swap3A_79, %swap3A_80], %swap3A_83 {strides = array<i32>} : memref<32x4x1024xf32, #tpu.memory_space<vmem>>, vector<1x4x1024xf32>,
    %slice3A_84 = vector.extract_strided_slice %transpose3A {offsets = [20, 0], sizes = [4, 1024], strides = [1, 1]} : vector<128x1024xf32> to vector<4x1024xf32>
    %swap3A_85 = arith.constant 5 : index
    %swap3A_86 = arith.constant 0 : index
    %swap3A_87 = arith.constant 0 : index
    %swap3A_88 = vector.load %arg7[%swap3A_85, %swap3A_86, %swap3A_87] : memref<32x4x1024xf32, #tpu.memory_space<vmem>>, vector<1x4x1024xf32>
    %swap3A_89 = vector.shape_cast %swap3A_88 : vector<1x4x1024xf32> to vector<4x1024xf32>
    %swap3A_90 = vector.shape_cast %slice3A_84 : vector<4x1024xf32> to vector<1x4x1024xf32>
    tpu.vector_store %arg7[%swap3A_85, %swap3A_86, %swap3A_87], %swap3A_90 {strides = array<i32>} : memref<32x4x1024xf32, #tpu.memory_space<vmem>>, vector<1x4x1024xf32>,
    %slice3A_91 = vector.extract_strided_slice %transpose3A {offsets = [24, 0], sizes = [4, 1024], strides = [1, 1]} : vector<128x1024xf32> to vector<4x1024xf32>
    %swap3A_92 = arith.constant 6 : index
    %swap3A_93 = arith.constant 0 : index
    %swap3A_94 = arith.constant 0 : index
    %swap3A_95 = vector.load %arg7[%swap3A_92, %swap3A_93, %swap3A_94] : memref<32x4x1024xf32, #tpu.memory_space<vmem>>, vector<1x4x1024xf32>
    %swap3A_96 = vector.shape_cast %swap3A_95 : vector<1x4x1024xf32> to vector<4x1024xf32>
    %swap3A_97 = vector.shape_cast %slice3A_91 : vector<4x1024xf32> to vector<1x4x1024xf32>
    tpu.vector_store %arg7[%swap3A_92, %swap3A_93, %swap3A_94], %swap3A_97 {strides = array<i32>} : memref<32x4x1024xf32, #tpu.memory_space<vmem>>, vector<1x4x1024xf32>,
    %slice3A_98 = vector.extract_strided_slice %transpose3A {offsets = [28, 0], sizes = [4, 1024], strides = [1, 1]} : vector<128x1024xf32> to vector<4x1024xf32>
    %swap3A_99 = arith.constant 7 : index
    %swap3A_100 = arith.constant 0 : index
    %swap3A_101 = arith.constant 0 : index
    %swap3A_102 = vector.load %arg7[%swap3A_99, %swap3A_100, %swap3A_101] : memref<32x4x1024xf32, #tpu.memory_space<vmem>>, vector<1x4x1024xf32>
    %swap3A_103 = vector.shape_cast %swap3A_102 : vector<1x4x1024xf32> to vector<4x1024xf32>
    %swap3A_104 = vector.shape_cast %slice3A_98 : vector<4x1024xf32> to vector<1x4x1024xf32>
    tpu.vector_store %arg7[%swap3A_99, %swap3A_100, %swap3A_101], %swap3A_104 {strides = array<i32>} : memref<32x4x1024xf32, #tpu.memory_space<vmem>>, vector<1x4x1024xf32>,
    %slice3A_105 = vector.extract_strided_slice %transpose3A {offsets = [32, 0], sizes = [4, 1024], strides = [1, 1]} : vector<128x1024xf32> to vector<4x1024xf32>
    %swap3A_106 = arith.constant 8 : index
    %swap3A_107 = arith.constant 0 : index
    %swap3A_108 = arith.constant 0 : index
    %swap3A_109 = vector.load %arg7[%swap3A_106, %swap3A_107, %swap3A_108] : memref<32x4x1024xf32, #tpu.memory_space<vmem>>, vector<1x4x1024xf32>
    %swap3A_110 = vector.shape_cast %swap3A_109 : vector<1x4x1024xf32> to vector<4x1024xf32>
    %swap3A_111 = vector.shape_cast %slice3A_105 : vector<4x1024xf32> to vector<1x4x1024xf32>
    tpu.vector_store %arg7[%swap3A_106, %swap3A_107, %swap3A_108], %swap3A_111 {strides = array<i32>} : memref<32x4x1024xf32, #tpu.memory_space<vmem>>, vector<1x4x1024xf32>,
    %slice3A_112 = vector.extract_strided_slice %transpose3A {offsets = [36, 0], sizes = [4, 1024], strides = [1, 1]} : vector<128x1024xf32> to vector<4x1024xf32>
    %swap3A_113 = arith.constant 9 : index
    %swap3A_114 = arith.constant 0 : index
    %swap3A_115 = arith.constant 0 : index
    %swap3A_116 = vector.load %arg7[%swap3A_113, %swap3A_114, %swap3A_115] : memref<32x4x1024xf32, #tpu.memory_space<vmem>>, vector<1x4x1024xf32>
    %swap3A_117 = vector.shape_cast %swap3A_116 : vector<1x4x1024xf32> to vector<4x1024xf32>
    %swap3A_118 = vector.shape_cast %slice3A_112 : vector<4x1024xf32> to vector<1x4x1024xf32>
    tpu.vector_store %arg7[%swap3A_113, %swap3A_114, %swap3A_115], %swap3A_118 {strides = array<i32>} : memref<32x4x1024xf32, #tpu.memory_space<vmem>>, vector<1x4x1024xf32>,
    %slice3A_119 = vector.extract_strided_slice %transpose3A {offsets = [40, 0], sizes = [4, 1024], strides = [1, 1]} : vector<128x1024xf32> to vector<4x1024xf32>
    %swap3A_120 = arith.constant 10 : index
    %swap3A_121 = arith.constant 0 : index
    %swap3A_122 = arith.constant 0 : index
    %swap3A_123 = vector.load %arg7[%swap3A_120, %swap3A_121, %swap3A_122] : memref<32x4x1024xf32, #tpu.memory_space<vmem>>, vector<1x4x1024xf32>
    %swap3A_124 = vector.shape_cast %swap3A_123 : vector<1x4x1024xf32> to vector<4x1024xf32>
    %swap3A_125 = vector.shape_cast %slice3A_119 : vector<4x1024xf32> to vector<1x4x1024xf32>
    tpu.vector_store %arg7[%swap3A_120, %swap3A_121, %swap3A_122], %swap3A_125 {strides = array<i32>} : memref<32x4x1024xf32, #tpu.memory_space<vmem>>, vector<1x4x1024xf32>,
    %slice3A_126 = vector.extract_strided_slice %transpose3A {offsets = [44, 0], sizes = [4, 1024], strides = [1, 1]} : vector<128x1024xf32> to vector<4x1024xf32>
    %swap3A_127 = arith.constant 11 : index
    %swap3A_128 = arith.constant 0 : index
    %swap3A_129 = arith.constant 0 : index
    %swap3A_130 = vector.load %arg7[%swap3A_127, %swap3A_128, %swap3A_129] : memref<32x4x1024xf32, #tpu.memory_space<vmem>>, vector<1x4x1024xf32>
    %swap3A_131 = vector.shape_cast %swap3A_130 : vector<1x4x1024xf32> to vector<4x1024xf32>
    %swap3A_132 = vector.shape_cast %slice3A_126 : vector<4x1024xf32> to vector<1x4x1024xf32>
    tpu.vector_store %arg7[%swap3A_127, %swap3A_128, %swap3A_129], %swap3A_132 {strides = array<i32>} : memref<32x4x1024xf32, #tpu.memory_space<vmem>>, vector<1x4x1024xf32>,
    %slice3A_133 = vector.extract_strided_slice %transpose3A {offsets = [48, 0], sizes = [4, 1024], strides = [1, 1]} : vector<128x1024xf32> to vector<4x1024xf32>
    %swap3A_134 = arith.constant 12 : index
    %swap3A_135 = arith.constant 0 : index
    %swap3A_136 = arith.constant 0 : index
    %swap3A_137 = vector.load %arg7[%swap3A_134, %swap3A_135, %swap3A_136] : memref<32x4x1024xf32, #tpu.memory_space<vmem>>, vector<1x4x1024xf32>
    %swap3A_138 = vector.shape_cast %swap3A_137 : vector<1x4x1024xf32> to vector<4x1024xf32>
    %swap3A_139 = vector.shape_cast %slice3A_133 : vector<4x1024xf32> to vector<1x4x1024xf32>
    tpu.vector_store %arg7[%swap3A_134, %swap3A_135, %swap3A_136], %swap3A_139 {strides = array<i32>} : memref<32x4x1024xf32, #tpu.memory_space<vmem>>, vector<1x4x1024xf32>,
    %slice3A_140 = vector.extract_strided_slice %transpose3A {offsets = [52, 0], sizes = [4, 1024], strides = [1, 1]} : vector<128x1024xf32> to vector<4x1024xf32>
    %swap3A_141 = arith.constant 13 : index
    %swap3A_142 = arith.constant 0 : index
    %swap3A_143 = arith.constant 0 : index
    %swap3A_144 = vector.load %arg7[%swap3A_141, %swap3A_142, %swap3A_143] : memref<32x4x1024xf32, #tpu.memory_space<vmem>>, vector<1x4x1024xf32>
    %swap3A_145 = vector.shape_cast %swap3A_144 : vector<1x4x1024xf32> to vector<4x1024xf32>
    %swap3A_146 = vector.shape_cast %slice3A_140 : vector<4x1024xf32> to vector<1x4x1024xf32>
    tpu.vector_store %arg7[%swap3A_141, %swap3A_142, %swap3A_143], %swap3A_146 {strides = array<i32>} : memref<32x4x1024xf32, #tpu.memory_space<vmem>>, vector<1x4x1024xf32>,
    %slice3A_147 = vector.extract_strided_slice %transpose3A {offsets = [56, 0], sizes = [4, 1024], strides = [1, 1]} : vector<128x1024xf32> to vector<4x1024xf32>
    %swap3A_148 = arith.constant 14 : index
    %swap3A_149 = arith.constant 0 : index
    %swap3A_150 = arith.constant 0 : index
    %swap3A_151 = vector.load %arg7[%swap3A_148, %swap3A_149, %swap3A_150] : memref<32x4x1024xf32, #tpu.memory_space<vmem>>, vector<1x4x1024xf32>
    %swap3A_152 = vector.shape_cast %swap3A_151 : vector<1x4x1024xf32> to vector<4x1024xf32>
    %swap3A_153 = vector.shape_cast %slice3A_147 : vector<4x1024xf32> to vector<1x4x1024xf32>
    tpu.vector_store %arg7[%swap3A_148, %swap3A_149, %swap3A_150], %swap3A_153 {strides = array<i32>} : memref<32x4x1024xf32, #tpu.memory_space<vmem>>, vector<1x4x1024xf32>,
    %slice3A_154 = vector.extract_strided_slice %transpose3A {offsets = [60, 0], sizes = [4, 1024], strides = [1, 1]} : vector<128x1024xf32> to vector<4x1024xf32>
    %swap3A_155 = arith.constant 15 : index
    %swap3A_156 = arith.constant 0 : index
    %swap3A_157 = arith.constant 0 : index
    %swap3A_158 = vector.load %arg7[%swap3A_155, %swap3A_156, %swap3A_157] : memref<32x4x1024xf32, #tpu.memory_space<vmem>>, vector<1x4x1024xf32>
    %swap3A_159 = vector.shape_cast %swap3A_158 : vector<1x4x1024xf32> to vector<4x1024xf32>
    %swap3A_160 = vector.shape_cast %slice3A_154 : vector<4x1024xf32> to vector<1x4x1024xf32>
    tpu.vector_store %arg7[%swap3A_155, %swap3A_156, %swap3A_157], %swap3A_160 {strides = array<i32>} : memref<32x4x1024xf32, #tpu.memory_space<vmem>>, vector<1x4x1024xf32>,
    %slice3A_161 = vector.extract_strided_slice %transpose3A {offsets = [64, 0], sizes = [4, 1024], strides = [1, 1]} : vector<128x1024xf32> to vector<4x1024xf32>
    %swap3A_162 = arith.constant 16 : index
    %swap3A_163 = arith.constant 0 : index
    %swap3A_164 = arith.constant 0 : index
    %swap3A_165 = vector.load %arg7[%swap3A_162, %swap3A_163, %swap3A_164] : memref<32x4x1024xf32, #tpu.memory_space<vmem>>, vector<1x4x1024xf32>
    %swap3A_166 = vector.shape_cast %swap3A_165 : vector<1x4x1024xf32> to vector<4x1024xf32>
    %swap3A_167 = vector.shape_cast %slice3A_161 : vector<4x1024xf32> to vector<1x4x1024xf32>
    tpu.vector_store %arg7[%swap3A_162, %swap3A_163, %swap3A_164], %swap3A_167 {strides = array<i32>} : memref<32x4x1024xf32, #tpu.memory_space<vmem>>, vector<1x4x1024xf32>,
    %slice3A_168 = vector.extract_strided_slice %transpose3A {offsets = [68, 0], sizes = [4, 1024], strides = [1, 1]} : vector<128x1024xf32> to vector<4x1024xf32>
    %swap3A_169 = arith.constant 17 : index
    %swap3A_170 = arith.constant 0 : index
    %swap3A_171 = arith.constant 0 : index
    %swap3A_172 = vector.load %arg7[%swap3A_169, %swap3A_170, %swap3A_171] : memref<32x4x1024xf32, #tpu.memory_space<vmem>>, vector<1x4x1024xf32>
    %swap3A_173 = vector.shape_cast %swap3A_172 : vector<1x4x1024xf32> to vector<4x1024xf32>
    %swap3A_174 = vector.shape_cast %slice3A_168 : vector<4x1024xf32> to vector<1x4x1024xf32>
    tpu.vector_store %arg7[%swap3A_169, %swap3A_170, %swap3A_171], %swap3A_174 {strides = array<i32>} : memref<32x4x1024xf32, #tpu.memory_space<vmem>>, vector<1x4x1024xf32>,
    %slice3A_175 = vector.extract_strided_slice %transpose3A {offsets = [72, 0], sizes = [4, 1024], strides = [1, 1]} : vector<128x1024xf32> to vector<4x1024xf32>
    %swap3A_176 = arith.constant 18 : index
    %swap3A_177 = arith.constant 0 : index
    %swap3A_178 = arith.constant 0 : index
    %swap3A_179 = vector.load %arg7[%swap3A_176, %swap3A_177, %swap3A_178] : memref<32x4x1024xf32, #tpu.memory_space<vmem>>, vector<1x4x1024xf32>
    %swap3A_180 = vector.shape_cast %swap3A_179 : vector<1x4x1024xf32> to vector<4x1024xf32>
    %swap3A_181 = vector.shape_cast %slice3A_175 : vector<4x1024xf32> to vector<1x4x1024xf32>
    tpu.vector_store %arg7[%swap3A_176, %swap3A_177, %swap3A_178], %swap3A_181 {strides = array<i32>} : memref<32x4x1024xf32, #tpu.memory_space<vmem>>, vector<1x4x1024xf32>,
    %slice3A_182 = vector.extract_strided_slice %transpose3A {offsets = [76, 0], sizes = [4, 1024], strides = [1, 1]} : vector<128x1024xf32> to vector<4x1024xf32>
    %swap3A_183 = arith.constant 19 : index
    %swap3A_184 = arith.constant 0 : index
    %swap3A_185 = arith.constant 0 : index
    %swap3A_186 = vector.load %arg7[%swap3A_183, %swap3A_184, %swap3A_185] : memref<32x4x1024xf32, #tpu.memory_space<vmem>>, vector<1x4x1024xf32>
    %swap3A_187 = vector.shape_cast %swap3A_186 : vector<1x4x1024xf32> to vector<4x1024xf32>
    %swap3A_188 = vector.shape_cast %slice3A_182 : vector<4x1024xf32> to vector<1x4x1024xf32>
    tpu.vector_store %arg7[%swap3A_183, %swap3A_184, %swap3A_185], %swap3A_188 {strides = array<i32>} : memref<32x4x1024xf32, #tpu.memory_space<vmem>>, vector<1x4x1024xf32>,
    %slice3A_189 = vector.extract_strided_slice %transpose3A {offsets = [80, 0], sizes = [4, 1024], strides = [1, 1]} : vector<128x1024xf32> to vector<4x1024xf32>
    %swap3A_190 = arith.constant 20 : index
    %swap3A_191 = arith.constant 0 : index
    %swap3A_192 = arith.constant 0 : index
    %swap3A_193 = vector.load %arg7[%swap3A_190, %swap3A_191, %swap3A_192] : memref<32x4x1024xf32, #tpu.memory_space<vmem>>, vector<1x4x1024xf32>
    %swap3A_194 = vector.shape_cast %swap3A_193 : vector<1x4x1024xf32> to vector<4x1024xf32>
    %swap3A_195 = vector.shape_cast %slice3A_189 : vector<4x1024xf32> to vector<1x4x1024xf32>
    tpu.vector_store %arg7[%swap3A_190, %swap3A_191, %swap3A_192], %swap3A_195 {strides = array<i32>} : memref<32x4x1024xf32, #tpu.memory_space<vmem>>, vector<1x4x1024xf32>,
    %slice3A_196 = vector.extract_strided_slice %transpose3A {offsets = [84, 0], sizes = [4, 1024], strides = [1, 1]} : vector<128x1024xf32> to vector<4x1024xf32>
    %swap3A_197 = arith.constant 21 : index
    %swap3A_198 = arith.constant 0 : index
    %swap3A_199 = arith.constant 0 : index
    %swap3A_200 = vector.load %arg7[%swap3A_197, %swap3A_198, %swap3A_199] : memref<32x4x1024xf32, #tpu.memory_space<vmem>>, vector<1x4x1024xf32>
    %swap3A_201 = vector.shape_cast %swap3A_200 : vector<1x4x1024xf32> to vector<4x1024xf32>
    %swap3A_202 = vector.shape_cast %slice3A_196 : vector<4x1024xf32> to vector<1x4x1024xf32>
    tpu.vector_store %arg7[%swap3A_197, %swap3A_198, %swap3A_199], %swap3A_202 {strides = array<i32>} : memref<32x4x1024xf32, #tpu.memory_space<vmem>>, vector<1x4x1024xf32>,
    %slice3A_203 = vector.extract_strided_slice %transpose3A {offsets = [88, 0], sizes = [4, 1024], strides = [1, 1]} : vector<128x1024xf32> to vector<4x1024xf32>
    %swap3A_204 = arith.constant 22 : index
    %swap3A_205 = arith.constant 0 : index
    %swap3A_206 = arith.constant 0 : index
    %swap3A_207 = vector.load %arg7[%swap3A_204, %swap3A_205, %swap3A_206] : memref<32x4x1024xf32, #tpu.memory_space<vmem>>, vector<1x4x1024xf32>
    %swap3A_208 = vector.shape_cast %swap3A_207 : vector<1x4x1024xf32> to vector<4x1024xf32>
    %swap3A_209 = vector.shape_cast %slice3A_203 : vector<4x1024xf32> to vector<1x4x1024xf32>
    tpu.vector_store %arg7[%swap3A_204, %swap3A_205, %swap3A_206], %swap3A_209 {strides = array<i32>} : memref<32x4x1024xf32, #tpu.memory_space<vmem>>, vector<1x4x1024xf32>,
    %slice3A_210 = vector.extract_strided_slice %transpose3A {offsets = [92, 0], sizes = [4, 1024], strides = [1, 1]} : vector<128x1024xf32> to vector<4x1024xf32>
    %swap3A_211 = arith.constant 23 : index
    %swap3A_212 = arith.constant 0 : index
    %swap3A_213 = arith.constant 0 : index
    %swap3A_214 = vector.load %arg7[%swap3A_211, %swap3A_212, %swap3A_213] : memref<32x4x1024xf32, #tpu.memory_space<vmem>>, vector<1x4x1024xf32>
    %swap3A_215 = vector.shape_cast %swap3A_214 : vector<1x4x1024xf32> to vector<4x1024xf32>
    %swap3A_216 = vector.shape_cast %slice3A_210 : vector<4x1024xf32> to vector<1x4x1024xf32>
    tpu.vector_store %arg7[%swap3A_211, %swap3A_212, %swap3A_213], %swap3A_216 {strides = array<i32>} : memref<32x4x1024xf32, #tpu.memory_space<vmem>>, vector<1x4x1024xf32>,
    %slice3A_217 = vector.extract_strided_slice %transpose3A {offsets = [96, 0], sizes = [4, 1024], strides = [1, 1]} : vector<128x1024xf32> to vector<4x1024xf32>
    %swap3A_218 = arith.constant 24 : index
    %swap3A_219 = arith.constant 0 : index
    %swap3A_220 = arith.constant 0 : index
    %swap3A_221 = vector.load %arg7[%swap3A_218, %swap3A_219, %swap3A_220] : memref<32x4x1024xf32, #tpu.memory_space<vmem>>, vector<1x4x1024xf32>
    %swap3A_222 = vector.shape_cast %swap3A_221 : vector<1x4x1024xf32> to vector<4x1024xf32>
    %swap3A_223 = vector.shape_cast %slice3A_217 : vector<4x1024xf32> to vector<1x4x1024xf32>
    tpu.vector_store %arg7[%swap3A_218, %swap3A_219, %swap3A_220], %swap3A_223 {strides = array<i32>} : memref<32x4x1024xf32, #tpu.memory_space<vmem>>, vector<1x4x1024xf32>,
    %slice3A_224 = vector.extract_strided_slice %transpose3A {offsets = [100, 0], sizes = [4, 1024], strides = [1, 1]} : vector<128x1024xf32> to vector<4x1024xf32>
    %swap3A_225 = arith.constant 25 : index
    %swap3A_226 = arith.constant 0 : index
    %swap3A_227 = arith.constant 0 : index
    %swap3A_228 = vector.load %arg7[%swap3A_225, %swap3A_226, %swap3A_227] : memref<32x4x1024xf32, #tpu.memory_space<vmem>>, vector<1x4x1024xf32>
    %swap3A_229 = vector.shape_cast %swap3A_228 : vector<1x4x1024xf32> to vector<4x1024xf32>
    %swap3A_230 = vector.shape_cast %slice3A_224 : vector<4x1024xf32> to vector<1x4x1024xf32>
    tpu.vector_store %arg7[%swap3A_225, %swap3A_226, %swap3A_227], %swap3A_230 {strides = array<i32>} : memref<32x4x1024xf32, #tpu.memory_space<vmem>>, vector<1x4x1024xf32>,
    %slice3A_231 = vector.extract_strided_slice %transpose3A {offsets = [104, 0], sizes = [4, 1024], strides = [1, 1]} : vector<128x1024xf32> to vector<4x1024xf32>
    %swap3A_232 = arith.constant 26 : index
    %swap3A_233 = arith.constant 0 : index
    %swap3A_234 = arith.constant 0 : index
    %swap3A_235 = vector.load %arg7[%swap3A_232, %swap3A_233, %swap3A_234] : memref<32x4x1024xf32, #tpu.memory_space<vmem>>, vector<1x4x1024xf32>
    %swap3A_236 = vector.shape_cast %swap3A_235 : vector<1x4x1024xf32> to vector<4x1024xf32>
    %swap3A_237 = vector.shape_cast %slice3A_231 : vector<4x1024xf32> to vector<1x4x1024xf32>
    tpu.vector_store %arg7[%swap3A_232, %swap3A_233, %swap3A_234], %swap3A_237 {strides = array<i32>} : memref<32x4x1024xf32, #tpu.memory_space<vmem>>, vector<1x4x1024xf32>,
    %slice3A_238 = vector.extract_strided_slice %transpose3A {offsets = [108, 0], sizes = [4, 1024], strides = [1, 1]} : vector<128x1024xf32> to vector<4x1024xf32>
    %swap3A_239 = arith.constant 27 : index
    %swap3A_240 = arith.constant 0 : index
    %swap3A_241 = arith.constant 0 : index
    %swap3A_242 = vector.load %arg7[%swap3A_239, %swap3A_240, %swap3A_241] : memref<32x4x1024xf32, #tpu.memory_space<vmem>>, vector<1x4x1024xf32>
    %swap3A_243 = vector.shape_cast %swap3A_242 : vector<1x4x1024xf32> to vector<4x1024xf32>
    %swap3A_244 = vector.shape_cast %slice3A_238 : vector<4x1024xf32> to vector<1x4x1024xf32>
    tpu.vector_store %arg7[%swap3A_239, %swap3A_240, %swap3A_241], %swap3A_244 {strides = array<i32>} : memref<32x4x1024xf32, #tpu.memory_space<vmem>>, vector<1x4x1024xf32>,
    %slice3A_245 = vector.extract_strided_slice %transpose3A {offsets = [112, 0], sizes = [4, 1024], strides = [1, 1]} : vector<128x1024xf32> to vector<4x1024xf32>
    %swap3A_246 = arith.constant 28 : index
    %swap3A_247 = arith.constant 0 : index
    %swap3A_248 = arith.constant 0 : index
    %swap3A_249 = vector.load %arg7[%swap3A_246, %swap3A_247, %swap3A_248] : memref<32x4x1024xf32, #tpu.memory_space<vmem>>, vector<1x4x1024xf32>
    %swap3A_250 = vector.shape_cast %swap3A_249 : vector<1x4x1024xf32> to vector<4x1024xf32>
    %swap3A_251 = vector.shape_cast %slice3A_245 : vector<4x1024xf32> to vector<1x4x1024xf32>
    tpu.vector_store %arg7[%swap3A_246, %swap3A_247, %swap3A_248], %swap3A_251 {strides = array<i32>} : memref<32x4x1024xf32, #tpu.memory_space<vmem>>, vector<1x4x1024xf32>,
    %slice3A_252 = vector.extract_strided_slice %transpose3A {offsets = [116, 0], sizes = [4, 1024], strides = [1, 1]} : vector<128x1024xf32> to vector<4x1024xf32>
    %swap3A_253 = arith.constant 29 : index
    %swap3A_254 = arith.constant 0 : index
    %swap3A_255 = arith.constant 0 : index
    %swap3A_256 = vector.load %arg7[%swap3A_253, %swap3A_254, %swap3A_255] : memref<32x4x1024xf32, #tpu.memory_space<vmem>>, vector<1x4x1024xf32>
    %swap3A_257 = vector.shape_cast %swap3A_256 : vector<1x4x1024xf32> to vector<4x1024xf32>
    %swap3A_258 = vector.shape_cast %slice3A_252 : vector<4x1024xf32> to vector<1x4x1024xf32>
    tpu.vector_store %arg7[%swap3A_253, %swap3A_254, %swap3A_255], %swap3A_258 {strides = array<i32>} : memref<32x4x1024xf32, #tpu.memory_space<vmem>>, vector<1x4x1024xf32>,
    %slice3A_259 = vector.extract_strided_slice %transpose3A {offsets = [120, 0], sizes = [4, 1024], strides = [1, 1]} : vector<128x1024xf32> to vector<4x1024xf32>
    %swap3A_260 = arith.constant 30 : index
    %swap3A_261 = arith.constant 0 : index
    %swap3A_262 = arith.constant 0 : index
    %swap3A_263 = vector.load %arg7[%swap3A_260, %swap3A_261, %swap3A_262] : memref<32x4x1024xf32, #tpu.memory_space<vmem>>, vector<1x4x1024xf32>
    %swap3A_264 = vector.shape_cast %swap3A_263 : vector<1x4x1024xf32> to vector<4x1024xf32>
    %swap3A_265 = vector.shape_cast %slice3A_259 : vector<4x1024xf32> to vector<1x4x1024xf32>
    tpu.vector_store %arg7[%swap3A_260, %swap3A_261, %swap3A_262], %swap3A_265 {strides = array<i32>} : memref<32x4x1024xf32, #tpu.memory_space<vmem>>, vector<1x4x1024xf32>,
    %slice3A_266 = vector.extract_strided_slice %transpose3A {offsets = [124, 0], sizes = [4, 1024], strides = [1, 1]} : vector<128x1024xf32> to vector<4x1024xf32>
    %swap3A_267 = arith.constant 31 : index
    %swap3A_268 = arith.constant 0 : index
    %swap3A_269 = arith.constant 0 : index
    %swap3A_270 = vector.load %arg7[%swap3A_267, %swap3A_268, %swap3A_269] : memref<32x4x1024xf32, #tpu.memory_space<vmem>>, vector<1x4x1024xf32>
    %swap3A_271 = vector.shape_cast %swap3A_270 : vector<1x4x1024xf32> to vector<4x1024xf32>
    %swap3A_272 = vector.shape_cast %slice3A_266 : vector<4x1024xf32> to vector<1x4x1024xf32>
    tpu.vector_store %arg7[%swap3A_267, %swap3A_268, %swap3A_269], %swap3A_272 {strides = array<i32>} : memref<32x4x1024xf32, #tpu.memory_space<vmem>>, vector<1x4x1024xf32>,
    return
  }
  func.func @transform_0(%arg0: i32) -> (i32, i32) {
    %c0_i32 = arith.constant 0 : i32
    %c0_i32_0 = arith.constant 0 : i32
    return %arg0, %c0_i32 : i32, i32
  }
  func.func @transform_1(%arg0: i32) -> (i32, i32, i32) {
    %c0_i32 = arith.constant 0 : i32
    %c0_i32_0 = arith.constant 0 : i32
    %c0_i32_1 = arith.constant 0 : i32
    %c0_i32_2 = arith.constant 0 : i32
    return %c0_i32, %c0_i32_0, %c0_i32_1 : i32, i32, i32
  }
  func.func @transform_2(%arg0: i32) -> (i32, i32) {
    %c0_i32 = arith.constant 0 : i32
    %c0_i32_0 = arith.constant 0 : i32
    %c0_i32_1 = arith.constant 0 : i32
    return %c0_i32, %c0_i32_0 : i32, i32
  }
  func.func @transform_3(%arg0: i32) -> (i32, i32) {
    %c0_i32 = arith.constant 0 : i32
    %c0_i32_0 = arith.constant 0 : i32
    %c0_i32_1 = arith.constant 0 : i32
    return %c0_i32, %c0_i32_0 : i32, i32
  }
  func.func @transform_4(%arg0: i32) -> (i32, i32) {
    %c0_i32 = arith.constant 0 : i32
    %c0_i32_0 = arith.constant 0 : i32
    %c0_i32_1 = arith.constant 0 : i32
    return %c0_i32, %c0_i32_0 : i32, i32
  }
  func.func @transform_5(%arg0: i32) -> (i32, i32) {
    %c0_i32 = arith.constant 0 : i32
    %c0_i32_0 = arith.constant 0 : i32
    return %arg0, %c0_i32 : i32, i32
  }
  func.func @transform_6(%arg0: i32) -> (i32, i32, i32) {
    %c0_i32 = arith.constant 0 : i32
    %c0_i32_0 = arith.constant 0 : i32
    %c0_i32_1 = arith.constant 0 : i32
    return %c0_i32, %c0_i32_0, %arg0 : i32, i32, i32
  }
  func.func @transform_7(%arg0: i32) -> (i32, i32) {
    %c0_i32 = arith.constant 0 : i32
    %c0_i32_0 = arith.constant 0 : i32
    return %arg0, %c0_i32 : i32, i32
  }
}

module attributes {stable_mosaic.version = 14 : i64} {
  func.func @_gate_body(%arg0: i32, %arg1: memref<1024x128xf32, #tpu.memory_space<vmem>>, %arg2: memref<10x1x128xf32, #tpu.memory_space<vmem>>, %arg3: memref<1x128xf32, #tpu.memory_space<vmem>>, %arg4: memref<1x128xf32, #tpu.memory_space<vmem>>, %arg5: memref<128x64xf32, #tpu.memory_space<vmem>>, %arg6: memref<1x64xf32, #tpu.memory_space<vmem>>, %arg7: memref<1x64xf32, #tpu.memory_space<vmem>>, %arg8: memref<1x1xf32, #tpu.memory_space<vmem>>, %arg9: memref<1024x128xf32, #tpu.memory_space<vmem>>, %arg10: memref<1024x1xf32, #tpu.memory_space<vmem>>) attributes {dimension_semantics = [#tpu.dimension_semantics<arbitrary>], iteration_bounds = array<i64: 10>, scalar_prefetch = 0 : i64, scratch_operands = 0 : i64, tpu.core_type = #tpu.core_type<tc>, window_params = [{transform_indices = @transform_0, window_bounds = array<i64: 1024, 128>}, {pipeline_mode = #tpu.pipeline_mode<synchronous>, transform_indices = @transform_1, window_bounds = array<i64: 10, 1, 128>}, {pipeline_mode = #tpu.pipeline_mode<synchronous>, transform_indices = @transform_2, window_bounds = array<i64: 1, 128>}, {pipeline_mode = #tpu.pipeline_mode<synchronous>, transform_indices = @transform_3, window_bounds = array<i64: 1, 128>}, {pipeline_mode = #tpu.pipeline_mode<synchronous>, transform_indices = @transform_4, window_bounds = array<i64: 128, 64>}, {pipeline_mode = #tpu.pipeline_mode<synchronous>, transform_indices = @transform_5, window_bounds = array<i64: 1, 64>}, {pipeline_mode = #tpu.pipeline_mode<synchronous>, transform_indices = @transform_6, window_bounds = array<i64: 1, 64>}, {pipeline_mode = #tpu.pipeline_mode<synchronous>, transform_indices = @transform_7, window_bounds = array<i64: 1, 1>}, {transform_indices = @transform_8, window_bounds = array<i64: 1024, 128>}, {transform_indices = @transform_9, window_bounds = array<i64: 1024, 1>}]} {
    %get3A = arith.constant 0 : index
    %get3A_0 = arith.constant 0 : index
    %get3A_1 = arith.constant 0 : index
    %get3A_2 = vector.load %arg2[%get3A, %get3A_0, %get3A_1] : memref<10x1x128xf32, #tpu.memory_space<vmem>>, vector<10x1x1xf32>
    %reduce_sum3A = vector.shape_cast %get3A_2 : vector<10x1x1xf32> to vector<1x10x1x1xf32>
    %reduce_sum3A_3 = arith.constant dense<0.000000e+00> : vector<1xf32>
    %reduce_sum3A_4 = vector.multi_reduction <add>, %reduce_sum3A, %reduce_sum3A_3 [1, 2, 3] : vector<1x10x1x1xf32> to vector<1xf32>
    %reduce_sum3A_5 = vector.shape_cast %reduce_sum3A_4 : vector<1xf32> to vector<1x1x1x1xf32>
    %reduce_sum3A_6 = vector.extract %reduce_sum3A_5[0, 0, 0, 0] : f32 from vector<1x1x1x1xf32>
    %get3A_7 = arith.constant 0 : index
    %get3A_8 = arith.constant 0 : index
    %get3A_9 = arith.constant 1 : index
    %get3A_10 = vector.load %arg2[%get3A_7, %get3A_8, %get3A_9] : memref<10x1x128xf32, #tpu.memory_space<vmem>>, vector<10x1x1xf32>
    %reduce_sum3A_11 = vector.shape_cast %get3A_10 : vector<10x1x1xf32> to vector<1x10x1x1xf32>
    %reduce_sum3A_12 = arith.constant dense<0.000000e+00> : vector<1xf32>
    %reduce_sum3A_13 = vector.multi_reduction <add>, %reduce_sum3A_11, %reduce_sum3A_12 [1, 2, 3] : vector<1x10x1x1xf32> to vector<1xf32>
    %reduce_sum3A_14 = vector.shape_cast %reduce_sum3A_13 : vector<1xf32> to vector<1x1x1x1xf32>
    %reduce_sum3A_15 = vector.extract %reduce_sum3A_14[0, 0, 0, 0] : f32 from vector<1x1x1x1xf32>
    %div3A = arith.constant 1.280000e+06 : f32
    %div3A_16 = arith.divf %reduce_sum3A_6, %div3A : f32
    %div3A_17 = arith.constant 1.280000e+06 : f32
    %div3A_18 = arith.divf %reduce_sum3A_15, %div3A_17 : f32
    %mul3A = arith.mulf %div3A_16, %div3A_16 : f32
    %sub3A = arith.subf %div3A_18, %mul3A : f32
    %add3A = arith.constant 9.99999974E-6 : f32
    %add3A_19 = arith.addf %sub3A, %add3A : f32
    %rsqrt3A = math.rsqrt %add3A_19 : f32
    %get3A_20 = arith.constant 0 : index
    %get3A_21 = arith.constant 0 : index
    %get3A_22 = vector.load %arg1[%get3A_20, %get3A_21] : memref<1024x128xf32, #tpu.memory_space<vmem>>, vector<1024x128xf32>
    %sub3A_23 = vector.broadcast %div3A_16 : f32 to vector<1024x128xf32>
    %sub3A_24 = arith.subf %get3A_22, %sub3A_23 : vector<1024x128xf32>
    %mul3A_25 = vector.broadcast %rsqrt3A : f32 to vector<1024x128xf32>
    %mul3A_26 = arith.mulf %sub3A_24, %mul3A_25 : vector<1024x128xf32>
    %get3A_27 = arith.constant 0 : index
    %get3A_28 = arith.constant 0 : index
    %get3A_29 = vector.load %arg3[%get3A_27, %get3A_28] : memref<1x128xf32, #tpu.memory_space<vmem>>, vector<1x128xf32>
    %mul3A_30 = vector.broadcast %get3A_29 : vector<1x128xf32> to vector<1024x128xf32>
    %mul3A_31 = arith.mulf %mul3A_26, %mul3A_30 : vector<1024x128xf32>
    %get3A_32 = arith.constant 0 : index
    %get3A_33 = arith.constant 0 : index
    %get3A_34 = vector.load %arg4[%get3A_32, %get3A_33] : memref<1x128xf32, #tpu.memory_space<vmem>>, vector<1x128xf32>
    %add3A_35 = vector.broadcast %get3A_34 : vector<1x128xf32> to vector<1024x128xf32>
    %add3A_36 = arith.addf %mul3A_31, %add3A_35 : vector<1024x128xf32>
    %max3A = arith.constant 0.000000e+00 : f32
    %max3A_37 = vector.broadcast %max3A : f32 to vector<1024x128xf32>
    %max3A_38 = arith.maximumf %add3A_36, %max3A_37 : vector<1024x128xf32>
    %swap3A = arith.constant 0 : index
    %swap3A_39 = arith.constant 0 : index
    %swap3A_40 = vector.load %arg9[%swap3A, %swap3A_39] : memref<1024x128xf32, #tpu.memory_space<vmem>>, vector<1024x128xf32>
    tpu.vector_store %arg9[%swap3A, %swap3A_39], %max3A_38 {strides = array<i32>} : memref<1024x128xf32, #tpu.memory_space<vmem>>, vector<1024x128xf32>,
    %get3A_41 = arith.constant 0 : index
    %get3A_42 = arith.constant 0 : index
    %get3A_43 = vector.load %arg5[%get3A_41, %get3A_42] : memref<128x64xf32, #tpu.memory_space<vmem>>, vector<128x64xf32>
    %dot_general3A = arith.constant dense<0.000000e+00> : vector<1024x64xf32>
    %dot_general3A_44 = tpu.matmul %max3A_38, %get3A_43, %dot_general3A {dimension_numbers = #tpu.dot_dimension_numbers<[1], [0], [0], [1], [0, 0, 1, 1], [], []>, transpose_lhs_hint = false} : vector<1024x128xf32>, vector<128x64xf32>, vector<1024x64xf32> -> vector<1024x64xf32>
    %get3A_45 = arith.constant 0 : index
    %get3A_46 = arith.constant 0 : index
    %get3A_47 = vector.load %arg6[%get3A_45, %get3A_46] : memref<1x64xf32, #tpu.memory_space<vmem>>, vector<1x64xf32>
    %add3A_48 = vector.broadcast %get3A_47 : vector<1x64xf32> to vector<1024x64xf32>
    %add3A_49 = arith.addf %dot_general3A_44, %add3A_48 : vector<1024x64xf32>
    %max3A_50 = arith.constant 0.000000e+00 : f32
    %max3A_51 = vector.broadcast %max3A_50 : f32 to vector<1024x64xf32>
    %max3A_52 = arith.maximumf %add3A_49, %max3A_51 : vector<1024x64xf32>
    %get3A_53 = arith.constant 0 : index
    %get3A_54 = arith.constant 0 : index
    %get3A_55 = vector.load %arg7[%get3A_53, %get3A_54] : memref<1x64xf32, #tpu.memory_space<vmem>>, vector<1x64xf32>
    %mul3A_56 = vector.broadcast %get3A_55 : vector<1x64xf32> to vector<1024x64xf32>
    %mul3A_57 = arith.mulf %max3A_52, %mul3A_56 : vector<1024x64xf32>
    %reduce_sum3A_58 = arith.constant dense<0.000000e+00> : vector<1024xf32>
    %reduce_sum3A_59 = vector.multi_reduction <add>, %mul3A_57, %reduce_sum3A_58 [1] : vector<1024x64xf32> to vector<1024xf32>
    %broadcast_in_dim3A = vector.shape_cast %reduce_sum3A_59 : vector<1024xf32> to vector<1024x1xf32>
    %get3A_60 = arith.constant 0 : index
    %get3A_61 = arith.constant 0 : index
    %get3A_62 = vector.load %arg8[%get3A_60, %get3A_61] : memref<1x1xf32, #tpu.memory_space<vmem>>, vector<1x1xf32>
    %add3A_63 = vector.broadcast %get3A_62 : vector<1x1xf32> to vector<1024x1xf32>
    %add3A_64 = arith.addf %broadcast_in_dim3A, %add3A_63 : vector<1024x1xf32>
    %mul3A_65 = arith.constant 1024 : i32
    %mul3A_66 = arith.muli %arg0, %mul3A_65 : i32
    %iota3A = tpu.iota {dimensions = array<i32: 0>} : vector<1024x1xi32>
    %add3A_67 = vector.broadcast %mul3A_66 : i32 to vector<1024x1xi32>
    %add3A_68 = arith.addi %add3A_67, %iota3A : vector<1024x1xi32>
    %lt3A = arith.constant 10000 : i32
    %lt3A_69 = vector.broadcast %lt3A : i32 to vector<1024x1xi32>
    %lt3A_70 = arith.cmpi slt, %add3A_68, %lt3A_69 : vector<1024x1xi32>
    %jit3A = arith.constant -1.000000e+30 : f32
    %broadcast_in_dim3A_71 = vector.broadcast %jit3A : f32 to vector<1024x1xf32>
    %select_n3A = arith.select %lt3A_70, %add3A_64, %broadcast_in_dim3A_71 : vector<1024x1xi1>, vector<1024x1xf32>
    %swap3A_72 = arith.constant 0 : index
    %swap3A_73 = arith.constant 0 : index
    %swap3A_74 = vector.load %arg10[%swap3A_72, %swap3A_73] : memref<1024x1xf32, #tpu.memory_space<vmem>>, vector<1024x1xf32>
    tpu.vector_store %arg10[%swap3A_72, %swap3A_73], %select_n3A {strides = array<i32>} : memref<1024x1xf32, #tpu.memory_space<vmem>>, vector<1024x1xf32>,
    return
  }
  func.func @transform_0(%arg0: i32) -> (i32, i32) {
    %c0_i32 = arith.constant 0 : i32
    %c0_i32_0 = arith.constant 0 : i32
    return %arg0, %c0_i32 : i32, i32
  }
  func.func @transform_1(%arg0: i32) -> (i32, i32, i32) {
    %c0_i32 = arith.constant 0 : i32
    %c0_i32_0 = arith.constant 0 : i32
    %c0_i32_1 = arith.constant 0 : i32
    %c0_i32_2 = arith.constant 0 : i32
    return %c0_i32, %c0_i32_0, %c0_i32_1 : i32, i32, i32
  }
  func.func @transform_2(%arg0: i32) -> (i32, i32) {
    %c0_i32 = arith.constant 0 : i32
    %c0_i32_0 = arith.constant 0 : i32
    %c0_i32_1 = arith.constant 0 : i32
    return %c0_i32, %c0_i32_0 : i32, i32
  }
  func.func @transform_3(%arg0: i32) -> (i32, i32) {
    %c0_i32 = arith.constant 0 : i32
    %c0_i32_0 = arith.constant 0 : i32
    %c0_i32_1 = arith.constant 0 : i32
    return %c0_i32, %c0_i32_0 : i32, i32
  }
  func.func @transform_4(%arg0: i32) -> (i32, i32) {
    %c0_i32 = arith.constant 0 : i32
    %c0_i32_0 = arith.constant 0 : i32
    %c0_i32_1 = arith.constant 0 : i32
    return %c0_i32, %c0_i32_0 : i32, i32
  }
  func.func @transform_5(%arg0: i32) -> (i32, i32) {
    %c0_i32 = arith.constant 0 : i32
    %c0_i32_0 = arith.constant 0 : i32
    %c0_i32_1 = arith.constant 0 : i32
    return %c0_i32, %c0_i32_0 : i32, i32
  }
  func.func @transform_6(%arg0: i32) -> (i32, i32) {
    %c0_i32 = arith.constant 0 : i32
    %c0_i32_0 = arith.constant 0 : i32
    %c0_i32_1 = arith.constant 0 : i32
    return %c0_i32, %c0_i32_0 : i32, i32
  }
  func.func @transform_7(%arg0: i32) -> (i32, i32) {
    %c0_i32 = arith.constant 0 : i32
    %c0_i32_0 = arith.constant 0 : i32
    %c0_i32_1 = arith.constant 0 : i32
    return %c0_i32, %c0_i32_0 : i32, i32
  }
  func.func @transform_8(%arg0: i32) -> (i32, i32) {
    %c0_i32 = arith.constant 0 : i32
    %c0_i32_0 = arith.constant 0 : i32
    return %arg0, %c0_i32 : i32, i32
  }
  func.func @transform_9(%arg0: i32) -> (i32, i32) {
    %c0_i32 = arith.constant 0 : i32
    %c0_i32_0 = arith.constant 0 : i32
    return %arg0, %c0_i32 : i32, i32
  }
}

module attributes {stable_mosaic.version = 14 : i64} {
  func.func @_pool_body(%arg0: memref<10240x128xf32, #tpu.memory_space<vmem>>, %arg1: memref<10240x1xf32, #tpu.memory_space<vmem>>, %arg2: memref<10240x1xi32, #tpu.memory_space<vmem>>, %arg3: memref<8x10240xi32, #tpu.memory_space<vmem>>, %arg4: memref<128x10xf32, #tpu.memory_space<vmem>>, %arg5: memref<1x10xf32, #tpu.memory_space<vmem>>, %arg6: memref<64x10xf32, #tpu.memory_space<vmem>>) attributes {dimension_semantics = [], scalar_prefetch = 0 : i64, scratch_operands = 0 : i64, tpu.core_type = #tpu.core_type<tc>} {
    %get3A = arith.constant 0 : index
    %get3A_0 = arith.constant 0 : index
    %get3A_1 = vector.load %arg1[%get3A, %get3A_0] : memref<10240x1xf32, #tpu.memory_space<vmem>>, vector<10240x1xf32>
    %get3A_2 = arith.constant 0 : index
    %get3A_3 = arith.constant 0 : index
    %get3A_4 = vector.load %arg2[%get3A_2, %get3A_3] : memref<10240x1xi32, #tpu.memory_space<vmem>>, vector<10240x1xi32>
    %iota3A = tpu.iota {dimensions = array<i32: 1>} : vector<1x64xi32>
    %eq3A = vector.broadcast %get3A_4 : vector<10240x1xi32> to vector<10240x64xi32>
    %eq3A_5 = vector.broadcast %iota3A : vector<1x64xi32> to vector<10240x64xi32>
    %eq3A_6 = arith.cmpi eq, %eq3A, %eq3A_5 : vector<10240x64xi32>
    %convert_element_type3A = arith.extui %eq3A_6 : vector<10240x64xi1> to vector<10240x64xi32>
    %convert_element_type3A_7 = arith.sitofp %convert_element_type3A : vector<10240x64xi32> to vector<10240x64xf32>
    %gt3A = arith.constant 0.000000e+00 : f32
    %gt3A_8 = vector.broadcast %gt3A : f32 to vector<10240x64xf32>
    %gt3A_9 = arith.cmpf ogt, %convert_element_type3A_7, %gt3A_8 : vector<10240x64xf32>
    %jit3A = arith.constant -1.000000e+30 : f32
    %broadcast_in_dim3A = vector.shape_cast %get3A_1 : vector<10240x1xf32> to vector<10240x1xf32>
    %broadcast_in_dim3A_10 = vector.broadcast %broadcast_in_dim3A : vector<10240x1xf32> to vector<10240x64xf32>
    %broadcast_in_dim3A_11 = vector.broadcast %jit3A : f32 to vector<10240x64xf32>
    %select_n3A = arith.select %gt3A_9, %broadcast_in_dim3A_10, %broadcast_in_dim3A_11 : vector<10240x64xi1>, vector<10240x64xf32>
    %reduce_max3A = arith.constant dense<0xFF800000> : vector<64xf32>
    %reduce_max3A_12 = vector.multi_reduction <maximumf>, %select_n3A, %reduce_max3A [0] : vector<10240x64xf32> to vector<64xf32>
    %broadcast_in_dim3A_13 = vector.shape_cast %reduce_max3A_12 : vector<64xf32> to vector<1x64xf32>
    %mul3A = vector.broadcast %broadcast_in_dim3A_13 : vector<1x64xf32> to vector<10240x64xf32>
    %mul3A_14 = arith.mulf %convert_element_type3A_7, %mul3A : vector<10240x64xf32>
    %reduce_sum3A = arith.constant dense<0.000000e+00> : vector<10240xf32>
    %reduce_sum3A_15 = vector.multi_reduction <add>, %mul3A_14, %reduce_sum3A [1] : vector<10240x64xf32> to vector<10240xf32>
    %broadcast_in_dim3A_16 = vector.shape_cast %reduce_sum3A_15 : vector<10240xf32> to vector<10240x1xf32>
    %sub3A = arith.subf %get3A_1, %broadcast_in_dim3A_16 : vector<10240x1xf32>
    %exp3A = math.exp %sub3A : vector<10240x1xf32>
    %mul3A_17 = vector.broadcast %exp3A : vector<10240x1xf32> to vector<10240x64xf32>
    %mul3A_18 = arith.mulf %convert_element_type3A_7, %mul3A_17 : vector<10240x64xf32>
    %reduce_sum3A_19 = arith.constant dense<0.000000e+00> : vector<64xf32>
    %reduce_sum3A_20 = vector.multi_reduction <add>, %mul3A_18, %reduce_sum3A_19 [0] : vector<10240x64xf32> to vector<64xf32>
    %broadcast_in_dim3A_21 = vector.shape_cast %reduce_sum3A_20 : vector<64xf32> to vector<1x64xf32>
    %mul3A_22 = vector.broadcast %broadcast_in_dim3A_21 : vector<1x64xf32> to vector<10240x64xf32>
    %mul3A_23 = arith.mulf %convert_element_type3A_7, %mul3A_22 : vector<10240x64xf32>
    %reduce_sum3A_24 = arith.constant dense<0.000000e+00> : vector<10240xf32>
    %reduce_sum3A_25 = vector.multi_reduction <add>, %mul3A_23, %reduce_sum3A_24 [1] : vector<10240x64xf32> to vector<10240xf32>
    %broadcast_in_dim3A_26 = vector.shape_cast %reduce_sum3A_25 : vector<10240xf32> to vector<10240x1xf32>
    %add3A = arith.constant 1.000000e-16 : f32
    %add3A_27 = vector.broadcast %add3A : f32 to vector<10240x1xf32>
    %add3A_28 = arith.addf %broadcast_in_dim3A_26, %add3A_27 : vector<10240x1xf32>
    %div3A = arith.divf %exp3A, %add3A_28 : vector<10240x1xf32>
    %iota3A_29 = tpu.iota {dimensions = array<i32: 0>} : vector<64x1xi32>
    %get3A_30 = arith.constant 0 : index
    %get3A_31 = arith.constant 0 : index
    %get3A_32 = vector.load %arg3[%get3A_30, %get3A_31] : memref<8x10240xi32, #tpu.memory_space<vmem>>, vector<1x10240xi32>
    %eq3A_33 = vector.broadcast %iota3A_29 : vector<64x1xi32> to vector<64x10240xi32>
    %eq3A_34 = vector.broadcast %get3A_32 : vector<1x10240xi32> to vector<64x10240xi32>
    %eq3A_35 = arith.cmpi eq, %eq3A_33, %eq3A_34 : vector<64x10240xi32>
    %convert_element_type3A_36 = arith.extui %eq3A_35 : vector<64x10240xi1> to vector<64x10240xi32>
    %convert_element_type3A_37 = arith.sitofp %convert_element_type3A_36 : vector<64x10240xi32> to vector<64x10240xf32>
    %get3A_38 = arith.constant 0 : index
    %get3A_39 = arith.constant 0 : index
    %get3A_40 = vector.load %arg0[%get3A_38, %get3A_39] : memref<10240x128xf32, #tpu.memory_space<vmem>>, vector<10240x128xf32>
    %mul3A_41 = vector.broadcast %div3A : vector<10240x1xf32> to vector<10240x128xf32>
    %mul3A_42 = arith.mulf %mul3A_41, %get3A_40 : vector<10240x128xf32>
    %dot_general3A = arith.constant dense<0.000000e+00> : vector<64x128xf32>
    %dot_general3A_43 = tpu.matmul %convert_element_type3A_37, %mul3A_42, %dot_general3A {dimension_numbers = #tpu.dot_dimension_numbers<[1], [0], [0], [1], [0, 0, 1, 1], [], []>, transpose_lhs_hint = false} : vector<64x10240xf32>, vector<10240x128xf32>, vector<64x128xf32> -> vector<64x128xf32>
    %get3A_44 = arith.constant 0 : index
    %get3A_45 = arith.constant 0 : index
    %get3A_46 = vector.load %arg4[%get3A_44, %get3A_45] : memref<128x10xf32, #tpu.memory_space<vmem>>, vector<128x10xf32>
    %dot_general3A_47 = arith.constant dense<0.000000e+00> : vector<64x10xf32>
    %dot_general3A_48 = tpu.matmul %dot_general3A_43, %get3A_46, %dot_general3A_47 {dimension_numbers = #tpu.dot_dimension_numbers<[1], [0], [0], [1], [0, 0, 1, 1], [], []>, transpose_lhs_hint = false} : vector<64x128xf32>, vector<128x10xf32>, vector<64x10xf32> -> vector<64x10xf32>
    %get3A_49 = arith.constant 0 : index
    %get3A_50 = arith.constant 0 : index
    %get3A_51 = vector.load %arg5[%get3A_49, %get3A_50] : memref<1x10xf32, #tpu.memory_space<vmem>>, vector<1x10xf32>
    %add3A_52 = vector.broadcast %get3A_51 : vector<1x10xf32> to vector<64x10xf32>
    %add3A_53 = arith.addf %dot_general3A_48, %add3A_52 : vector<64x10xf32>
    %swap3A = arith.constant 0 : index
    %swap3A_54 = arith.constant 0 : index
    %swap3A_55 = vector.load %arg6[%swap3A, %swap3A_54] : memref<64x10xf32, #tpu.memory_space<vmem>>, vector<64x10xf32>
    tpu.vector_store %arg6[%swap3A, %swap3A_54], %add3A_53 {strides = array<i32>} : memref<64x10xf32, #tpu.memory_space<vmem>>, vector<64x10xf32>,
    return
  }
}

</mosaic_0001>

<sc_bundles>
// kernel: kernel.12.cloned.1.call-start
scs
__scs_entry_jumppad:
0x0: {  	(pc) =	sbr.rel $0x88, $3  }
0x1: {  	(tag) =	ssettag $0x0;
	lr =	simm.s32 $0x1  }
0x2: {  	[smem:$0x3F90] =	sst lr;
	_ =	strace $0xD0000000  }
0x3: {  	_ = 	snop  }
0x4: {  	_ = 	snop  }
0x5: {  	_ = 	snop  }
0x6: {  	_ = 	snop  }
0x7: {  	_ = 	snop  }
__scs_overlays_trampoline_lowered:
0x8: {  	[smem:$0x3F9F] =	sst s0  }
0x9: {  	[smem:$0x3FA0] =	sst s1  }
0xa: {  	[smem:$0x3FA1] =	sst s2  }
0xb: {  	[smem:$0x3FA2] =	sst s3  }
0xc: {  	[smem:$0x3FA3] =	sst s4  }
0xd: {  	[smem:$0x3FA4] =	sst s5  }
0xe: {  	[smem:$0x3FA5] =	sst s6  }
0xf: {  	[smem:$0x3FA6] =	sst s7  }
0x10: {  	[smem:$0x3FA7] =	sst s8  }
0x11: {  	[smem:$0x3FA8] =	sst s9;
	s0 =	simm.s32 @!p0 $0x0  }
0x12: {  	s1 =	sld [smem:$0x3F8E];
	s0 =	simm.s32 @p0 $0x1  }
0x13: {  	[smem:$0x3FA9] =	sst s0;
	s0 =	simm.s32 @!p1 $0x0  }
0x14: {  	s2 =	sld [smem:$0x3F8D];
	s0 =	simm.s32 @p1 $0x1  }
0x15: {  	[smem:$0x3FAA] =	sst s0;
	s0 =	simm.s32 @!p2 $0x0  }
0x16: {  	s3 =	sld [smem:$0x3FDB];
	s0 =	simm.s32 @p2 $0x1  }
0x17: {  	s4 =	simm.s32 $0x1BF5;
	[smem:$0x3FAC] =	sst s0  }
0x18: {  	s0 =	sld [smem:$0x3F8F];
	_ =	swait.ge [sflag:s4], $0x0  }
0x19: {  	s7 =	sld [smem:$0x3F90]  }
0x1a: {  	s8 =	sadd.s32 $0xFFFFE003, lr  }
0x1b: {  	s9 =	sadd.s32 $0xFFFFFEF7, lr;
	s5 =	simm.s32 $0xFFFFFFFF;
	p2 =	slt.u32 s8, $0xFFFFF086  }
0x1c: {  	p1 =	slt.u32 s9, $0xF7A;
	s5 =	simm.s32 @!p2 $0x0  }
0x1d: {  	s5 =	simm.s32 @p1 $0x1;
	p0 =	seq.s32 s7, s2  }
0x1e: {  	s7 =	smul.u32 @!p0 $0xF7A, s2;
	p2 =	seq.s32 @!p0 s5, $0x0  }
0x1f: {  	s9 =	smul.u32 $0xF7A, s1;
	s8 =	simm.s32 @!p0 $0x1BF5;
	p2 =	por !p2, p0  }
0x20: {  	[sflag:s8] =	ssyncset.s32 @!p0 $0xFFFFF086;
	s6 =	sadd.s32 @!p0 s3, s7;
	s7 =	simm.s32 @!p0 $0x108  }
0x21: {  	s3 =	sadd.s32 s3, s9;
	s6 =	sadd.s32 @!p0 $0x88, s6;
	s7 =	simm.s32 @p2 $0x1082  }
0x22: {  	[simem:s7], [sflag:s8] =	dma.local @!p0 [hbm:s6], $0xF7A  }
0x23: {  	s9 =	sor.u32 $0xD0000000, s2;
	s6 =	simm.s32 $0x108;
	_ =	swait.ge @!p0 [sflag:s8], $0x0  }
0x24: {  	s3 =	sadd.s32 $0x88, s3;
	s6 =	simm.s32 @!p1 $0x1082;
	[sflag:s4] =	ssyncset.s32 $0xFFFFF086  }
0x25: {  	[simem:s6], [sflag:s4] =	dma.local [hbm:s3], $0xF7A  }
0x26: {  	[smem:$0x3F90] =	sst s1;
	(tag) =	ssettag s2;
	_ =	strace s9  }
0x27: {  	s1 =	sld [smem:$0x3FA0]  }
0x28: {  	s2 =	sld [smem:$0x3FA1]  }
0x29: {  	s4 =	sld [smem:$0x3FA3]  }
0x2a: {  	p0 =	seq.s32 s5, $0x0;
	s5 =	sld [smem:$0x3FA4]  }
0x2b: {  	s6 =	sld [smem:$0x3FA5]  }
0x2c: {  	s7 =	sld [smem:$0x3FA6]  }
0x2d: {  	s3 =	simm.s32 $0x108;
	s8 =	sld [smem:$0x3FA7]  }
0x2e: {  	s3 =	simm.s32 @!p0 $0x1082;
	s9 =	sld [smem:$0x3FA8]  }
0x2f: {  	lr =	sadd.s32 s0, s3;
	s0 =	sld [smem:$0x3F9F]  }
0x30: {  	s3 =	sld [smem:$0x3FA2]  }
0x31: {  	[smem:$0x3FAB] =	sst s10  }
0x32: {  	s10 =	sld [smem:$0x3FA9];
	_ =	sdelay $0x3  }
0x33: {  	p0 =	seq.s32 s10, $0x1;
	s10 =	sld [smem:$0x3FAB];
	_ =	sdelay $0x3  }
0x34: {  	[smem:$0x3FAB] =	sst s10  }
0x35: {  	s10 =	sld [smem:$0x3FAA];
	_ =	sdelay $0x3  }
0x36: {  	p1 =	seq.s32 s10, $0x1;
	s10 =	sld [smem:$0x3FAB];
	_ =	sdelay $0x3  }
0x37: {  	[smem:$0x3FAB] =	sst s10  }
0x38: {  	s10 =	sld [smem:$0x3FAC]  }
0x39: {  	_ = 	snop;
	(pc) =	sbr.ind lr, $3  }
0x3a: {  	_ = 	snop  }
0x3b: {  	_ = 	snop  }
0x3c: {  	p2 =	seq.s32 s10, $0x1;
	s10 =	sld [smem:$0x3FAB]  }
0x3d: {  	_ =	shalt  }
0x3e: {  	_ =	shalt  }
0x3f: {  	_ =	shalt  }
0x40: {  	_ =	shalt  }
0x41: {  	_ =	shalt  }
0x42: {  	_ =	shalt  }
0x43: {  	_ =	shalt  }
0x44: {  	_ =	shalt  }
0x45: {  	_ =	shalt  }
0x46: {  	_ =	shalt  }
0x47: {  	_ =	shalt  }
0x48: {  	_ =	shalt  }
0x49: {  	_ =	shalt  }
0x4a: {  	_ =	shalt  }
0x4b: {  	_ =	shalt  }
0x4c: {  	_ =	shalt  }
0x4d: {  	_ =	shalt  }
0x4e: {  	_ =	shalt  }
0x4f: {  	_ =	shalt  }
0x50: {  	_ =	shalt  }
0x51: {  	_ =	shalt  }
0x52: {  	_ =	shalt  }
0x53: {  	_ =	shalt  }
0x54: {  	_ =	shalt  }
0x55: {  	_ =	shalt  }
0x56: {  	_ =	shalt  }
0x57: {  	_ =	shalt  }
0x58: {  	_ =	shalt  }
0x59: {  	_ =	shalt  }
0x5a: {  	_ =	shalt  }
0x5b: {  	_ =	shalt  }
0x5c: {  	_ =	shalt  }
0x5d: {  	_ =	shalt  }
0x5e: {  	_ =	shalt  }
0x5f: {  	_ =	shalt  }
0x60: {  	_ =	shalt  }
0x61: {  	_ =	shalt  }
0x62: {  	_ =	shalt  }
0x63: {  	_ =	shalt  }
0x64: {  	_ =	shalt  }
0x65: {  	_ =	shalt  }
0x66: {  	_ =	shalt  }
0x67: {  	_ =	shalt  }
0x68: {  	_ =	shalt  }
0x69: {  	_ =	shalt  }
0x6a: {  	_ =	shalt  }
0x6b: {  	_ =	shalt  }
0x6c: {  	_ =	shalt  }
0x6d: {  	_ =	shalt  }
0x6e: {  	_ =	shalt  }
0x6f: {  	_ =	shalt  }
0x70: {  	_ =	shalt  }
0x71: {  	_ =	shalt  }
0x72: {  	_ =	shalt  }
0x73: {  	_ =	shalt  }
0x74: {  	_ =	shalt  }
0x75: {  	_ =	shalt  }
0x76: {  	_ =	shalt  }
0x77: {  	_ =	shalt  }
0x78: {  	_ =	shalt  }
0x79: {  	_ =	shalt  }
0x7a: {  	_ =	shalt  }
0x7b: {  	_ =	shalt  }
0x7c: {  	_ =	shalt  }
0x7d: {  	_ =	shalt  }
0x7e: {  	_ =	shalt  }
0x7f: {  	_ =	shalt  }
0x80: {  	_ =	shalt  }
0x81: {  	_ =	shalt  }
0x82: {  	_ =	shalt  }
0x83: {  	_ =	shalt  }
0x84: {  	_ =	shalt  }
0x85: {  	_ =	shalt  }
0x86: {  	_ =	shalt  }
0x87: {  	_ =	shalt  }
.Lfunc_end0:
.L_simem_size_0:
called_computation_lowered:
.L_overlay_start_0:
0x88: {  	s2 =	sld [smem:$0x3FD9]  }
0x89: {  	s3 =	sld [smem:$0x3FFE];
	_ =	sdelay $0x1  }
0x8a: {  	s1 =	srdreg.scid  }
0x8b: {  	s0 =	sand.u32 $0x1, s1  }
0x8c: {  	s16 =	sshll.u32 s0, $0xA;
	s2 =	sadd.s32 s3, s2  }
0x8d: {  	s2 =	sadd.s32 s2, s16  }
0x8e: {  	[smem:$0x3FB7] =	sst s2  }
0x8f: {  	_ = 	snop  }
0x90: {  	(tm) =	ssettm $0x1  }
0x91: {  	s17 =	sld [smem:$0x3FFB];
	_ =	sdelay $0x3  }
0x92: {  	_ =	strace s17  }
0x93: {  	s2 =	sld [smem:$0x3FFC];
	_ =	sdelay $0x3  }
0x94: {  	_ =	strace s2  }
0x95: {  	s2 =	sld [smem:$0x3FFD];
	_ =	sdelay $0x3  }
0x96: {  	_ =	strace s2  }
0x97: {  	_ =	strace $0x8FFFFFFF  }
0x98: {  	s18 =	sld [smem:$0x3FDB];
	_ =	sdelay $0x1  }
0x99: {  	s19 =	simm.s32 $_scs_section_size  }
0x9a: {  	s4 =	simm.s32 $_size__tile_overlayer_lowered;
	s5 =	simm.s32 $_tile_overlayer_lowered  }
0x9b: {  	s22 =	simm.s32 $0x1BFF;
	s21 =	sshll.u32 s5, $0x1;
	s2 =	sadd.s32 s19, s18  }
0x9c: {  	s6 =	simm.s32 $0x0;
	s20 =	sshll.u32 s4, $0x1;
	s4 =	sadd.s32 s21, s2  }
0x9d: {  	[timem:s6], [sflag:s22] =	dma.local [hbm:s4], s20  }
0x9e: {  	_ =	swait.ge [sflag:s22], s20  }
0x9f: {  	s3 =	ssub.s32 $0x0, s20;
	[sflag:s22] =	ssyncset.done $0x0  }
0xa0: {  	[sflag:s22] =	ssyncadd.s32 s3;
	_ =	sdelay $0x1  }
0xa1: {  	s23 =	simm.s32 $0x1B8B  }
0xa2: {  	_ =	swait.ge [sflag:s23], $0x1  }
0xa3: {  	[sflag:s23] =	ssyncset.done $0x0  }
0xa4: {  	s25 =	simm.s32 $0x1B8E;
	s24 =	sld [smem:$0x3FFE];
	[sflag:s23] =	ssyncadd.s32 $0xFFFFFFFF  }
0xa5: {  	s26 =	simm.s32 $execute0_lowered;
	[smem:$0x3FD2] =	sst s25  }
0xa6: {  	s4 =	sshll.u32 s26, $0x1;
	_ =	strace $0x80000046;
	[dreg:$0x1] =	wrdreg $0xFFFFFFFF  }
0xa7: {  	s28 =	simm.s32 $_size_execute0_lowered;
	s2 =	sadd.s32 s2, s4;
	[dreg:$0x0] =	wrdreg $0x0  }
0xa8: {  	s4 =	sshll.u32 s28, $0x1;
	[dreg:$0x2] =	wrdreg s2  }
0xa9: {  	[dreg:$0x3] =	wrdreg s4  }
0xaa: {  	[dreg:$0x4] =	wrdreg $0xC0  }
0xab: {  	_ =	task [dreg:s6], $0x5FFFF  }
0xac: {  	[dreg:$0x1] =	wrdreg $0xFFFFFFFF  }
0xad: {  	[dreg:$0x0] =	wrdreg $0x60  }
0xae: {  	[dreg:$0x2] =	wrdreg s24  }
0xaf: {  	[dreg:$0x3] =	wrdreg $0x9  }
0xb0: {  	_ =	task.clear_ibuf [dreg:s6], $0x4FFFF;
	_ =	strace $0x90000046  }
0xb1: {  	s29 =	simm.s32 $0x9;
	_ =	strace $0x80000048  }
0xb2: {  	_ =	swait.ge [sflag:s29], $0x1  }
0xb3: {  	[sflag:s29] =	ssyncadd.s32 $0xFFFFFFFF  }
0xb4: {  	_ =	strace $0x90000048  }
0xb5: {  	_ =	sfence  }
0xb6: {  	s30 =	sld [smem:$0x0];
	_ =	sdelay $0x2  }
0xb7: {  	s31 =	sshll.u32 s1, $0xD;
	s1 =	sshrl.u32 s1, $0x2  }
0xb8: {  	s3 =	sand.u32 $0x4000, s31;
	s1 =	sadd.s32 s1, s30  }
0xb9: {  	s0 =	sor.u32 s3, s0;
	s1 =	sshll.u32 s1, $0x11  }
0xba: {  	s0 =	sor.u32 s1, s0  }
0xbb: {  	s0 =	sadd.s32 $0x8F2B, s0  }
0xbc: {  	[sflag:s0] =	ssyncadd.remote.s32 $0x1  }
0xbd: {  	_ =	sfence.sel $0xFFFF  }
0xbe: {  	[dreg:$0x0] =	wrdreg $0xFFFFFFFF;
	(pc) =	sbr.abs _section_cstart, $3  }
0xbf: {  	[dreg:$0x1] =	wrdreg $0xFFFFFFFF  }
0xc0: {  	_ =	task.clear_ibuf [dreg:s6], $0x2FFFF;
	_ =	strace $0x9FFFFFFF  }
0xc1: {  	(tm) =	ssettm $0x7FFFFFFF  }
tec
execute0_lowered:
.L_overlay_start_1:
0x0: {  	(tag) =	ssettag $0x1  }
0x1: {  	s1 =	srdreg.scid  }
0x2: {  	s1 =	sand.u32 $0x1, s1  }
0x3: {  	p0 =	seq.s32 s1, $0x1  }
.Ltmp0:
0x4: {  	_ = 	snop;
	(pc) =	sbr.rel @p0 .LBB2_10-.Ltmp0, $4  }
0x5: {  	_ = 	snop  }
0x6: {  	s2 =	rddreg [dreg:$0x0];
	s7 =	simm.s32 $0x0  }
0x7: {  	[smem:$0x7FF] =	sst s7  }
0x8: {  	s0 =	rddreg [dreg:$0x1];
	_ =	strace $0x80000047;
	s1 =	stileid.u32  }
0x9: {  	s3 =	smul.u32 $0x50, s1;
	s4 =	sshrl.u32 s1, $0x3  }
0xa: {  	s6 =	sshll.u32 s1, $0x7;
	s5 =	smul.u32 $0x14000, s4  }
0xb: {  	s9 =	smul.u32 $0x280, s1;
	s6 =	sand.u32 $0x380, s6  }
0xc: {  	s31 =	sadd.s32 $0x22200, s2;
	s4 =	sadd.s32 $0x4800, s2;
	s30 =	sor.u32 s6, s5  }
0xd: {  	s8 =	sadd.s32 s3, s2;
	s6 =	smul.u32 $0x4E20, s1;
	s3 =	sshrl.u32 s30, $0x3  }
0xe: {  	v0 =	vimm.f32 $0.0e+00;
	s2 =	sadd.s32 $0x27200, s8;
	s5 =	sadd.s32 s31, s3;
	s3 =	sadd.s32 s31, s9  }
.LBB2_2:
0xf: {  	p0 =	sne.s32 s7, $0x9FC0  }
.Ltmp1:
0x10: {  	_ = 	snop;
	(pc) =	sbr.rel @p0 .LBB2_2-.Ltmp1, $3  }
0x11: {  	_ =	sdelay $0x1  }
0x12: {  	s8 =	sshra.s32 s7, $0x2  }
0x13: {  	s7 =	sadd.s32 $0x40, s7;
	[tilespmem:s8+$0x800] =	vst v0  }
0x14: {  	s7 =	simm.s32 $0x0  }
0x15: {  	s8 =	simm.s32 $0x1;
	v0 =	vimm.f32 $1.000000000e+00;
	s9 =	simm.s32 $0x800;
	s10 =	simm.s32 $0x0  }
.LBB2_4:
0x16: {  	s11 =	smul.u32 $0x7D0, s10;
	_ =	sdelay $0x1  }
0x17: {  	s11 =	sadd.s32 s6, s11  }
0x18: {  	s11 =	sshrl.u32 s11, $0x3  }
0x19: {  	s11 =	sadd.s32 s4, s11  }
0x1a: {  	[tilespmem:s7], [sflag:$0x1] =	stream.linear.gather [hbm4b:s11+s7], $0x7D0, $0x38;
	[tilespmem:$0x5A80] =	vst v63  }
0x1b: {  	_ =	swait.ge [sflag:s8], $0x7D0  }
0x1c: {  	[sflag:s8] =	ssyncset.done $0x0  }
0x1d: {  	s12 =	simm.s32 $0x0;
	s11 =	simm.s32 $0x40;
	[sflag:s8] =	ssyncadd.s32 $0xFFFFF830  }
.LBB2_5:
0x1e: {  	p0 =	sne.s32 s11, $0x1F00;
	v1 =	vld [tilespmem:s12+$0x0];
	_ =	sdelay $0x3  }
.Ltmp2:
0x1f: {  	(pc) =	sbr.rel @p0 .LBB2_5-.Ltmp2, $2  }
0x20: {  	_ =	sdelay $0x2  }
0x21: {  	s12 =	sshra.s32 s11, $0x2;
	s11 =	sadd.s32 $0x40, s11;
	[tilespmem:v1+s9+$0x0] =	vst.idx.add.f32.msk $0xffff, v0  }
0x22: {  	v1 =	vld [tilespmem:s12+$0x0];
	_ =	sdelay $0x1  }
0x23: {  	s10 =	sadd.s32 $0x1, s10  }
0x24: {  	p0 =	sne.s32 s10, $0xA  }
.Ltmp3:
0x25: {  	_ = 	snop;
	(pc) =	sbr.rel @p0 .LBB2_4-.Ltmp3, $2  }
0x26: {  	_ =	sdelay $0x2  }
0x27: {  	[tilespmem:v1+s9+$0x0] =	vst.idx.add.f32.msk $0xffff, v0  }
0x28: {  	s4 =	simm.s32 $0x80  }
0x29: {  	s6 =	simm.s32 $0x400;
	s7 =	simm.s32 $0x800;
	s24 =	simm.s32 $0x1  }
0x2a: {  	[hbm4b:s5+s4] =	stream.strided.scatter [tilespmem:s7], [sflag:$0x1], $0x2800, s6, s4, $0x38;
	[tilespmem:$0x5A80] =	vst v63  }
0x2b: {  	_ =	swait.ge [sflag:s24], $0x2800  }
0x2c: {  	[sflag:s24] =	ssyncset.done $0x0  }
0x2d: {  	s25 =	simm.s32 $0x1400;
	[sflag:s24] =	ssyncadd.s32 $0xFFFFD800  }
0x2e: {  	s26 =	simm.s32 $0x14000;
	s28 =	simm.s32 $0x3000;
	[bflag:$0x0] =	sbarrier.arrive $0xFFFF  }
0x2f: {  	[tilespmem:s28], [sflag:$0x1] =	stream.strided.gather [hbm4b:s3+s25], $0x2800, s26, s25, $0x38;
	[tilespmem:$0x5A80] =	vst v63  }
0x30: {  	s29 =	simm.s32 $0x0;
	_ =	swait.ge [sflag:s24], $0x2800  }
0x31: {  	s30 =	sand.u32 $0x70, s29;
	s3 =	sand.u32 $0x1C00, s29;
	[sflag:s24] =	ssyncset.done $0x0  }
0x32: {  	s3 =	sor.u32 s30, s3;
	[sflag:s24] =	ssyncadd.s32 $0xFFFFD800  }
0x33: {  	v0 =	vld [tilespmem:s3+$0x3000];
	_ =	sdelay $0x1  }
0x34: {  	v1 =	vld [tilespmem:s3+$0x3080];
	_ =	sdelay $0x1  }
0x35: {  	v2 =	vld [tilespmem:s3+$0x3100]  }
0x36: {  	v0 =	vadd.f32 $1.000000000e+00, v0  }
0x37: {  	v3 =	vld [tilespmem:s3+$0x3180]  }
0x38: {  	v0 =	vadd.f32 v1, v0  }
0x39: {  	v1 =	vld [tilespmem:s3+$0x3200]  }
0x3a: {  	v0 =	vadd.f32 v2, v0  }
0x3b: {  	v2 =	vld [tilespmem:s3+$0x3280]  }
0x3c: {  	v0 =	vadd.f32 v3, v0  }
0x3d: {  	v3 =	vld [tilespmem:s3+$0x3300]  }
0x3e: {  	v0 =	vadd.f32 v1, v0  }
0x3f: {  	v1 =	vld [tilespmem:s3+$0x3380]  }
0x40: {  	v0 =	vadd.f32 v2, v0  }
0x41: {  	v2 =	vld [tilespmem:s3+$0x4400]  }
0x42: {  	v0 =	vadd.f32 v3, v0  }
0x43: {  	v3 =	vld [tilespmem:s3+$0x4480]  }
0x44: {  	v0 =	vadd.f32 v1, v0  }
0x45: {  	v1 =	vld [tilespmem:s3+$0x4500]  }
0x46: {  	v0 =	vadd.f32 v2, v0  }
0x47: {  	v2 =	vld [tilespmem:s3+$0x4580]  }
0x48: {  	v0 =	vadd.f32 v3, v0  }
0x49: {  	v3 =	vld [tilespmem:s3+$0x4600]  }
0x4a: {  	v0 =	vadd.f32 v1, v0  }
0x4b: {  	v1 =	vld [tilespmem:s3+$0x4680]  }
0x4c: {  	v0 =	vadd.f32 v2, v0  }
0x4d: {  	v2 =	vld [tilespmem:s3+$0x4700]  }
0x4e: {  	v0 =	vadd.f32 v3, v0  }
0x4f: {  	v3 =	vld [tilespmem:s3+$0x4780]  }
0x50: {  	v0 =	vadd.f32 v1, v0;
	_ =	sdelay $0x1  }
0x51: {  	v0 =	vadd.f32 v2, v0  }
0x52: {  	s31 =	simm.s32 $0x10  }
0x53: {  	s4 =	simm.s32 $0x80;
	s6 =	sand.u32 $0x70, s31;
	v0 =	vadd.f32 v3, v0  }
0x54: {  	s5 =	simm.s32 $0x20;
	s7 =	sand.u32 $0x1C00, s4;
	s3 =	simm.s32 $0x5800  }
.LBB2_8:
0x55: {  	p0 =	sne.s32 s5, $0x270;
	s6 =	sor.u32 s6, s7;
	[tilespmem:s3+$0x0] =	vst v0  }
0x56: {  	v0 =	vld [tilespmem:s6+$0x3000];
	_ =	sdelay $0x1  }
0x57: {  	v1 =	vld [tilespmem:s6+$0x3080];
	_ =	sdelay $0x1  }
0x58: {  	v2 =	vld [tilespmem:s6+$0x3100]  }
0x59: {  	v0 =	vadd.f32 $1.000000000e+00, v0  }
0x5a: {  	v3 =	vld [tilespmem:s6+$0x3180]  }
0x5b: {  	v0 =	vadd.f32 v1, v0  }
0x5c: {  	v1 =	vld [tilespmem:s6+$0x3200]  }
0x5d: {  	v0 =	vadd.f32 v2, v0  }
0x5e: {  	v2 =	vld [tilespmem:s6+$0x3280]  }
0x5f: {  	v0 =	vadd.f32 v3, v0  }
0x60: {  	v3 =	vld [tilespmem:s6+$0x3300]  }
0x61: {  	v0 =	vadd.f32 v1, v0  }
0x62: {  	v1 =	vld [tilespmem:s6+$0x3380]  }
0x63: {  	v0 =	vadd.f32 v2, v0  }
0x64: {  	v2 =	vld [tilespmem:s6+$0x4400]  }
0x65: {  	v0 =	vadd.f32 v3, v0  }
0x66: {  	v3 =	vld [tilespmem:s6+$0x4480]  }
0x67: {  	v0 =	vadd.f32 v1, v0  }
0x68: {  	v1 =	vld [tilespmem:s6+$0x4500]  }
0x69: {  	v0 =	vadd.f32 v2, v0  }
0x6a: {  	v2 =	vld [tilespmem:s6+$0x4580]  }
0x6b: {  	v0 =	vadd.f32 v3, v0  }
0x6c: {  	v3 =	vld [tilespmem:s6+$0x4600]  }
0x6d: {  	v0 =	vadd.f32 v1, v0  }
0x6e: {  	v1 =	vld [tilespmem:s6+$0x4680]  }
0x6f: {  	v0 =	vadd.f32 v2, v0  }
0x70: {  	v2 =	vld [tilespmem:s6+$0x4700]  }
0x71: {  	v0 =	vadd.f32 v3, v0  }
0x72: {  	v3 =	vld [tilespmem:s6+$0x4780]  }
0x73: {  	v0 =	vadd.f32 v1, v0  }
.Ltmp4:
0x74: {  	(pc) =	sbr.rel @p0 .LBB2_8-.Ltmp4, $3  }
0x75: {  	v0 =	vadd.f32 v2, v0;
	_ =	sdelay $0x1  }
0x76: {  	s4 =	sadd.s32 $0x80, s4;
	s3 =	sadd.s32 $0x10, s3;
	v0 =	vadd.f32 v3, v0  }
0x77: {  	s7 =	sand.u32 $0x1C00, s4;
	s6 =	sand.u32 $0x70, s5;
	s5 =	sadd.s32 $0x10, s5  }
0x78: {  	s4 =	sor.u32 s6, s7;
	[tilespmem:s3+$0x0] =	vst v0  }
0x79: {  	v0 =	vld [tilespmem:s4+$0x3000];
	_ =	sdelay $0x1  }
0x7a: {  	v1 =	vld [tilespmem:s4+$0x3080];
	_ =	sdelay $0x1  }
0x7b: {  	v2 =	vld [tilespmem:s4+$0x3100]  }
0x7c: {  	v0 =	vadd.f32 $1.000000000e+00, v0  }
0x7d: {  	v3 =	vld [tilespmem:s4+$0x3180]  }
0x7e: {  	v0 =	vadd.f32 v1, v0  }
0x7f: {  	v52 =	vld [tilespmem:s4+$0x3200]  }
0x80: {  	v0 =	vadd.f32 v2, v0  }
0x81: {  	v53 =	vld [tilespmem:s4+$0x3280]  }
0x82: {  	v0 =	vadd.f32 v3, v0  }
0x83: {  	v54 =	vld [tilespmem:s4+$0x3300]  }
0x84: {  	v0 =	vadd.f32 v52, v0  }
0x85: {  	v55 =	vld [tilespmem:s4+$0x3380]  }
0x86: {  	v0 =	vadd.f32 v53, v0  }
0x87: {  	v56 =	vld [tilespmem:s4+$0x4400]  }
0x88: {  	v0 =	vadd.f32 v54, v0  }
0x89: {  	v57 =	vld [tilespmem:s4+$0x4480]  }
0x8a: {  	v0 =	vadd.f32 v55, v0  }
0x8b: {  	v58 =	vld [tilespmem:s4+$0x4500]  }
0x8c: {  	v0 =	vadd.f32 v56, v0  }
0x8d: {  	v59 =	vld [tilespmem:s4+$0x4580]  }
0x8e: {  	v0 =	vadd.f32 v57, v0  }
0x8f: {  	v60 =	vld [tilespmem:s4+$0x4600]  }
0x90: {  	v0 =	vadd.f32 v58, v0  }
0x91: {  	v61 =	vld [tilespmem:s4+$0x4680]  }
0x92: {  	v0 =	vadd.f32 v59, v0  }
0x93: {  	v62 =	vld [tilespmem:s4+$0x4700]  }
0x94: {  	v0 =	vadd.f32 v60, v0  }
0x95: {  	v63 =	vld [tilespmem:s4+$0x4780]  }
0x96: {  	v0 =	vadd.f32 v61, v0;
	_ =	sdelay $0x1  }
0x97: {  	v0 =	vadd.f32 v62, v0;
	_ =	sdelay $0x1  }
0x98: {  	v0 =	vadd.f32 v63, v0  }
0x99: {  	s28 =	sadd.s32 $0x10, s3  }
0x9a: {  	s29 =	simm.s32 $0x0;
	s30 =	simm.s32 $0x5800;
	s31 =	simm.s32 $0x1;
	[tilespmem:s28+$0x0] =	vst v0  }
0x9b: {  	[hbm4b:s2+s29] =	stream.linear.scatter [tilespmem:s30], [sflag:$0x1], $0x280, $0x38;
	[tilespmem:$0x5A80] =	vst v63  }
0x9c: {  	_ =	swait.ge [sflag:s31], $0x280  }
0x9d: {  	[sflag:s31] =	ssyncset.done $0x0  }
0x9e: {  	[sflag:s31] =	ssyncadd.s32 $0xFFFFFD80  }
.LBB2_10:
0x9f: {  	_ =	sfence.sel $0x180000  }
0xa0: {  	[bflag:$0x0] =	sbarrier.arrive $0xFFFF  }
0xa1: {  	p0 =	sne.s32 s1, $0x0;
	_ =	strace $0x90000047  }
0xa2: {  	s0 =	sadd.s32 @!p0 $0x100000, s0;
	[bflag:$0x2] =	sbarrier.arrive $0xFFFF  }
0xa3: {  	[sflag:s0] =	ssyncadd.tile.s32 @!p0 $0x1;
	_ =	shalt  }
.Lfunc_end2:
_tile_overlayer_lowered:
.L_overlay_start_2:
0xa4: {  	(tag) =	ssettag $0x2  }
0xa5: {  	s0 =	rddreg [dreg:$0x0];
	s2 =	stileid.u32  }
0xa6: {  	s1 =	rddreg [dreg:$0x1];
	p0 =	sne.s32 s2, $0x0  }
0xa7: {  	s3 =	rddreg [dreg:$0x2];
	[bflag:$0x3] =	sbarrier.arrive $0xFFFF;
	s2 =	simm.s32 @!p0 $0x1C01  }
0xa8: {  	[timem:s3], [sflag:s2] =	dma.local @!p0 [hbm:s0], s1  }
0xa9: {  	s0 =	simm.s32 @!p0 $0x1  }
0xaa: {  	_ =	swait.ge @!p0 [sflag:s0], s1  }
0xab: {  	s1 =	ssub.s32 @!p0 $0x0, s1;
	[sflag:s0] =	ssyncset.done @!p0 $0x0  }
0xac: {  	[sflag:s0] =	ssyncadd.s32 @!p0 s1  }
0xad: {  	[bflag:$0x3] =	sbarrier.arrive $0xFFFF  }
0xae: {  	_ =	shalt  }

// kernel: kernel.15.cloned.1.call-start
scs
__scs_entry_jumppad:
0x0: {  	(pc) =	sbr.rel $0x88, $3  }
0x1: {  	(tag) =	ssettag $0x0;
	lr =	simm.s32 $0x1  }
0x2: {  	[smem:$0x3F90] =	sst lr;
	_ =	strace $0xD0000000  }
0x3: {  	_ = 	snop  }
0x4: {  	_ = 	snop  }
0x5: {  	_ = 	snop  }
0x6: {  	_ = 	snop  }
0x7: {  	_ = 	snop  }
__scs_overlays_trampoline_lowered:
0x8: {  	[smem:$0x3F9F] =	sst s0  }
0x9: {  	[smem:$0x3FA0] =	sst s1  }
0xa: {  	[smem:$0x3FA1] =	sst s2  }
0xb: {  	[smem:$0x3FA2] =	sst s3  }
0xc: {  	[smem:$0x3FA3] =	sst s4  }
0xd: {  	[smem:$0x3FA4] =	sst s5  }
0xe: {  	[smem:$0x3FA5] =	sst s6  }
0xf: {  	[smem:$0x3FA6] =	sst s7  }
0x10: {  	[smem:$0x3FA7] =	sst s8  }
0x11: {  	[smem:$0x3FA8] =	sst s9;
	s0 =	simm.s32 @!p0 $0x0  }
0x12: {  	s1 =	sld [smem:$0x3F8E];
	s0 =	simm.s32 @p0 $0x1  }
0x13: {  	[smem:$0x3FA9] =	sst s0;
	s0 =	simm.s32 @!p1 $0x0  }
0x14: {  	s2 =	sld [smem:$0x3F8D];
	s0 =	simm.s32 @p1 $0x1  }
0x15: {  	[smem:$0x3FAA] =	sst s0;
	s0 =	simm.s32 @!p2 $0x0  }
0x16: {  	s3 =	sld [smem:$0x3FDB];
	s0 =	simm.s32 @p2 $0x1  }
0x17: {  	s4 =	simm.s32 $0x1BF5;
	[smem:$0x3FAC] =	sst s0  }
0x18: {  	s0 =	sld [smem:$0x3F8F];
	_ =	swait.ge [sflag:s4], $0x0  }
0x19: {  	s7 =	sld [smem:$0x3F90]  }
0x1a: {  	s8 =	sadd.s32 $0xFFFFE003, lr  }
0x1b: {  	s9 =	sadd.s32 $0xFFFFFEF7, lr;
	s5 =	simm.s32 $0xFFFFFFFF;
	p2 =	slt.u32 s8, $0xFFFFF086  }
0x1c: {  	p1 =	slt.u32 s9, $0xF7A;
	s5 =	simm.s32 @!p2 $0x0  }
0x1d: {  	s5 =	simm.s32 @p1 $0x1;
	p0 =	seq.s32 s7, s2  }
0x1e: {  	s7 =	smul.u32 @!p0 $0xF7A, s2;
	p2 =	seq.s32 @!p0 s5, $0x0  }
0x1f: {  	s9 =	smul.u32 $0xF7A, s1;
	s8 =	simm.s32 @!p0 $0x1BF5;
	p2 =	por !p2, p0  }
0x20: {  	[sflag:s8] =	ssyncset.s32 @!p0 $0xFFFFF086;
	s6 =	sadd.s32 @!p0 s3, s7;
	s7 =	simm.s32 @!p0 $0x108  }
0x21: {  	s3 =	sadd.s32 s3, s9;
	s6 =	sadd.s32 @!p0 $0x88, s6;
	s7 =	simm.s32 @p2 $0x1082  }
0x22: {  	[simem:s7], [sflag:s8] =	dma.local @!p0 [hbm:s6], $0xF7A  }
0x23: {  	s9 =	sor.u32 $0xD0000000, s2;
	s6 =	simm.s32 $0x108;
	_ =	swait.ge @!p0 [sflag:s8], $0x0  }
0x24: {  	s3 =	sadd.s32 $0x88, s3;
	s6 =	simm.s32 @!p1 $0x1082;
	[sflag:s4] =	ssyncset.s32 $0xFFFFF086  }
0x25: {  	[simem:s6], [sflag:s4] =	dma.local [hbm:s3], $0xF7A  }
0x26: {  	[smem:$0x3F90] =	sst s1;
	(tag) =	ssettag s2;
	_ =	strace s9  }
0x27: {  	s1 =	sld [smem:$0x3FA0]  }
0x28: {  	s2 =	sld [smem:$0x3FA1]  }
0x29: {  	s4 =	sld [smem:$0x3FA3]  }
0x2a: {  	p0 =	seq.s32 s5, $0x0;
	s5 =	sld [smem:$0x3FA4]  }
0x2b: {  	s6 =	sld [smem:$0x3FA5]  }
0x2c: {  	s7 =	sld [smem:$0x3FA6]  }
0x2d: {  	s3 =	simm.s32 $0x108;
	s8 =	sld [smem:$0x3FA7]  }
0x2e: {  	s3 =	simm.s32 @!p0 $0x1082;
	s9 =	sld [smem:$0x3FA8]  }
0x2f: {  	lr =	sadd.s32 s0, s3;
	s0 =	sld [smem:$0x3F9F]  }
0x30: {  	s3 =	sld [smem:$0x3FA2]  }
0x31: {  	[smem:$0x3FAB] =	sst s10  }
0x32: {  	s10 =	sld [smem:$0x3FA9];
	_ =	sdelay $0x3  }
0x33: {  	p0 =	seq.s32 s10, $0x1;
	s10 =	sld [smem:$0x3FAB];
	_ =	sdelay $0x3  }
0x34: {  	[smem:$0x3FAB] =	sst s10  }
0x35: {  	s10 =	sld [smem:$0x3FAA];
	_ =	sdelay $0x3  }
0x36: {  	p1 =	seq.s32 s10, $0x1;
	s10 =	sld [smem:$0x3FAB];
	_ =	sdelay $0x3  }
0x37: {  	[smem:$0x3FAB] =	sst s10  }
0x38: {  	s10 =	sld [smem:$0x3FAC]  }
0x39: {  	_ = 	snop;
	(pc) =	sbr.ind lr, $3  }
0x3a: {  	_ = 	snop  }
0x3b: {  	_ = 	snop  }
0x3c: {  	p2 =	seq.s32 s10, $0x1;
	s10 =	sld [smem:$0x3FAB]  }
0x3d: {  	_ =	shalt  }
0x3e: {  	_ =	shalt  }
0x3f: {  	_ =	shalt  }
0x40: {  	_ =	shalt  }
0x41: {  	_ =	shalt  }
0x42: {  	_ =	shalt  }
0x43: {  	_ =	shalt  }
0x44: {  	_ =	shalt  }
0x45: {  	_ =	shalt  }
0x46: {  	_ =	shalt  }
0x47: {  	_ =	shalt  }
0x48: {  	_ =	shalt  }
0x49: {  	_ =	shalt  }
0x4a: {  	_ =	shalt  }
0x4b: {  	_ =	shalt  }
0x4c: {  	_ =	shalt  }
0x4d: {  	_ =	shalt  }
0x4e: {  	_ =	shalt  }
0x4f: {  	_ =	shalt  }
0x50: {  	_ =	shalt  }
0x51: {  	_ =	shalt  }
0x52: {  	_ =	shalt  }
0x53: {  	_ =	shalt  }
0x54: {  	_ =	shalt  }
0x55: {  	_ =	shalt  }
0x56: {  	_ =	shalt  }
0x57: {  	_ =	shalt  }
0x58: {  	_ =	shalt  }
0x59: {  	_ =	shalt  }
0x5a: {  	_ =	shalt  }
0x5b: {  	_ =	shalt  }
0x5c: {  	_ =	shalt  }
0x5d: {  	_ =	shalt  }
0x5e: {  	_ =	shalt  }
0x5f: {  	_ =	shalt  }
0x60: {  	_ =	shalt  }
0x61: {  	_ =	shalt  }
0x62: {  	_ =	shalt  }
0x63: {  	_ =	shalt  }
0x64: {  	_ =	shalt  }
0x65: {  	_ =	shalt  }
0x66: {  	_ =	shalt  }
0x67: {  	_ =	shalt  }
0x68: {  	_ =	shalt  }
0x69: {  	_ =	shalt  }
0x6a: {  	_ =	shalt  }
0x6b: {  	_ =	shalt  }
0x6c: {  	_ =	shalt  }
0x6d: {  	_ =	shalt  }
0x6e: {  	_ =	shalt  }
0x6f: {  	_ =	shalt  }
0x70: {  	_ =	shalt  }
0x71: {  	_ =	shalt  }
0x72: {  	_ =	shalt  }
0x73: {  	_ =	shalt  }
0x74: {  	_ =	shalt  }
0x75: {  	_ =	shalt  }
0x76: {  	_ =	shalt  }
0x77: {  	_ =	shalt  }
0x78: {  	_ =	shalt  }
0x79: {  	_ =	shalt  }
0x7a: {  	_ =	shalt  }
0x7b: {  	_ =	shalt  }
0x7c: {  	_ =	shalt  }
0x7d: {  	_ =	shalt  }
0x7e: {  	_ =	shalt  }
0x7f: {  	_ =	shalt  }
0x80: {  	_ =	shalt  }
0x81: {  	_ =	shalt  }
0x82: {  	_ =	shalt  }
0x83: {  	_ =	shalt  }
0x84: {  	_ =	shalt  }
0x85: {  	_ =	shalt  }
0x86: {  	_ =	shalt  }
0x87: {  	_ =	shalt  }
.Lfunc_end0:
.L_simem_size_0:
called_computation.1_lowered:
.L_overlay_start_0:
0x88: {  	s2 =	sld [smem:$0x3FD9]  }
0x89: {  	s3 =	sld [smem:$0x3FFE];
	_ =	sdelay $0x1  }
0x8a: {  	s1 =	srdreg.scid  }
0x8b: {  	s0 =	sand.u32 $0x1, s1  }
0x8c: {  	s16 =	sshll.u32 s0, $0xA;
	s2 =	sadd.s32 s3, s2  }
0x8d: {  	s2 =	sadd.s32 s2, s16  }
0x8e: {  	[smem:$0x3FB7] =	sst s2  }
0x8f: {  	_ = 	snop  }
0x90: {  	(tm) =	ssettm $0x1  }
0x91: {  	s17 =	sld [smem:$0x3FFB];
	_ =	sdelay $0x3  }
0x92: {  	_ =	strace s17  }
0x93: {  	s2 =	sld [smem:$0x3FFC];
	_ =	sdelay $0x3  }
0x94: {  	_ =	strace s2  }
0x95: {  	s2 =	sld [smem:$0x3FFD];
	_ =	sdelay $0x3  }
0x96: {  	_ =	strace s2  }
0x97: {  	_ =	strace $0x8FFFFFFF  }
0x98: {  	s18 =	sld [smem:$0x3FDB];
	_ =	sdelay $0x1  }
0x99: {  	s19 =	simm.s32 $_scs_section_size  }
0x9a: {  	s4 =	simm.s32 $_size__tile_overlayer_lowered;
	s5 =	simm.s32 $_tile_overlayer_lowered  }
0x9b: {  	s22 =	simm.s32 $0x1BFF;
	s21 =	sshll.u32 s5, $0x1;
	s2 =	sadd.s32 s19, s18  }
0x9c: {  	s6 =	simm.s32 $0x0;
	s20 =	sshll.u32 s4, $0x1;
	s4 =	sadd.s32 s21, s2  }
0x9d: {  	[timem:s6], [sflag:s22] =	dma.local [hbm:s4], s20  }
0x9e: {  	_ =	swait.ge [sflag:s22], s20  }
0x9f: {  	s3 =	ssub.s32 $0x0, s20;
	[sflag:s22] =	ssyncset.done $0x0  }
0xa0: {  	[sflag:s22] =	ssyncadd.s32 s3;
	_ =	sdelay $0x1  }
0xa1: {  	s23 =	simm.s32 $0x1B8B  }
0xa2: {  	_ =	swait.ge [sflag:s23], $0x1  }
0xa3: {  	[sflag:s23] =	ssyncset.done $0x0  }
0xa4: {  	s25 =	simm.s32 $0x1B8E;
	s24 =	sld [smem:$0x3FFE];
	[sflag:s23] =	ssyncadd.s32 $0xFFFFFFFF  }
0xa5: {  	s26 =	simm.s32 $execute0_lowered;
	[smem:$0x3FD2] =	sst s25  }
0xa6: {  	s4 =	sshll.u32 s26, $0x1;
	_ =	strace $0x80000049;
	[dreg:$0x1] =	wrdreg $0xFFFFFFFF  }
0xa7: {  	s28 =	simm.s32 $_size_execute0_lowered;
	s2 =	sadd.s32 s2, s4;
	[dreg:$0x0] =	wrdreg $0x0  }
0xa8: {  	s4 =	sshll.u32 s28, $0x1;
	[dreg:$0x2] =	wrdreg s2  }
0xa9: {  	[dreg:$0x3] =	wrdreg s4  }
0xaa: {  	[dreg:$0x4] =	wrdreg $0xC0  }
0xab: {  	_ =	task [dreg:s6], $0x5FFFF  }
0xac: {  	[dreg:$0x1] =	wrdreg $0xFFFFFFFF  }
0xad: {  	[dreg:$0x0] =	wrdreg $0x60  }
0xae: {  	[dreg:$0x2] =	wrdreg s24  }
0xaf: {  	[dreg:$0x3] =	wrdreg $0x9  }
0xb0: {  	_ =	task.clear_ibuf [dreg:s6], $0x4FFFF;
	_ =	strace $0x90000049  }
0xb1: {  	s29 =	simm.s32 $0x9;
	_ =	strace $0x8000004B  }
0xb2: {  	_ =	swait.ge [sflag:s29], $0x1  }
0xb3: {  	[sflag:s29] =	ssyncadd.s32 $0xFFFFFFFF  }
0xb4: {  	_ =	strace $0x9000004B  }
0xb5: {  	_ =	sfence  }
0xb6: {  	s30 =	sld [smem:$0x0];
	_ =	sdelay $0x2  }
0xb7: {  	s31 =	sshll.u32 s1, $0xD;
	s1 =	sshrl.u32 s1, $0x2  }
0xb8: {  	s3 =	sand.u32 $0x4000, s31;
	s1 =	sadd.s32 s1, s30  }
0xb9: {  	s0 =	sor.u32 s3, s0;
	s1 =	sshll.u32 s1, $0x11  }
0xba: {  	s0 =	sor.u32 s1, s0  }
0xbb: {  	s0 =	sadd.s32 $0x8F2B, s0  }
0xbc: {  	[sflag:s0] =	ssyncadd.remote.s32 $0x1  }
0xbd: {  	_ =	sfence.sel $0xFFFF  }
0xbe: {  	[dreg:$0x0] =	wrdreg $0xFFFFFFFF;
	(pc) =	sbr.abs _section_cstart, $3  }
0xbf: {  	[dreg:$0x1] =	wrdreg $0xFFFFFFFF  }
0xc0: {  	_ =	task.clear_ibuf [dreg:s6], $0x2FFFF;
	_ =	strace $0x9FFFFFFF  }
0xc1: {  	(tm) =	ssettm $0x7FFFFFFF  }
tec
execute0_lowered:
.L_overlay_start_1:
0x0: {  	(tag) =	ssettag $0x1  }
0x1: {  	s6 =	rddreg [dreg:$0x0]  }
0x2: {  	s0 =	rddreg [dreg:$0x1]  }
0x3: {  	s3 =	srdreg.scid;
	s1 =	stileid.u32  }
0x4: {  	s2 =	simm.s32 $0x0;
	s11 =	simm.s32 $0x5;
	s12 =	simm.s32 $0x1  }
0x5: {  	s13 =	simm.s32 $0x3;
	s3 =	sand.u32 $0x1, s3;
	s4 =	sshll.u32 s1, $0x1  }
0x6: {  	s14 =	simm.s32 $0xD200;
	s15 =	simm.s32 $0x2;
	s4 =	sor.u32 s3, s4  }
0x7: {  	s16 =	simm.s32 $0x4;
	s17 =	simm.s32 $0x0;
	s5 =	smul.u32 $0x1400, s4  }
.Ltmp0:
0x8: {  	[smem:$0x7FF] =	sst s2;
	s7 =	ssub.s32 $0x2, s3;
	(pc) =	sbr.rel .LBB2_1-.Ltmp0, $4  }
0x9: {  	_ =	strace $0x8000004A;
	s3 =	sadd.s32 $0x18400, s6;
	s8 =	sshrl.u32 s7, $0x1  }
0xa: {  	s4 =	sadd.s32 $0xE600, s6;
	s10 =	ssub.s32 s7, s8;
	s9 =	sadd.s32 s5, s6  }
0xb: {  	s5 =	sadd.s32 $0x18590, s6;
	s6 =	sadd.s32 $0xE790, s6;
	s7 =	sadd.s32 $0x22200, s9  }
0xc: {  	v0 =	vimm.f32 $0.0e+00;
	s8 =	sadd.s32 $0x4A200, s9;
	s9 =	smax.u32 s10, $0x1;
	s10 =	simm.s32 $0x3200  }
.LBB2_34:
0xd: {  	s17 =	sadd.s32 $0x1, s17  }
0xe: {  	p0 =	sne.s32 s17, s9  }
.Ltmp1:
0xf: {  	_ = 	snop;
	(pc) =	sbr.rel @!p0 .LBB2_35-.Ltmp1, $4  }
0x10: {  	[hbm4b:s8+s2] =	stream.linear.scatter [tilespmem:s14], [sflag:$0x5], $0xA000, $0x38;
	[tilespmem:$0x17200] =	vst v63  }
0x11: {  	_ =	swait.ge [sflag:s11], $0xA000  }
0x12: {  	[sflag:s11] =	ssyncset.done $0x0  }
0x13: {  	[sflag:s11] =	ssyncadd.s32 $0xFFFF6000  }
.LBB2_1:
0x14: {  	s18 =	simm.s32 $0x0;
	s19 =	simm.s32 $0x0  }
.LBB2_2:
0x15: {  	p0 =	sne.s32 s19, $0x180  }
.Ltmp2:
0x16: {  	_ = 	snop;
	(pc) =	sbr.rel @p0 .LBB2_2-.Ltmp2, $4  }
0x17: {  	_ = 	snop  }
0x18: {  	s20 =	sadd.s32 s19, s3;
	s21 =	simm.s32 $0x0  }
0x19: {  	[tilespmem:s18], [sflag:$0x1] =	stream.linear.gather [hbm4b:s20+s21], $0x80, $0x38;
	[tilespmem:$0x17200] =	vst v63  }
0x1a: {  	s19 =	sadd.s32 $0x10, s19;
	s18 =	sadd.s32 $0x100, s18  }
0x1b: {  	s18 =	simm.s32 $0x1900  }
0x1c: {  	s19 =	simm.s32 $0x10;
	s21 =	sadd.s32 $0x0, s4;
	s20 =	simm.s32 $0x1A00  }
.LBB2_4:
0x1d: {  	[tilespmem:s18], [sflag:$0x3] =	stream.linear.gather [hbm4b:s21+s2], $0x80, $0x38;
	[tilespmem:$0x17200] =	vst v63  }
0x1e: {  	s21 =	smov.u32 s19;
	s18 =	smov.u32 s20;
	p0 =	sne.s32 s19, $0x180  }
.Ltmp3:
0x1f: {  	s19 =	sadd.s32 $0x10, s19;
	(pc) =	sbr.rel @p0 .LBB2_4-.Ltmp3, $2  }
0x20: {  	_ =	sdelay $0x2  }
0x21: {  	s20 =	sadd.s32 $0x100, s20;
	s21 =	sadd.s32 s21, s4  }
0x22: {  	[tilespmem:s18], [sflag:$0x3] =	stream.linear.gather [hbm4b:s21+s2], $0x80, $0x38;
	[tilespmem:$0x17200] =	vst v63  }
0x23: {  	s18 =	simm.s32 $0x80  }
0x24: {  	s19 =	simm.s32 $0x10;
	s21 =	sadd.s32 $0x0, s5;
	s20 =	simm.s32 $0x180  }
.LBB2_6:
0x25: {  	[tilespmem:s18], [sflag:$0x2] =	stream.linear.gather [hbm4b:s21+s2], $0x80, $0x38;
	[tilespmem:$0x17200] =	vst v63  }
0x26: {  	s21 =	smov.u32 s19;
	s18 =	smov.u32 s20;
	p0 =	sne.s32 s19, $0x180  }
.Ltmp4:
0x27: {  	s19 =	sadd.s32 $0x10, s19;
	(pc) =	sbr.rel @p0 .LBB2_6-.Ltmp4, $2  }
0x28: {  	_ =	sdelay $0x2  }
0x29: {  	s20 =	sadd.s32 $0x100, s20;
	s21 =	sadd.s32 s21, s5  }
0x2a: {  	[tilespmem:s18], [sflag:$0x2] =	stream.linear.gather [hbm4b:s21+s2], $0x80, $0x38;
	[tilespmem:$0x17200] =	vst v63  }
0x2b: {  	s18 =	simm.s32 $0x0;
	s19 =	simm.s32 $0x1980  }
.LBB2_8:
0x2c: {  	p0 =	sne.s32 s18, $0x180  }
.Ltmp5:
0x2d: {  	_ = 	snop;
	(pc) =	sbr.rel @p0 .LBB2_8-.Ltmp5, $4  }
0x2e: {  	_ = 	snop  }
0x2f: {  	s20 =	sadd.s32 s18, s6  }
0x30: {  	[tilespmem:s19], [sflag:$0x4] =	stream.linear.gather [hbm4b:s20+s2], $0x80, $0x38;
	[tilespmem:$0x17200] =	vst v63  }
0x31: {  	s18 =	sadd.s32 $0x10, s18;
	s19 =	sadd.s32 $0x100, s19  }
0x32: {  	s18 =	simm.s32 $0xD240  }
0x33: {  	[tilespmem:s18+$0xFFFFFFC0] =	vst v0  }
0x34: {  	[tilespmem:s18+$0x30] =	vst v0  }
0x35: {  	[tilespmem:s18+$0x20] =	vst v0  }
0x36: {  	[tilespmem:s18+$0x10] =	vst v0  }
0x37: {  	[tilespmem:s18+$0x0] =	vst v0  }
0x38: {  	[tilespmem:s18+$0xFFFFFFF0] =	vst v0  }
0x39: {  	s20 =	simm.s32 $0x0;
	[tilespmem:s18+$0xFFFFFFE0] =	vst v0  }
.LBB2_10:
0x3a: {  	s20 =	sadd.s32 $0x80, s20;
	[tilespmem:s18+$0xFFFFFFD0] =	vst v0;
	s18 =	sadd.s32 $0x200, s18;
	s19 =	simm.s32 $0xD2F0  }
0x3b: {  	[tilespmem:s18+$0xFFFFFFC0] =	vst v0;
	p0 =	slt.u32 s20, $0x2780  }
0x3c: {  	[tilespmem:s18+$0x30] =	vst v0  }
.Ltmp6:
0x3d: {  	[tilespmem:s18+$0x20] =	vst v0;
	(pc) =	sbr.rel @p0 .LBB2_10-.Ltmp6, $4  }
0x3e: {  	[tilespmem:s18+$0x10] =	vst v0  }
0x3f: {  	[tilespmem:s18+$0x0] =	vst v0  }
0x40: {  	[tilespmem:s18+$0xFFFFFFF0] =	vst v0  }
0x41: {  	[tilespmem:s18+$0xFFFFFFE0] =	vst v0  }
0x42: {  	[tilespmem:s18+$0xFFFFFFD0] =	vst v0  }
0x43: {  	[tilespmem:s19+$0xFFFFFF90] =	vst v0  }
0x44: {  	[tilespmem:s19+$0x0] =	vst v0  }
0x45: {  	[tilespmem:s19+$0xFFFFFFF0] =	vst v0  }
0x46: {  	[tilespmem:s19+$0xFFFFFFE0] =	vst v0  }
0x47: {  	[tilespmem:s19+$0xFFFFFFD0] =	vst v0  }
0x48: {  	[tilespmem:s19+$0xFFFFFFC0] =	vst v0  }
0x49: {  	s20 =	simm.s32 $0x0;
	s18 =	simm.s32 $0xD370;
	[tilespmem:s19+$0xFFFFFFB0] =	vst v0  }
.LBB2_12:
0x4a: {  	s20 =	sadd.s32 $0x80, s20;
	[tilespmem:s19+$0xFFFFFFA0] =	vst v0;
	s19 =	sadd.s32 $0x200, s19  }
0x4b: {  	[tilespmem:s19+$0xFFFFFF90] =	vst v0;
	p0 =	slt.u32 s20, $0x2780  }
0x4c: {  	[tilespmem:s19+$0x0] =	vst v0  }
.Ltmp7:
0x4d: {  	[tilespmem:s19+$0xFFFFFFF0] =	vst v0;
	(pc) =	sbr.rel @p0 .LBB2_12-.Ltmp7, $4  }
0x4e: {  	[tilespmem:s19+$0xFFFFFFE0] =	vst v0  }
0x4f: {  	[tilespmem:s19+$0xFFFFFFD0] =	vst v0  }
0x50: {  	[tilespmem:s19+$0xFFFFFFC0] =	vst v0  }
0x51: {  	[tilespmem:s19+$0xFFFFFFB0] =	vst v0  }
0x52: {  	[tilespmem:s19+$0xFFFFFFA0] =	vst v0  }
0x53: {  	[tilespmem:s18+$0xFFFFFF90] =	vst v0  }
0x54: {  	[tilespmem:s18+$0x0] =	vst v0  }
0x55: {  	[tilespmem:s18+$0xFFFFFFF0] =	vst v0  }
0x56: {  	[tilespmem:s18+$0xFFFFFFE0] =	vst v0  }
0x57: {  	[tilespmem:s18+$0xFFFFFFD0] =	vst v0  }
0x58: {  	[tilespmem:s18+$0xFFFFFFC0] =	vst v0  }
0x59: {  	s20 =	simm.s32 $0x0;
	[tilespmem:s18+$0xFFFFFFB0] =	vst v0  }
.LBB2_14:
0x5a: {  	s20 =	sadd.s32 $0x80, s20;
	[tilespmem:s18+$0xFFFFFFA0] =	vst v0;
	s18 =	sadd.s32 $0x200, s18;
	s19 =	simm.s32 $0xD3F0  }
0x5b: {  	[tilespmem:s18+$0xFFFFFF90] =	vst v0;
	p0 =	slt.u32 s20, $0x2780  }
0x5c: {  	[tilespmem:s18+$0x0] =	vst v0  }
.Ltmp8:
0x5d: {  	[tilespmem:s18+$0xFFFFFFF0] =	vst v0;
	(pc) =	sbr.rel @p0 .LBB2_14-.Ltmp8, $4  }
0x5e: {  	[tilespmem:s18+$0xFFFFFFE0] =	vst v0  }
0x5f: {  	[tilespmem:s18+$0xFFFFFFD0] =	vst v0  }
0x60: {  	[tilespmem:s18+$0xFFFFFFC0] =	vst v0  }
0x61: {  	[tilespmem:s18+$0xFFFFFFB0] =	vst v0  }
0x62: {  	[tilespmem:s18+$0xFFFFFFA0] =	vst v0  }
0x63: {  	[tilespmem:s19+$0xFFFFFF90] =	vst v0  }
0x64: {  	[tilespmem:s19+$0x0] =	vst v0  }
0x65: {  	[tilespmem:s19+$0xFFFFFFF0] =	vst v0  }
0x66: {  	[tilespmem:s19+$0xFFFFFFE0] =	vst v0  }
0x67: {  	[tilespmem:s19+$0xFFFFFFD0] =	vst v0  }
0x68: {  	[tilespmem:s19+$0xFFFFFFC0] =	vst v0  }
0x69: {  	s18 =	simm.s32 $0x0;
	[tilespmem:s19+$0xFFFFFFB0] =	vst v0  }
.LBB2_16:
0x6a: {  	s18 =	sadd.s32 $0x80, s18;
	[tilespmem:s19+$0xFFFFFFA0] =	vst v0;
	s19 =	sadd.s32 $0x200, s19  }
0x6b: {  	[tilespmem:s19+$0xFFFFFF90] =	vst v0;
	p0 =	slt.u32 s18, $0x2780  }
0x6c: {  	[tilespmem:s19+$0x0] =	vst v0  }
.Ltmp9:
0x6d: {  	[tilespmem:s19+$0xFFFFFFF0] =	vst v0;
	(pc) =	sbr.rel @p0 .LBB2_16-.Ltmp9, $4  }
0x6e: {  	[tilespmem:s19+$0xFFFFFFE0] =	vst v0  }
0x6f: {  	[tilespmem:s19+$0xFFFFFFD0] =	vst v0  }
0x70: {  	[tilespmem:s19+$0xFFFFFFC0] =	vst v0  }
0x71: {  	[tilespmem:s19+$0xFFFFFFB0] =	vst v0  }
0x72: {  	[tilespmem:s19+$0xFFFFFFA0] =	vst v0;
	s18 =	simm.s32 $0x0  }
0x73: {  	[tilespmem:s10], [sflag:$0x5] =	stream.linear.gather [hbm4b:s7+s18], $0xA000, $0x38;
	[tilespmem:$0x17200] =	vst v63  }
0x74: {  	_ =	swait.ge [sflag:s11], $0xA000  }
0x75: {  	[sflag:s11] =	ssyncset.done $0x0  }
0x76: {  	s19 =	simm.s32 $0x0;
	[sflag:s11] =	ssyncadd.s32 $0xFFFF6000  }
.LBB2_18:
0x77: {  	_ =	swait.ge [sflag:s12], $0xC80  }
0x78: {  	[sflag:s12] =	ssyncset.done $0x0  }
0x79: {  	[sflag:s12] =	ssyncadd.s32 $0xFFFFF380  }
0x7a: {  	s20 =	simm.s32 $0x0;
	_ =	swait.ge [sflag:s13], $0xC80  }
0x7b: {  	s21 =	sand.u32 $0x1F00, s18;
	s20 =	sand.u32 $0x40, s20;
	[sflag:s13] =	ssyncset.done $0x0  }
0x7c: {  	s20 =	sor.u32 s20, s21;
	[sflag:s13] =	ssyncadd.s32 $0xFFFFF380  }
0x7d: {  	v1 =	vld [tilespmem:s20+$0x30]  }
0x7e: {  	v2 =	vld [tilespmem:s20+$0x0]  }
0x7f: {  	v3 =	vld [tilespmem:s20+$0x10];
	_ =	sdelay $0x1  }
0x80: {  	v11 =	vld [tilespmem:s20+$0x1920]  }
0x81: {  	v4 =	vld [tilespmem:s20+$0x20]  }
0x82: {  	v8 =	vld [tilespmem:s20+$0x1930];
	v6 =	vshll.u32 v1, $0x2;
	v7 =	vshll.u32 v2, $0x2  }
0x83: {  	v1 =	vand.u32 $0x7F, v1;
	v10 =	vshll.u32 v3, $0x2;
	v6 =	vand.u32 $0xFFFFFE00, v6  }
0x84: {  	v5 =	vld [tilespmem:s20+$0x1900];
	v2 =	vand.u32 $0x7F, v2;
	v3 =	vand.u32 $0x7F, v3;
	v1 =	vor.u32 v1, v6  }
0x85: {  	s21 =	simm.s32 $0x80;
	v9 =	vld [tilespmem:s20+$0x1910];
	s20 =	simm.s32 $0x40;
	v12 =	vshll.u32 v11, $0x2;
	v7 =	vand.u32 $0xFFFFFE00, v7;
	v6 =	vand.u32 $0xFFFFFE00, v10  }
0x86: {  	s23 =	sand.u32 $0x1F00, s21;
	s22 =	sand.u32 $0x40, s20;
	v10 =	vshll.u32 v4, $0x2;
	v4 =	vand.u32 $0x7F, v4;
	v2 =	vor.u32 v2, v7  }
0x87: {  	s22 =	sor.u32 s22, s23;
	v10 =	vand.u32 $0xFFFFFE00, v10;
	v3 =	vor.u32 v3, v6;
	v6 =	vshll.u32 v8, $0x2  }
0x88: {  	v18 =	vld [tilespmem:s22+$0x1910];
	v8 =	vand.u32 $0x7F, v8;
	v4 =	vor.u32 v4, v10;
	v6 =	vand.u32 $0xFFFFFE00, v6  }
0x89: {  	v7 =	vshll.u32 v5, $0x2;
	v5 =	vand.u32 $0x7F, v5;
	v6 =	vor.u32 v8, v6;
	v13 =	vld.idx.msk [tilespmem:v1+s10+$0x0], $0xffff  }
0x8a: {  	v21 =	vld [tilespmem:s22+$0x1920];
	v7 =	vand.u32 $0xFFFFFE00, v7;
	v10 =	vshll.u32 v9, $0x2;
	v8 =	vor.u32 $0x80, v1  }
0x8b: {  	v5 =	vor.u32 v5, v7;
	v7 =	vand.u32 $0x7F, v9;
	v10 =	vand.u32 $0xFFFFFE00, v10;
	v14 =	vld.idx.msk [tilespmem:v2+s10+$0x0], $0xffff  }
0x8c: {  	v11 =	vand.u32 $0x7F, v11;
	v9 =	vand.u32 $0xFFFFFE00, v12;
	v7 =	vor.u32 v7, v10;
	v12 =	vld.idx.msk [tilespmem:v3+s10+$0x0], $0xffff  }
0x8d: {  	v9 =	vor.u32 v11, v9;
	v11 =	vor.u32 $0x80, v2;
	v10 =	vld.idx.msk [tilespmem:v4+s10+$0x0], $0xffff  }
0x8e: {  	[tilespmem:v6+s14+$0x0] =	vst.idx.add.f32.msk $0xffff, v13  }
0x8f: {  	v13 =	vor.u32 $0x80, v6;
	v8 =	vld.idx.msk [tilespmem:v8+s10+$0x0], $0xffff  }
0x90: {  	[tilespmem:v5+s14+$0x0] =	vst.idx.add.f32.msk $0xffff, v14;
	v14 =	vor.u32 $0x100, v1  }
0x91: {  	[tilespmem:v7+s14+$0x0] =	vst.idx.add.f32.msk $0xffff, v12;
	v12 =	vor.u32 $0x80, v4  }
0x92: {  	v15 =	vor.u32 $0x80, v3;
	v11 =	vld.idx.msk [tilespmem:v11+s10+$0x0], $0xffff  }
0x93: {  	[tilespmem:v9+s14+$0x0] =	vst.idx.add.f32.msk $0xffff, v10;
	v10 =	vor.u32 $0x80, v5  }
0x94: {  	v16 =	vor.u32 $0x100, v2;
	[tilespmem:v13+s14+$0x0] =	vst.idx.add.f32.msk $0xffff, v8  }
0x95: {  	v13 =	vor.u32 $0x100, v6;
	v8 =	vld.idx.msk [tilespmem:v14+s10+$0x0], $0xffff  }
0x96: {  	v17 =	vor.u32 $0x80, v9;
	v12 =	vld.idx.msk [tilespmem:v12+s10+$0x0], $0xffff  }
0x97: {  	v1 =	vor.u32 $0x180, v1;
	v14 =	vld.idx.msk [tilespmem:v15+s10+$0x0], $0xffff  }
0x98: {  	v15 =	vor.u32 $0x80, v7;
	[tilespmem:v10+s14+$0x0] =	vst.idx.add.f32.msk $0xffff, v11  }
0x99: {  	v11 =	vld.idx.msk [tilespmem:v16+s10+$0x0], $0xffff  }
0x9a: {  	[tilespmem:v13+s14+$0x0] =	vst.idx.add.f32.msk $0xffff, v8;
	v8 =	vor.u32 $0x100, v5  }
0x9b: {  	[tilespmem:v17+s14+$0x0] =	vst.idx.add.f32.msk $0xffff, v12  }
0x9c: {  	v6 =	vor.u32 $0x180, v6;
	v1 =	vld.idx.msk [tilespmem:v1+s10+$0x0], $0xffff  }
0x9d: {  	[tilespmem:v15+s14+$0x0] =	vst.idx.add.f32.msk $0xffff, v14  }
0x9e: {  	v13 =	vld [tilespmem:s22+$0x20]  }
0x9f: {  	v10 =	vor.u32 $0x100, v3;
	[tilespmem:v8+s14+$0x0] =	vst.idx.add.f32.msk $0xffff, v11  }
0xa0: {  	v8 =	vld [tilespmem:s22+$0x10]  }
0xa1: {  	v16 =	vor.u32 $0x100, v4;
	[tilespmem:v6+s14+$0x0] =	vst.idx.add.f32.msk $0xffff, v1  }
0xa2: {  	v2 =	vor.u32 $0x180, v2;
	v1 =	vld [tilespmem:s22+$0x30]  }
0xa3: {  	v6 =	vld [tilespmem:s22+$0x0]  }
0xa4: {  	v10 =	vld.idx.msk [tilespmem:v10+s10+$0x0], $0xffff;
	v11 =	vor.u32 $0x100, v7  }
0xa5: {  	v3 =	vor.u32 $0x180, v3;
	v4 =	vor.u32 $0x180, v4;
	v17 =	vld [tilespmem:s22+$0x1930];
	v14 =	vor.u32 $0x100, v9  }
0xa6: {  	v5 =	vor.u32 $0x180, v5;
	v12 =	vld.idx.msk [tilespmem:v16+s10+$0x0], $0xffff;
	v61 =	vshll.u32 v13, $0x2;
	v7 =	vor.u32 $0x180, v7  }
0xa7: {  	v2 =	vld.idx.msk [tilespmem:v2+s10+$0x0], $0xffff;
	v20 =	vshll.u32 v8, $0x2;
	v8 =	vand.u32 $0x7F, v8;
	v16 =	vshll.u32 v1, $0x2  }
0xa8: {  	v15 =	vld [tilespmem:s22+$0x1900];
	v19 =	vshll.u32 v6, $0x2;
	v1 =	vand.u32 $0x7F, v1;
	v16 =	vand.u32 $0xFFFFFE00, v16  }
0xa9: {  	[tilespmem:v11+s14+$0x0] =	vst.idx.add.f32.msk $0xffff, v10;
	v19 =	vand.u32 $0xFFFFFE00, v19;
	v16 =	vor.u32 v1, v16;
	v1 =	vand.u32 $0x7F, v6  }
0xaa: {  	v10 =	vand.u32 $0x7F, v13;
	v3 =	vld.idx.msk [tilespmem:v3+s10+$0x0], $0xffff;
	v6 =	vand.u32 $0xFFFFFE00, v20;
	v13 =	vor.u32 v1, v19  }
0xab: {  	[tilespmem:v14+s14+$0x0] =	vst.idx.add.f32.msk $0xffff, v12;
	v1 =	vand.u32 $0xFFFFFE00, v61;
	v6 =	vor.u32 v8, v6;
	v8 =	vshll.u32 v17, $0x2  }
0xac: {  	[tilespmem:v5+s14+$0x0] =	vst.idx.add.f32.msk $0xffff, v2;
	v19 =	vor.u32 v10, v1;
	v1 =	vand.u32 $0x7F, v17;
	v8 =	vand.u32 $0xFFFFFE00, v8  }
0xad: {  	v17 =	vor.u32 v1, v8;
	v1 =	vld.idx.msk [tilespmem:v4+s10+$0x0], $0xffff  }
0xae: {  	v12 =	vshll.u32 v21, $0x2;
	v14 =	vand.u32 $0x7F, v15;
	v8 =	vshll.u32 v15, $0x2;
	v10 =	vld.idx.msk [tilespmem:v16+s10+$0x0], $0xffff  }
0xaf: {  	v11 =	vshll.u32 v18, $0x2;
	v4 =	vor.u32 $0x80, v16;
	[tilespmem:v7+s14+$0x0] =	vst.idx.add.f32.msk $0xffff, v3;
	v8 =	vand.u32 $0xFFFFFE00, v8  }
0xb0: {  	v11 =	vand.u32 $0xFFFFFE00, v11;
	v62 =	vor.u32 v14, v8;
	v8 =	vand.u32 $0x7F, v18;
	v15 =	vld.idx.msk [tilespmem:v13+s10+$0x0], $0xffff  }
0xb1: {  	v12 =	vand.u32 $0xFFFFFE00, v12;
	v18 =	vand.u32 $0x7F, v21;
	v14 =	vld.idx.msk [tilespmem:v6+s10+$0x0], $0xffff;
	v63 =	vor.u32 v8, v11  }
0xb2: {  	v18 =	vor.u32 v18, v12;
	v8 =	vld.idx.msk [tilespmem:v19+s10+$0x0], $0xffff  }
0xb3: {  	v5 =	vor.u32 $0x80, v6;
	[tilespmem:v17+s14+$0x0] =	vst.idx.add.f32.msk $0xffff, v10  }
0xb4: {  	v10 =	vor.u32 $0x80, v13;
	v4 =	vld.idx.msk [tilespmem:v4+s10+$0x0], $0xffff  }
0xb5: {  	v11 =	vor.u32 $0x80, v17;
	[tilespmem:v62+s14+$0x0] =	vst.idx.add.f32.msk $0xffff, v15  }
0xb6: {  	v2 =	vor.u32 $0x100, v16;
	[tilespmem:v63+s14+$0x0] =	vst.idx.add.f32.msk $0xffff, v14  }
0xb7: {  	v12 =	vor.u32 $0x80, v19;
	[tilespmem:v18+s14+$0x0] =	vst.idx.add.f32.msk $0xffff, v8  }
0xb8: {  	v15 =	vor.u32 $0x180, v16;
	v16 =	vor.u32 $0x80, v63;
	v5 =	vld.idx.msk [tilespmem:v5+s10+$0x0], $0xffff  }
0xb9: {  	v8 =	vld.idx.msk [tilespmem:v10+s10+$0x0], $0xffff;
	v10 =	vor.u32 $0x80, v62  }
0xba: {  	[tilespmem:v11+s14+$0x0] =	vst.idx.add.f32.msk $0xffff, v4;
	v4 =	vor.u32 $0x100, v13  }
0xbb: {  	v11 =	vor.u32 $0x100, v17;
	v2 =	vld.idx.msk [tilespmem:v2+s10+$0x0], $0xffff  }
0xbc: {  	v22 =	vld.idx.msk [tilespmem:v12+s10+$0x0], $0xffff  }
0xbd: {  	v23 =	vor.u32 $0x80, v18;
	[tilespmem:v16+s14+$0x0] =	vst.idx.add.f32.msk $0xffff, v5  }
0xbe: {  	v24 =	vor.u32 $0x100, v6;
	[tilespmem:v10+s14+$0x0] =	vst.idx.add.f32.msk $0xffff, v8  }
0xbf: {  	v12 =	vor.u32 $0x100, v19;
	v14 =	vld.idx.msk [tilespmem:v4+s10+$0x0], $0xffff  }
0xc0: {  	v7 =	vor.u32 $0x180, v6;
	[tilespmem:v11+s14+$0x0] =	vst.idx.add.f32.msk $0xffff, v2;
	v11 =	vor.u32 $0x100, v62  }
0xc1: {  	v6 =	vor.u32 $0x180, v19;
	v3 =	vor.u32 $0x180, v63;
	v16 =	vor.u32 $0x180, v17;
	v15 =	vld.idx.msk [tilespmem:v15+s10+$0x0], $0xffff  }
0xc2: {  	v5 =	vor.u32 $0x180, v18;
	[tilespmem:v23+s14+$0x0] =	vst.idx.add.f32.msk $0xffff, v22;
	v10 =	vor.u32 $0x100, v63;
	v8 =	vor.u32 $0x100, v18  }
0xc3: {  	v4 =	vor.u32 $0x180, v62;
	v2 =	vor.u32 $0x180, v9;
	v9 =	vor.u32 $0x180, v13;
	v13 =	vld.idx.msk [tilespmem:v24+s10+$0x0], $0xffff  }
.LBB2_19:
0xc4: {  	s20 =	sadd.s32 $0x40, s20;
	v12 =	vld.idx.msk [tilespmem:v12+s10+$0x0], $0xffff;
	s21 =	sadd.s32 $0x80, s21  }
0xc5: {  	s22 =	sand.u32 $0x40, s20;
	s23 =	sand.u32 $0x1F00, s21;
	p0 =	slt.u32 s20, $0xC40;
	[tilespmem:v11+s14+$0x0] =	vst.idx.add.f32.msk $0xffff, v14  }
0xc6: {  	s22 =	sor.u32 s22, s23;
	[tilespmem:v16+s14+$0x0] =	vst.idx.add.f32.msk $0xffff, v15  }
0xc7: {  	v11 =	vld [tilespmem:s22+$0x30]  }
0xc8: {  	v14 =	vld [tilespmem:s22+$0x0]  }
0xc9: {  	v15 =	vld [tilespmem:s22+$0x10]  }
0xca: {  	v16 =	vld [tilespmem:s22+$0x20]  }
0xcb: {  	v17 =	vld [tilespmem:s22+$0x1900]  }
0xcc: {  	v18 =	vld [tilespmem:s22+$0x1910];
	v19 =	vshll.u32 v11, $0x2  }
0xcd: {  	v11 =	vand.u32 $0x7F, v11;
	v20 =	vshll.u32 v14, $0x2;
	v21 =	vld [tilespmem:s22+$0x1930];
	v19 =	vand.u32 $0xFFFFFE00, v19  }
0xce: {  	v20 =	vand.u32 $0xFFFFFE00, v20;
	v22 =	vshll.u32 v15, $0x2;
	v23 =	vld [tilespmem:s22+$0x1920];
	v19 =	vor.u32 v11, v19  }
0xcf: {  	v11 =	vand.u32 $0x7F, v14;
	v14 =	vand.u32 $0xFFFFFE00, v22;
	v22 =	vshll.u32 v16, $0x2;
	[tilespmem:v10+s14+$0x0] =	vst.idx.add.f32.msk $0xffff, v13  }
0xd0: {  	v10 =	vand.u32 $0x7F, v15;
	v13 =	vand.u32 $0x7F, v16;
	v15 =	vand.u32 $0xFFFFFE00, v22;
	[tilespmem:v8+s14+$0x0] =	vst.idx.add.f32.msk $0xffff, v12  }
0xd1: {  	v16 =	vor.u32 v11, v20;
	v14 =	vor.u32 v10, v14;
	v13 =	vor.u32 v13, v15;
	v9 =	vld.idx.msk [tilespmem:v9+s10+$0x0], $0xffff  }
0xd2: {  	v8 =	vshll.u32 v17, $0x2;
	v10 =	vshll.u32 v18, $0x2;
	v11 =	vshll.u32 v21, $0x2;
	v15 =	vld.idx.msk [tilespmem:v7+s10+$0x0], $0xffff  }
0xd3: {  	v20 =	vand.u32 $0x7F, v21;
	v7 =	vshll.u32 v23, $0x2;
	v12 =	vld.idx.msk [tilespmem:v19+s10+$0x0], $0xffff;
	v11 =	vand.u32 $0xFFFFFE00, v11  }
0xd4: {  	v8 =	vand.u32 $0xFFFFFE00, v8;
	v10 =	vand.u32 $0xFFFFFE00, v10;
	v20 =	vor.u32 v20, v11;
	v6 =	vld.idx.msk [tilespmem:v6+s10+$0x0], $0xffff  }
0xd5: {  	v11 =	vand.u32 $0x7F, v17;
	v7 =	vand.u32 $0xFFFFFE00, v7;
	v17 =	vor.u32 $0x80, v19;
	[tilespmem:v2+s14+$0x0] =	vst.idx.add.f32.msk $0xffff, v1;
	v2 =	vmovc v5  }
0xd6: {  	v21 =	vor.u32 v11, v8;
	v1 =	vand.u32 $0x7F, v18;
	v8 =	vand.u32 $0x7F, v23;
	v5 =	vld.idx.msk [tilespmem:v16+s10+$0x0], $0xffff  }
0xd7: {  	v18 =	vor.u32 $0x80, v16;
	v23 =	vor.u32 v1, v10;
	v24 =	vor.u32 v8, v7;
	v22 =	vld.idx.msk [tilespmem:v14+s10+$0x0], $0xffff  }
0xd8: {  	v26 =	vor.u32 $0x80, v14;
	v28 =	vor.u32 $0x80, v13;
	v25 =	vor.u32 $0x80, v21;
	v27 =	vld.idx.msk [tilespmem:v13+s10+$0x0], $0xffff  }
0xd9: {  	v29 =	vor.u32 $0x100, v16;
	v30 =	vor.u32 $0x80, v23;
	v31 =	vor.u32 $0x80, v24;
	[tilespmem:v20+s14+$0x0] =	vst.idx.add.f32.msk $0xffff, v12  }
0xda: {  	v32 =	vor.u32 $0x100, v14;
	v11 =	vor.u32 $0x100, v21;
	v12 =	vor.u32 $0x100, v13;
	v1 =	vmovc v6;
	v17 =	vld.idx.msk [tilespmem:v17+s10+$0x0], $0xffff  }
0xdb: {  	v33 =	vor.u32 $0x80, v20;
	v10 =	vor.u32 $0x100, v23;
	v8 =	vor.u32 $0x100, v24;
	[tilespmem:v4+s14+$0x0] =	vst.idx.add.f32.msk $0xffff, v9  }
0xdc: {  	v7 =	vor.u32 $0x180, v14;
	v14 =	vor.u32 $0x100, v19;
	v9 =	vor.u32 $0x180, v16;
	[tilespmem:v21+s14+$0x0] =	vst.idx.add.f32.msk $0xffff, v5  }
0xdd: {  	v6 =	vor.u32 $0x180, v13;
	v4 =	vor.u32 $0x180, v21;
	v16 =	vor.u32 $0x180, v23;
	[tilespmem:v23+s14+$0x0] =	vst.idx.add.f32.msk $0xffff, v22  }
0xde: {  	v5 =	vor.u32 $0x180, v24;
	[tilespmem:v24+s14+$0x0] =	vst.idx.add.f32.msk $0xffff, v27  }
0xdf: {  	v13 =	vld.idx.msk [tilespmem:v18+s10+$0x0], $0xffff  }
0xe0: {  	[tilespmem:v33+s14+$0x0] =	vst.idx.add.f32.msk $0xffff, v17  }
0xe1: {  	v17 =	vld.idx.msk [tilespmem:v14+s10+$0x0], $0xffff  }
0xe2: {  	v21 =	vor.u32 $0x100, v20;
	v18 =	vld.idx.msk [tilespmem:v26+s10+$0x0], $0xffff  }
0xe3: {  	v19 =	vor.u32 $0x180, v19;
	v22 =	vld.idx.msk [tilespmem:v28+s10+$0x0], $0xffff  }
0xe4: {  	[tilespmem:v3+s14+$0x0] =	vst.idx.add.f32.msk $0xffff, v15;
	v3 =	vmov v16  }
0xe5: {  	[tilespmem:v25+s14+$0x0] =	vst.idx.add.f32.msk $0xffff, v13  }
0xe6: {  	v14 =	vld.idx.msk [tilespmem:v29+s10+$0x0], $0xffff  }
.Ltmp10:
0xe7: {  	[tilespmem:v21+s14+$0x0] =	vst.idx.add.f32.msk $0xffff, v17;
	(pc) =	sbr.rel @p0 .LBB2_19-.Ltmp10, $4  }
0xe8: {  	v15 =	vld.idx.msk [tilespmem:v19+s10+$0x0], $0xffff  }
0xe9: {  	v16 =	vor.u32 $0x180, v20;
	[tilespmem:v30+s14+$0x0] =	vst.idx.add.f32.msk $0xffff, v18  }
0xea: {  	[tilespmem:v31+s14+$0x0] =	vst.idx.add.f32.msk $0xffff, v22  }
0xeb: {  	v13 =	vld.idx.msk [tilespmem:v32+s10+$0x0], $0xffff  }
0xec: {  	_ =	sdelay $0x3  }
0xed: {  	v12 =	vld.idx.msk [tilespmem:v12+s10+$0x0], $0xffff;
	_ =	sdelay $0x1  }
0xee: {  	[tilespmem:v11+s14+$0x0] =	vst.idx.add.f32.msk $0xffff, v14  }
0xef: {  	v63 =	vld.idx.msk [tilespmem:v9+s10+$0x0], $0xffff  }
0xf0: {  	[tilespmem:v10+s14+$0x0] =	vst.idx.add.f32.msk $0xffff, v13  }
0xf1: {  	[tilespmem:v8+s14+$0x0] =	vst.idx.add.f32.msk $0xffff, v12  }
0xf2: {  	v7 =	vld.idx.msk [tilespmem:v7+s10+$0x0], $0xffff  }
0xf3: {  	p0 =	seq.s32 s19, $0x31;
	v6 =	vld.idx.msk [tilespmem:v6+s10+$0x0], $0xffff  }
.Ltmp11:
0xf4: {  	[tilespmem:v2+s14+$0x0] =	vst.idx.add.f32.msk $0xffff, v1;
	(pc) =	sbr.rel @p0 .LBB2_26-.Ltmp11, $4  }
0xf5: {  	[tilespmem:v16+s14+$0x0] =	vst.idx.add.f32.msk $0xffff, v15  }
0xf6: {  	[tilespmem:v4+s14+$0x0] =	vst.idx.add.f32.msk $0xffff, v63  }
0xf7: {  	[tilespmem:v3+s14+$0x0] =	vst.idx.add.f32.msk $0xffff, v7  }
0xf8: {  	[tilespmem:v5+s14+$0x0] =	vst.idx.add.f32.msk $0xffff, v6  }
0xf9: {  	s20 =	smul.u32 $0x1900, s19;
	_ =	sdelay $0x1  }
0xfa: {  	s20 =	sshrl.u32 s20, $0x3  }
0xfb: {  	s20 =	sadd.s32 $0x320, s20  }
0xfc: {  	s22 =	simm.s32 $0x0;
	s21 =	sadd.s32 s3, s20  }
0xfd: {  	s23 =	simm.s32 $0x10;
	s24 =	simm.s32 $0x100;
	s25 =	sadd.s32 $0x0, s21  }
.LBB2_22:
0xfe: {  	[tilespmem:s22], [sflag:$0x1] =	stream.linear.gather [hbm4b:s25+s2], $0x80, $0x38;
	[tilespmem:$0x17200] =	vst v63  }
0xff: {  	s25 =	smov.u32 s23;
	s22 =	smov.u32 s24;
	p1 =	sne.s32 s23, $0x180  }
.Ltmp12:
0x100: {  	s23 =	sadd.s32 $0x10, s23;
	(pc) =	sbr.rel @p1 .LBB2_22-.Ltmp12, $2  }
0x101: {  	_ =	sdelay $0x2  }
0x102: {  	s24 =	sadd.s32 $0x100, s24;
	s25 =	sadd.s32 s25, s21  }
0x103: {  	[tilespmem:s22], [sflag:$0x1] =	stream.linear.gather [hbm4b:s25+s2], $0x80, $0x38;
	[tilespmem:$0x17200] =	vst v63  }
0x104: {  	s20 =	sadd.s32 s4, s20;
	s21 =	simm.s32 $0x1900  }
0x105: {  	s22 =	simm.s32 $0x10;
	s23 =	simm.s32 $0x1A00;
	s24 =	sadd.s32 $0x0, s20  }
.LBB2_24:
0x106: {  	[tilespmem:s21], [sflag:$0x3] =	stream.linear.gather [hbm4b:s24+s2], $0x80, $0x38;
	[tilespmem:$0x17200] =	vst v63  }
0x107: {  	s24 =	smov.u32 s22;
	s21 =	smov.u32 s23;
	p1 =	sne.s32 s22, $0x180  }
.Ltmp13:
0x108: {  	s22 =	sadd.s32 $0x10, s22;
	(pc) =	sbr.rel @p1 .LBB2_24-.Ltmp13, $2  }
0x109: {  	_ =	sdelay $0x2  }
0x10a: {  	s23 =	sadd.s32 $0x100, s23;
	s24 =	sadd.s32 s24, s20  }
0x10b: {  	[tilespmem:s21], [sflag:$0x3] =	stream.linear.gather [hbm4b:s24+s2], $0x80, $0x38;
	[tilespmem:$0x17200] =	vst v63  }
.LBB2_26:
0x10c: {  	_ =	swait.ge [sflag:s15], $0xC80  }
0x10d: {  	p1 =	por $0x0, $0x0;
	s20 =	simm.s32 $0x1;
	[sflag:s15] =	ssyncset.done $0x0  }
0x10e: {  	s20 =	simm.s32 @!p1 $0x0;
	[sflag:s15] =	ssyncadd.s32 $0xFFFFF380  }
0x10f: {  	s20 =	sshll.u32 s20, $0x6;
	_ =	swait.ge [sflag:s16], $0xC80  }
0x110: {  	s20 =	sadd.s32 $0x0, s20;
	[sflag:s16] =	ssyncset.done $0x0  }
0x111: {  	s21 =	sor.u32 $0xB0, s20;
	[sflag:s16] =	ssyncadd.s32 $0xFFFFF380  }
0x112: {  	s22 =	sor.u32 $0x80, s20;
	v1 =	vld [tilespmem:s21+$0x0]  }
0x113: {  	s23 =	sor.u32 $0x90, s20;
	v2 =	vld [tilespmem:s22+$0x0]  }
0x114: {  	v3 =	vld [tilespmem:s23+$0x0]  }
0x115: {  	s20 =	sor.u32 $0xA0, s20  }
0x116: {  	v11 =	vld [tilespmem:s20+$0x1900]  }
0x117: {  	v4 =	vld [tilespmem:s20+$0x0]  }
0x118: {  	v8 =	vld [tilespmem:s21+$0x1900];
	v6 =	vshll.u32 v1, $0x2;
	v7 =	vshll.u32 v2, $0x2  }
0x119: {  	p1 =	por !p1, !p1;
	s20 =	simm.s32 $0x1;
	v1 =	vand.u32 $0x7F, v1;
	v10 =	vshll.u32 v3, $0x2;
	v6 =	vand.u32 $0xFFFFFE00, v6  }
0x11a: {  	v5 =	vld [tilespmem:s22+$0x1900];
	s20 =	simm.s32 @!p1 $0x0;
	v2 =	vand.u32 $0x7F, v2;
	v3 =	vand.u32 $0x7F, v3;
	v1 =	vor.u32 v1, v6  }
0x11b: {  	v9 =	vld [tilespmem:s23+$0x1900];
	s20 =	sshll.u32 s20, $0x6;
	v12 =	vshll.u32 v11, $0x2;
	v7 =	vand.u32 $0xFFFFFE00, v7;
	v6 =	vand.u32 $0xFFFFFE00, v10  }
0x11c: {  	s20 =	sadd.s32 $0x80, s20;
	v10 =	vshll.u32 v4, $0x2;
	v4 =	vand.u32 $0x7F, v4;
	v2 =	vor.u32 v2, v7  }
0x11d: {  	s31 =	sor.u32 $0x90, s20;
	v10 =	vand.u32 $0xFFFFFE00, v10;
	v3 =	vor.u32 v3, v6;
	v6 =	vshll.u32 v8, $0x2  }
0x11e: {  	v18 =	vld [tilespmem:s31+$0x1900];
	v8 =	vand.u32 $0x7F, v8;
	v4 =	vor.u32 v4, v10;
	v6 =	vand.u32 $0xFFFFFE00, v6  }
0x11f: {  	s29 =	sor.u32 $0xB0, s20;
	s30 =	sor.u32 $0x80, s20;
	s20 =	sor.u32 $0xA0, s20;
	v7 =	vshll.u32 v5, $0x2;
	v5 =	vand.u32 $0x7F, v5;
	v6 =	vor.u32 v8, v6;
	v13 =	vld.idx.msk [tilespmem:v1+s10+$0x0], $0xffff  }
0x120: {  	v21 =	vld [tilespmem:s20+$0x1900];
	v7 =	vand.u32 $0xFFFFFE00, v7;
	v10 =	vshll.u32 v9, $0x2;
	v8 =	vor.u32 $0x80, v1  }
0x121: {  	v5 =	vor.u32 v5, v7;
	v7 =	vand.u32 $0x7F, v9;
	v10 =	vand.u32 $0xFFFFFE00, v10;
	v14 =	vld.idx.msk [tilespmem:v2+s10+$0x0], $0xffff  }
0x122: {  	v11 =	vand.u32 $0x7F, v11;
	v9 =	vand.u32 $0xFFFFFE00, v12;
	v7 =	vor.u32 v7, v10;
	v12 =	vld.idx.msk [tilespmem:v3+s10+$0x0], $0xffff  }
0x123: {  	v9 =	vor.u32 v11, v9;
	v11 =	vor.u32 $0x80, v2;
	v10 =	vld.idx.msk [tilespmem:v4+s10+$0x0], $0xffff  }
0x124: {  	[tilespmem:v6+s14+$0x0] =	vst.idx.add.f32.msk $0xffff, v13  }
0x125: {  	v13 =	vor.u32 $0x80, v6;
	v8 =	vld.idx.msk [tilespmem:v8+s10+$0x0], $0xffff  }
0x126: {  	[tilespmem:v5+s14+$0x0] =	vst.idx.add.f32.msk $0xffff, v14;
	v14 =	vor.u32 $0x100, v1  }
0x127: {  	[tilespmem:v7+s14+$0x0] =	vst.idx.add.f32.msk $0xffff, v12;
	v12 =	vor.u32 $0x80, v4  }
0x128: {  	v15 =	vor.u32 $0x80, v3;
	v11 =	vld.idx.msk [tilespmem:v11+s10+$0x0], $0xffff  }
0x129: {  	[tilespmem:v9+s14+$0x0] =	vst.idx.add.f32.msk $0xffff, v10;
	v10 =	vor.u32 $0x80, v5  }
0x12a: {  	v16 =	vor.u32 $0x100, v2;
	[tilespmem:v13+s14+$0x0] =	vst.idx.add.f32.msk $0xffff, v8  }
0x12b: {  	v13 =	vor.u32 $0x100, v6;
	v8 =	vld.idx.msk [tilespmem:v14+s10+$0x0], $0xffff  }
0x12c: {  	v17 =	vor.u32 $0x80, v9;
	v12 =	vld.idx.msk [tilespmem:v12+s10+$0x0], $0xffff  }
0x12d: {  	v1 =	vor.u32 $0x180, v1;
	v14 =	vld.idx.msk [tilespmem:v15+s10+$0x0], $0xffff  }
0x12e: {  	v15 =	vor.u32 $0x80, v7;
	[tilespmem:v10+s14+$0x0] =	vst.idx.add.f32.msk $0xffff, v11  }
0x12f: {  	v11 =	vld.idx.msk [tilespmem:v16+s10+$0x0], $0xffff  }
0x130: {  	[tilespmem:v13+s14+$0x0] =	vst.idx.add.f32.msk $0xffff, v8;
	v8 =	vor.u32 $0x100, v5  }
0x131: {  	[tilespmem:v17+s14+$0x0] =	vst.idx.add.f32.msk $0xffff, v12  }
0x132: {  	v6 =	vor.u32 $0x180, v6;
	v1 =	vld.idx.msk [tilespmem:v1+s10+$0x0], $0xffff  }
0x133: {  	[tilespmem:v15+s14+$0x0] =	vst.idx.add.f32.msk $0xffff, v14  }
0x134: {  	v13 =	vld [tilespmem:s20+$0x0]  }
0x135: {  	v10 =	vor.u32 $0x100, v3;
	[tilespmem:v8+s14+$0x0] =	vst.idx.add.f32.msk $0xffff, v11  }
0x136: {  	v8 =	vld [tilespmem:s31+$0x0]  }
0x137: {  	v16 =	vor.u32 $0x100, v4;
	[tilespmem:v6+s14+$0x0] =	vst.idx.add.f32.msk $0xffff, v1  }
0x138: {  	v2 =	vor.u32 $0x180, v2;
	v1 =	vld [tilespmem:s29+$0x0]  }
0x139: {  	v6 =	vld [tilespmem:s30+$0x0]  }
0x13a: {  	v10 =	vld.idx.msk [tilespmem:v10+s10+$0x0], $0xffff;
	v11 =	vor.u32 $0x100, v7  }
0x13b: {  	v3 =	vor.u32 $0x180, v3;
	v4 =	vor.u32 $0x180, v4;
	v17 =	vld [tilespmem:s29+$0x1900];
	v14 =	vor.u32 $0x100, v9  }
0x13c: {  	v5 =	vor.u32 $0x180, v5;
	v12 =	vld.idx.msk [tilespmem:v16+s10+$0x0], $0xffff;
	v63 =	vshll.u32 v13, $0x2;
	v7 =	vor.u32 $0x180, v7  }
0x13d: {  	v2 =	vld.idx.msk [tilespmem:v2+s10+$0x0], $0xffff;
	v20 =	vshll.u32 v8, $0x2;
	v8 =	vand.u32 $0x7F, v8;
	v16 =	vshll.u32 v1, $0x2  }
0x13e: {  	v15 =	vld [tilespmem:s30+$0x1900];
	v19 =	vshll.u32 v6, $0x2;
	v1 =	vand.u32 $0x7F, v1;
	v16 =	vand.u32 $0xFFFFFE00, v16  }
0x13f: {  	[tilespmem:v11+s14+$0x0] =	vst.idx.add.f32.msk $0xffff, v10;
	v19 =	vand.u32 $0xFFFFFE00, v19;
	v16 =	vor.u32 v1, v16;
	v1 =	vand.u32 $0x7F, v6  }
0x140: {  	v10 =	vand.u32 $0x7F, v13;
	v3 =	vld.idx.msk [tilespmem:v3+s10+$0x0], $0xffff;
	v6 =	vand.u32 $0xFFFFFE00, v20;
	v19 =	vor.u32 v1, v19  }
0x141: {  	[tilespmem:v14+s14+$0x0] =	vst.idx.add.f32.msk $0xffff, v12;
	v1 =	vand.u32 $0xFFFFFE00, v63;
	v6 =	vor.u32 v8, v6;
	v8 =	vshll.u32 v17, $0x2  }
0x142: {  	[tilespmem:v5+s14+$0x0] =	vst.idx.add.f32.msk $0xffff, v2;
	v20 =	vor.u32 v10, v1;
	v1 =	vand.u32 $0x7F, v17;
	v8 =	vand.u32 $0xFFFFFE00, v8  }
0x143: {  	v17 =	vor.u32 v1, v8;
	v1 =	vld.idx.msk [tilespmem:v4+s10+$0x0], $0xffff  }
0x144: {  	v12 =	vshll.u32 v21, $0x2;
	v11 =	vshll.u32 v18, $0x2;
	v8 =	vshll.u32 v15, $0x2;
	v10 =	vld.idx.msk [tilespmem:v16+s10+$0x0], $0xffff  }
0x145: {  	v13 =	vand.u32 $0x7F, v15;
	v4 =	vor.u32 $0x80, v16;
	[tilespmem:v7+s14+$0x0] =	vst.idx.add.f32.msk $0xffff, v3;
	v8 =	vand.u32 $0xFFFFFE00, v8  }
0x146: {  	v11 =	vand.u32 $0xFFFFFE00, v11;
	v22 =	vor.u32 v13, v8;
	v8 =	vand.u32 $0x7F, v18;
	v14 =	vld.idx.msk [tilespmem:v19+s10+$0x0], $0xffff  }
0x147: {  	v12 =	vand.u32 $0xFFFFFE00, v12;
	v15 =	vand.u32 $0x7F, v21;
	v13 =	vld.idx.msk [tilespmem:v6+s10+$0x0], $0xffff;
	v18 =	vor.u32 v8, v11  }
0x148: {  	v21 =	vor.u32 v15, v12;
	v8 =	vld.idx.msk [tilespmem:v20+s10+$0x0], $0xffff  }
0x149: {  	v5 =	vor.u32 $0x80, v6;
	[tilespmem:v17+s14+$0x0] =	vst.idx.add.f32.msk $0xffff, v10  }
0x14a: {  	v12 =	vor.u32 $0x80, v20;
	v4 =	vld.idx.msk [tilespmem:v4+s10+$0x0], $0xffff  }
0x14b: {  	v10 =	vor.u32 $0x80, v19;
	[tilespmem:v22+s14+$0x0] =	vst.idx.add.f32.msk $0xffff, v14  }
0x14c: {  	v11 =	vor.u32 $0x80, v17;
	[tilespmem:v18+s14+$0x0] =	vst.idx.add.f32.msk $0xffff, v13  }
0x14d: {  	v2 =	vor.u32 $0x100, v16;
	[tilespmem:v21+s14+$0x0] =	vst.idx.add.f32.msk $0xffff, v8  }
0x14e: {  	v25 =	vor.u32 $0x80, v18;
	v5 =	vld.idx.msk [tilespmem:v5+s10+$0x0], $0xffff  }
0x14f: {  	v26 =	vor.u32 $0x80, v21;
	v24 =	vld.idx.msk [tilespmem:v12+s10+$0x0], $0xffff  }
0x150: {  	v8 =	vld.idx.msk [tilespmem:v10+s10+$0x0], $0xffff;
	v10 =	vor.u32 $0x80, v22  }
0x151: {  	[tilespmem:v11+s14+$0x0] =	vst.idx.add.f32.msk $0xffff, v4;
	v4 =	vor.u32 $0x100, v19  }
0x152: {  	v23 =	vor.u32 $0x100, v17;
	v15 =	vld.idx.msk [tilespmem:v2+s10+$0x0], $0xffff  }
0x153: {  	v16 =	vor.u32 $0x180, v16;
	[tilespmem:v25+s14+$0x0] =	vst.idx.add.f32.msk $0xffff, v5  }
0x154: {  	v7 =	vor.u32 $0x180, v20;
	[tilespmem:v26+s14+$0x0] =	vst.idx.add.f32.msk $0xffff, v24  }
0x155: {  	v3 =	vor.u32 $0x180, v18;
	v13 =	vor.u32 $0x100, v6;
	v6 =	vor.u32 $0x180, v6;
	[tilespmem:v10+s14+$0x0] =	vst.idx.add.f32.msk $0xffff, v8  }
0x156: {  	v12 =	vor.u32 $0x100, v20;
	v11 =	vor.u32 $0x100, v22;
	v2 =	vor.u32 $0x180, v9;
	v14 =	vld.idx.msk [tilespmem:v4+s10+$0x0], $0xffff  }
0x157: {  	v9 =	vor.u32 $0x180, v19;
	v5 =	vor.u32 $0x180, v21;
	v10 =	vor.u32 $0x100, v18;
	[tilespmem:v23+s14+$0x0] =	vst.idx.add.f32.msk $0xffff, v15  }
0x158: {  	s21 =	simm.s32 $0x80;
	p1 =	por !p1, !p1;
	s20 =	simm.s32 $0x40;
	v8 =	vor.u32 $0x100, v21;
	v4 =	vor.u32 $0x180, v22;
	v15 =	vld.idx.msk [tilespmem:v16+s10+$0x0], $0xffff;
	v16 =	vor.u32 $0x180, v17  }
.LBB2_27:
0x159: {  	s22 =	simm.s32 $0x1  }
0x15a: {  	s20 =	sadd.s32 $0x40, s20;
	v13 =	vld.idx.msk [tilespmem:v13+s10+$0x0], $0xffff;
	s22 =	simm.s32 @!p1 $0x0  }
0x15b: {  	s21 =	sadd.s32 $0x80, s21;
	p2 =	slt.u32 s20, $0xC40;
	s22 =	sshll.u32 s22, $0x6;
	v12 =	vld.idx.msk [tilespmem:v12+s10+$0x0], $0xffff  }
0x15c: {  	s22 =	sadd.s32 s22, s21;
	[tilespmem:v11+s14+$0x0] =	vst.idx.add.f32.msk $0xffff, v14  }
0x15d: {  	s23 =	sor.u32 $0x80, s22;
	s24 =	sor.u32 $0x90, s22;
	s25 =	sor.u32 $0xB0, s22;
	[tilespmem:v16+s14+$0x0] =	vst.idx.add.f32.msk $0xffff, v15  }
0x15e: {  	s22 =	sor.u32 $0xA0, s22;
	v11 =	vld [tilespmem:s25+$0x0]  }
0x15f: {  	v14 =	vld [tilespmem:s23+$0x0]  }
0x160: {  	v15 =	vld [tilespmem:s24+$0x0]  }
0x161: {  	v16 =	vld [tilespmem:s22+$0x0]  }
0x162: {  	v17 =	vld [tilespmem:s23+$0x1900]  }
0x163: {  	v18 =	vld [tilespmem:s24+$0x1900];
	v19 =	vshll.u32 v11, $0x2  }
0x164: {  	v11 =	vand.u32 $0x7F, v11;
	v20 =	vshll.u32 v14, $0x2;
	v21 =	vld [tilespmem:s25+$0x1900];
	v19 =	vand.u32 $0xFFFFFE00, v19  }
0x165: {  	v20 =	vand.u32 $0xFFFFFE00, v20;
	v22 =	vshll.u32 v15, $0x2;
	v23 =	vld [tilespmem:s22+$0x1900];
	v19 =	vor.u32 v11, v19  }
0x166: {  	v11 =	vand.u32 $0x7F, v14;
	v14 =	vand.u32 $0xFFFFFE00, v22;
	v22 =	vshll.u32 v16, $0x2;
	[tilespmem:v10+s14+$0x0] =	vst.idx.add.f32.msk $0xffff, v13  }
0x167: {  	v10 =	vand.u32 $0x7F, v15;
	v13 =	vand.u32 $0x7F, v16;
	v15 =	vand.u32 $0xFFFFFE00, v22;
	[tilespmem:v8+s14+$0x0] =	vst.idx.add.f32.msk $0xffff, v12  }
0x168: {  	v16 =	vor.u32 v11, v20;
	v14 =	vor.u32 v10, v14;
	v15 =	vor.u32 v13, v15;
	v9 =	vld.idx.msk [tilespmem:v9+s10+$0x0], $0xffff  }
0x169: {  	v8 =	vshll.u32 v17, $0x2;
	v10 =	vshll.u32 v18, $0x2;
	v11 =	vshll.u32 v21, $0x2;
	v20 =	vld.idx.msk [tilespmem:v6+s10+$0x0], $0xffff  }
0x16a: {  	v13 =	vand.u32 $0x7F, v21;
	v6 =	vshll.u32 v23, $0x2;
	v12 =	vld.idx.msk [tilespmem:v19+s10+$0x0], $0xffff;
	v11 =	vand.u32 $0xFFFFFE00, v11  }
0x16b: {  	v8 =	vand.u32 $0xFFFFFE00, v8;
	v10 =	vand.u32 $0xFFFFFE00, v10;
	v21 =	vor.u32 v13, v11;
	v7 =	vld.idx.msk [tilespmem:v7+s10+$0x0], $0xffff  }
0x16c: {  	v11 =	vand.u32 $0x7F, v17;
	v6 =	vand.u32 $0xFFFFFE00, v6;
	v17 =	vor.u32 $0x80, v19;
	[tilespmem:v2+s14+$0x0] =	vst.idx.add.f32.msk $0xffff, v1;
	v2 =	vmovc v5  }
0x16d: {  	v22 =	vor.u32 v11, v8;
	v1 =	vand.u32 $0x7F, v18;
	v8 =	vand.u32 $0x7F, v23;
	v5 =	vld.idx.msk [tilespmem:v16+s10+$0x0], $0xffff  }
0x16e: {  	v18 =	vor.u32 $0x80, v16;
	v24 =	vor.u32 v1, v10;
	v25 =	vor.u32 v8, v6;
	v23 =	vld.idx.msk [tilespmem:v14+s10+$0x0], $0xffff  }
0x16f: {  	v27 =	vor.u32 $0x80, v14;
	v29 =	vor.u32 $0x80, v15;
	v26 =	vor.u32 $0x80, v22;
	v28 =	vld.idx.msk [tilespmem:v15+s10+$0x0], $0xffff  }
0x170: {  	v30 =	vor.u32 $0x100, v16;
	v31 =	vor.u32 $0x80, v24;
	v32 =	vor.u32 $0x80, v25;
	[tilespmem:v21+s14+$0x0] =	vst.idx.add.f32.msk $0xffff, v12  }
0x171: {  	v13 =	vor.u32 $0x100, v14;
	v11 =	vor.u32 $0x100, v22;
	v12 =	vor.u32 $0x100, v15;
	v1 =	vmovc v7;
	v17 =	vld.idx.msk [tilespmem:v17+s10+$0x0], $0xffff  }
0x172: {  	v33 =	vor.u32 $0x80, v21;
	v10 =	vor.u32 $0x100, v24;
	v8 =	vor.u32 $0x100, v25;
	[tilespmem:v4+s14+$0x0] =	vst.idx.add.f32.msk $0xffff, v9  }
0x173: {  	v6 =	vor.u32 $0x180, v14;
	v14 =	vor.u32 $0x100, v19;
	v9 =	vor.u32 $0x180, v16;
	[tilespmem:v22+s14+$0x0] =	vst.idx.add.f32.msk $0xffff, v5  }
0x174: {  	v7 =	vor.u32 $0x180, v15;
	v4 =	vor.u32 $0x180, v22;
	v16 =	vor.u32 $0x180, v24;
	[tilespmem:v24+s14+$0x0] =	vst.idx.add.f32.msk $0xffff, v23  }
0x175: {  	v5 =	vor.u32 $0x180, v25;
	[tilespmem:v25+s14+$0x0] =	vst.idx.add.f32.msk $0xffff, v28  }
0x176: {  	v15 =	vld.idx.msk [tilespmem:v18+s10+$0x0], $0xffff  }
0x177: {  	[tilespmem:v33+s14+$0x0] =	vst.idx.add.f32.msk $0xffff, v17  }
0x178: {  	v17 =	vld.idx.msk [tilespmem:v14+s10+$0x0], $0xffff  }
0x179: {  	v22 =	vor.u32 $0x100, v21;
	v18 =	vld.idx.msk [tilespmem:v27+s10+$0x0], $0xffff  }
0x17a: {  	v19 =	vor.u32 $0x180, v19;
	v23 =	vld.idx.msk [tilespmem:v29+s10+$0x0], $0xffff  }
0x17b: {  	[tilespmem:v3+s14+$0x0] =	vst.idx.add.f32.msk $0xffff, v20;
	v3 =	vmov v16  }
0x17c: {  	[tilespmem:v26+s14+$0x0] =	vst.idx.add.f32.msk $0xffff, v15  }
.Ltmp14:
0x17d: {  	v14 =	vld.idx.msk [tilespmem:v30+s10+$0x0], $0xffff;
	(pc) =	sbr.rel @p2 .LBB2_27-.Ltmp14, $4  }
0x17e: {  	[tilespmem:v22+s14+$0x0] =	vst.idx.add.f32.msk $0xffff, v17  }
0x17f: {  	v15 =	vld.idx.msk [tilespmem:v19+s10+$0x0], $0xffff  }
0x180: {  	v16 =	vor.u32 $0x180, v21;
	[tilespmem:v31+s14+$0x0] =	vst.idx.add.f32.msk $0xffff, v18  }
0x181: {  	p1 =	por !p1, !p1;
	[tilespmem:v32+s14+$0x0] =	vst.idx.add.f32.msk $0xffff, v23  }
0x182: {  	_ =	sdelay $0x3  }
0x183: {  	v13 =	vld.idx.msk [tilespmem:v13+s10+$0x0], $0xffff  }
0x184: {  	v12 =	vld.idx.msk [tilespmem:v12+s10+$0x0], $0xffff;
	_ =	sdelay $0x1  }
0x185: {  	[tilespmem:v11+s14+$0x0] =	vst.idx.add.f32.msk $0xffff, v14  }
0x186: {  	v63 =	vld.idx.msk [tilespmem:v9+s10+$0x0], $0xffff  }
0x187: {  	[tilespmem:v10+s14+$0x0] =	vst.idx.add.f32.msk $0xffff, v13  }
0x188: {  	[tilespmem:v8+s14+$0x0] =	vst.idx.add.f32.msk $0xffff, v12  }
0x189: {  	v6 =	vld.idx.msk [tilespmem:v6+s10+$0x0], $0xffff  }
0x18a: {  	v7 =	vld.idx.msk [tilespmem:v7+s10+$0x0], $0xffff  }
.Ltmp15:
0x18b: {  	[tilespmem:v2+s14+$0x0] =	vst.idx.add.f32.msk $0xffff, v1;
	(pc) =	sbr.rel @p0 .LBB2_34-.Ltmp15, $4  }
0x18c: {  	[tilespmem:v16+s14+$0x0] =	vst.idx.add.f32.msk $0xffff, v15  }
0x18d: {  	[tilespmem:v4+s14+$0x0] =	vst.idx.add.f32.msk $0xffff, v63  }
0x18e: {  	[tilespmem:v3+s14+$0x0] =	vst.idx.add.f32.msk $0xffff, v6  }
0x18f: {  	[tilespmem:v5+s14+$0x0] =	vst.idx.add.f32.msk $0xffff, v7  }
0x190: {  	s20 =	smul.u32 $0x1900, s19;
	_ =	sdelay $0x1  }
0x191: {  	s20 =	sshrl.u32 s20, $0x3  }
0x192: {  	s20 =	sadd.s32 $0x4B0, s20  }
0x193: {  	s22 =	simm.s32 $0x80;
	s21 =	sadd.s32 s3, s20  }
0x194: {  	s23 =	simm.s32 $0x10;
	s24 =	simm.s32 $0x180;
	s25 =	sadd.s32 $0x0, s21  }
.LBB2_30:
0x195: {  	[tilespmem:s22], [sflag:$0x2] =	stream.linear.gather [hbm4b:s25+s2], $0x80, $0x38;
	[tilespmem:$0x17200] =	vst v63  }
0x196: {  	s25 =	smov.u32 s23;
	s22 =	smov.u32 s24;
	p0 =	sne.s32 s23, $0x180  }
.Ltmp16:
0x197: {  	s23 =	sadd.s32 $0x10, s23;
	(pc) =	sbr.rel @p0 .LBB2_30-.Ltmp16, $2  }
0x198: {  	_ =	sdelay $0x2  }
0x199: {  	s24 =	sadd.s32 $0x100, s24;
	s25 =	sadd.s32 s25, s21  }
0x19a: {  	[tilespmem:s22], [sflag:$0x2] =	stream.linear.gather [hbm4b:s25+s2], $0x80, $0x38;
	[tilespmem:$0x17200] =	vst v63  }
0x19b: {  	s20 =	sadd.s32 s4, s20;
	s21 =	simm.s32 $0x1980  }
0x19c: {  	s22 =	simm.s32 $0x10;
	s23 =	simm.s32 $0x1A80;
	s24 =	sadd.s32 $0x0, s20  }
.LBB2_32:
0x19d: {  	[tilespmem:s21], [sflag:$0x4] =	stream.linear.gather [hbm4b:s24+s2], $0x80, $0x38;
	[tilespmem:$0x17200] =	vst v63  }
0x19e: {  	s24 =	smov.u32 s22;
	s21 =	smov.u32 s23;
	p0 =	sne.s32 s22, $0x180  }
.Ltmp17:
0x19f: {  	s22 =	sadd.s32 $0x10, s22;
	(pc) =	sbr.rel @p0 .LBB2_32-.Ltmp17, $2  }
0x1a0: {  	_ =	sdelay $0x2  }
0x1a1: {  	s23 =	sadd.s32 $0x100, s23;
	s24 =	sadd.s32 s24, s20  }
.Ltmp18:
0x1a2: {  	(pc) =	sbr.rel .LBB2_18-.Ltmp18, $3  }
0x1a3: {  	_ =	sdelay $0x1  }
0x1a4: {  	[tilespmem:s21], [sflag:$0x4] =	stream.linear.gather [hbm4b:s24+s2], $0x80, $0x38;
	[tilespmem:$0x17200] =	vst v63  }
0x1a5: {  	s19 =	sadd.s32 $0x1, s19  }
.LBB2_35:
0x1a6: {  	_ =	sfence.sel $0x180000  }
0x1a7: {  	[bflag:$0x0] =	sbarrier.arrive $0xFFFF  }
0x1a8: {  	p0 =	sne.s32 s1, $0x0;
	_ =	strace $0x9000004A  }
0x1a9: {  	s0 =	sadd.s32 @!p0 $0x100000, s0;
	[bflag:$0x2] =	sbarrier.arrive $0xFFFF  }
0x1aa: {  	[sflag:s0] =	ssyncadd.tile.s32 @!p0 $0x1;
	_ =	shalt  }
.Lfunc_end2:
_tile_overlayer_lowered:
.L_overlay_start_2:
0x1ab: {  	(tag) =	ssettag $0x2  }
0x1ac: {  	s0 =	rddreg [dreg:$0x0];
	s2 =	stileid.u32  }
0x1ad: {  	s1 =	rddreg [dreg:$0x1];
	p0 =	sne.s32 s2, $0x0  }
0x1ae: {  	s3 =	rddreg [dreg:$0x2];
	[bflag:$0x3] =	sbarrier.arrive $0xFFFF;
	s2 =	simm.s32 @!p0 $0x1C05  }
0x1af: {  	[timem:s3], [sflag:s2] =	dma.local @!p0 [hbm:s0], s1  }
0x1b0: {  	s0 =	simm.s32 @!p0 $0x5  }
0x1b1: {  	_ =	swait.ge @!p0 [sflag:s0], s1  }
0x1b2: {  	s1 =	ssub.s32 @!p0 $0x0, s1;
	[sflag:s0] =	ssyncset.done @!p0 $0x0  }
0x1b3: {  	[sflag:s0] =	ssyncadd.s32 @!p0 s1  }
0x1b4: {  	[bflag:$0x3] =	sbarrier.arrive $0xFFFF  }
0x1b5: {  	_ =	shalt  }

// kernel: kernel.18.cloned.1.call-start
scs
__scs_entry_jumppad:
0x0: {  	(pc) =	sbr.rel $0x88, $3  }
0x1: {  	(tag) =	ssettag $0x0;
	lr =	simm.s32 $0x1  }
0x2: {  	[smem:$0x3F90] =	sst lr;
	_ =	strace $0xD0000000  }
0x3: {  	_ = 	snop  }
0x4: {  	_ = 	snop  }
0x5: {  	_ = 	snop  }
0x6: {  	_ = 	snop  }
0x7: {  	_ = 	snop  }
__scs_overlays_trampoline_lowered:
0x8: {  	[smem:$0x3F9F] =	sst s0  }
0x9: {  	[smem:$0x3FA0] =	sst s1  }
0xa: {  	[smem:$0x3FA1] =	sst s2  }
0xb: {  	[smem:$0x3FA2] =	sst s3  }
0xc: {  	[smem:$0x3FA3] =	sst s4  }
0xd: {  	[smem:$0x3FA4] =	sst s5  }
0xe: {  	[smem:$0x3FA5] =	sst s6  }
0xf: {  	[smem:$0x3FA6] =	sst s7  }
0x10: {  	[smem:$0x3FA7] =	sst s8  }
0x11: {  	[smem:$0x3FA8] =	sst s9;
	s0 =	simm.s32 @!p0 $0x0  }
0x12: {  	s1 =	sld [smem:$0x3F8E];
	s0 =	simm.s32 @p0 $0x1  }
0x13: {  	[smem:$0x3FA9] =	sst s0;
	s0 =	simm.s32 @!p1 $0x0  }
0x14: {  	s2 =	sld [smem:$0x3F8D];
	s0 =	simm.s32 @p1 $0x1  }
0x15: {  	[smem:$0x3FAA] =	sst s0;
	s0 =	simm.s32 @!p2 $0x0  }
0x16: {  	s3 =	sld [smem:$0x3FDB];
	s0 =	simm.s32 @p2 $0x1  }
0x17: {  	s4 =	simm.s32 $0x1BF5;
	[smem:$0x3FAC] =	sst s0  }
0x18: {  	s0 =	sld [smem:$0x3F8F];
	_ =	swait.ge [sflag:s4], $0x0  }
0x19: {  	s7 =	sld [smem:$0x3F90]  }
0x1a: {  	s8 =	sadd.s32 $0xFFFFE003, lr  }
0x1b: {  	s9 =	sadd.s32 $0xFFFFFEF7, lr;
	s5 =	simm.s32 $0xFFFFFFFF;
	p2 =	slt.u32 s8, $0xFFFFF086  }
0x1c: {  	p1 =	slt.u32 s9, $0xF7A;
	s5 =	simm.s32 @!p2 $0x0  }
0x1d: {  	s5 =	simm.s32 @p1 $0x1;
	p0 =	seq.s32 s7, s2  }
0x1e: {  	s7 =	smul.u32 @!p0 $0xF7A, s2;
	p2 =	seq.s32 @!p0 s5, $0x0  }
0x1f: {  	s9 =	smul.u32 $0xF7A, s1;
	s8 =	simm.s32 @!p0 $0x1BF5;
	p2 =	por !p2, p0  }
0x20: {  	[sflag:s8] =	ssyncset.s32 @!p0 $0xFFFFF086;
	s6 =	sadd.s32 @!p0 s3, s7;
	s7 =	simm.s32 @!p0 $0x108  }
0x21: {  	s3 =	sadd.s32 s3, s9;
	s6 =	sadd.s32 @!p0 $0x88, s6;
	s7 =	simm.s32 @p2 $0x1082  }
0x22: {  	[simem:s7], [sflag:s8] =	dma.local @!p0 [hbm:s6], $0xF7A  }
0x23: {  	s9 =	sor.u32 $0xD0000000, s2;
	s6 =	simm.s32 $0x108;
	_ =	swait.ge @!p0 [sflag:s8], $0x0  }
0x24: {  	s3 =	sadd.s32 $0x88, s3;
	s6 =	simm.s32 @!p1 $0x1082;
	[sflag:s4] =	ssyncset.s32 $0xFFFFF086  }
0x25: {  	[simem:s6], [sflag:s4] =	dma.local [hbm:s3], $0xF7A  }
0x26: {  	[smem:$0x3F90] =	sst s1;
	(tag) =	ssettag s2;
	_ =	strace s9  }
0x27: {  	s1 =	sld [smem:$0x3FA0]  }
0x28: {  	s2 =	sld [smem:$0x3FA1]  }
0x29: {  	s4 =	sld [smem:$0x3FA3]  }
0x2a: {  	p0 =	seq.s32 s5, $0x0;
	s5 =	sld [smem:$0x3FA4]  }
0x2b: {  	s6 =	sld [smem:$0x3FA5]  }
0x2c: {  	s7 =	sld [smem:$0x3FA6]  }
0x2d: {  	s3 =	simm.s32 $0x108;
	s8 =	sld [smem:$0x3FA7]  }
0x2e: {  	s3 =	simm.s32 @!p0 $0x1082;
	s9 =	sld [smem:$0x3FA8]  }
0x2f: {  	lr =	sadd.s32 s0, s3;
	s0 =	sld [smem:$0x3F9F]  }
0x30: {  	s3 =	sld [smem:$0x3FA2]  }
0x31: {  	[smem:$0x3FAB] =	sst s10  }
0x32: {  	s10 =	sld [smem:$0x3FA9];
	_ =	sdelay $0x3  }
0x33: {  	p0 =	seq.s32 s10, $0x1;
	s10 =	sld [smem:$0x3FAB];
	_ =	sdelay $0x3  }
0x34: {  	[smem:$0x3FAB] =	sst s10  }
0x35: {  	s10 =	sld [smem:$0x3FAA];
	_ =	sdelay $0x3  }
0x36: {  	p1 =	seq.s32 s10, $0x1;
	s10 =	sld [smem:$0x3FAB];
	_ =	sdelay $0x3  }
0x37: {  	[smem:$0x3FAB] =	sst s10  }
0x38: {  	s10 =	sld [smem:$0x3FAC]  }
0x39: {  	_ = 	snop;
	(pc) =	sbr.ind lr, $3  }
0x3a: {  	_ = 	snop  }
0x3b: {  	_ = 	snop  }
0x3c: {  	p2 =	seq.s32 s10, $0x1;
	s10 =	sld [smem:$0x3FAB]  }
0x3d: {  	_ =	shalt  }
0x3e: {  	_ =	shalt  }
0x3f: {  	_ =	shalt  }
0x40: {  	_ =	shalt  }
0x41: {  	_ =	shalt  }
0x42: {  	_ =	shalt  }
0x43: {  	_ =	shalt  }
0x44: {  	_ =	shalt  }
0x45: {  	_ =	shalt  }
0x46: {  	_ =	shalt  }
0x47: {  	_ =	shalt  }
0x48: {  	_ =	shalt  }
0x49: {  	_ =	shalt  }
0x4a: {  	_ =	shalt  }
0x4b: {  	_ =	shalt  }
0x4c: {  	_ =	shalt  }
0x4d: {  	_ =	shalt  }
0x4e: {  	_ =	shalt  }
0x4f: {  	_ =	shalt  }
0x50: {  	_ =	shalt  }
0x51: {  	_ =	shalt  }
0x52: {  	_ =	shalt  }
0x53: {  	_ =	shalt  }
0x54: {  	_ =	shalt  }
0x55: {  	_ =	shalt  }
0x56: {  	_ =	shalt  }
0x57: {  	_ =	shalt  }
0x58: {  	_ =	shalt  }
0x59: {  	_ =	shalt  }
0x5a: {  	_ =	shalt  }
0x5b: {  	_ =	shalt  }
0x5c: {  	_ =	shalt  }
0x5d: {  	_ =	shalt  }
0x5e: {  	_ =	shalt  }
0x5f: {  	_ =	shalt  }
0x60: {  	_ =	shalt  }
0x61: {  	_ =	shalt  }
0x62: {  	_ =	shalt  }
0x63: {  	_ =	shalt  }
0x64: {  	_ =	shalt  }
0x65: {  	_ =	shalt  }
0x66: {  	_ =	shalt  }
0x67: {  	_ =	shalt  }
0x68: {  	_ =	shalt  }
0x69: {  	_ =	shalt  }
0x6a: {  	_ =	shalt  }
0x6b: {  	_ =	shalt  }
0x6c: {  	_ =	shalt  }
0x6d: {  	_ =	shalt  }
0x6e: {  	_ =	shalt  }
0x6f: {  	_ =	shalt  }
0x70: {  	_ =	shalt  }
0x71: {  	_ =	shalt  }
0x72: {  	_ =	shalt  }
0x73: {  	_ =	shalt  }
0x74: {  	_ =	shalt  }
0x75: {  	_ =	shalt  }
0x76: {  	_ =	shalt  }
0x77: {  	_ =	shalt  }
0x78: {  	_ =	shalt  }
0x79: {  	_ =	shalt  }
0x7a: {  	_ =	shalt  }
0x7b: {  	_ =	shalt  }
0x7c: {  	_ =	shalt  }
0x7d: {  	_ =	shalt  }
0x7e: {  	_ =	shalt  }
0x7f: {  	_ =	shalt  }
0x80: {  	_ =	shalt  }
0x81: {  	_ =	shalt  }
0x82: {  	_ =	shalt  }
0x83: {  	_ =	shalt  }
0x84: {  	_ =	shalt  }
0x85: {  	_ =	shalt  }
0x86: {  	_ =	shalt  }
0x87: {  	_ =	shalt  }
.Lfunc_end0:
.L_simem_size_0:
called_computation.2_lowered:
.L_overlay_start_0:
0x88: {  	s2 =	sld [smem:$0x3FD9]  }
0x89: {  	s3 =	sld [smem:$0x3FFE];
	_ =	sdelay $0x1  }
0x8a: {  	s1 =	srdreg.scid  }
0x8b: {  	s0 =	sand.u32 $0x1, s1  }
0x8c: {  	s16 =	sshll.u32 s0, $0xA;
	s2 =	sadd.s32 s3, s2  }
0x8d: {  	s2 =	sadd.s32 s2, s16  }
0x8e: {  	[smem:$0x3FB7] =	sst s2  }
0x8f: {  	_ = 	snop  }
0x90: {  	(tm) =	ssettm $0x1  }
0x91: {  	s17 =	sld [smem:$0x3FFB];
	_ =	sdelay $0x3  }
0x92: {  	_ =	strace s17  }
0x93: {  	s2 =	sld [smem:$0x3FFC];
	_ =	sdelay $0x3  }
0x94: {  	_ =	strace s2  }
0x95: {  	s2 =	sld [smem:$0x3FFD];
	_ =	sdelay $0x3  }
0x96: {  	_ =	strace s2  }
0x97: {  	_ =	strace $0x8FFFFFFF  }
0x98: {  	s18 =	sld [smem:$0x3FDB];
	_ =	sdelay $0x1  }
0x99: {  	s19 =	simm.s32 $_scs_section_size  }
0x9a: {  	s4 =	simm.s32 $_size__tile_overlayer_lowered;
	s5 =	simm.s32 $_tile_overlayer_lowered  }
0x9b: {  	s22 =	simm.s32 $0x1BFF;
	s21 =	sshll.u32 s5, $0x1;
	s2 =	sadd.s32 s19, s18  }
0x9c: {  	s6 =	simm.s32 $0x0;
	s20 =	sshll.u32 s4, $0x1;
	s4 =	sadd.s32 s21, s2  }
0x9d: {  	[timem:s6], [sflag:s22] =	dma.local [hbm:s4], s20  }
0x9e: {  	_ =	swait.ge [sflag:s22], s20  }
0x9f: {  	s3 =	ssub.s32 $0x0, s20;
	[sflag:s22] =	ssyncset.done $0x0  }
0xa0: {  	[sflag:s22] =	ssyncadd.s32 s3;
	_ =	sdelay $0x1  }
0xa1: {  	s23 =	simm.s32 $0x1B8B  }
0xa2: {  	_ =	swait.ge [sflag:s23], $0x1  }
0xa3: {  	[sflag:s23] =	ssyncset.done $0x0  }
0xa4: {  	s25 =	simm.s32 $0x1B8E;
	s24 =	sld [smem:$0x3FFE];
	[sflag:s23] =	ssyncadd.s32 $0xFFFFFFFF  }
0xa5: {  	s26 =	simm.s32 $execute0_lowered;
	[smem:$0x3FD2] =	sst s25  }
0xa6: {  	s4 =	sshll.u32 s26, $0x1;
	_ =	strace $0x8000004C;
	[dreg:$0x1] =	wrdreg $0xFFFFFFFF  }
0xa7: {  	s28 =	simm.s32 $_size_execute0_lowered;
	s2 =	sadd.s32 s2, s4;
	[dreg:$0x0] =	wrdreg $0x0  }
0xa8: {  	s4 =	sshll.u32 s28, $0x1;
	[dreg:$0x2] =	wrdreg s2  }
0xa9: {  	[dreg:$0x3] =	wrdreg s4  }
0xaa: {  	[dreg:$0x4] =	wrdreg $0xC0  }
0xab: {  	_ =	task [dreg:s6], $0x5FFFF  }
0xac: {  	[dreg:$0x1] =	wrdreg $0xFFFFFFFF  }
0xad: {  	[dreg:$0x0] =	wrdreg $0x60  }
0xae: {  	[dreg:$0x2] =	wrdreg s24  }
0xaf: {  	[dreg:$0x3] =	wrdreg $0x9  }
0xb0: {  	_ =	task.clear_ibuf [dreg:s6], $0x4FFFF;
	_ =	strace $0x9000004C  }
0xb1: {  	s29 =	simm.s32 $0x9;
	_ =	strace $0x8000004E  }
0xb2: {  	_ =	swait.ge [sflag:s29], $0x1  }
0xb3: {  	[sflag:s29] =	ssyncadd.s32 $0xFFFFFFFF  }
0xb4: {  	_ =	strace $0x9000004E  }
0xb5: {  	_ =	sfence  }
0xb6: {  	s30 =	sld [smem:$0x0];
	_ =	sdelay $0x2  }
0xb7: {  	s31 =	sshll.u32 s1, $0xD;
	s1 =	sshrl.u32 s1, $0x2  }
0xb8: {  	s3 =	sand.u32 $0x4000, s31;
	s1 =	sadd.s32 s1, s30  }
0xb9: {  	s0 =	sor.u32 s3, s0;
	s1 =	sshll.u32 s1, $0x11  }
0xba: {  	s0 =	sor.u32 s1, s0  }
0xbb: {  	s0 =	sadd.s32 $0x8F2B, s0  }
0xbc: {  	[sflag:s0] =	ssyncadd.remote.s32 $0x1  }
0xbd: {  	_ =	sfence.sel $0xFFFF  }
0xbe: {  	[dreg:$0x0] =	wrdreg $0xFFFFFFFF;
	(pc) =	sbr.abs _section_cstart, $3  }
0xbf: {  	[dreg:$0x1] =	wrdreg $0xFFFFFFFF  }
0xc0: {  	_ =	task.clear_ibuf [dreg:s6], $0x2FFFF;
	_ =	strace $0x9FFFFFFF  }
0xc1: {  	(tm) =	ssettm $0x7FFFFFFF  }
tec
execute0_lowered:
.L_overlay_start_1:
0x0: {  	(tag) =	ssettag $0x1  }
0x1: {  	s6 =	rddreg [dreg:$0x0]  }
0x2: {  	s0 =	rddreg [dreg:$0x1]  }
0x3: {  	s3 =	srdreg.scid;
	s1 =	stileid.u32  }
0x4: {  	s2 =	simm.s32 $0x0;
	s11 =	simm.s32 $0x5;
	s12 =	simm.s32 $0x1  }
0x5: {  	s13 =	simm.s32 $0x3;
	s3 =	sand.u32 $0x1, s3;
	s4 =	sshll.u32 s1, $0x1  }
0x6: {  	s14 =	simm.s32 $0xD200;
	s15 =	simm.s32 $0x2;
	s4 =	sor.u32 s3, s4  }
0x7: {  	s16 =	simm.s32 $0x4;
	s17 =	simm.s32 $0x0;
	s5 =	smul.u32 $0x1400, s4  }
.Ltmp0:
0x8: {  	[smem:$0x7FF] =	sst s2;
	s7 =	ssub.s32 $0x2, s3;
	(pc) =	sbr.rel .LBB2_1-.Ltmp0, $4  }
0x9: {  	_ =	strace $0x8000004D;
	s3 =	sadd.s32 $0x18400, s6;
	s8 =	sshrl.u32 s7, $0x1  }
0xa: {  	s4 =	sadd.s32 $0xE600, s6;
	s10 =	ssub.s32 s7, s8;
	s9 =	sadd.s32 s5, s6  }
0xb: {  	s5 =	sadd.s32 $0x18590, s6;
	s6 =	sadd.s32 $0xE790, s6;
	s7 =	sadd.s32 $0x22200, s9  }
0xc: {  	v0 =	vimm.f32 $0.0e+00;
	s8 =	sadd.s32 $0x4A200, s9;
	s9 =	smax.u32 s10, $0x1;
	s10 =	simm.s32 $0x3200  }
.LBB2_34:
0xd: {  	s17 =	sadd.s32 $0x1, s17  }
0xe: {  	p0 =	sne.s32 s17, s9  }
.Ltmp1:
0xf: {  	_ = 	snop;
	(pc) =	sbr.rel @!p0 .LBB2_35-.Ltmp1, $4  }
0x10: {  	[hbm4b:s8+s2] =	stream.linear.scatter [tilespmem:s14], [sflag:$0x5], $0xA000, $0x38;
	[tilespmem:$0x17200] =	vst v63  }
0x11: {  	_ =	swait.ge [sflag:s11], $0xA000  }
0x12: {  	[sflag:s11] =	ssyncset.done $0x0  }
0x13: {  	[sflag:s11] =	ssyncadd.s32 $0xFFFF6000  }
.LBB2_1:
0x14: {  	s18 =	simm.s32 $0x0;
	s19 =	simm.s32 $0x0  }
.LBB2_2:
0x15: {  	p0 =	sne.s32 s19, $0x180  }
.Ltmp2:
0x16: {  	_ = 	snop;
	(pc) =	sbr.rel @p0 .LBB2_2-.Ltmp2, $4  }
0x17: {  	_ = 	snop  }
0x18: {  	s20 =	sadd.s32 s19, s3;
	s21 =	simm.s32 $0x0  }
0x19: {  	[tilespmem:s18], [sflag:$0x1] =	stream.linear.gather [hbm4b:s20+s21], $0x80, $0x38;
	[tilespmem:$0x17200] =	vst v63  }
0x1a: {  	s19 =	sadd.s32 $0x10, s19;
	s18 =	sadd.s32 $0x100, s18  }
0x1b: {  	s18 =	simm.s32 $0x1900  }
0x1c: {  	s19 =	simm.s32 $0x10;
	s21 =	sadd.s32 $0x0, s4;
	s20 =	simm.s32 $0x1A00  }
.LBB2_4:
0x1d: {  	[tilespmem:s18], [sflag:$0x3] =	stream.linear.gather [hbm4b:s21+s2], $0x80, $0x38;
	[tilespmem:$0x17200] =	vst v63  }
0x1e: {  	s21 =	smov.u32 s19;
	s18 =	smov.u32 s20;
	p0 =	sne.s32 s19, $0x180  }
.Ltmp3:
0x1f: {  	s19 =	sadd.s32 $0x10, s19;
	(pc) =	sbr.rel @p0 .LBB2_4-.Ltmp3, $2  }
0x20: {  	_ =	sdelay $0x2  }
0x21: {  	s20 =	sadd.s32 $0x100, s20;
	s21 =	sadd.s32 s21, s4  }
0x22: {  	[tilespmem:s18], [sflag:$0x3] =	stream.linear.gather [hbm4b:s21+s2], $0x80, $0x38;
	[tilespmem:$0x17200] =	vst v63  }
0x23: {  	s18 =	simm.s32 $0x80  }
0x24: {  	s19 =	simm.s32 $0x10;
	s21 =	sadd.s32 $0x0, s5;
	s20 =	simm.s32 $0x180  }
.LBB2_6:
0x25: {  	[tilespmem:s18], [sflag:$0x2] =	stream.linear.gather [hbm4b:s21+s2], $0x80, $0x38;
	[tilespmem:$0x17200] =	vst v63  }
0x26: {  	s21 =	smov.u32 s19;
	s18 =	smov.u32 s20;
	p0 =	sne.s32 s19, $0x180  }
.Ltmp4:
0x27: {  	s19 =	sadd.s32 $0x10, s19;
	(pc) =	sbr.rel @p0 .LBB2_6-.Ltmp4, $2  }
0x28: {  	_ =	sdelay $0x2  }
0x29: {  	s20 =	sadd.s32 $0x100, s20;
	s21 =	sadd.s32 s21, s5  }
0x2a: {  	[tilespmem:s18], [sflag:$0x2] =	stream.linear.gather [hbm4b:s21+s2], $0x80, $0x38;
	[tilespmem:$0x17200] =	vst v63  }
0x2b: {  	s18 =	simm.s32 $0x0;
	s19 =	simm.s32 $0x1980  }
.LBB2_8:
0x2c: {  	p0 =	sne.s32 s18, $0x180  }
.Ltmp5:
0x2d: {  	_ = 	snop;
	(pc) =	sbr.rel @p0 .LBB2_8-.Ltmp5, $4  }
0x2e: {  	_ = 	snop  }
0x2f: {  	s20 =	sadd.s32 s18, s6  }
0x30: {  	[tilespmem:s19], [sflag:$0x4] =	stream.linear.gather [hbm4b:s20+s2], $0x80, $0x38;
	[tilespmem:$0x17200] =	vst v63  }
0x31: {  	s18 =	sadd.s32 $0x10, s18;
	s19 =	sadd.s32 $0x100, s19  }
0x32: {  	s18 =	simm.s32 $0xD240  }
0x33: {  	[tilespmem:s18+$0xFFFFFFC0] =	vst v0  }
0x34: {  	[tilespmem:s18+$0x30] =	vst v0  }
0x35: {  	[tilespmem:s18+$0x20] =	vst v0  }
0x36: {  	[tilespmem:s18+$0x10] =	vst v0  }
0x37: {  	[tilespmem:s18+$0x0] =	vst v0  }
0x38: {  	[tilespmem:s18+$0xFFFFFFF0] =	vst v0  }
0x39: {  	s20 =	simm.s32 $0x0;
	[tilespmem:s18+$0xFFFFFFE0] =	vst v0  }
.LBB2_10:
0x3a: {  	s20 =	sadd.s32 $0x80, s20;
	[tilespmem:s18+$0xFFFFFFD0] =	vst v0;
	s18 =	sadd.s32 $0x200, s18;
	s19 =	simm.s32 $0xD2F0  }
0x3b: {  	[tilespmem:s18+$0xFFFFFFC0] =	vst v0;
	p0 =	slt.u32 s20, $0x2780  }
0x3c: {  	[tilespmem:s18+$0x30] =	vst v0  }
.Ltmp6:
0x3d: {  	[tilespmem:s18+$0x20] =	vst v0;
	(pc) =	sbr.rel @p0 .LBB2_10-.Ltmp6, $4  }
0x3e: {  	[tilespmem:s18+$0x10] =	vst v0  }
0x3f: {  	[tilespmem:s18+$0x0] =	vst v0  }
0x40: {  	[tilespmem:s18+$0xFFFFFFF0] =	vst v0  }
0x41: {  	[tilespmem:s18+$0xFFFFFFE0] =	vst v0  }
0x42: {  	[tilespmem:s18+$0xFFFFFFD0] =	vst v0  }
0x43: {  	[tilespmem:s19+$0xFFFFFF90] =	vst v0  }
0x44: {  	[tilespmem:s19+$0x0] =	vst v0  }
0x45: {  	[tilespmem:s19+$0xFFFFFFF0] =	vst v0  }
0x46: {  	[tilespmem:s19+$0xFFFFFFE0] =	vst v0  }
0x47: {  	[tilespmem:s19+$0xFFFFFFD0] =	vst v0  }
0x48: {  	[tilespmem:s19+$0xFFFFFFC0] =	vst v0  }
0x49: {  	s20 =	simm.s32 $0x0;
	s18 =	simm.s32 $0xD370;
	[tilespmem:s19+$0xFFFFFFB0] =	vst v0  }
.LBB2_12:
0x4a: {  	s20 =	sadd.s32 $0x80, s20;
	[tilespmem:s19+$0xFFFFFFA0] =	vst v0;
	s19 =	sadd.s32 $0x200, s19  }
0x4b: {  	[tilespmem:s19+$0xFFFFFF90] =	vst v0;
	p0 =	slt.u32 s20, $0x2780  }
0x4c: {  	[tilespmem:s19+$0x0] =	vst v0  }
.Ltmp7:
0x4d: {  	[tilespmem:s19+$0xFFFFFFF0] =	vst v0;
	(pc) =	sbr.rel @p0 .LBB2_12-.Ltmp7, $4  }
0x4e: {  	[tilespmem:s19+$0xFFFFFFE0] =	vst v0  }
0x4f: {  	[tilespmem:s19+$0xFFFFFFD0] =	vst v0  }
0x50: {  	[tilespmem:s19+$0xFFFFFFC0] =	vst v0  }
0x51: {  	[tilespmem:s19+$0xFFFFFFB0] =	vst v0  }
0x52: {  	[tilespmem:s19+$0xFFFFFFA0] =	vst v0  }
0x53: {  	[tilespmem:s18+$0xFFFFFF90] =	vst v0  }
0x54: {  	[tilespmem:s18+$0x0] =	vst v0  }
0x55: {  	[tilespmem:s18+$0xFFFFFFF0] =	vst v0  }
0x56: {  	[tilespmem:s18+$0xFFFFFFE0] =	vst v0  }
0x57: {  	[tilespmem:s18+$0xFFFFFFD0] =	vst v0  }
0x58: {  	[tilespmem:s18+$0xFFFFFFC0] =	vst v0  }
0x59: {  	s20 =	simm.s32 $0x0;
	[tilespmem:s18+$0xFFFFFFB0] =	vst v0  }
.LBB2_14:
0x5a: {  	s20 =	sadd.s32 $0x80, s20;
	[tilespmem:s18+$0xFFFFFFA0] =	vst v0;
	s18 =	sadd.s32 $0x200, s18;
	s19 =	simm.s32 $0xD3F0  }
0x5b: {  	[tilespmem:s18+$0xFFFFFF90] =	vst v0;
	p0 =	slt.u32 s20, $0x2780  }
0x5c: {  	[tilespmem:s18+$0x0] =	vst v0  }
.Ltmp8:
0x5d: {  	[tilespmem:s18+$0xFFFFFFF0] =	vst v0;
	(pc) =	sbr.rel @p0 .LBB2_14-.Ltmp8, $4  }
0x5e: {  	[tilespmem:s18+$0xFFFFFFE0] =	vst v0  }
0x5f: {  	[tilespmem:s18+$0xFFFFFFD0] =	vst v0  }
0x60: {  	[tilespmem:s18+$0xFFFFFFC0] =	vst v0  }
0x61: {  	[tilespmem:s18+$0xFFFFFFB0] =	vst v0  }
0x62: {  	[tilespmem:s18+$0xFFFFFFA0] =	vst v0  }
0x63: {  	[tilespmem:s19+$0xFFFFFF90] =	vst v0  }
0x64: {  	[tilespmem:s19+$0x0] =	vst v0  }
0x65: {  	[tilespmem:s19+$0xFFFFFFF0] =	vst v0  }
0x66: {  	[tilespmem:s19+$0xFFFFFFE0] =	vst v0  }
0x67: {  	[tilespmem:s19+$0xFFFFFFD0] =	vst v0  }
0x68: {  	[tilespmem:s19+$0xFFFFFFC0] =	vst v0  }
0x69: {  	s18 =	simm.s32 $0x0;
	[tilespmem:s19+$0xFFFFFFB0] =	vst v0  }
.LBB2_16:
0x6a: {  	s18 =	sadd.s32 $0x80, s18;
	[tilespmem:s19+$0xFFFFFFA0] =	vst v0;
	s19 =	sadd.s32 $0x200, s19  }
0x6b: {  	[tilespmem:s19+$0xFFFFFF90] =	vst v0;
	p0 =	slt.u32 s18, $0x2780  }
0x6c: {  	[tilespmem:s19+$0x0] =	vst v0  }
.Ltmp9:
0x6d: {  	[tilespmem:s19+$0xFFFFFFF0] =	vst v0;
	(pc) =	sbr.rel @p0 .LBB2_16-.Ltmp9, $4  }
0x6e: {  	[tilespmem:s19+$0xFFFFFFE0] =	vst v0  }
0x6f: {  	[tilespmem:s19+$0xFFFFFFD0] =	vst v0  }
0x70: {  	[tilespmem:s19+$0xFFFFFFC0] =	vst v0  }
0x71: {  	[tilespmem:s19+$0xFFFFFFB0] =	vst v0  }
0x72: {  	[tilespmem:s19+$0xFFFFFFA0] =	vst v0;
	s18 =	simm.s32 $0x0  }
0x73: {  	[tilespmem:s10], [sflag:$0x5] =	stream.linear.gather [hbm4b:s7+s18], $0xA000, $0x38;
	[tilespmem:$0x17200] =	vst v63  }
0x74: {  	_ =	swait.ge [sflag:s11], $0xA000  }
0x75: {  	[sflag:s11] =	ssyncset.done $0x0  }
0x76: {  	s19 =	simm.s32 $0x0;
	[sflag:s11] =	ssyncadd.s32 $0xFFFF6000  }
.LBB2_18:
0x77: {  	_ =	swait.ge [sflag:s12], $0xC80  }
0x78: {  	[sflag:s12] =	ssyncset.done $0x0  }
0x79: {  	[sflag:s12] =	ssyncadd.s32 $0xFFFFF380  }
0x7a: {  	s20 =	simm.s32 $0x0;
	_ =	swait.ge [sflag:s13], $0xC80  }
0x7b: {  	s21 =	sand.u32 $0x1F00, s18;
	s20 =	sand.u32 $0x40, s20;
	[sflag:s13] =	ssyncset.done $0x0  }
0x7c: {  	s20 =	sor.u32 s20, s21;
	[sflag:s13] =	ssyncadd.s32 $0xFFFFF380  }
0x7d: {  	v1 =	vld [tilespmem:s20+$0x30]  }
0x7e: {  	v2 =	vld [tilespmem:s20+$0x0]  }
0x7f: {  	v3 =	vld [tilespmem:s20+$0x10];
	_ =	sdelay $0x1  }
0x80: {  	v11 =	vld [tilespmem:s20+$0x1920]  }
0x81: {  	v4 =	vld [tilespmem:s20+$0x20]  }
0x82: {  	v8 =	vld [tilespmem:s20+$0x1930];
	v6 =	vshll.u32 v1, $0x2;
	v7 =	vshll.u32 v2, $0x2  }
0x83: {  	v1 =	vand.u32 $0x7F, v1;
	v10 =	vshll.u32 v3, $0x2;
	v6 =	vand.u32 $0xFFFFFE00, v6  }
0x84: {  	v5 =	vld [tilespmem:s20+$0x1900];
	v2 =	vand.u32 $0x7F, v2;
	v3 =	vand.u32 $0x7F, v3;
	v1 =	vor.u32 v1, v6  }
0x85: {  	s21 =	simm.s32 $0x80;
	v9 =	vld [tilespmem:s20+$0x1910];
	s20 =	simm.s32 $0x40;
	v12 =	vshll.u32 v11, $0x2;
	v7 =	vand.u32 $0xFFFFFE00, v7;
	v6 =	vand.u32 $0xFFFFFE00, v10  }
0x86: {  	s23 =	sand.u32 $0x1F00, s21;
	s22 =	sand.u32 $0x40, s20;
	v10 =	vshll.u32 v4, $0x2;
	v4 =	vand.u32 $0x7F, v4;
	v2 =	vor.u32 v2, v7  }
0x87: {  	s22 =	sor.u32 s22, s23;
	v10 =	vand.u32 $0xFFFFFE00, v10;
	v3 =	vor.u32 v3, v6;
	v6 =	vshll.u32 v8, $0x2  }
0x88: {  	v18 =	vld [tilespmem:s22+$0x1910];
	v8 =	vand.u32 $0x7F, v8;
	v4 =	vor.u32 v4, v10;
	v6 =	vand.u32 $0xFFFFFE00, v6  }
0x89: {  	v7 =	vshll.u32 v5, $0x2;
	v5 =	vand.u32 $0x7F, v5;
	v6 =	vor.u32 v8, v6;
	v13 =	vld.idx.msk [tilespmem:v1+s10+$0x0], $0xffff  }
0x8a: {  	v21 =	vld [tilespmem:s22+$0x1920];
	v7 =	vand.u32 $0xFFFFFE00, v7;
	v10 =	vshll.u32 v9, $0x2;
	v8 =	vor.u32 $0x80, v1  }
0x8b: {  	v5 =	vor.u32 v5, v7;
	v7 =	vand.u32 $0x7F, v9;
	v10 =	vand.u32 $0xFFFFFE00, v10;
	v14 =	vld.idx.msk [tilespmem:v2+s10+$0x0], $0xffff  }
0x8c: {  	v11 =	vand.u32 $0x7F, v11;
	v9 =	vand.u32 $0xFFFFFE00, v12;
	v7 =	vor.u32 v7, v10;
	v12 =	vld.idx.msk [tilespmem:v3+s10+$0x0], $0xffff  }
0x8d: {  	v9 =	vor.u32 v11, v9;
	v11 =	vor.u32 $0x80, v2;
	v10 =	vld.idx.msk [tilespmem:v4+s10+$0x0], $0xffff  }
0x8e: {  	[tilespmem:v6+s14+$0x0] =	vst.idx.add.f32.msk $0xffff, v13  }
0x8f: {  	v13 =	vor.u32 $0x80, v6;
	v8 =	vld.idx.msk [tilespmem:v8+s10+$0x0], $0xffff  }
0x90: {  	[tilespmem:v5+s14+$0x0] =	vst.idx.add.f32.msk $0xffff, v14;
	v14 =	vor.u32 $0x100, v1  }
0x91: {  	[tilespmem:v7+s14+$0x0] =	vst.idx.add.f32.msk $0xffff, v12;
	v12 =	vor.u32 $0x80, v4  }
0x92: {  	v15 =	vor.u32 $0x80, v3;
	v11 =	vld.idx.msk [tilespmem:v11+s10+$0x0], $0xffff  }
0x93: {  	[tilespmem:v9+s14+$0x0] =	vst.idx.add.f32.msk $0xffff, v10;
	v10 =	vor.u32 $0x80, v5  }
0x94: {  	v16 =	vor.u32 $0x100, v2;
	[tilespmem:v13+s14+$0x0] =	vst.idx.add.f32.msk $0xffff, v8  }
0x95: {  	v13 =	vor.u32 $0x100, v6;
	v8 =	vld.idx.msk [tilespmem:v14+s10+$0x0], $0xffff  }
0x96: {  	v17 =	vor.u32 $0x80, v9;
	v12 =	vld.idx.msk [tilespmem:v12+s10+$0x0], $0xffff  }
0x97: {  	v1 =	vor.u32 $0x180, v1;
	v14 =	vld.idx.msk [tilespmem:v15+s10+$0x0], $0xffff  }
0x98: {  	v15 =	vor.u32 $0x80, v7;
	[tilespmem:v10+s14+$0x0] =	vst.idx.add.f32.msk $0xffff, v11  }
0x99: {  	v11 =	vld.idx.msk [tilespmem:v16+s10+$0x0], $0xffff  }
0x9a: {  	[tilespmem:v13+s14+$0x0] =	vst.idx.add.f32.msk $0xffff, v8;
	v8 =	vor.u32 $0x100, v5  }
0x9b: {  	[tilespmem:v17+s14+$0x0] =	vst.idx.add.f32.msk $0xffff, v12  }
0x9c: {  	v6 =	vor.u32 $0x180, v6;
	v1 =	vld.idx.msk [tilespmem:v1+s10+$0x0], $0xffff  }
0x9d: {  	[tilespmem:v15+s14+$0x0] =	vst.idx.add.f32.msk $0xffff, v14  }
0x9e: {  	v13 =	vld [tilespmem:s22+$0x20]  }
0x9f: {  	v10 =	vor.u32 $0x100, v3;
	[tilespmem:v8+s14+$0x0] =	vst.idx.add.f32.msk $0xffff, v11  }
0xa0: {  	v8 =	vld [tilespmem:s22+$0x10]  }
0xa1: {  	v16 =	vor.u32 $0x100, v4;
	[tilespmem:v6+s14+$0x0] =	vst.idx.add.f32.msk $0xffff, v1  }
0xa2: {  	v2 =	vor.u32 $0x180, v2;
	v1 =	vld [tilespmem:s22+$0x30]  }
0xa3: {  	v6 =	vld [tilespmem:s22+$0x0]  }
0xa4: {  	v10 =	vld.idx.msk [tilespmem:v10+s10+$0x0], $0xffff;
	v11 =	vor.u32 $0x100, v7  }
0xa5: {  	v3 =	vor.u32 $0x180, v3;
	v4 =	vor.u32 $0x180, v4;
	v17 =	vld [tilespmem:s22+$0x1930];
	v14 =	vor.u32 $0x100, v9  }
0xa6: {  	v5 =	vor.u32 $0x180, v5;
	v12 =	vld.idx.msk [tilespmem:v16+s10+$0x0], $0xffff;
	v61 =	vshll.u32 v13, $0x2;
	v7 =	vor.u32 $0x180, v7  }
0xa7: {  	v2 =	vld.idx.msk [tilespmem:v2+s10+$0x0], $0xffff;
	v20 =	vshll.u32 v8, $0x2;
	v8 =	vand.u32 $0x7F, v8;
	v16 =	vshll.u32 v1, $0x2  }
0xa8: {  	v15 =	vld [tilespmem:s22+$0x1900];
	v19 =	vshll.u32 v6, $0x2;
	v1 =	vand.u32 $0x7F, v1;
	v16 =	vand.u32 $0xFFFFFE00, v16  }
0xa9: {  	[tilespmem:v11+s14+$0x0] =	vst.idx.add.f32.msk $0xffff, v10;
	v19 =	vand.u32 $0xFFFFFE00, v19;
	v16 =	vor.u32 v1, v16;
	v1 =	vand.u32 $0x7F, v6  }
0xaa: {  	v10 =	vand.u32 $0x7F, v13;
	v3 =	vld.idx.msk [tilespmem:v3+s10+$0x0], $0xffff;
	v6 =	vand.u32 $0xFFFFFE00, v20;
	v13 =	vor.u32 v1, v19  }
0xab: {  	[tilespmem:v14+s14+$0x0] =	vst.idx.add.f32.msk $0xffff, v12;
	v1 =	vand.u32 $0xFFFFFE00, v61;
	v6 =	vor.u32 v8, v6;
	v8 =	vshll.u32 v17, $0x2  }
0xac: {  	[tilespmem:v5+s14+$0x0] =	vst.idx.add.f32.msk $0xffff, v2;
	v19 =	vor.u32 v10, v1;
	v1 =	vand.u32 $0x7F, v17;
	v8 =	vand.u32 $0xFFFFFE00, v8  }
0xad: {  	v17 =	vor.u32 v1, v8;
	v1 =	vld.idx.msk [tilespmem:v4+s10+$0x0], $0xffff  }
0xae: {  	v12 =	vshll.u32 v21, $0x2;
	v14 =	vand.u32 $0x7F, v15;
	v8 =	vshll.u32 v15, $0x2;
	v10 =	vld.idx.msk [tilespmem:v16+s10+$0x0], $0xffff  }
0xaf: {  	v11 =	vshll.u32 v18, $0x2;
	v4 =	vor.u32 $0x80, v16;
	[tilespmem:v7+s14+$0x0] =	vst.idx.add.f32.msk $0xffff, v3;
	v8 =	vand.u32 $0xFFFFFE00, v8  }
0xb0: {  	v11 =	vand.u32 $0xFFFFFE00, v11;
	v62 =	vor.u32 v14, v8;
	v8 =	vand.u32 $0x7F, v18;
	v15 =	vld.idx.msk [tilespmem:v13+s10+$0x0], $0xffff  }
0xb1: {  	v12 =	vand.u32 $0xFFFFFE00, v12;
	v18 =	vand.u32 $0x7F, v21;
	v14 =	vld.idx.msk [tilespmem:v6+s10+$0x0], $0xffff;
	v63 =	vor.u32 v8, v11  }
0xb2: {  	v18 =	vor.u32 v18, v12;
	v8 =	vld.idx.msk [tilespmem:v19+s10+$0x0], $0xffff  }
0xb3: {  	v5 =	vor.u32 $0x80, v6;
	[tilespmem:v17+s14+$0x0] =	vst.idx.add.f32.msk $0xffff, v10  }
0xb4: {  	v10 =	vor.u32 $0x80, v13;
	v4 =	vld.idx.msk [tilespmem:v4+s10+$0x0], $0xffff  }
0xb5: {  	v11 =	vor.u32 $0x80, v17;
	[tilespmem:v62+s14+$0x0] =	vst.idx.add.f32.msk $0xffff, v15  }
0xb6: {  	v2 =	vor.u32 $0x100, v16;
	[tilespmem:v63+s14+$0x0] =	vst.idx.add.f32.msk $0xffff, v14  }
0xb7: {  	v12 =	vor.u32 $0x80, v19;
	[tilespmem:v18+s14+$0x0] =	vst.idx.add.f32.msk $0xffff, v8  }
0xb8: {  	v15 =	vor.u32 $0x180, v16;
	v16 =	vor.u32 $0x80, v63;
	v5 =	vld.idx.msk [tilespmem:v5+s10+$0x0], $0xffff  }
0xb9: {  	v8 =	vld.idx.msk [tilespmem:v10+s10+$0x0], $0xffff;
	v10 =	vor.u32 $0x80, v62  }
0xba: {  	[tilespmem:v11+s14+$0x0] =	vst.idx.add.f32.msk $0xffff, v4;
	v4 =	vor.u32 $0x100, v13  }
0xbb: {  	v11 =	vor.u32 $0x100, v17;
	v2 =	vld.idx.msk [tilespmem:v2+s10+$0x0], $0xffff  }
0xbc: {  	v22 =	vld.idx.msk [tilespmem:v12+s10+$0x0], $0xffff  }
0xbd: {  	v23 =	vor.u32 $0x80, v18;
	[tilespmem:v16+s14+$0x0] =	vst.idx.add.f32.msk $0xffff, v5  }
0xbe: {  	v24 =	vor.u32 $0x100, v6;
	[tilespmem:v10+s14+$0x0] =	vst.idx.add.f32.msk $0xffff, v8  }
0xbf: {  	v12 =	vor.u32 $0x100, v19;
	v14 =	vld.idx.msk [tilespmem:v4+s10+$0x0], $0xffff  }
0xc0: {  	v7 =	vor.u32 $0x180, v6;
	[tilespmem:v11+s14+$0x0] =	vst.idx.add.f32.msk $0xffff, v2;
	v11 =	vor.u32 $0x100, v62  }
0xc1: {  	v6 =	vor.u32 $0x180, v19;
	v3 =	vor.u32 $0x180, v63;
	v16 =	vor.u32 $0x180, v17;
	v15 =	vld.idx.msk [tilespmem:v15+s10+$0x0], $0xffff  }
0xc2: {  	v5 =	vor.u32 $0x180, v18;
	[tilespmem:v23+s14+$0x0] =	vst.idx.add.f32.msk $0xffff, v22;
	v10 =	vor.u32 $0x100, v63;
	v8 =	vor.u32 $0x100, v18  }
0xc3: {  	v4 =	vor.u32 $0x180, v62;
	v2 =	vor.u32 $0x180, v9;
	v9 =	vor.u32 $0x180, v13;
	v13 =	vld.idx.msk [tilespmem:v24+s10+$0x0], $0xffff  }
.LBB2_19:
0xc4: {  	s20 =	sadd.s32 $0x40, s20;
	v12 =	vld.idx.msk [tilespmem:v12+s10+$0x0], $0xffff;
	s21 =	sadd.s32 $0x80, s21  }
0xc5: {  	s22 =	sand.u32 $0x40, s20;
	s23 =	sand.u32 $0x1F00, s21;
	p0 =	slt.u32 s20, $0xC40;
	[tilespmem:v11+s14+$0x0] =	vst.idx.add.f32.msk $0xffff, v14  }
0xc6: {  	s22 =	sor.u32 s22, s23;
	[tilespmem:v16+s14+$0x0] =	vst.idx.add.f32.msk $0xffff, v15  }
0xc7: {  	v11 =	vld [tilespmem:s22+$0x30]  }
0xc8: {  	v14 =	vld [tilespmem:s22+$0x0]  }
0xc9: {  	v15 =	vld [tilespmem:s22+$0x10]  }
0xca: {  	v16 =	vld [tilespmem:s22+$0x20]  }
0xcb: {  	v17 =	vld [tilespmem:s22+$0x1900]  }
0xcc: {  	v18 =	vld [tilespmem:s22+$0x1910];
	v19 =	vshll.u32 v11, $0x2  }
0xcd: {  	v11 =	vand.u32 $0x7F, v11;
	v20 =	vshll.u32 v14, $0x2;
	v21 =	vld [tilespmem:s22+$0x1930];
	v19 =	vand.u32 $0xFFFFFE00, v19  }
0xce: {  	v20 =	vand.u32 $0xFFFFFE00, v20;
	v22 =	vshll.u32 v15, $0x2;
	v23 =	vld [tilespmem:s22+$0x1920];
	v19 =	vor.u32 v11, v19  }
0xcf: {  	v11 =	vand.u32 $0x7F, v14;
	v14 =	vand.u32 $0xFFFFFE00, v22;
	v22 =	vshll.u32 v16, $0x2;
	[tilespmem:v10+s14+$0x0] =	vst.idx.add.f32.msk $0xffff, v13  }
0xd0: {  	v10 =	vand.u32 $0x7F, v15;
	v13 =	vand.u32 $0x7F, v16;
	v15 =	vand.u32 $0xFFFFFE00, v22;
	[tilespmem:v8+s14+$0x0] =	vst.idx.add.f32.msk $0xffff, v12  }
0xd1: {  	v16 =	vor.u32 v11, v20;
	v14 =	vor.u32 v10, v14;
	v13 =	vor.u32 v13, v15;
	v9 =	vld.idx.msk [tilespmem:v9+s10+$0x0], $0xffff  }
0xd2: {  	v8 =	vshll.u32 v17, $0x2;
	v10 =	vshll.u32 v18, $0x2;
	v11 =	vshll.u32 v21, $0x2;
	v15 =	vld.idx.msk [tilespmem:v7+s10+$0x0], $0xffff  }
0xd3: {  	v20 =	vand.u32 $0x7F, v21;
	v7 =	vshll.u32 v23, $0x2;
	v12 =	vld.idx.msk [tilespmem:v19+s10+$0x0], $0xffff;
	v11 =	vand.u32 $0xFFFFFE00, v11  }
0xd4: {  	v8 =	vand.u32 $0xFFFFFE00, v8;
	v10 =	vand.u32 $0xFFFFFE00, v10;
	v20 =	vor.u32 v20, v11;
	v6 =	vld.idx.msk [tilespmem:v6+s10+$0x0], $0xffff  }
0xd5: {  	v11 =	vand.u32 $0x7F, v17;
	v7 =	vand.u32 $0xFFFFFE00, v7;
	v17 =	vor.u32 $0x80, v19;
	[tilespmem:v2+s14+$0x0] =	vst.idx.add.f32.msk $0xffff, v1;
	v2 =	vmovc v5  }
0xd6: {  	v21 =	vor.u32 v11, v8;
	v1 =	vand.u32 $0x7F, v18;
	v8 =	vand.u32 $0x7F, v23;
	v5 =	vld.idx.msk [tilespmem:v16+s10+$0x0], $0xffff  }
0xd7: {  	v18 =	vor.u32 $0x80, v16;
	v23 =	vor.u32 v1, v10;
	v24 =	vor.u32 v8, v7;
	v22 =	vld.idx.msk [tilespmem:v14+s10+$0x0], $0xffff  }
0xd8: {  	v26 =	vor.u32 $0x80, v14;
	v28 =	vor.u32 $0x80, v13;
	v25 =	vor.u32 $0x80, v21;
	v27 =	vld.idx.msk [tilespmem:v13+s10+$0x0], $0xffff  }
0xd9: {  	v29 =	vor.u32 $0x100, v16;
	v30 =	vor.u32 $0x80, v23;
	v31 =	vor.u32 $0x80, v24;
	[tilespmem:v20+s14+$0x0] =	vst.idx.add.f32.msk $0xffff, v12  }
0xda: {  	v32 =	vor.u32 $0x100, v14;
	v11 =	vor.u32 $0x100, v21;
	v12 =	vor.u32 $0x100, v13;
	v1 =	vmovc v6;
	v17 =	vld.idx.msk [tilespmem:v17+s10+$0x0], $0xffff  }
0xdb: {  	v33 =	vor.u32 $0x80, v20;
	v10 =	vor.u32 $0x100, v23;
	v8 =	vor.u32 $0x100, v24;
	[tilespmem:v4+s14+$0x0] =	vst.idx.add.f32.msk $0xffff, v9  }
0xdc: {  	v7 =	vor.u32 $0x180, v14;
	v14 =	vor.u32 $0x100, v19;
	v9 =	vor.u32 $0x180, v16;
	[tilespmem:v21+s14+$0x0] =	vst.idx.add.f32.msk $0xffff, v5  }
0xdd: {  	v6 =	vor.u32 $0x180, v13;
	v4 =	vor.u32 $0x180, v21;
	v16 =	vor.u32 $0x180, v23;
	[tilespmem:v23+s14+$0x0] =	vst.idx.add.f32.msk $0xffff, v22  }
0xde: {  	v5 =	vor.u32 $0x180, v24;
	[tilespmem:v24+s14+$0x0] =	vst.idx.add.f32.msk $0xffff, v27  }
0xdf: {  	v13 =	vld.idx.msk [tilespmem:v18+s10+$0x0], $0xffff  }
0xe0: {  	[tilespmem:v33+s14+$0x0] =	vst.idx.add.f32.msk $0xffff, v17  }
0xe1: {  	v17 =	vld.idx.msk [tilespmem:v14+s10+$0x0], $0xffff  }
0xe2: {  	v21 =	vor.u32 $0x100, v20;
	v18 =	vld.idx.msk [tilespmem:v26+s10+$0x0], $0xffff  }
0xe3: {  	v19 =	vor.u32 $0x180, v19;
	v22 =	vld.idx.msk [tilespmem:v28+s10+$0x0], $0xffff  }
0xe4: {  	[tilespmem:v3+s14+$0x0] =	vst.idx.add.f32.msk $0xffff, v15;
	v3 =	vmov v16  }
0xe5: {  	[tilespmem:v25+s14+$0x0] =	vst.idx.add.f32.msk $0xffff, v13  }
0xe6: {  	v14 =	vld.idx.msk [tilespmem:v29+s10+$0x0], $0xffff  }
.Ltmp10:
0xe7: {  	[tilespmem:v21+s14+$0x0] =	vst.idx.add.f32.msk $0xffff, v17;
	(pc) =	sbr.rel @p0 .LBB2_19-.Ltmp10, $4  }
0xe8: {  	v15 =	vld.idx.msk [tilespmem:v19+s10+$0x0], $0xffff  }
0xe9: {  	v16 =	vor.u32 $0x180, v20;
	[tilespmem:v30+s14+$0x0] =	vst.idx.add.f32.msk $0xffff, v18  }
0xea: {  	[tilespmem:v31+s14+$0x0] =	vst.idx.add.f32.msk $0xffff, v22  }
0xeb: {  	v13 =	vld.idx.msk [tilespmem:v32+s10+$0x0], $0xffff  }
0xec: {  	_ =	sdelay $0x3  }
0xed: {  	v12 =	vld.idx.msk [tilespmem:v12+s10+$0x0], $0xffff;
	_ =	sdelay $0x1  }
0xee: {  	[tilespmem:v11+s14+$0x0] =	vst.idx.add.f32.msk $0xffff, v14  }
0xef: {  	v63 =	vld.idx.msk [tilespmem:v9+s10+$0x0], $0xffff  }
0xf0: {  	[tilespmem:v10+s14+$0x0] =	vst.idx.add.f32.msk $0xffff, v13  }
0xf1: {  	[tilespmem:v8+s14+$0x0] =	vst.idx.add.f32.msk $0xffff, v12  }
0xf2: {  	v7 =	vld.idx.msk [tilespmem:v7+s10+$0x0], $0xffff  }
0xf3: {  	p0 =	seq.s32 s19, $0x31;
	v6 =	vld.idx.msk [tilespmem:v6+s10+$0x0], $0xffff  }
.Ltmp11:
0xf4: {  	[tilespmem:v2+s14+$0x0] =	vst.idx.add.f32.msk $0xffff, v1;
	(pc) =	sbr.rel @p0 .LBB2_26-.Ltmp11, $4  }
0xf5: {  	[tilespmem:v16+s14+$0x0] =	vst.idx.add.f32.msk $0xffff, v15  }
0xf6: {  	[tilespmem:v4+s14+$0x0] =	vst.idx.add.f32.msk $0xffff, v63  }
0xf7: {  	[tilespmem:v3+s14+$0x0] =	vst.idx.add.f32.msk $0xffff, v7  }
0xf8: {  	[tilespmem:v5+s14+$0x0] =	vst.idx.add.f32.msk $0xffff, v6  }
0xf9: {  	s20 =	smul.u32 $0x1900, s19;
	_ =	sdelay $0x1  }
0xfa: {  	s20 =	sshrl.u32 s20, $0x3  }
0xfb: {  	s20 =	sadd.s32 $0x320, s20  }
0xfc: {  	s22 =	simm.s32 $0x0;
	s21 =	sadd.s32 s3, s20  }
0xfd: {  	s23 =	simm.s32 $0x10;
	s24 =	simm.s32 $0x100;
	s25 =	sadd.s32 $0x0, s21  }
.LBB2_22:
0xfe: {  	[tilespmem:s22], [sflag:$0x1] =	stream.linear.gather [hbm4b:s25+s2], $0x80, $0x38;
	[tilespmem:$0x17200] =	vst v63  }
0xff: {  	s25 =	smov.u32 s23;
	s22 =	smov.u32 s24;
	p1 =	sne.s32 s23, $0x180  }
.Ltmp12:
0x100: {  	s23 =	sadd.s32 $0x10, s23;
	(pc) =	sbr.rel @p1 .LBB2_22-.Ltmp12, $2  }
0x101: {  	_ =	sdelay $0x2  }
0x102: {  	s24 =	sadd.s32 $0x100, s24;
	s25 =	sadd.s32 s25, s21  }
0x103: {  	[tilespmem:s22], [sflag:$0x1] =	stream.linear.gather [hbm4b:s25+s2], $0x80, $0x38;
	[tilespmem:$0x17200] =	vst v63  }
0x104: {  	s20 =	sadd.s32 s4, s20;
	s21 =	simm.s32 $0x1900  }
0x105: {  	s22 =	simm.s32 $0x10;
	s23 =	simm.s32 $0x1A00;
	s24 =	sadd.s32 $0x0, s20  }
.LBB2_24:
0x106: {  	[tilespmem:s21], [sflag:$0x3] =	stream.linear.gather [hbm4b:s24+s2], $0x80, $0x38;
	[tilespmem:$0x17200] =	vst v63  }
0x107: {  	s24 =	smov.u32 s22;
	s21 =	smov.u32 s23;
	p1 =	sne.s32 s22, $0x180  }
.Ltmp13:
0x108: {  	s22 =	sadd.s32 $0x10, s22;
	(pc) =	sbr.rel @p1 .LBB2_24-.Ltmp13, $2  }
0x109: {  	_ =	sdelay $0x2  }
0x10a: {  	s23 =	sadd.s32 $0x100, s23;
	s24 =	sadd.s32 s24, s20  }
0x10b: {  	[tilespmem:s21], [sflag:$0x3] =	stream.linear.gather [hbm4b:s24+s2], $0x80, $0x38;
	[tilespmem:$0x17200] =	vst v63  }
.LBB2_26:
0x10c: {  	_ =	swait.ge [sflag:s15], $0xC80  }
0x10d: {  	p1 =	por $0x0, $0x0;
	s20 =	simm.s32 $0x1;
	[sflag:s15] =	ssyncset.done $0x0  }
0x10e: {  	s20 =	simm.s32 @!p1 $0x0;
	[sflag:s15] =	ssyncadd.s32 $0xFFFFF380  }
0x10f: {  	s20 =	sshll.u32 s20, $0x6;
	_ =	swait.ge [sflag:s16], $0xC80  }
0x110: {  	s20 =	sadd.s32 $0x0, s20;
	[sflag:s16] =	ssyncset.done $0x0  }
0x111: {  	s21 =	sor.u32 $0xB0, s20;
	[sflag:s16] =	ssyncadd.s32 $0xFFFFF380  }
0x112: {  	s22 =	sor.u32 $0x80, s20;
	v1 =	vld [tilespmem:s21+$0x0]  }
0x113: {  	s23 =	sor.u32 $0x90, s20;
	v2 =	vld [tilespmem:s22+$0x0]  }
0x114: {  	v3 =	vld [tilespmem:s23+$0x0]  }
0x115: {  	s20 =	sor.u32 $0xA0, s20  }
0x116: {  	v11 =	vld [tilespmem:s20+$0x1900]  }
0x117: {  	v4 =	vld [tilespmem:s20+$0x0]  }
0x118: {  	v8 =	vld [tilespmem:s21+$0x1900];
	v6 =	vshll.u32 v1, $0x2;
	v7 =	vshll.u32 v2, $0x2  }
0x119: {  	p1 =	por !p1, !p1;
	s20 =	simm.s32 $0x1;
	v1 =	vand.u32 $0x7F, v1;
	v10 =	vshll.u32 v3, $0x2;
	v6 =	vand.u32 $0xFFFFFE00, v6  }
0x11a: {  	v5 =	vld [tilespmem:s22+$0x1900];
	s20 =	simm.s32 @!p1 $0x0;
	v2 =	vand.u32 $0x7F, v2;
	v3 =	vand.u32 $0x7F, v3;
	v1 =	vor.u32 v1, v6  }
0x11b: {  	v9 =	vld [tilespmem:s23+$0x1900];
	s20 =	sshll.u32 s20, $0x6;
	v12 =	vshll.u32 v11, $0x2;
	v7 =	vand.u32 $0xFFFFFE00, v7;
	v6 =	vand.u32 $0xFFFFFE00, v10  }
0x11c: {  	s20 =	sadd.s32 $0x80, s20;
	v10 =	vshll.u32 v4, $0x2;
	v4 =	vand.u32 $0x7F, v4;
	v2 =	vor.u32 v2, v7  }
0x11d: {  	s31 =	sor.u32 $0x90, s20;
	v10 =	vand.u32 $0xFFFFFE00, v10;
	v3 =	vor.u32 v3, v6;
	v6 =	vshll.u32 v8, $0x2  }
0x11e: {  	v18 =	vld [tilespmem:s31+$0x1900];
	v8 =	vand.u32 $0x7F, v8;
	v4 =	vor.u32 v4, v10;
	v6 =	vand.u32 $0xFFFFFE00, v6  }
0x11f: {  	s29 =	sor.u32 $0xB0, s20;
	s30 =	sor.u32 $0x80, s20;
	s20 =	sor.u32 $0xA0, s20;
	v7 =	vshll.u32 v5, $0x2;
	v5 =	vand.u32 $0x7F, v5;
	v6 =	vor.u32 v8, v6;
	v13 =	vld.idx.msk [tilespmem:v1+s10+$0x0], $0xffff  }
0x120: {  	v21 =	vld [tilespmem:s20+$0x1900];
	v7 =	vand.u32 $0xFFFFFE00, v7;
	v10 =	vshll.u32 v9, $0x2;
	v8 =	vor.u32 $0x80, v1  }
0x121: {  	v5 =	vor.u32 v5, v7;
	v7 =	vand.u32 $0x7F, v9;
	v10 =	vand.u32 $0xFFFFFE00, v10;
	v14 =	vld.idx.msk [tilespmem:v2+s10+$0x0], $0xffff  }
0x122: {  	v11 =	vand.u32 $0x7F, v11;
	v9 =	vand.u32 $0xFFFFFE00, v12;
	v7 =	vor.u32 v7, v10;
	v12 =	vld.idx.msk [tilespmem:v3+s10+$0x0], $0xffff  }
0x123: {  	v9 =	vor.u32 v11, v9;
	v11 =	vor.u32 $0x80, v2;
	v10 =	vld.idx.msk [tilespmem:v4+s10+$0x0], $0xffff  }
0x124: {  	[tilespmem:v6+s14+$0x0] =	vst.idx.add.f32.msk $0xffff, v13  }
0x125: {  	v13 =	vor.u32 $0x80, v6;
	v8 =	vld.idx.msk [tilespmem:v8+s10+$0x0], $0xffff  }
0x126: {  	[tilespmem:v5+s14+$0x0] =	vst.idx.add.f32.msk $0xffff, v14;
	v14 =	vor.u32 $0x100, v1  }
0x127: {  	[tilespmem:v7+s14+$0x0] =	vst.idx.add.f32.msk $0xffff, v12;
	v12 =	vor.u32 $0x80, v4  }
0x128: {  	v15 =	vor.u32 $0x80, v3;
	v11 =	vld.idx.msk [tilespmem:v11+s10+$0x0], $0xffff  }
0x129: {  	[tilespmem:v9+s14+$0x0] =	vst.idx.add.f32.msk $0xffff, v10;
	v10 =	vor.u32 $0x80, v5  }
0x12a: {  	v16 =	vor.u32 $0x100, v2;
	[tilespmem:v13+s14+$0x0] =	vst.idx.add.f32.msk $0xffff, v8  }
0x12b: {  	v13 =	vor.u32 $0x100, v6;
	v8 =	vld.idx.msk [tilespmem:v14+s10+$0x0], $0xffff  }
0x12c: {  	v17 =	vor.u32 $0x80, v9;
	v12 =	vld.idx.msk [tilespmem:v12+s10+$0x0], $0xffff  }
0x12d: {  	v1 =	vor.u32 $0x180, v1;
	v14 =	vld.idx.msk [tilespmem:v15+s10+$0x0], $0xffff  }
0x12e: {  	v15 =	vor.u32 $0x80, v7;
	[tilespmem:v10+s14+$0x0] =	vst.idx.add.f32.msk $0xffff, v11  }
0x12f: {  	v11 =	vld.idx.msk [tilespmem:v16+s10+$0x0], $0xffff  }
0x130: {  	[tilespmem:v13+s14+$0x0] =	vst.idx.add.f32.msk $0xffff, v8;
	v8 =	vor.u32 $0x100, v5  }
0x131: {  	[tilespmem:v17+s14+$0x0] =	vst.idx.add.f32.msk $0xffff, v12  }
0x132: {  	v6 =	vor.u32 $0x180, v6;
	v1 =	vld.idx.msk [tilespmem:v1+s10+$0x0], $0xffff  }
0x133: {  	[tilespmem:v15+s14+$0x0] =	vst.idx.add.f32.msk $0xffff, v14  }
0x134: {  	v13 =	vld [tilespmem:s20+$0x0]  }
0x135: {  	v10 =	vor.u32 $0x100, v3;
	[tilespmem:v8+s14+$0x0] =	vst.idx.add.f32.msk $0xffff, v11  }
0x136: {  	v8 =	vld [tilespmem:s31+$0x0]  }
0x137: {  	v16 =	vor.u32 $0x100, v4;
	[tilespmem:v6+s14+$0x0] =	vst.idx.add.f32.msk $0xffff, v1  }
0x138: {  	v2 =	vor.u32 $0x180, v2;
	v1 =	vld [tilespmem:s29+$0x0]  }
0x139: {  	v6 =	vld [tilespmem:s30+$0x0]  }
0x13a: {  	v10 =	vld.idx.msk [tilespmem:v10+s10+$0x0], $0xffff;
	v11 =	vor.u32 $0x100, v7  }
0x13b: {  	v3 =	vor.u32 $0x180, v3;
	v4 =	vor.u32 $0x180, v4;
	v17 =	vld [tilespmem:s29+$0x1900];
	v14 =	vor.u32 $0x100, v9  }
0x13c: {  	v5 =	vor.u32 $0x180, v5;
	v12 =	vld.idx.msk [tilespmem:v16+s10+$0x0], $0xffff;
	v63 =	vshll.u32 v13, $0x2;
	v7 =	vor.u32 $0x180, v7  }
0x13d: {  	v2 =	vld.idx.msk [tilespmem:v2+s10+$0x0], $0xffff;
	v20 =	vshll.u32 v8, $0x2;
	v8 =	vand.u32 $0x7F, v8;
	v16 =	vshll.u32 v1, $0x2  }
0x13e: {  	v15 =	vld [tilespmem:s30+$0x1900];
	v19 =	vshll.u32 v6, $0x2;
	v1 =	vand.u32 $0x7F, v1;
	v16 =	vand.u32 $0xFFFFFE00, v16  }
0x13f: {  	[tilespmem:v11+s14+$0x0] =	vst.idx.add.f32.msk $0xffff, v10;
	v19 =	vand.u32 $0xFFFFFE00, v19;
	v16 =	vor.u32 v1, v16;
	v1 =	vand.u32 $0x7F, v6  }
0x140: {  	v10 =	vand.u32 $0x7F, v13;
	v3 =	vld.idx.msk [tilespmem:v3+s10+$0x0], $0xffff;
	v6 =	vand.u32 $0xFFFFFE00, v20;
	v19 =	vor.u32 v1, v19  }
0x141: {  	[tilespmem:v14+s14+$0x0] =	vst.idx.add.f32.msk $0xffff, v12;
	v1 =	vand.u32 $0xFFFFFE00, v63;
	v6 =	vor.u32 v8, v6;
	v8 =	vshll.u32 v17, $0x2  }
0x142: {  	[tilespmem:v5+s14+$0x0] =	vst.idx.add.f32.msk $0xffff, v2;
	v20 =	vor.u32 v10, v1;
	v1 =	vand.u32 $0x7F, v17;
	v8 =	vand.u32 $0xFFFFFE00, v8  }
0x143: {  	v17 =	vor.u32 v1, v8;
	v1 =	vld.idx.msk [tilespmem:v4+s10+$0x0], $0xffff  }
0x144: {  	v12 =	vshll.u32 v21, $0x2;
	v11 =	vshll.u32 v18, $0x2;
	v8 =	vshll.u32 v15, $0x2;
	v10 =	vld.idx.msk [tilespmem:v16+s10+$0x0], $0xffff  }
0x145: {  	v13 =	vand.u32 $0x7F, v15;
	v4 =	vor.u32 $0x80, v16;
	[tilespmem:v7+s14+$0x0] =	vst.idx.add.f32.msk $0xffff, v3;
	v8 =	vand.u32 $0xFFFFFE00, v8  }
0x146: {  	v11 =	vand.u32 $0xFFFFFE00, v11;
	v22 =	vor.u32 v13, v8;
	v8 =	vand.u32 $0x7F, v18;
	v14 =	vld.idx.msk [tilespmem:v19+s10+$0x0], $0xffff  }
0x147: {  	v12 =	vand.u32 $0xFFFFFE00, v12;
	v15 =	vand.u32 $0x7F, v21;
	v13 =	vld.idx.msk [tilespmem:v6+s10+$0x0], $0xffff;
	v18 =	vor.u32 v8, v11  }
0x148: {  	v21 =	vor.u32 v15, v12;
	v8 =	vld.idx.msk [tilespmem:v20+s10+$0x0], $0xffff  }
0x149: {  	v5 =	vor.u32 $0x80, v6;
	[tilespmem:v17+s14+$0x0] =	vst.idx.add.f32.msk $0xffff, v10  }
0x14a: {  	v12 =	vor.u32 $0x80, v20;
	v4 =	vld.idx.msk [tilespmem:v4+s10+$0x0], $0xffff  }
0x14b: {  	v10 =	vor.u32 $0x80, v19;
	[tilespmem:v22+s14+$0x0] =	vst.idx.add.f32.msk $0xffff, v14  }
0x14c: {  	v11 =	vor.u32 $0x80, v17;
	[tilespmem:v18+s14+$0x0] =	vst.idx.add.f32.msk $0xffff, v13  }
0x14d: {  	v2 =	vor.u32 $0x100, v16;
	[tilespmem:v21+s14+$0x0] =	vst.idx.add.f32.msk $0xffff, v8  }
0x14e: {  	v25 =	vor.u32 $0x80, v18;
	v5 =	vld.idx.msk [tilespmem:v5+s10+$0x0], $0xffff  }
0x14f: {  	v26 =	vor.u32 $0x80, v21;
	v24 =	vld.idx.msk [tilespmem:v12+s10+$0x0], $0xffff  }
0x150: {  	v8 =	vld.idx.msk [tilespmem:v10+s10+$0x0], $0xffff;
	v10 =	vor.u32 $0x80, v22  }
0x151: {  	[tilespmem:v11+s14+$0x0] =	vst.idx.add.f32.msk $0xffff, v4;
	v4 =	vor.u32 $0x100, v19  }
0x152: {  	v23 =	vor.u32 $0x100, v17;
	v15 =	vld.idx.msk [tilespmem:v2+s10+$0x0], $0xffff  }
0x153: {  	v16 =	vor.u32 $0x180, v16;
	[tilespmem:v25+s14+$0x0] =	vst.idx.add.f32.msk $0xffff, v5  }
0x154: {  	v7 =	vor.u32 $0x180, v20;
	[tilespmem:v26+s14+$0x0] =	vst.idx.add.f32.msk $0xffff, v24  }
0x155: {  	v3 =	vor.u32 $0x180, v18;
	v13 =	vor.u32 $0x100, v6;
	v6 =	vor.u32 $0x180, v6;
	[tilespmem:v10+s14+$0x0] =	vst.idx.add.f32.msk $0xffff, v8  }
0x156: {  	v12 =	vor.u32 $0x100, v20;
	v11 =	vor.u32 $0x100, v22;
	v2 =	vor.u32 $0x180, v9;
	v14 =	vld.idx.msk [tilespmem:v4+s10+$0x0], $0xffff  }
0x157: {  	v9 =	vor.u32 $0x180, v19;
	v5 =	vor.u32 $0x180, v21;
	v10 =	vor.u32 $0x100, v18;
	[tilespmem:v23+s14+$0x0] =	vst.idx.add.f32.msk $0xffff, v15  }
0x158: {  	s21 =	simm.s32 $0x80;
	p1 =	por !p1, !p1;
	s20 =	simm.s32 $0x40;
	v8 =	vor.u32 $0x100, v21;
	v4 =	vor.u32 $0x180, v22;
	v15 =	vld.idx.msk [tilespmem:v16+s10+$0x0], $0xffff;
	v16 =	vor.u32 $0x180, v17  }
.LBB2_27:
0x159: {  	s22 =	simm.s32 $0x1  }
0x15a: {  	s20 =	sadd.s32 $0x40, s20;
	v13 =	vld.idx.msk [tilespmem:v13+s10+$0x0], $0xffff;
	s22 =	simm.s32 @!p1 $0x0  }
0x15b: {  	s21 =	sadd.s32 $0x80, s21;
	p2 =	slt.u32 s20, $0xC40;
	s22 =	sshll.u32 s22, $0x6;
	v12 =	vld.idx.msk [tilespmem:v12+s10+$0x0], $0xffff  }
0x15c: {  	s22 =	sadd.s32 s22, s21;
	[tilespmem:v11+s14+$0x0] =	vst.idx.add.f32.msk $0xffff, v14  }
0x15d: {  	s23 =	sor.u32 $0x80, s22;
	s24 =	sor.u32 $0x90, s22;
	s25 =	sor.u32 $0xB0, s22;
	[tilespmem:v16+s14+$0x0] =	vst.idx.add.f32.msk $0xffff, v15  }
0x15e: {  	s22 =	sor.u32 $0xA0, s22;
	v11 =	vld [tilespmem:s25+$0x0]  }
0x15f: {  	v14 =	vld [tilespmem:s23+$0x0]  }
0x160: {  	v15 =	vld [tilespmem:s24+$0x0]  }
0x161: {  	v16 =	vld [tilespmem:s22+$0x0]  }
0x162: {  	v17 =	vld [tilespmem:s23+$0x1900]  }
0x163: {  	v18 =	vld [tilespmem:s24+$0x1900];
	v19 =	vshll.u32 v11, $0x2  }
0x164: {  	v11 =	vand.u32 $0x7F, v11;
	v20 =	vshll.u32 v14, $0x2;
	v21 =	vld [tilespmem:s25+$0x1900];
	v19 =	vand.u32 $0xFFFFFE00, v19  }
0x165: {  	v20 =	vand.u32 $0xFFFFFE00, v20;
	v22 =	vshll.u32 v15, $0x2;
	v23 =	vld [tilespmem:s22+$0x1900];
	v19 =	vor.u32 v11, v19  }
0x166: {  	v11 =	vand.u32 $0x7F, v14;
	v14 =	vand.u32 $0xFFFFFE00, v22;
	v22 =	vshll.u32 v16, $0x2;
	[tilespmem:v10+s14+$0x0] =	vst.idx.add.f32.msk $0xffff, v13  }
0x167: {  	v10 =	vand.u32 $0x7F, v15;
	v13 =	vand.u32 $0x7F, v16;
	v15 =	vand.u32 $0xFFFFFE00, v22;
	[tilespmem:v8+s14+$0x0] =	vst.idx.add.f32.msk $0xffff, v12  }
0x168: {  	v16 =	vor.u32 v11, v20;
	v14 =	vor.u32 v10, v14;
	v15 =	vor.u32 v13, v15;
	v9 =	vld.idx.msk [tilespmem:v9+s10+$0x0], $0xffff  }
0x169: {  	v8 =	vshll.u32 v17, $0x2;
	v10 =	vshll.u32 v18, $0x2;
	v11 =	vshll.u32 v21, $0x2;
	v20 =	vld.idx.msk [tilespmem:v6+s10+$0x0], $0xffff  }
0x16a: {  	v13 =	vand.u32 $0x7F, v21;
	v6 =	vshll.u32 v23, $0x2;
	v12 =	vld.idx.msk [tilespmem:v19+s10+$0x0], $0xffff;
	v11 =	vand.u32 $0xFFFFFE00, v11  }
0x16b: {  	v8 =	vand.u32 $0xFFFFFE00, v8;
	v10 =	vand.u32 $0xFFFFFE00, v10;
	v21 =	vor.u32 v13, v11;
	v7 =	vld.idx.msk [tilespmem:v7+s10+$0x0], $0xffff  }
0x16c: {  	v11 =	vand.u32 $0x7F, v17;
	v6 =	vand.u32 $0xFFFFFE00, v6;
	v17 =	vor.u32 $0x80, v19;
	[tilespmem:v2+s14+$0x0] =	vst.idx.add.f32.msk $0xffff, v1;
	v2 =	vmovc v5  }
0x16d: {  	v22 =	vor.u32 v11, v8;
	v1 =	vand.u32 $0x7F, v18;
	v8 =	vand.u32 $0x7F, v23;
	v5 =	vld.idx.msk [tilespmem:v16+s10+$0x0], $0xffff  }
0x16e: {  	v18 =	vor.u32 $0x80, v16;
	v24 =	vor.u32 v1, v10;
	v25 =	vor.u32 v8, v6;
	v23 =	vld.idx.msk [tilespmem:v14+s10+$0x0], $0xffff  }
0x16f: {  	v27 =	vor.u32 $0x80, v14;
	v29 =	vor.u32 $0x80, v15;
	v26 =	vor.u32 $0x80, v22;
	v28 =	vld.idx.msk [tilespmem:v15+s10+$0x0], $0xffff  }
0x170: {  	v30 =	vor.u32 $0x100, v16;
	v31 =	vor.u32 $0x80, v24;
	v32 =	vor.u32 $0x80, v25;
	[tilespmem:v21+s14+$0x0] =	vst.idx.add.f32.msk $0xffff, v12  }
0x171: {  	v13 =	vor.u32 $0x100, v14;
	v11 =	vor.u32 $0x100, v22;
	v12 =	vor.u32 $0x100, v15;
	v1 =	vmovc v7;
	v17 =	vld.idx.msk [tilespmem:v17+s10+$0x0], $0xffff  }
0x172: {  	v33 =	vor.u32 $0x80, v21;
	v10 =	vor.u32 $0x100, v24;
	v8 =	vor.u32 $0x100, v25;
	[tilespmem:v4+s14+$0x0] =	vst.idx.add.f32.msk $0xffff, v9  }
0x173: {  	v6 =	vor.u32 $0x180, v14;
	v14 =	vor.u32 $0x100, v19;
	v9 =	vor.u32 $0x180, v16;
	[tilespmem:v22+s14+$0x0] =	vst.idx.add.f32.msk $0xffff, v5  }
0x174: {  	v7 =	vor.u32 $0x180, v15;
	v4 =	vor.u32 $0x180, v22;
	v16 =	vor.u32 $0x180, v24;
	[tilespmem:v24+s14+$0x0] =	vst.idx.add.f32.msk $0xffff, v23  }
0x175: {  	v5 =	vor.u32 $0x180, v25;
	[tilespmem:v25+s14+$0x0] =	vst.idx.add.f32.msk $0xffff, v28  }
0x176: {  	v15 =	vld.idx.msk [tilespmem:v18+s10+$0x0], $0xffff  }
0x177: {  	[tilespmem:v33+s14+$0x0] =	vst.idx.add.f32.msk $0xffff, v17  }
0x178: {  	v17 =	vld.idx.msk [tilespmem:v14+s10+$0x0], $0xffff  }
0x179: {  	v22 =	vor.u32 $0x100, v21;
	v18 =	vld.idx.msk [tilespmem:v27+s10+$0x0], $0xffff  }
0x17a: {  	v19 =	vor.u32 $0x180, v19;
	v23 =	vld.idx.msk [tilespmem:v29+s10+$0x0], $0xffff  }
0x17b: {  	[tilespmem:v3+s14+$0x0] =	vst.idx.add.f32.msk $0xffff, v20;
	v3 =	vmov v16  }
0x17c: {  	[tilespmem:v26+s14+$0x0] =	vst.idx.add.f32.msk $0xffff, v15  }
.Ltmp14:
0x17d: {  	v14 =	vld.idx.msk [tilespmem:v30+s10+$0x0], $0xffff;
	(pc) =	sbr.rel @p2 .LBB2_27-.Ltmp14, $4  }
0x17e: {  	[tilespmem:v22+s14+$0x0] =	vst.idx.add.f32.msk $0xffff, v17  }
0x17f: {  	v15 =	vld.idx.msk [tilespmem:v19+s10+$0x0], $0xffff  }
0x180: {  	v16 =	vor.u32 $0x180, v21;
	[tilespmem:v31+s14+$0x0] =	vst.idx.add.f32.msk $0xffff, v18  }
0x181: {  	p1 =	por !p1, !p1;
	[tilespmem:v32+s14+$0x0] =	vst.idx.add.f32.msk $0xffff, v23  }
0x182: {  	_ =	sdelay $0x3  }
0x183: {  	v13 =	vld.idx.msk [tilespmem:v13+s10+$0x0], $0xffff  }
0x184: {  	v12 =	vld.idx.msk [tilespmem:v12+s10+$0x0], $0xffff;
	_ =	sdelay $0x1  }
0x185: {  	[tilespmem:v11+s14+$0x0] =	vst.idx.add.f32.msk $0xffff, v14  }
0x186: {  	v63 =	vld.idx.msk [tilespmem:v9+s10+$0x0], $0xffff  }
0x187: {  	[tilespmem:v10+s14+$0x0] =	vst.idx.add.f32.msk $0xffff, v13  }
0x188: {  	[tilespmem:v8+s14+$0x0] =	vst.idx.add.f32.msk $0xffff, v12  }
0x189: {  	v6 =	vld.idx.msk [tilespmem:v6+s10+$0x0], $0xffff  }
0x18a: {  	v7 =	vld.idx.msk [tilespmem:v7+s10+$0x0], $0xffff  }
.Ltmp15:
0x18b: {  	[tilespmem:v2+s14+$0x0] =	vst.idx.add.f32.msk $0xffff, v1;
	(pc) =	sbr.rel @p0 .LBB2_34-.Ltmp15, $4  }
0x18c: {  	[tilespmem:v16+s14+$0x0] =	vst.idx.add.f32.msk $0xffff, v15  }
0x18d: {  	[tilespmem:v4+s14+$0x0] =	vst.idx.add.f32.msk $0xffff, v63  }
0x18e: {  	[tilespmem:v3+s14+$0x0] =	vst.idx.add.f32.msk $0xffff, v6  }
0x18f: {  	[tilespmem:v5+s14+$0x0] =	vst.idx.add.f32.msk $0xffff, v7  }
0x190: {  	s20 =	smul.u32 $0x1900, s19;
	_ =	sdelay $0x1  }
0x191: {  	s20 =	sshrl.u32 s20, $0x3  }
0x192: {  	s20 =	sadd.s32 $0x4B0, s20  }
0x193: {  	s22 =	simm.s32 $0x80;
	s21 =	sadd.s32 s3, s20  }
0x194: {  	s23 =	simm.s32 $0x10;
	s24 =	simm.s32 $0x180;
	s25 =	sadd.s32 $0x0, s21  }
.LBB2_30:
0x195: {  	[tilespmem:s22], [sflag:$0x2] =	stream.linear.gather [hbm4b:s25+s2], $0x80, $0x38;
	[tilespmem:$0x17200] =	vst v63  }
0x196: {  	s25 =	smov.u32 s23;
	s22 =	smov.u32 s24;
	p0 =	sne.s32 s23, $0x180  }
.Ltmp16:
0x197: {  	s23 =	sadd.s32 $0x10, s23;
	(pc) =	sbr.rel @p0 .LBB2_30-.Ltmp16, $2  }
0x198: {  	_ =	sdelay $0x2  }
0x199: {  	s24 =	sadd.s32 $0x100, s24;
	s25 =	sadd.s32 s25, s21  }
0x19a: {  	[tilespmem:s22], [sflag:$0x2] =	stream.linear.gather [hbm4b:s25+s2], $0x80, $0x38;
	[tilespmem:$0x17200] =	vst v63  }
0x19b: {  	s20 =	sadd.s32 s4, s20;
	s21 =	simm.s32 $0x1980  }
0x19c: {  	s22 =	simm.s32 $0x10;
	s23 =	simm.s32 $0x1A80;
	s24 =	sadd.s32 $0x0, s20  }
.LBB2_32:
0x19d: {  	[tilespmem:s21], [sflag:$0x4] =	stream.linear.gather [hbm4b:s24+s2], $0x80, $0x38;
	[tilespmem:$0x17200] =	vst v63  }
0x19e: {  	s24 =	smov.u32 s22;
	s21 =	smov.u32 s23;
	p0 =	sne.s32 s22, $0x180  }
.Ltmp17:
0x19f: {  	s22 =	sadd.s32 $0x10, s22;
	(pc) =	sbr.rel @p0 .LBB2_32-.Ltmp17, $2  }
0x1a0: {  	_ =	sdelay $0x2  }
0x1a1: {  	s23 =	sadd.s32 $0x100, s23;
	s24 =	sadd.s32 s24, s20  }
.Ltmp18:
0x1a2: {  	(pc) =	sbr.rel .LBB2_18-.Ltmp18, $3  }
0x1a3: {  	_ =	sdelay $0x1  }
0x1a4: {  	[tilespmem:s21], [sflag:$0x4] =	stream.linear.gather [hbm4b:s24+s2], $0x80, $0x38;
	[tilespmem:$0x17200] =	vst v63  }
0x1a5: {  	s19 =	sadd.s32 $0x1, s19  }
.LBB2_35:
0x1a6: {  	_ =	sfence.sel $0x180000  }
0x1a7: {  	[bflag:$0x0] =	sbarrier.arrive $0xFFFF  }
0x1a8: {  	p0 =	sne.s32 s1, $0x0;
	_ =	strace $0x9000004D  }
0x1a9: {  	s0 =	sadd.s32 @!p0 $0x100000, s0;
	[bflag:$0x2] =	sbarrier.arrive $0xFFFF  }
0x1aa: {  	[sflag:s0] =	ssyncadd.tile.s32 @!p0 $0x1;
	_ =	shalt  }
.Lfunc_end2:
_tile_overlayer_lowered:
.L_overlay_start_2:
0x1ab: {  	(tag) =	ssettag $0x2  }
0x1ac: {  	s0 =	rddreg [dreg:$0x0];
	s2 =	stileid.u32  }
0x1ad: {  	s1 =	rddreg [dreg:$0x1];
	p0 =	sne.s32 s2, $0x0  }
0x1ae: {  	s3 =	rddreg [dreg:$0x2];
	[bflag:$0x3] =	sbarrier.arrive $0xFFFF;
	s2 =	simm.s32 @!p0 $0x1C05  }
0x1af: {  	[timem:s3], [sflag:s2] =	dma.local @!p0 [hbm:s0], s1  }
0x1b0: {  	s0 =	simm.s32 @!p0 $0x5  }
0x1b1: {  	_ =	swait.ge @!p0 [sflag:s0], s1  }
0x1b2: {  	s1 =	ssub.s32 @!p0 $0x0, s1;
	[sflag:s0] =	ssyncset.done @!p0 $0x0  }
0x1b3: {  	[sflag:s0] =	ssyncadd.s32 @!p0 s1  }
0x1b4: {  	[bflag:$0x3] =	sbarrier.arrive $0xFFFF  }
0x1b5: {  	_ =	shalt  }

</sc_bundles>
